<compile_context>
chip_gen: v7x
topology: tpu7x:2x2x1
jax: 0.10.2.dev20260603
libtpu: 0.0.44.dev20260713+nightly
codegen_flags: <defaults>
</compile_context>

<pallas_src>
import functools

import jax
import jax.numpy as jnp
from jax import lax
from jax.experimental import pallas as pl
from jax.experimental.pallas import tpu as pltpu
from jax.experimental.pallas import tpu_sc as plsc

VOCAB = 1000000
EMB = 32
BATCH = 16384
FIELDS = 26
FPAD = 32

NUM_CORES = 2
NUM_SUBCORES = 16
NUM_WORKERS = NUM_CORES * NUM_SUBCORES
ROWS_PER_WORKER = BATCH // NUM_WORKERS
CHUNK_ROWS = 32
NUM_CHUNKS = ROWS_PER_WORKER // CHUNK_ROWS

_MESH = dict(core_axis_name="c", subcore_axis_name="s")


def _ids_format(env_ids):

  @functools.partial(
      pl.kernel,
      mesh=plsc.VectorSubcoreMesh(**_MESH),
      compiler_params=pltpu.CompilerParams(needs_layout_passes=False),
      out_type=jax.ShapeDtypeStruct((BATCH * FPAD,), jnp.int32),
      scratch_types=[
          pltpu.VMEM((ROWS_PER_WORKER, FIELDS), jnp.int32),
          pltpu.VMEM((ROWS_PER_WORKER * FPAD,), jnp.int32),
      ],
  )
  def k(ids_hbm, out_hbm, ids_v, flat_v):
    wid = lax.axis_index("s") * NUM_CORES + lax.axis_index("c")
    brow = wid * ROWS_PER_WORKER
    pltpu.sync_copy(ids_hbm.at[pl.ds(brow, ROWS_PER_WORKER)], ids_v)
    lane = lax.iota(jnp.int32, 16)
    hi_col = jnp.minimum(lane + 16, FIELDS - 1)

    def row_body(r, carry):
      lo = ids_v.at[r][pl.ds(0, 16)]
      rb = jnp.full((16,), r, jnp.int32)
      hi = plsc.load_gather(ids_v, [rb, hi_col])
      flat_v[pl.ds(r * FPAD, 16)] = lo
      flat_v[pl.ds(r * FPAD + 16, 16)] = hi
      return carry

    lax.fori_loop(0, ROWS_PER_WORKER, row_body, 0)
    pltpu.sync_copy(
        flat_v, out_hbm.at[pl.ds(brow * FPAD, ROWS_PER_WORKER * FPAD)]
    )

  return k(env_ids)


def _embedding_gather(idx_flat, table):
  @functools.partial(
      pl.kernel,
      mesh=plsc.VectorSubcoreMesh(**_MESH),
      compiler_params=pltpu.CompilerParams(use_tc_tiling_on_sc=False),
      out_type=jax.ShapeDtypeStruct((BATCH, FIELDS, EMB), jnp.float32),
      scratch_types=[
          pltpu.VMEM((ROWS_PER_WORKER * FPAD,), jnp.int32),
          pltpu.VMEM((2, CHUNK_ROWS, FIELDS, EMB), jnp.float32),
          pltpu.SemaphoreType.DMA,
          pltpu.SemaphoreType.DMA,
          pltpu.SemaphoreType.DMA,
          pltpu.SemaphoreType.DMA,
      ],
  )
  def k(idx_hbm, table_hbm, out_hbm, idx_v, rows_v, g0, g1, w0, w1):
    wid = lax.axis_index("s") * NUM_CORES + lax.axis_index("c")
    brow = wid * ROWS_PER_WORKER
    gsem = [g0, g1]
    wsem = [w0, w1]

    pltpu.sync_copy(
        idx_hbm.at[pl.ds(brow * FPAD, ROWS_PER_WORKER * FPAD)], idx_v
    )

    def gather(c):
      b = c % 2

      def row_body(i, carry):
        pltpu.async_copy(
            table_hbm.at[idx_v.at[pl.ds((c * CHUNK_ROWS + i) * FPAD, FIELDS)]],
            rows_v.at[b].at[i],
            gsem[b],
        )
        return carry

      lax.fori_loop(0, CHUNK_ROWS, row_body, 0)
      return pltpu.make_async_copy(
          out_hbm.at[pl.ds(0, CHUNK_ROWS)], rows_v.at[b], gsem[b]
      )

    def write(c):
      b = c % 2
      return pltpu.async_copy(
          rows_v.at[b],
          out_hbm.at[pl.ds(brow + c * CHUNK_ROWS, CHUNK_ROWS)],
          wsem[b],
      )

    hg = {}
    hw = {}
    hg[0] = gather(0)
    for c in range(NUM_CHUNKS):
      if c + 1 < NUM_CHUNKS:
        if c + 1 >= 2:
          hw[c - 1].wait()
        hg[c + 1] = gather(c + 1)
      hg[c].wait()
      hw[c] = write(c)
    hw[NUM_CHUNKS - 2].wait()
    hw[NUM_CHUNKS - 1].wait()

  return k(idx_flat, table)


def kernel(env_ids, table):
  idx_flat = _ids_format(env_ids.astype(jnp.int32))
  return _embedding_gather(idx_flat, table)

# --- scband reference (transcript-rebuilt; emitter-appended) ---
"""Pipeline reference for scband-env-embedding-74758200754684 (READ-ONLY COPY).

The authoritative reference and input builder live on the scoring server;
editing this copy changes nothing except your own understanding.
"""

import jax, jax.numpy as jnp
import numpy as np

VOCAB = 1000000
EMB = 32
BATCH = 16384
FIELDS = 26

def setup_inputs(seed: int = 0) -> dict:
    key = jax.random.key(seed)
    k1, k2 = jax.random.split(key)
    env_ids = jax.random.randint(k1, (BATCH, FIELDS), 0, VOCAB, dtype=jnp.int64 if jax.config.jax_enable_x64 else jnp.int32)
    table = jax.random.normal(k2, (VOCAB, EMB), dtype=jnp.float32) * 0.05
    return {"env_ids": env_ids, "table": table}

def reference(env_ids, table):
    # tf.keras.layers.Embedding(len(env_list), emb_size)(env_ids)
    # is a plain row-gather from the embedding table.
    return jnp.take(table, env_ids, axis=0)

if __name__ == "__main__":
    import jax
    _d = setup_inputs()
    print(jax.jit(kernel)(*tuple(_d.values())))

</pallas_src>

<mosaic_0001>
#map = affine_map<(d0, d1) -> (0, 0)>
#map1 = affine_map<(d0, d1) -> (0)>
module attributes {stable_mosaic.version = 14 : i64} {
  func.func @k(%arg0: i32, %arg1: i32, %arg2: memref<16384x26xi32, #tpu.memory_space<hbm>>, %arg3: memref<524288xi32, #tpu.memory_space<hbm>>, %arg4: memref<512x26xi32, #tpu.memory_space<vmem>>, %arg5: memref<16384xi32, #tpu.memory_space<vmem>>) attributes {dimension_semantics = [#tpu.dimension_semantics<core_parallel>, #tpu.dimension_semantics<subcore_parallel>], iteration_bounds = array<i64: 2, 16>, scalar_prefetch = 0 : i64, scratch_operands = 2 : i64, tpu.core_type = #tpu.core_type<sc_vector_subcore>, window_params = [{transform_indices = #map}, {transform_indices = #map1}]} {
    %mul3A = arith.constant 2 : i32
    %mul3A_0 = arith.muli %arg1, %mul3A : i32
    %add3A = arith.addi %mul3A_0, %arg0 : i32
    %mul3A_1 = arith.constant 512 : i32
    %mul3A_2 = arith.muli %add3A, %mul3A_1 : i32
    "tpu.region"() ({
      %run_scoped3A = tpu.sem_alloc : memref<!tpu.dma_semaphore, #tpu.memory_space<semaphore_mem>>
      %dma_start3A = arith.constant 0 : i32
      %dma_start3A_15 = tpu.memref_slice %arg2[%mul3A_2, %dma_start3A] : memref<16384x26xi32, #tpu.memory_space<hbm>> -> memref<512x26xi32, #tpu.memory_space<hbm>>
      %dma_start3A_16 = arith.constant 0 : i32
      %dma_start3A_17 = tpu.memref_slice %arg2[%mul3A_2, %dma_start3A_16] : memref<16384x26xi32, #tpu.memory_space<hbm>> -> memref<512x26xi32, #tpu.memory_space<hbm>>
      tpu.enqueue_dma source(%dma_start3A_17 : memref<512x26xi32, #tpu.memory_space<hbm>>) target(%arg4 : memref<512x26xi32, #tpu.memory_space<vmem>>) target_semaphore(%run_scoped3A : memref<!tpu.dma_semaphore, #tpu.memory_space<semaphore_mem>>)
      %dma_wait3A = arith.constant 0 : i32
      %dma_wait3A_18 = tpu.memref_slice %arg2[%mul3A_2, %dma_wait3A] : memref<16384x26xi32, #tpu.memory_space<hbm>> -> memref<512x26xi32, #tpu.memory_space<hbm>>
      %dma_wait3A_19 = arith.constant 0 : i32
      %dma_wait3A_20 = tpu.memref_slice %arg2[%mul3A_2, %dma_wait3A_19] : memref<16384x26xi32, #tpu.memory_space<hbm>> -> memref<512x26xi32, #tpu.memory_space<hbm>>
      tpu.wait_dma2 semaphore(%run_scoped3A : memref<!tpu.dma_semaphore, #tpu.memory_space<semaphore_mem>>) src(%dma_wait3A_20 : memref<512x26xi32, #tpu.memory_space<hbm>>) dst(%arg4 : memref<512x26xi32, #tpu.memory_space<vmem>>)
      tpu.yield
    }) : () -> ()
    %iota3A = tpu.iota {dimensions = array<i32: 0>} : vector<16xi32>
    %add3A_3 = arith.constant 16 : i32
    %add3A_4 = vector.broadcast %add3A_3 : i32 to vector<16xi32>
    %add3A_5 = arith.addi %iota3A, %add3A_4 : vector<16xi32>
    %min3A = arith.constant 25 : i32
    %min3A_6 = vector.broadcast %min3A : i32 to vector<16xi32>
    %min3A_7 = arith.minsi %add3A_5, %min3A_6 : vector<16xi32>
    %scan3A = arith.constant 0 : i32
    %scan3A_8 = arith.constant 0 : i32
    %scan3A_9 = arith.constant 512 : i32
    %scan3A_10 = arith.addi %scan3A_8, %scan3A_9 : i32
    %scan3A_11 = arith.constant 1 : i32
    scf.for %scan3A_15 = %scan3A_8 to %scan3A_10 step %scan3A_11  : i32 {
      %get3A = arith.constant 0 : i32
      %get3A_16 = tpu.memref_slice %arg4[%scan3A_15, %get3A] : memref<512x26xi32, #tpu.memory_space<vmem>> -> memref<1x26xi32, #tpu.memory_space<vmem>>
      %get3A_17 = tpu.memref_squeeze %get3A_16 : memref<1x26xi32, #tpu.memory_space<vmem>> -> memref<26xi32, #tpu.memory_space<vmem>>
      %get3A_18 = arith.constant 0 : index
      %get3A_19 = tpu.vector_load %get3A_17[%get3A_18] {strides = array<i32>} : memref<26xi32, #tpu.memory_space<vmem>>, vector<16xi32>,
      %broadcast_in_dim3A = vector.broadcast %scan3A_15 : i32 to vector<16xi32>
      %gather3A = tpu.vector_load_idx %arg4[%broadcast_in_dim3A, %min3A_7] : memref<512x26xi32, #tpu.memory_space<vmem>>[vector<16xi32>, vector<16xi32>], vector<16xi32>,
      %mul3A_20 = arith.constant 32 : i32
      %mul3A_21 = arith.muli %scan3A_15, %mul3A_20 : i32
      %swap3A = arith.index_cast %mul3A_21 : i32 to index
      %swap3A_22 = tpu.vector_load %arg5[%swap3A] {strides = array<i32>} : memref<16384xi32, #tpu.memory_space<vmem>>, vector<16xi32>,
      tpu.vector_store %arg5[%swap3A], %get3A_19 {strides = array<i32>} : memref<16384xi32, #tpu.memory_space<vmem>>, vector<16xi32>,
      %mul3A_23 = arith.constant 32 : i32
      %mul3A_24 = arith.muli %scan3A_15, %mul3A_23 : i32
      %add3A_25 = arith.constant 16 : i32
      %add3A_26 = arith.addi %mul3A_24, %add3A_25 : i32
      %swap3A_27 = arith.index_cast %add3A_26 : i32 to index
      %swap3A_28 = tpu.vector_load %arg5[%swap3A_27] {strides = array<i32>} : memref<16384xi32, #tpu.memory_space<vmem>>, vector<16xi32>,
      tpu.vector_store %arg5[%swap3A_27], %gather3A {strides = array<i32>} : memref<16384xi32, #tpu.memory_space<vmem>>, vector<16xi32>,
    }
    %scan3A_12 = arith.constant 512 : i32
    %mul3A_13 = arith.constant 32 : i32
    %mul3A_14 = arith.muli %mul3A_2, %mul3A_13 : i32
    "tpu.region"() ({
      %run_scoped3A = tpu.sem_alloc : memref<!tpu.dma_semaphore, #tpu.memory_space<semaphore_mem>>
      %dma_start3A = tpu.memref_slice %arg3[%mul3A_14] : memref<524288xi32, #tpu.memory_space<hbm>> -> memref<16384xi32, #tpu.memory_space<hbm>>
      %dma_start3A_15 = tpu.memref_slice %arg3[%mul3A_14] : memref<524288xi32, #tpu.memory_space<hbm>> -> memref<16384xi32, #tpu.memory_space<hbm>>
      tpu.enqueue_dma source(%arg5 : memref<16384xi32, #tpu.memory_space<vmem>>) target(%dma_start3A_15 : memref<16384xi32, #tpu.memory_space<hbm>>) target_semaphore(%run_scoped3A : memref<!tpu.dma_semaphore, #tpu.memory_space<semaphore_mem>>)
      %dma_wait3A = tpu.memref_slice %arg3[%mul3A_14] : memref<524288xi32, #tpu.memory_space<hbm>> -> memref<16384xi32, #tpu.memory_space<hbm>>
      %dma_wait3A_16 = tpu.memref_slice %arg3[%mul3A_14] : memref<524288xi32, #tpu.memory_space<hbm>> -> memref<16384xi32, #tpu.memory_space<hbm>>
      tpu.wait_dma2 semaphore(%run_scoped3A : memref<!tpu.dma_semaphore, #tpu.memory_space<semaphore_mem>>) src(%arg5 : memref<16384xi32, #tpu.memory_space<vmem>>) dst(%dma_wait3A_16 : memref<16384xi32, #tpu.memory_space<hbm>>)
      tpu.yield
    }) : () -> ()
    return
  }
}

#map = affine_map<(d0, d1) -> (0)>
#map1 = affine_map<(d0, d1) -> (0, 0)>
#map2 = affine_map<(d0, d1) -> (0, 0, 0)>
module attributes {stable_mosaic.version = 14 : i64} {
  func.func @k(%arg0: i32, %arg1: i32, %arg2: memref<524288xi32, #tpu.memory_space<hbm>>, %arg3: memref<1000000x32xf32, #tpu.memory_space<hbm>>, %arg4: memref<16384x26x32xf32, #tpu.memory_space<hbm>>, %arg5: memref<16384xi32, #tpu.memory_space<vmem>>, %arg6: memref<2x32x26x32xf32, #tpu.memory_space<vmem>>, %arg7: memref<!tpu.dma_semaphore, #tpu.memory_space<semaphore_mem>>, %arg8: memref<!tpu.dma_semaphore, #tpu.memory_space<semaphore_mem>>, %arg9: memref<!tpu.dma_semaphore, #tpu.memory_space<semaphore_mem>>, %arg10: memref<!tpu.dma_semaphore, #tpu.memory_space<semaphore_mem>>) attributes {dimension_semantics = [#tpu.dimension_semantics<core_parallel>, #tpu.dimension_semantics<subcore_parallel>], iteration_bounds = array<i64: 2, 16>, scalar_prefetch = 0 : i64, scratch_operands = 6 : i64, tpu.core_type = #tpu.core_type<sc_vector_subcore>, window_params = [{transform_indices = #map}, {transform_indices = #map1}, {transform_indices = #map2}]} {
    %mul3A = arith.constant 2 : i32
    %mul3A_0 = arith.muli %arg1, %mul3A : i32
    %add3A = arith.addi %mul3A_0, %arg0 : i32
    %mul3A_1 = arith.constant 512 : i32
    %mul3A_2 = arith.muli %add3A, %mul3A_1 : i32
    %mul3A_3 = arith.constant 32 : i32
    %mul3A_4 = arith.muli %mul3A_2, %mul3A_3 : i32
    "tpu.region"() ({
      %run_scoped3A = tpu.sem_alloc : memref<!tpu.dma_semaphore, #tpu.memory_space<semaphore_mem>>
      %dma_start3A_978 = tpu.memref_slice %arg2[%mul3A_4] : memref<524288xi32, #tpu.memory_space<hbm>> -> memref<16384xi32, #tpu.memory_space<hbm>>
      %dma_start3A_979 = tpu.memref_slice %arg2[%mul3A_4] : memref<524288xi32, #tpu.memory_space<hbm>> -> memref<16384xi32, #tpu.memory_space<hbm>>
      tpu.enqueue_dma source(%dma_start3A_979 : memref<16384xi32, #tpu.memory_space<hbm>>) target(%arg5 : memref<16384xi32, #tpu.memory_space<vmem>>) target_semaphore(%run_scoped3A : memref<!tpu.dma_semaphore, #tpu.memory_space<semaphore_mem>>)
      %dma_wait3A_980 = tpu.memref_slice %arg2[%mul3A_4] : memref<524288xi32, #tpu.memory_space<hbm>> -> memref<16384xi32, #tpu.memory_space<hbm>>
      %dma_wait3A_981 = tpu.memref_slice %arg2[%mul3A_4] : memref<524288xi32, #tpu.memory_space<hbm>> -> memref<16384xi32, #tpu.memory_space<hbm>>
      tpu.wait_dma2 semaphore(%run_scoped3A : memref<!tpu.dma_semaphore, #tpu.memory_space<semaphore_mem>>) src(%dma_wait3A_981 : memref<16384xi32, #tpu.memory_space<hbm>>) dst(%arg5 : memref<16384xi32, #tpu.memory_space<vmem>>)
      tpu.yield
    }) : () -> ()
    %scan3A = arith.constant 0 : i32
    %scan3A_5 = arith.constant 0 : i32
    %scan3A_6 = arith.constant 32 : i32
    %scan3A_7 = arith.addi %scan3A_5, %scan3A_6 : i32
    %scan3A_8 = arith.constant 1 : i32
    scf.for %scan3A_978 = %scan3A_5 to %scan3A_7 step %scan3A_8  : i32 {
      %add3A_979 = arith.constant 0 : i32
      %add3A_980 = arith.addi %add3A_979, %scan3A_978 : i32
      %mul3A_981 = arith.constant 32 : i32
      %mul3A_982 = arith.muli %add3A_980, %mul3A_981 : i32
      %dma_start3A_983 = arith.constant 0 : i32
      %dma_start3A_984 = arith.constant 0 : i32
      %dma_start3A_985 = arith.constant 0 : i32
      %dma_start3A_986 = arith.constant 0 : i32
      %dma_start3A_987 = tpu.memref_slice %arg6[%dma_start3A_983, %dma_start3A_984, %dma_start3A_985, %dma_start3A_986] : memref<2x32x26x32xf32, #tpu.memory_space<vmem>> -> memref<1x32x26x32xf32, #tpu.memory_space<vmem>>
      %dma_start3A_988 = tpu.memref_squeeze %dma_start3A_987 : memref<1x32x26x32xf32, #tpu.memory_space<vmem>> -> memref<32x26x32xf32, #tpu.memory_space<vmem>>
      %dma_start3A_989 = arith.constant 0 : i32
      %dma_start3A_990 = arith.constant 0 : i32
      %dma_start3A_991 = tpu.memref_slice %dma_start3A_988[%scan3A_978, %dma_start3A_989, %dma_start3A_990] : memref<32x26x32xf32, #tpu.memory_space<vmem>> -> memref<1x26x32xf32, #tpu.memory_space<vmem>>
      %dma_start3A_992 = tpu.memref_squeeze %dma_start3A_991 : memref<1x26x32xf32, #tpu.memory_space<vmem>> -> memref<26x32xf32, #tpu.memory_space<vmem>>
      %dma_start3A_993 = tpu.memref_slice %arg5[%mul3A_982] : memref<16384xi32, #tpu.memory_space<vmem>> -> memref<26xi32, #tpu.memory_space<vmem>>
      %dma_start3A_994 = arith.constant 0 : i32
      %dma_start3A_995 = arith.constant 0 : i32
      %dma_start3A_996 = tpu.memref_slice %arg3[%dma_start3A_994, %dma_start3A_995] : memref<1000000x32xf32, #tpu.memory_space<hbm>> -> memref<1000000x32xf32, #tpu.memory_space<hbm>>
      tpu.enqueue_indirect_dma source(%dma_start3A_996 : memref<1000000x32xf32, #tpu.memory_space<hbm>>) target(%dma_start3A_992 : memref<26x32xf32, #tpu.memory_space<vmem>>) offsets(%dma_start3A_993 : memref<26xi32, #tpu.memory_space<vmem>>) semaphore(%arg7 : memref<!tpu.dma_semaphore, #tpu.memory_space<semaphore_mem>>)
    }
    %scan3A_9 = arith.constant 32 : i32
    %scan3A_10 = arith.constant 0 : i32
    %scan3A_11 = arith.constant 0 : i32
    %scan3A_12 = arith.constant 32 : i32
    %scan3A_13 = arith.addi %scan3A_11, %scan3A_12 : i32
    %scan3A_14 = arith.constant 1 : i32
    scf.for %scan3A_978 = %scan3A_11 to %scan3A_13 step %scan3A_14  : i32 {
      %add3A_979 = arith.constant 32 : i32
      %add3A_980 = arith.addi %add3A_979, %scan3A_978 : i32
      %mul3A_981 = arith.constant 32 : i32
      %mul3A_982 = arith.muli %add3A_980, %mul3A_981 : i32
      %dma_start3A_983 = arith.constant 1 : i32
      %dma_start3A_984 = arith.constant 0 : i32
      %dma_start3A_985 = arith.constant 0 : i32
      %dma_start3A_986 = arith.constant 0 : i32
      %dma_start3A_987 = tpu.memref_slice %arg6[%dma_start3A_983, %dma_start3A_984, %dma_start3A_985, %dma_start3A_986] : memref<2x32x26x32xf32, #tpu.memory_space<vmem>> -> memref<1x32x26x32xf32, #tpu.memory_space<vmem>>
      %dma_start3A_988 = tpu.memref_squeeze %dma_start3A_987 : memref<1x32x26x32xf32, #tpu.memory_space<vmem>> -> memref<32x26x32xf32, #tpu.memory_space<vmem>>
      %dma_start3A_989 = arith.constant 0 : i32
      %dma_start3A_990 = arith.constant 0 : i32
      %dma_start3A_991 = tpu.memref_slice %dma_start3A_988[%scan3A_978, %dma_start3A_989, %dma_start3A_990] : memref<32x26x32xf32, #tpu.memory_space<vmem>> -> memref<1x26x32xf32, #tpu.memory_space<vmem>>
      %dma_start3A_992 = tpu.memref_squeeze %dma_start3A_991 : memref<1x26x32xf32, #tpu.memory_space<vmem>> -> memref<26x32xf32, #tpu.memory_space<vmem>>
      %dma_start3A_993 = tpu.memref_slice %arg5[%mul3A_982] : memref<16384xi32, #tpu.memory_space<vmem>> -> memref<26xi32, #tpu.memory_space<vmem>>
      %dma_start3A_994 = arith.constant 0 : i32
      %dma_start3A_995 = arith.constant 0 : i32
      %dma_start3A_996 = tpu.memref_slice %arg3[%dma_start3A_994, %dma_start3A_995] : memref<1000000x32xf32, #tpu.memory_space<hbm>> -> memref<1000000x32xf32, #tpu.memory_space<hbm>>
      tpu.enqueue_indirect_dma source(%dma_start3A_996 : memref<1000000x32xf32, #tpu.memory_space<hbm>>) target(%dma_start3A_992 : memref<26x32xf32, #tpu.memory_space<vmem>>) offsets(%dma_start3A_993 : memref<26xi32, #tpu.memory_space<vmem>>) semaphore(%arg8 : memref<!tpu.dma_semaphore, #tpu.memory_space<semaphore_mem>>)
    }
    %scan3A_15 = arith.constant 32 : i32
    %dma_wait3A = arith.constant 0 : i32
    %dma_wait3A_16 = arith.constant 0 : i32
    %dma_wait3A_17 = arith.constant 0 : i32
    %dma_wait3A_18 = arith.constant 0 : i32
    %dma_wait3A_19 = tpu.memref_slice %arg6[%dma_wait3A, %dma_wait3A_16, %dma_wait3A_17, %dma_wait3A_18] : memref<2x32x26x32xf32, #tpu.memory_space<vmem>> -> memref<1x32x26x32xf32, #tpu.memory_space<vmem>>
    %dma_wait3A_20 = tpu.memref_squeeze %dma_wait3A_19 : memref<1x32x26x32xf32, #tpu.memory_space<vmem>> -> memref<32x26x32xf32, #tpu.memory_space<vmem>>
    %dma_wait3A_21 = arith.constant 0 : i32
    %dma_wait3A_22 = arith.constant 0 : i32
    %dma_wait3A_23 = arith.constant 0 : i32
    %dma_wait3A_24 = tpu.memref_slice %arg4[%dma_wait3A_21, %dma_wait3A_22, %dma_wait3A_23] : memref<16384x26x32xf32, #tpu.memory_space<hbm>> -> memref<32x26x32xf32, #tpu.memory_space<hbm>>
    %dma_wait3A_25 = arith.constant 0 : i32
    %dma_wait3A_26 = arith.constant 0 : i32
    %dma_wait3A_27 = arith.constant 0 : i32
    %dma_wait3A_28 = tpu.memref_slice %arg6[%dma_wait3A, %dma_wait3A_25, %dma_wait3A_26, %dma_wait3A_27] : memref<2x32x26x32xf32, #tpu.memory_space<vmem>> -> memref<1x32x26x32xf32, #tpu.memory_space<vmem>>
    %dma_wait3A_29 = tpu.memref_squeeze %dma_wait3A_28 : memref<1x32x26x32xf32, #tpu.memory_space<vmem>> -> memref<32x26x32xf32, #tpu.memory_space<vmem>>
    %dma_wait3A_30 = arith.constant 0 : i32
    %dma_wait3A_31 = arith.constant 0 : i32
    %dma_wait3A_32 = arith.constant 0 : i32
    %dma_wait3A_33 = tpu.memref_slice %arg4[%dma_wait3A_30, %dma_wait3A_31, %dma_wait3A_32] : memref<16384x26x32xf32, #tpu.memory_space<hbm>> -> memref<32x26x32xf32, #tpu.memory_space<hbm>>
    tpu.wait_dma2 semaphore(%arg7 : memref<!tpu.dma_semaphore, #tpu.memory_space<semaphore_mem>>) src(%dma_wait3A_33 : memref<32x26x32xf32, #tpu.memory_space<hbm>>) dst(%dma_wait3A_29 : memref<32x26x32xf32, #tpu.memory_space<vmem>>)
    %add3A_34 = arith.constant 0 : i32
    %add3A_35 = arith.addi %mul3A_2, %add3A_34 : i32
    %dma_start3A = arith.constant 0 : i32
    %dma_start3A_36 = arith.constant 0 : i32
    %dma_start3A_37 = arith.constant 0 : i32
    %dma_start3A_38 = arith.constant 0 : i32
    %dma_start3A_39 = tpu.memref_slice %arg6[%dma_start3A, %dma_start3A_36, %dma_start3A_37, %dma_start3A_38] : memref<2x32x26x32xf32, #tpu.memory_space<vmem>> -> memref<1x32x26x32xf32, #tpu.memory_space<vmem>>
    %dma_start3A_40 = tpu.memref_squeeze %dma_start3A_39 : memref<1x32x26x32xf32, #tpu.memory_space<vmem>> -> memref<32x26x32xf32, #tpu.memory_space<vmem>>
    %dma_start3A_41 = arith.constant 0 : i32
    %dma_start3A_42 = arith.constant 0 : i32
    %dma_start3A_43 = tpu.memref_slice %arg4[%add3A_35, %dma_start3A_41, %dma_start3A_42] : memref<16384x26x32xf32, #tpu.memory_space<hbm>> -> memref<32x26x32xf32, #tpu.memory_space<hbm>>
    %dma_start3A_44 = arith.constant 0 : i32
    %dma_start3A_45 = arith.constant 0 : i32
    %dma_start3A_46 = tpu.memref_slice %arg4[%add3A_35, %dma_start3A_44, %dma_start3A_45] : memref<16384x26x32xf32, #tpu.memory_space<hbm>> -> memref<32x26x32xf32, #tpu.memory_space<hbm>>
    %dma_start3A_47 = arith.constant 0 : i32
    %dma_start3A_48 = arith.constant 0 : i32
    %dma_start3A_49 = arith.constant 0 : i32
    %dma_start3A_50 = tpu.memref_slice %arg6[%dma_start3A, %dma_start3A_47, %dma_start3A_48, %dma_start3A_49] : memref<2x32x26x32xf32, #tpu.memory_space<vmem>> -> memref<1x32x26x32xf32, #tpu.memory_space<vmem>>
    %dma_start3A_51 = tpu.memref_squeeze %dma_start3A_50 : memref<1x32x26x32xf32, #tpu.memory_space<vmem>> -> memref<32x26x32xf32, #tpu.memory_space<vmem>>
    tpu.enqueue_dma source(%dma_start3A_51 : memref<32x26x32xf32, #tpu.memory_space<vmem>>) target(%dma_start3A_46 : memref<32x26x32xf32, #tpu.memory_space<hbm>>) target_semaphore(%arg9 : memref<!tpu.dma_semaphore, #tpu.memory_space<semaphore_mem>>)
    %dma_wait3A_52 = arith.constant 0 : i32
    %dma_wait3A_53 = arith.constant 0 : i32
    %dma_wait3A_54 = arith.constant 0 : i32
    %dma_wait3A_55 = arith.constant 0 : i32
    %dma_wait3A_56 = tpu.memref_slice %arg6[%dma_wait3A_52, %dma_wait3A_53, %dma_wait3A_54, %dma_wait3A_55] : memref<2x32x26x32xf32, #tpu.memory_space<vmem>> -> memref<1x32x26x32xf32, #tpu.memory_space<vmem>>
    %dma_wait3A_57 = tpu.memref_squeeze %dma_wait3A_56 : memref<1x32x26x32xf32, #tpu.memory_space<vmem>> -> memref<32x26x32xf32, #tpu.memory_space<vmem>>
    %dma_wait3A_58 = arith.constant 0 : i32
    %dma_wait3A_59 = arith.constant 0 : i32
    %dma_wait3A_60 = tpu.memref_slice %arg4[%add3A_35, %dma_wait3A_58, %dma_wait3A_59] : memref<16384x26x32xf32, #tpu.memory_space<hbm>> -> memref<32x26x32xf32, #tpu.memory_space<hbm>>
    %dma_wait3A_61 = arith.constant 0 : i32
    %dma_wait3A_62 = arith.constant 0 : i32
    %dma_wait3A_63 = tpu.memref_slice %arg4[%add3A_35, %dma_wait3A_61, %dma_wait3A_62] : memref<16384x26x32xf32, #tpu.memory_space<hbm>> -> memref<32x26x32xf32, #tpu.memory_space<hbm>>
    %dma_wait3A_64 = arith.constant 0 : i32
    %dma_wait3A_65 = arith.constant 0 : i32
    %dma_wait3A_66 = arith.constant 0 : i32
    %dma_wait3A_67 = tpu.memref_slice %arg6[%dma_wait3A_52, %dma_wait3A_64, %dma_wait3A_65, %dma_wait3A_66] : memref<2x32x26x32xf32, #tpu.memory_space<vmem>> -> memref<1x32x26x32xf32, #tpu.memory_space<vmem>>
    %dma_wait3A_68 = tpu.memref_squeeze %dma_wait3A_67 : memref<1x32x26x32xf32, #tpu.memory_space<vmem>> -> memref<32x26x32xf32, #tpu.memory_space<vmem>>
    tpu.wait_dma2 semaphore(%arg9 : memref<!tpu.dma_semaphore, #tpu.memory_space<semaphore_mem>>) src(%dma_wait3A_68 : memref<32x26x32xf32, #tpu.memory_space<vmem>>) dst(%dma_wait3A_63 : memref<32x26x32xf32, #tpu.memory_space<hbm>>)
    %scan3A_69 = arith.constant 0 : i32
    %scan3A_70 = arith.constant 0 : i32
    %scan3A_71 = arith.constant 32 : i32
    %scan3A_72 = arith.addi %scan3A_70, %scan3A_71 : i32
    %scan3A_73 = arith.constant 1 : i32
    scf.for %scan3A_978 = %scan3A_70 to %scan3A_72 step %scan3A_73  : i32 {
      %add3A_979 = arith.constant 64 : i32
      %add3A_980 = arith.addi %add3A_979, %scan3A_978 : i32
      %mul3A_981 = arith.constant 32 : i32
      %mul3A_982 = arith.muli %add3A_980, %mul3A_981 : i32
      %dma_start3A_983 = arith.constant 0 : i32
      %dma_start3A_984 = arith.constant 0 : i32
      %dma_start3A_985 = arith.constant 0 : i32
      %dma_start3A_986 = arith.constant 0 : i32
      %dma_start3A_987 = tpu.memref_slice %arg6[%dma_start3A_983, %dma_start3A_984, %dma_start3A_985, %dma_start3A_986] : memref<2x32x26x32xf32, #tpu.memory_space<vmem>> -> memref<1x32x26x32xf32, #tpu.memory_space<vmem>>
      %dma_start3A_988 = tpu.memref_squeeze %dma_start3A_987 : memref<1x32x26x32xf32, #tpu.memory_space<vmem>> -> memref<32x26x32xf32, #tpu.memory_space<vmem>>
      %dma_start3A_989 = arith.constant 0 : i32
      %dma_start3A_990 = arith.constant 0 : i32
      %dma_start3A_991 = tpu.memref_slice %dma_start3A_988[%scan3A_978, %dma_start3A_989, %dma_start3A_990] : memref<32x26x32xf32, #tpu.memory_space<vmem>> -> memref<1x26x32xf32, #tpu.memory_space<vmem>>
      %dma_start3A_992 = tpu.memref_squeeze %dma_start3A_991 : memref<1x26x32xf32, #tpu.memory_space<vmem>> -> memref<26x32xf32, #tpu.memory_space<vmem>>
      %dma_start3A_993 = tpu.memref_slice %arg5[%mul3A_982] : memref<16384xi32, #tpu.memory_space<vmem>> -> memref<26xi32, #tpu.memory_space<vmem>>
      %dma_start3A_994 = arith.constant 0 : i32
      %dma_start3A_995 = arith.constant 0 : i32
      %dma_start3A_996 = tpu.memref_slice %arg3[%dma_start3A_994, %dma_start3A_995] : memref<1000000x32xf32, #tpu.memory_space<hbm>> -> memref<1000000x32xf32, #tpu.memory_space<hbm>>
      tpu.enqueue_indirect_dma source(%dma_start3A_996 : memref<1000000x32xf32, #tpu.memory_space<hbm>>) target(%dma_start3A_992 : memref<26x32xf32, #tpu.memory_space<vmem>>) offsets(%dma_start3A_993 : memref<26xi32, #tpu.memory_space<vmem>>) semaphore(%arg7 : memref<!tpu.dma_semaphore, #tpu.memory_space<semaphore_mem>>)
    }
    %scan3A_74 = arith.constant 32 : i32
    %dma_wait3A_75 = arith.constant 1 : i32
    %dma_wait3A_76 = arith.constant 0 : i32
    %dma_wait3A_77 = arith.constant 0 : i32
    %dma_wait3A_78 = arith.constant 0 : i32
    %dma_wait3A_79 = tpu.memref_slice %arg6[%dma_wait3A_75, %dma_wait3A_76, %dma_wait3A_77, %dma_wait3A_78] : memref<2x32x26x32xf32, #tpu.memory_space<vmem>> -> memref<1x32x26x32xf32, #tpu.memory_space<vmem>>
    %dma_wait3A_80 = tpu.memref_squeeze %dma_wait3A_79 : memref<1x32x26x32xf32, #tpu.memory_space<vmem>> -> memref<32x26x32xf32, #tpu.memory_space<vmem>>
    %dma_wait3A_81 = arith.constant 0 : i32
    %dma_wait3A_82 = arith.constant 0 : i32
    %dma_wait3A_83 = arith.constant 0 : i32
    %dma_wait3A_84 = tpu.memref_slice %arg4[%dma_wait3A_81, %dma_wait3A_82, %dma_wait3A_83] : memref<16384x26x32xf32, #tpu.memory_space<hbm>> -> memref<32x26x32xf32, #tpu.memory_space<hbm>>
    %dma_wait3A_85 = arith.constant 0 : i32
    %dma_wait3A_86 = arith.constant 0 : i32
    %dma_wait3A_87 = arith.constant 0 : i32
    %dma_wait3A_88 = tpu.memref_slice %arg6[%dma_wait3A_75, %dma_wait3A_85, %dma_wait3A_86, %dma_wait3A_87] : memref<2x32x26x32xf32, #tpu.memory_space<vmem>> -> memref<1x32x26x32xf32, #tpu.memory_space<vmem>>
    %dma_wait3A_89 = tpu.memref_squeeze %dma_wait3A_88 : memref<1x32x26x32xf32, #tpu.memory_space<vmem>> -> memref<32x26x32xf32, #tpu.memory_space<vmem>>
    %dma_wait3A_90 = arith.constant 0 : i32
    %dma_wait3A_91 = arith.constant 0 : i32
    %dma_wait3A_92 = arith.constant 0 : i32
    %dma_wait3A_93 = tpu.memref_slice %arg4[%dma_wait3A_90, %dma_wait3A_91, %dma_wait3A_92] : memref<16384x26x32xf32, #tpu.memory_space<hbm>> -> memref<32x26x32xf32, #tpu.memory_space<hbm>>
    tpu.wait_dma2 semaphore(%arg8 : memref<!tpu.dma_semaphore, #tpu.memory_space<semaphore_mem>>) src(%dma_wait3A_93 : memref<32x26x32xf32, #tpu.memory_space<hbm>>) dst(%dma_wait3A_89 : memref<32x26x32xf32, #tpu.memory_space<vmem>>)
    %add3A_94 = arith.constant 32 : i32
    %add3A_95 = arith.addi %mul3A_2, %add3A_94 : i32
    %dma_start3A_96 = arith.constant 1 : i32
    %dma_start3A_97 = arith.constant 0 : i32
    %dma_start3A_98 = arith.constant 0 : i32
    %dma_start3A_99 = arith.constant 0 : i32
    %dma_start3A_100 = tpu.memref_slice %arg6[%dma_start3A_96, %dma_start3A_97, %dma_start3A_98, %dma_start3A_99] : memref<2x32x26x32xf32, #tpu.memory_space<vmem>> -> memref<1x32x26x32xf32, #tpu.memory_space<vmem>>
    %dma_start3A_101 = tpu.memref_squeeze %dma_start3A_100 : memref<1x32x26x32xf32, #tpu.memory_space<vmem>> -> memref<32x26x32xf32, #tpu.memory_space<vmem>>
    %dma_start3A_102 = arith.constant 0 : i32
    %dma_start3A_103 = arith.constant 0 : i32
    %dma_start3A_104 = tpu.memref_slice %arg4[%add3A_95, %dma_start3A_102, %dma_start3A_103] : memref<16384x26x32xf32, #tpu.memory_space<hbm>> -> memref<32x26x32xf32, #tpu.memory_space<hbm>>
    %dma_start3A_105 = arith.constant 0 : i32
    %dma_start3A_106 = arith.constant 0 : i32
    %dma_start3A_107 = tpu.memref_slice %arg4[%add3A_95, %dma_start3A_105, %dma_start3A_106] : memref<16384x26x32xf32, #tpu.memory_space<hbm>> -> memref<32x26x32xf32, #tpu.memory_space<hbm>>
    %dma_start3A_108 = arith.constant 0 : i32
    %dma_start3A_109 = arith.constant 0 : i32
    %dma_start3A_110 = arith.constant 0 : i32
    %dma_start3A_111 = tpu.memref_slice %arg6[%dma_start3A_96, %dma_start3A_108, %dma_start3A_109, %dma_start3A_110] : memref<2x32x26x32xf32, #tpu.memory_space<vmem>> -> memref<1x32x26x32xf32, #tpu.memory_space<vmem>>
    %dma_start3A_112 = tpu.memref_squeeze %dma_start3A_111 : memref<1x32x26x32xf32, #tpu.memory_space<vmem>> -> memref<32x26x32xf32, #tpu.memory_space<vmem>>
    tpu.enqueue_dma source(%dma_start3A_112 : memref<32x26x32xf32, #tpu.memory_space<vmem>>) target(%dma_start3A_107 : memref<32x26x32xf32, #tpu.memory_space<hbm>>) target_semaphore(%arg10 : memref<!tpu.dma_semaphore, #tpu.memory_space<semaphore_mem>>)
    %dma_wait3A_113 = arith.constant 1 : i32
    %dma_wait3A_114 = arith.constant 0 : i32
    %dma_wait3A_115 = arith.constant 0 : i32
    %dma_wait3A_116 = arith.constant 0 : i32
    %dma_wait3A_117 = tpu.memref_slice %arg6[%dma_wait3A_113, %dma_wait3A_114, %dma_wait3A_115, %dma_wait3A_116] : memref<2x32x26x32xf32, #tpu.memory_space<vmem>> -> memref<1x32x26x32xf32, #tpu.memory_space<vmem>>
    %dma_wait3A_118 = tpu.memref_squeeze %dma_wait3A_117 : memref<1x32x26x32xf32, #tpu.memory_space<vmem>> -> memref<32x26x32xf32, #tpu.memory_space<vmem>>
    %dma_wait3A_119 = arith.constant 0 : i32
    %dma_wait3A_120 = arith.constant 0 : i32
    %dma_wait3A_121 = tpu.memref_slice %arg4[%add3A_95, %dma_wait3A_119, %dma_wait3A_120] : memref<16384x26x32xf32, #tpu.memory_space<hbm>> -> memref<32x26x32xf32, #tpu.memory_space<hbm>>
    %dma_wait3A_122 = arith.constant 0 : i32
    %dma_wait3A_123 = arith.constant 0 : i32
    %dma_wait3A_124 = tpu.memref_slice %arg4[%add3A_95, %dma_wait3A_122, %dma_wait3A_123] : memref<16384x26x32xf32, #tpu.memory_space<hbm>> -> memref<32x26x32xf32, #tpu.memory_space<hbm>>
    %dma_wait3A_125 = arith.constant 0 : i32
    %dma_wait3A_126 = arith.constant 0 : i32
    %dma_wait3A_127 = arith.constant 0 : i32
    %dma_wait3A_128 = tpu.memref_slice %arg6[%dma_wait3A_113, %dma_wait3A_125, %dma_wait3A_126, %dma_wait3A_127] : memref<2x32x26x32xf32, #tpu.memory_space<vmem>> -> memref<1x32x26x32xf32, #tpu.memory_space<vmem>>
    %dma_wait3A_129 = tpu.memref_squeeze %dma_wait3A_128 : memref<1x32x26x32xf32, #tpu.memory_space<vmem>> -> memref<32x26x32xf32, #tpu.memory_space<vmem>>
    tpu.wait_dma2 semaphore(%arg10 : memref<!tpu.dma_semaphore, #tpu.memory_space<semaphore_mem>>) src(%dma_wait3A_129 : memref<32x26x32xf32, #tpu.memory_space<vmem>>) dst(%dma_wait3A_124 : memref<32x26x32xf32, #tpu.memory_space<hbm>>)
    %scan3A_130 = arith.constant 0 : i32
    %scan3A_131 = arith.constant 0 : i32
    %scan3A_132 = arith.constant 32 : i32
    %scan3A_133 = arith.addi %scan3A_131, %scan3A_132 : i32
    %scan3A_134 = arith.constant 1 : i32
    scf.for %scan3A_978 = %scan3A_131 to %scan3A_133 step %scan3A_134  : i32 {
      %add3A_979 = arith.constant 96 : i32
      %add3A_980 = arith.addi %add3A_979, %scan3A_978 : i32
      %mul3A_981 = arith.constant 32 : i32
      %mul3A_982 = arith.muli %add3A_980, %mul3A_981 : i32
      %dma_start3A_983 = arith.constant 1 : i32
      %dma_start3A_984 = arith.constant 0 : i32
      %dma_start3A_985 = arith.constant 0 : i32
      %dma_start3A_986 = arith.constant 0 : i32
      %dma_start3A_987 = tpu.memref_slice %arg6[%dma_start3A_983, %dma_start3A_984, %dma_start3A_985, %dma_start3A_986] : memref<2x32x26x32xf32, #tpu.memory_space<vmem>> -> memref<1x32x26x32xf32, #tpu.memory_space<vmem>>
      %dma_start3A_988 = tpu.memref_squeeze %dma_start3A_987 : memref<1x32x26x32xf32, #tpu.memory_space<vmem>> -> memref<32x26x32xf32, #tpu.memory_space<vmem>>
      %dma_start3A_989 = arith.constant 0 : i32
      %dma_start3A_990 = arith.constant 0 : i32
      %dma_start3A_991 = tpu.memref_slice %dma_start3A_988[%scan3A_978, %dma_start3A_989, %dma_start3A_990] : memref<32x26x32xf32, #tpu.memory_space<vmem>> -> memref<1x26x32xf32, #tpu.memory_space<vmem>>
      %dma_start3A_992 = tpu.memref_squeeze %dma_start3A_991 : memref<1x26x32xf32, #tpu.memory_space<vmem>> -> memref<26x32xf32, #tpu.memory_space<vmem>>
      %dma_start3A_993 = tpu.memref_slice %arg5[%mul3A_982] : memref<16384xi32, #tpu.memory_space<vmem>> -> memref<26xi32, #tpu.memory_space<vmem>>
      %dma_start3A_994 = arith.constant 0 : i32
      %dma_start3A_995 = arith.constant 0 : i32
      %dma_start3A_996 = tpu.memref_slice %arg3[%dma_start3A_994, %dma_start3A_995] : memref<1000000x32xf32, #tpu.memory_space<hbm>> -> memref<1000000x32xf32, #tpu.memory_space<hbm>>
      tpu.enqueue_indirect_dma source(%dma_start3A_996 : memref<1000000x32xf32, #tpu.memory_space<hbm>>) target(%dma_start3A_992 : memref<26x32xf32, #tpu.memory_space<vmem>>) offsets(%dma_start3A_993 : memref<26xi32, #tpu.memory_space<vmem>>) semaphore(%arg8 : memref<!tpu.dma_semaphore, #tpu.memory_space<semaphore_mem>>)
    }
    %scan3A_135 = arith.constant 32 : i32
    %dma_wait3A_136 = arith.constant 0 : i32
    %dma_wait3A_137 = arith.constant 0 : i32
    %dma_wait3A_138 = arith.constant 0 : i32
    %dma_wait3A_139 = arith.constant 0 : i32
    %dma_wait3A_140 = tpu.memref_slice %arg6[%dma_wait3A_136, %dma_wait3A_137, %dma_wait3A_138, %dma_wait3A_139] : memref<2x32x26x32xf32, #tpu.memory_space<vmem>> -> memref<1x32x26x32xf32, #tpu.memory_space<vmem>>
    %dma_wait3A_141 = tpu.memref_squeeze %dma_wait3A_140 : memref<1x32x26x32xf32, #tpu.memory_space<vmem>> -> memref<32x26x32xf32, #tpu.memory_space<vmem>>
    %dma_wait3A_142 = arith.constant 0 : i32
    %dma_wait3A_143 = arith.constant 0 : i32
    %dma_wait3A_144 = arith.constant 0 : i32
    %dma_wait3A_145 = tpu.memref_slice %arg4[%dma_wait3A_142, %dma_wait3A_143, %dma_wait3A_144] : memref<16384x26x32xf32, #tpu.memory_space<hbm>> -> memref<32x26x32xf32, #tpu.memory_space<hbm>>
    %dma_wait3A_146 = arith.constant 0 : i32
    %dma_wait3A_147 = arith.constant 0 : i32
    %dma_wait3A_148 = arith.constant 0 : i32
    %dma_wait3A_149 = tpu.memref_slice %arg6[%dma_wait3A_136, %dma_wait3A_146, %dma_wait3A_147, %dma_wait3A_148] : memref<2x32x26x32xf32, #tpu.memory_space<vmem>> -> memref<1x32x26x32xf32, #tpu.memory_space<vmem>>
    %dma_wait3A_150 = tpu.memref_squeeze %dma_wait3A_149 : memref<1x32x26x32xf32, #tpu.memory_space<vmem>> -> memref<32x26x32xf32, #tpu.memory_space<vmem>>
    %dma_wait3A_151 = arith.constant 0 : i32
    %dma_wait3A_152 = arith.constant 0 : i32
    %dma_wait3A_153 = arith.constant 0 : i32
    %dma_wait3A_154 = tpu.memref_slice %arg4[%dma_wait3A_151, %dma_wait3A_152, %dma_wait3A_153] : memref<16384x26x32xf32, #tpu.memory_space<hbm>> -> memref<32x26x32xf32, #tpu.memory_space<hbm>>
    tpu.wait_dma2 semaphore(%arg7 : memref<!tpu.dma_semaphore, #tpu.memory_space<semaphore_mem>>) src(%dma_wait3A_154 : memref<32x26x32xf32, #tpu.memory_space<hbm>>) dst(%dma_wait3A_150 : memref<32x26x32xf32, #tpu.memory_space<vmem>>)
    %add3A_155 = arith.constant 64 : i32
    %add3A_156 = arith.addi %mul3A_2, %add3A_155 : i32
    %dma_start3A_157 = arith.constant 0 : i32
    %dma_start3A_158 = arith.constant 0 : i32
    %dma_start3A_159 = arith.constant 0 : i32
    %dma_start3A_160 = arith.constant 0 : i32
    %dma_start3A_161 = tpu.memref_slice %arg6[%dma_start3A_157, %dma_start3A_158, %dma_start3A_159, %dma_start3A_160] : memref<2x32x26x32xf32, #tpu.memory_space<vmem>> -> memref<1x32x26x32xf32, #tpu.memory_space<vmem>>
    %dma_start3A_162 = tpu.memref_squeeze %dma_start3A_161 : memref<1x32x26x32xf32, #tpu.memory_space<vmem>> -> memref<32x26x32xf32, #tpu.memory_space<vmem>>
    %dma_start3A_163 = arith.constant 0 : i32
    %dma_start3A_164 = arith.constant 0 : i32
    %dma_start3A_165 = tpu.memref_slice %arg4[%add3A_156, %dma_start3A_163, %dma_start3A_164] : memref<16384x26x32xf32, #tpu.memory_space<hbm>> -> memref<32x26x32xf32, #tpu.memory_space<hbm>>
    %dma_start3A_166 = arith.constant 0 : i32
    %dma_start3A_167 = arith.constant 0 : i32
    %dma_start3A_168 = tpu.memref_slice %arg4[%add3A_156, %dma_start3A_166, %dma_start3A_167] : memref<16384x26x32xf32, #tpu.memory_space<hbm>> -> memref<32x26x32xf32, #tpu.memory_space<hbm>>
    %dma_start3A_169 = arith.constant 0 : i32
    %dma_start3A_170 = arith.constant 0 : i32
    %dma_start3A_171 = arith.constant 0 : i32
    %dma_start3A_172 = tpu.memref_slice %arg6[%dma_start3A_157, %dma_start3A_169, %dma_start3A_170, %dma_start3A_171] : memref<2x32x26x32xf32, #tpu.memory_space<vmem>> -> memref<1x32x26x32xf32, #tpu.memory_space<vmem>>
    %dma_start3A_173 = tpu.memref_squeeze %dma_start3A_172 : memref<1x32x26x32xf32, #tpu.memory_space<vmem>> -> memref<32x26x32xf32, #tpu.memory_space<vmem>>
    tpu.enqueue_dma source(%dma_start3A_173 : memref<32x26x32xf32, #tpu.memory_space<vmem>>) target(%dma_start3A_168 : memref<32x26x32xf32, #tpu.memory_space<hbm>>) target_semaphore(%arg9 : memref<!tpu.dma_semaphore, #tpu.memory_space<semaphore_mem>>)
    %dma_wait3A_174 = arith.constant 0 : i32
    %dma_wait3A_175 = arith.constant 0 : i32
    %dma_wait3A_176 = arith.constant 0 : i32
    %dma_wait3A_177 = arith.constant 0 : i32
    %dma_wait3A_178 = tpu.memref_slice %arg6[%dma_wait3A_174, %dma_wait3A_175, %dma_wait3A_176, %dma_wait3A_177] : memref<2x32x26x32xf32, #tpu.memory_space<vmem>> -> memref<1x32x26x32xf32, #tpu.memory_space<vmem>>
    %dma_wait3A_179 = tpu.memref_squeeze %dma_wait3A_178 : memref<1x32x26x32xf32, #tpu.memory_space<vmem>> -> memref<32x26x32xf32, #tpu.memory_space<vmem>>
    %dma_wait3A_180 = arith.constant 0 : i32
    %dma_wait3A_181 = arith.constant 0 : i32
    %dma_wait3A_182 = tpu.memref_slice %arg4[%add3A_156, %dma_wait3A_180, %dma_wait3A_181] : memref<16384x26x32xf32, #tpu.memory_space<hbm>> -> memref<32x26x32xf32, #tpu.memory_space<hbm>>
    %dma_wait3A_183 = arith.constant 0 : i32
    %dma_wait3A_184 = arith.constant 0 : i32
    %dma_wait3A_185 = tpu.memref_slice %arg4[%add3A_156, %dma_wait3A_183, %dma_wait3A_184] : memref<16384x26x32xf32, #tpu.memory_space<hbm>> -> memref<32x26x32xf32, #tpu.memory_space<hbm>>
    %dma_wait3A_186 = arith.constant 0 : i32
    %dma_wait3A_187 = arith.constant 0 : i32
    %dma_wait3A_188 = arith.constant 0 : i32
    %dma_wait3A_189 = tpu.memref_slice %arg6[%dma_wait3A_174, %dma_wait3A_186, %dma_wait3A_187, %dma_wait3A_188] : memref<2x32x26x32xf32, #tpu.memory_space<vmem>> -> memref<1x32x26x32xf32, #tpu.memory_space<vmem>>
    %dma_wait3A_190 = tpu.memref_squeeze %dma_wait3A_189 : memref<1x32x26x32xf32, #tpu.memory_space<vmem>> -> memref<32x26x32xf32, #tpu.memory_space<vmem>>
    tpu.wait_dma2 semaphore(%arg9 : memref<!tpu.dma_semaphore, #tpu.memory_space<semaphore_mem>>) src(%dma_wait3A_190 : memref<32x26x32xf32, #tpu.memory_space<vmem>>) dst(%dma_wait3A_185 : memref<32x26x32xf32, #tpu.memory_space<hbm>>)
    %scan3A_191 = arith.constant 0 : i32
    %scan3A_192 = arith.constant 0 : i32
    %scan3A_193 = arith.constant 32 : i32
    %scan3A_194 = arith.addi %scan3A_192, %scan3A_193 : i32
    %scan3A_195 = arith.constant 1 : i32
    scf.for %scan3A_978 = %scan3A_192 to %scan3A_194 step %scan3A_195  : i32 {
      %add3A_979 = arith.constant 128 : i32
      %add3A_980 = arith.addi %add3A_979, %scan3A_978 : i32
      %mul3A_981 = arith.constant 32 : i32
      %mul3A_982 = arith.muli %add3A_980, %mul3A_981 : i32
      %dma_start3A_983 = arith.constant 0 : i32
      %dma_start3A_984 = arith.constant 0 : i32
      %dma_start3A_985 = arith.constant 0 : i32
      %dma_start3A_986 = arith.constant 0 : i32
      %dma_start3A_987 = tpu.memref_slice %arg6[%dma_start3A_983, %dma_start3A_984, %dma_start3A_985, %dma_start3A_986] : memref<2x32x26x32xf32, #tpu.memory_space<vmem>> -> memref<1x32x26x32xf32, #tpu.memory_space<vmem>>
      %dma_start3A_988 = tpu.memref_squeeze %dma_start3A_987 : memref<1x32x26x32xf32, #tpu.memory_space<vmem>> -> memref<32x26x32xf32, #tpu.memory_space<vmem>>
      %dma_start3A_989 = arith.constant 0 : i32
      %dma_start3A_990 = arith.constant 0 : i32
      %dma_start3A_991 = tpu.memref_slice %dma_start3A_988[%scan3A_978, %dma_start3A_989, %dma_start3A_990] : memref<32x26x32xf32, #tpu.memory_space<vmem>> -> memref<1x26x32xf32, #tpu.memory_space<vmem>>
      %dma_start3A_992 = tpu.memref_squeeze %dma_start3A_991 : memref<1x26x32xf32, #tpu.memory_space<vmem>> -> memref<26x32xf32, #tpu.memory_space<vmem>>
      %dma_start3A_993 = tpu.memref_slice %arg5[%mul3A_982] : memref<16384xi32, #tpu.memory_space<vmem>> -> memref<26xi32, #tpu.memory_space<vmem>>
      %dma_start3A_994 = arith.constant 0 : i32
      %dma_start3A_995 = arith.constant 0 : i32
      %dma_start3A_996 = tpu.memref_slice %arg3[%dma_start3A_994, %dma_start3A_995] : memref<1000000x32xf32, #tpu.memory_space<hbm>> -> memref<1000000x32xf32, #tpu.memory_space<hbm>>
      tpu.enqueue_indirect_dma source(%dma_start3A_996 : memref<1000000x32xf32, #tpu.memory_space<hbm>>) target(%dma_start3A_992 : memref<26x32xf32, #tpu.memory_space<vmem>>) offsets(%dma_start3A_993 : memref<26xi32, #tpu.memory_space<vmem>>) semaphore(%arg7 : memref<!tpu.dma_semaphore, #tpu.memory_space<semaphore_mem>>)
    }
    %scan3A_196 = arith.constant 32 : i32
    %dma_wait3A_197 = arith.constant 1 : i32
    %dma_wait3A_198 = arith.constant 0 : i32
    %dma_wait3A_199 = arith.constant 0 : i32
    %dma_wait3A_200 = arith.constant 0 : i32
    %dma_wait3A_201 = tpu.memref_slice %arg6[%dma_wait3A_197, %dma_wait3A_198, %dma_wait3A_199, %dma_wait3A_200] : memref<2x32x26x32xf32, #tpu.memory_space<vmem>> -> memref<1x32x26x32xf32, #tpu.memory_space<vmem>>
    %dma_wait3A_202 = tpu.memref_squeeze %dma_wait3A_201 : memref<1x32x26x32xf32, #tpu.memory_space<vmem>> -> memref<32x26x32xf32, #tpu.memory_space<vmem>>
    %dma_wait3A_203 = arith.constant 0 : i32
    %dma_wait3A_204 = arith.constant 0 : i32
    %dma_wait3A_205 = arith.constant 0 : i32
    %dma_wait3A_206 = tpu.memref_slice %arg4[%dma_wait3A_203, %dma_wait3A_204, %dma_wait3A_205] : memref<16384x26x32xf32, #tpu.memory_space<hbm>> -> memref<32x26x32xf32, #tpu.memory_space<hbm>>
    %dma_wait3A_207 = arith.constant 0 : i32
    %dma_wait3A_208 = arith.constant 0 : i32
    %dma_wait3A_209 = arith.constant 0 : i32
    %dma_wait3A_210 = tpu.memref_slice %arg6[%dma_wait3A_197, %dma_wait3A_207, %dma_wait3A_208, %dma_wait3A_209] : memref<2x32x26x32xf32, #tpu.memory_space<vmem>> -> memref<1x32x26x32xf32, #tpu.memory_space<vmem>>
    %dma_wait3A_211 = tpu.memref_squeeze %dma_wait3A_210 : memref<1x32x26x32xf32, #tpu.memory_space<vmem>> -> memref<32x26x32xf32, #tpu.memory_space<vmem>>
    %dma_wait3A_212 = arith.constant 0 : i32
    %dma_wait3A_213 = arith.constant 0 : i32
    %dma_wait3A_214 = arith.constant 0 : i32
    %dma_wait3A_215 = tpu.memref_slice %arg4[%dma_wait3A_212, %dma_wait3A_213, %dma_wait3A_214] : memref<16384x26x32xf32, #tpu.memory_space<hbm>> -> memref<32x26x32xf32, #tpu.memory_space<hbm>>
    tpu.wait_dma2 semaphore(%arg8 : memref<!tpu.dma_semaphore, #tpu.memory_space<semaphore_mem>>) src(%dma_wait3A_215 : memref<32x26x32xf32, #tpu.memory_space<hbm>>) dst(%dma_wait3A_211 : memref<32x26x32xf32, #tpu.memory_space<vmem>>)
    %add3A_216 = arith.constant 96 : i32
    %add3A_217 = arith.addi %mul3A_2, %add3A_216 : i32
    %dma_start3A_218 = arith.constant 1 : i32
    %dma_start3A_219 = arith.constant 0 : i32
    %dma_start3A_220 = arith.constant 0 : i32
    %dma_start3A_221 = arith.constant 0 : i32
    %dma_start3A_222 = tpu.memref_slice %arg6[%dma_start3A_218, %dma_start3A_219, %dma_start3A_220, %dma_start3A_221] : memref<2x32x26x32xf32, #tpu.memory_space<vmem>> -> memref<1x32x26x32xf32, #tpu.memory_space<vmem>>
    %dma_start3A_223 = tpu.memref_squeeze %dma_start3A_222 : memref<1x32x26x32xf32, #tpu.memory_space<vmem>> -> memref<32x26x32xf32, #tpu.memory_space<vmem>>
    %dma_start3A_224 = arith.constant 0 : i32
    %dma_start3A_225 = arith.constant 0 : i32
    %dma_start3A_226 = tpu.memref_slice %arg4[%add3A_217, %dma_start3A_224, %dma_start3A_225] : memref<16384x26x32xf32, #tpu.memory_space<hbm>> -> memref<32x26x32xf32, #tpu.memory_space<hbm>>
    %dma_start3A_227 = arith.constant 0 : i32
    %dma_start3A_228 = arith.constant 0 : i32
    %dma_start3A_229 = tpu.memref_slice %arg4[%add3A_217, %dma_start3A_227, %dma_start3A_228] : memref<16384x26x32xf32, #tpu.memory_space<hbm>> -> memref<32x26x32xf32, #tpu.memory_space<hbm>>
    %dma_start3A_230 = arith.constant 0 : i32
    %dma_start3A_231 = arith.constant 0 : i32
    %dma_start3A_232 = arith.constant 0 : i32
    %dma_start3A_233 = tpu.memref_slice %arg6[%dma_start3A_218, %dma_start3A_230, %dma_start3A_231, %dma_start3A_232] : memref<2x32x26x32xf32, #tpu.memory_space<vmem>> -> memref<1x32x26x32xf32, #tpu.memory_space<vmem>>
    %dma_start3A_234 = tpu.memref_squeeze %dma_start3A_233 : memref<1x32x26x32xf32, #tpu.memory_space<vmem>> -> memref<32x26x32xf32, #tpu.memory_space<vmem>>
    tpu.enqueue_dma source(%dma_start3A_234 : memref<32x26x32xf32, #tpu.memory_space<vmem>>) target(%dma_start3A_229 : memref<32x26x32xf32, #tpu.memory_space<hbm>>) target_semaphore(%arg10 : memref<!tpu.dma_semaphore, #tpu.memory_space<semaphore_mem>>)
    %dma_wait3A_235 = arith.constant 1 : i32
    %dma_wait3A_236 = arith.constant 0 : i32
    %dma_wait3A_237 = arith.constant 0 : i32
    %dma_wait3A_238 = arith.constant 0 : i32
    %dma_wait3A_239 = tpu.memref_slice %arg6[%dma_wait3A_235, %dma_wait3A_236, %dma_wait3A_237, %dma_wait3A_238] : memref<2x32x26x32xf32, #tpu.memory_space<vmem>> -> memref<1x32x26x32xf32, #tpu.memory_space<vmem>>
    %dma_wait3A_240 = tpu.memref_squeeze %dma_wait3A_239 : memref<1x32x26x32xf32, #tpu.memory_space<vmem>> -> memref<32x26x32xf32, #tpu.memory_space<vmem>>
    %dma_wait3A_241 = arith.constant 0 : i32
    %dma_wait3A_242 = arith.constant 0 : i32
    %dma_wait3A_243 = tpu.memref_slice %arg4[%add3A_217, %dma_wait3A_241, %dma_wait3A_242] : memref<16384x26x32xf32, #tpu.memory_space<hbm>> -> memref<32x26x32xf32, #tpu.memory_space<hbm>>
    %dma_wait3A_244 = arith.constant 0 : i32
    %dma_wait3A_245 = arith.constant 0 : i32
    %dma_wait3A_246 = tpu.memref_slice %arg4[%add3A_217, %dma_wait3A_244, %dma_wait3A_245] : memref<16384x26x32xf32, #tpu.memory_space<hbm>> -> memref<32x26x32xf32, #tpu.memory_space<hbm>>
    %dma_wait3A_247 = arith.constant 0 : i32
    %dma_wait3A_248 = arith.constant 0 : i32
    %dma_wait3A_249 = arith.constant 0 : i32
    %dma_wait3A_250 = tpu.memref_slice %arg6[%dma_wait3A_235, %dma_wait3A_247, %dma_wait3A_248, %dma_wait3A_249] : memref<2x32x26x32xf32, #tpu.memory_space<vmem>> -> memref<1x32x26x32xf32, #tpu.memory_space<vmem>>
    %dma_wait3A_251 = tpu.memref_squeeze %dma_wait3A_250 : memref<1x32x26x32xf32, #tpu.memory_space<vmem>> -> memref<32x26x32xf32, #tpu.memory_space<vmem>>
    tpu.wait_dma2 semaphore(%arg10 : memref<!tpu.dma_semaphore, #tpu.memory_space<semaphore_mem>>) src(%dma_wait3A_251 : memref<32x26x32xf32, #tpu.memory_space<vmem>>) dst(%dma_wait3A_246 : memref<32x26x32xf32, #tpu.memory_space<hbm>>)
    %scan3A_252 = arith.constant 0 : i32
    %scan3A_253 = arith.constant 0 : i32
    %scan3A_254 = arith.constant 32 : i32
    %scan3A_255 = arith.addi %scan3A_253, %scan3A_254 : i32
    %scan3A_256 = arith.constant 1 : i32
    scf.for %scan3A_978 = %scan3A_253 to %scan3A_255 step %scan3A_256  : i32 {
      %add3A_979 = arith.constant 160 : i32
      %add3A_980 = arith.addi %add3A_979, %scan3A_978 : i32
      %mul3A_981 = arith.constant 32 : i32
      %mul3A_982 = arith.muli %add3A_980, %mul3A_981 : i32
      %dma_start3A_983 = arith.constant 1 : i32
      %dma_start3A_984 = arith.constant 0 : i32
      %dma_start3A_985 = arith.constant 0 : i32
      %dma_start3A_986 = arith.constant 0 : i32
      %dma_start3A_987 = tpu.memref_slice %arg6[%dma_start3A_983, %dma_start3A_984, %dma_start3A_985, %dma_start3A_986] : memref<2x32x26x32xf32, #tpu.memory_space<vmem>> -> memref<1x32x26x32xf32, #tpu.memory_space<vmem>>
      %dma_start3A_988 = tpu.memref_squeeze %dma_start3A_987 : memref<1x32x26x32xf32, #tpu.memory_space<vmem>> -> memref<32x26x32xf32, #tpu.memory_space<vmem>>
      %dma_start3A_989 = arith.constant 0 : i32
      %dma_start3A_990 = arith.constant 0 : i32
      %dma_start3A_991 = tpu.memref_slice %dma_start3A_988[%scan3A_978, %dma_start3A_989, %dma_start3A_990] : memref<32x26x32xf32, #tpu.memory_space<vmem>> -> memref<1x26x32xf32, #tpu.memory_space<vmem>>
      %dma_start3A_992 = tpu.memref_squeeze %dma_start3A_991 : memref<1x26x32xf32, #tpu.memory_space<vmem>> -> memref<26x32xf32, #tpu.memory_space<vmem>>
      %dma_start3A_993 = tpu.memref_slice %arg5[%mul3A_982] : memref<16384xi32, #tpu.memory_space<vmem>> -> memref<26xi32, #tpu.memory_space<vmem>>
      %dma_start3A_994 = arith.constant 0 : i32
      %dma_start3A_995 = arith.constant 0 : i32
      %dma_start3A_996 = tpu.memref_slice %arg3[%dma_start3A_994, %dma_start3A_995] : memref<1000000x32xf32, #tpu.memory_space<hbm>> -> memref<1000000x32xf32, #tpu.memory_space<hbm>>
      tpu.enqueue_indirect_dma source(%dma_start3A_996 : memref<1000000x32xf32, #tpu.memory_space<hbm>>) target(%dma_start3A_992 : memref<26x32xf32, #tpu.memory_space<vmem>>) offsets(%dma_start3A_993 : memref<26xi32, #tpu.memory_space<vmem>>) semaphore(%arg8 : memref<!tpu.dma_semaphore, #tpu.memory_space<semaphore_mem>>)
    }
    %scan3A_257 = arith.constant 32 : i32
    %dma_wait3A_258 = arith.constant 0 : i32
    %dma_wait3A_259 = arith.constant 0 : i32
    %dma_wait3A_260 = arith.constant 0 : i32
    %dma_wait3A_261 = arith.constant 0 : i32
    %dma_wait3A_262 = tpu.memref_slice %arg6[%dma_wait3A_258, %dma_wait3A_259, %dma_wait3A_260, %dma_wait3A_261] : memref<2x32x26x32xf32, #tpu.memory_space<vmem>> -> memref<1x32x26x32xf32, #tpu.memory_space<vmem>>
    %dma_wait3A_263 = tpu.memref_squeeze %dma_wait3A_262 : memref<1x32x26x32xf32, #tpu.memory_space<vmem>> -> memref<32x26x32xf32, #tpu.memory_space<vmem>>
    %dma_wait3A_264 = arith.constant 0 : i32
    %dma_wait3A_265 = arith.constant 0 : i32
    %dma_wait3A_266 = arith.constant 0 : i32
    %dma_wait3A_267 = tpu.memref_slice %arg4[%dma_wait3A_264, %dma_wait3A_265, %dma_wait3A_266] : memref<16384x26x32xf32, #tpu.memory_space<hbm>> -> memref<32x26x32xf32, #tpu.memory_space<hbm>>
    %dma_wait3A_268 = arith.constant 0 : i32
    %dma_wait3A_269 = arith.constant 0 : i32
    %dma_wait3A_270 = arith.constant 0 : i32
    %dma_wait3A_271 = tpu.memref_slice %arg6[%dma_wait3A_258, %dma_wait3A_268, %dma_wait3A_269, %dma_wait3A_270] : memref<2x32x26x32xf32, #tpu.memory_space<vmem>> -> memref<1x32x26x32xf32, #tpu.memory_space<vmem>>
    %dma_wait3A_272 = tpu.memref_squeeze %dma_wait3A_271 : memref<1x32x26x32xf32, #tpu.memory_space<vmem>> -> memref<32x26x32xf32, #tpu.memory_space<vmem>>
    %dma_wait3A_273 = arith.constant 0 : i32
    %dma_wait3A_274 = arith.constant 0 : i32
    %dma_wait3A_275 = arith.constant 0 : i32
    %dma_wait3A_276 = tpu.memref_slice %arg4[%dma_wait3A_273, %dma_wait3A_274, %dma_wait3A_275] : memref<16384x26x32xf32, #tpu.memory_space<hbm>> -> memref<32x26x32xf32, #tpu.memory_space<hbm>>
    tpu.wait_dma2 semaphore(%arg7 : memref<!tpu.dma_semaphore, #tpu.memory_space<semaphore_mem>>) src(%dma_wait3A_276 : memref<32x26x32xf32, #tpu.memory_space<hbm>>) dst(%dma_wait3A_272 : memref<32x26x32xf32, #tpu.memory_space<vmem>>)
    %add3A_277 = arith.constant 128 : i32
    %add3A_278 = arith.addi %mul3A_2, %add3A_277 : i32
    %dma_start3A_279 = arith.constant 0 : i32
    %dma_start3A_280 = arith.constant 0 : i32
    %dma_start3A_281 = arith.constant 0 : i32
    %dma_start3A_282 = arith.constant 0 : i32
    %dma_start3A_283 = tpu.memref_slice %arg6[%dma_start3A_279, %dma_start3A_280, %dma_start3A_281, %dma_start3A_282] : memref<2x32x26x32xf32, #tpu.memory_space<vmem>> -> memref<1x32x26x32xf32, #tpu.memory_space<vmem>>
    %dma_start3A_284 = tpu.memref_squeeze %dma_start3A_283 : memref<1x32x26x32xf32, #tpu.memory_space<vmem>> -> memref<32x26x32xf32, #tpu.memory_space<vmem>>
    %dma_start3A_285 = arith.constant 0 : i32
    %dma_start3A_286 = arith.constant 0 : i32
    %dma_start3A_287 = tpu.memref_slice %arg4[%add3A_278, %dma_start3A_285, %dma_start3A_286] : memref<16384x26x32xf32, #tpu.memory_space<hbm>> -> memref<32x26x32xf32, #tpu.memory_space<hbm>>
    %dma_start3A_288 = arith.constant 0 : i32
    %dma_start3A_289 = arith.constant 0 : i32
    %dma_start3A_290 = tpu.memref_slice %arg4[%add3A_278, %dma_start3A_288, %dma_start3A_289] : memref<16384x26x32xf32, #tpu.memory_space<hbm>> -> memref<32x26x32xf32, #tpu.memory_space<hbm>>
    %dma_start3A_291 = arith.constant 0 : i32
    %dma_start3A_292 = arith.constant 0 : i32
    %dma_start3A_293 = arith.constant 0 : i32
    %dma_start3A_294 = tpu.memref_slice %arg6[%dma_start3A_279, %dma_start3A_291, %dma_start3A_292, %dma_start3A_293] : memref<2x32x26x32xf32, #tpu.memory_space<vmem>> -> memref<1x32x26x32xf32, #tpu.memory_space<vmem>>
    %dma_start3A_295 = tpu.memref_squeeze %dma_start3A_294 : memref<1x32x26x32xf32, #tpu.memory_space<vmem>> -> memref<32x26x32xf32, #tpu.memory_space<vmem>>
    tpu.enqueue_dma source(%dma_start3A_295 : memref<32x26x32xf32, #tpu.memory_space<vmem>>) target(%dma_start3A_290 : memref<32x26x32xf32, #tpu.memory_space<hbm>>) target_semaphore(%arg9 : memref<!tpu.dma_semaphore, #tpu.memory_space<semaphore_mem>>)
    %dma_wait3A_296 = arith.constant 0 : i32
    %dma_wait3A_297 = arith.constant 0 : i32
    %dma_wait3A_298 = arith.constant 0 : i32
    %dma_wait3A_299 = arith.constant 0 : i32
    %dma_wait3A_300 = tpu.memref_slice %arg6[%dma_wait3A_296, %dma_wait3A_297, %dma_wait3A_298, %dma_wait3A_299] : memref<2x32x26x32xf32, #tpu.memory_space<vmem>> -> memref<1x32x26x32xf32, #tpu.memory_space<vmem>>
    %dma_wait3A_301 = tpu.memref_squeeze %dma_wait3A_300 : memref<1x32x26x32xf32, #tpu.memory_space<vmem>> -> memref<32x26x32xf32, #tpu.memory_space<vmem>>
    %dma_wait3A_302 = arith.constant 0 : i32
    %dma_wait3A_303 = arith.constant 0 : i32
    %dma_wait3A_304 = tpu.memref_slice %arg4[%add3A_278, %dma_wait3A_302, %dma_wait3A_303] : memref<16384x26x32xf32, #tpu.memory_space<hbm>> -> memref<32x26x32xf32, #tpu.memory_space<hbm>>
    %dma_wait3A_305 = arith.constant 0 : i32
    %dma_wait3A_306 = arith.constant 0 : i32
    %dma_wait3A_307 = tpu.memref_slice %arg4[%add3A_278, %dma_wait3A_305, %dma_wait3A_306] : memref<16384x26x32xf32, #tpu.memory_space<hbm>> -> memref<32x26x32xf32, #tpu.memory_space<hbm>>
    %dma_wait3A_308 = arith.constant 0 : i32
    %dma_wait3A_309 = arith.constant 0 : i32
    %dma_wait3A_310 = arith.constant 0 : i32
    %dma_wait3A_311 = tpu.memref_slice %arg6[%dma_wait3A_296, %dma_wait3A_308, %dma_wait3A_309, %dma_wait3A_310] : memref<2x32x26x32xf32, #tpu.memory_space<vmem>> -> memref<1x32x26x32xf32, #tpu.memory_space<vmem>>
    %dma_wait3A_312 = tpu.memref_squeeze %dma_wait3A_311 : memref<1x32x26x32xf32, #tpu.memory_space<vmem>> -> memref<32x26x32xf32, #tpu.memory_space<vmem>>
    tpu.wait_dma2 semaphore(%arg9 : memref<!tpu.dma_semaphore, #tpu.memory_space<semaphore_mem>>) src(%dma_wait3A_312 : memref<32x26x32xf32, #tpu.memory_space<vmem>>) dst(%dma_wait3A_307 : memref<32x26x32xf32, #tpu.memory_space<hbm>>)
    %scan3A_313 = arith.constant 0 : i32
    %scan3A_314 = arith.constant 0 : i32
    %scan3A_315 = arith.constant 32 : i32
    %scan3A_316 = arith.addi %scan3A_314, %scan3A_315 : i32
    %scan3A_317 = arith.constant 1 : i32
    scf.for %scan3A_978 = %scan3A_314 to %scan3A_316 step %scan3A_317  : i32 {
      %add3A_979 = arith.constant 192 : i32
      %add3A_980 = arith.addi %add3A_979, %scan3A_978 : i32
      %mul3A_981 = arith.constant 32 : i32
      %mul3A_982 = arith.muli %add3A_980, %mul3A_981 : i32
      %dma_start3A_983 = arith.constant 0 : i32
      %dma_start3A_984 = arith.constant 0 : i32
      %dma_start3A_985 = arith.constant 0 : i32
      %dma_start3A_986 = arith.constant 0 : i32
      %dma_start3A_987 = tpu.memref_slice %arg6[%dma_start3A_983, %dma_start3A_984, %dma_start3A_985, %dma_start3A_986] : memref<2x32x26x32xf32, #tpu.memory_space<vmem>> -> memref<1x32x26x32xf32, #tpu.memory_space<vmem>>
      %dma_start3A_988 = tpu.memref_squeeze %dma_start3A_987 : memref<1x32x26x32xf32, #tpu.memory_space<vmem>> -> memref<32x26x32xf32, #tpu.memory_space<vmem>>
      %dma_start3A_989 = arith.constant 0 : i32
      %dma_start3A_990 = arith.constant 0 : i32
      %dma_start3A_991 = tpu.memref_slice %dma_start3A_988[%scan3A_978, %dma_start3A_989, %dma_start3A_990] : memref<32x26x32xf32, #tpu.memory_space<vmem>> -> memref<1x26x32xf32, #tpu.memory_space<vmem>>
      %dma_start3A_992 = tpu.memref_squeeze %dma_start3A_991 : memref<1x26x32xf32, #tpu.memory_space<vmem>> -> memref<26x32xf32, #tpu.memory_space<vmem>>
      %dma_start3A_993 = tpu.memref_slice %arg5[%mul3A_982] : memref<16384xi32, #tpu.memory_space<vmem>> -> memref<26xi32, #tpu.memory_space<vmem>>
      %dma_start3A_994 = arith.constant 0 : i32
      %dma_start3A_995 = arith.constant 0 : i32
      %dma_start3A_996 = tpu.memref_slice %arg3[%dma_start3A_994, %dma_start3A_995] : memref<1000000x32xf32, #tpu.memory_space<hbm>> -> memref<1000000x32xf32, #tpu.memory_space<hbm>>
      tpu.enqueue_indirect_dma source(%dma_start3A_996 : memref<1000000x32xf32, #tpu.memory_space<hbm>>) target(%dma_start3A_992 : memref<26x32xf32, #tpu.memory_space<vmem>>) offsets(%dma_start3A_993 : memref<26xi32, #tpu.memory_space<vmem>>) semaphore(%arg7 : memref<!tpu.dma_semaphore, #tpu.memory_space<semaphore_mem>>)
    }
    %scan3A_318 = arith.constant 32 : i32
    %dma_wait3A_319 = arith.constant 1 : i32
    %dma_wait3A_320 = arith.constant 0 : i32
    %dma_wait3A_321 = arith.constant 0 : i32
    %dma_wait3A_322 = arith.constant 0 : i32
    %dma_wait3A_323 = tpu.memref_slice %arg6[%dma_wait3A_319, %dma_wait3A_320, %dma_wait3A_321, %dma_wait3A_322] : memref<2x32x26x32xf32, #tpu.memory_space<vmem>> -> memref<1x32x26x32xf32, #tpu.memory_space<vmem>>
    %dma_wait3A_324 = tpu.memref_squeeze %dma_wait3A_323 : memref<1x32x26x32xf32, #tpu.memory_space<vmem>> -> memref<32x26x32xf32, #tpu.memory_space<vmem>>
    %dma_wait3A_325 = arith.constant 0 : i32
    %dma_wait3A_326 = arith.constant 0 : i32
    %dma_wait3A_327 = arith.constant 0 : i32
    %dma_wait3A_328 = tpu.memref_slice %arg4[%dma_wait3A_325, %dma_wait3A_326, %dma_wait3A_327] : memref<16384x26x32xf32, #tpu.memory_space<hbm>> -> memref<32x26x32xf32, #tpu.memory_space<hbm>>
    %dma_wait3A_329 = arith.constant 0 : i32
    %dma_wait3A_330 = arith.constant 0 : i32
    %dma_wait3A_331 = arith.constant 0 : i32
    %dma_wait3A_332 = tpu.memref_slice %arg6[%dma_wait3A_319, %dma_wait3A_329, %dma_wait3A_330, %dma_wait3A_331] : memref<2x32x26x32xf32, #tpu.memory_space<vmem>> -> memref<1x32x26x32xf32, #tpu.memory_space<vmem>>
    %dma_wait3A_333 = tpu.memref_squeeze %dma_wait3A_332 : memref<1x32x26x32xf32, #tpu.memory_space<vmem>> -> memref<32x26x32xf32, #tpu.memory_space<vmem>>
    %dma_wait3A_334 = arith.constant 0 : i32
    %dma_wait3A_335 = arith.constant 0 : i32
    %dma_wait3A_336 = arith.constant 0 : i32
    %dma_wait3A_337 = tpu.memref_slice %arg4[%dma_wait3A_334, %dma_wait3A_335, %dma_wait3A_336] : memref<16384x26x32xf32, #tpu.memory_space<hbm>> -> memref<32x26x32xf32, #tpu.memory_space<hbm>>
    tpu.wait_dma2 semaphore(%arg8 : memref<!tpu.dma_semaphore, #tpu.memory_space<semaphore_mem>>) src(%dma_wait3A_337 : memref<32x26x32xf32, #tpu.memory_space<hbm>>) dst(%dma_wait3A_333 : memref<32x26x32xf32, #tpu.memory_space<vmem>>)
    %add3A_338 = arith.constant 160 : i32
    %add3A_339 = arith.addi %mul3A_2, %add3A_338 : i32
    %dma_start3A_340 = arith.constant 1 : i32
    %dma_start3A_341 = arith.constant 0 : i32
    %dma_start3A_342 = arith.constant 0 : i32
    %dma_start3A_343 = arith.constant 0 : i32
    %dma_start3A_344 = tpu.memref_slice %arg6[%dma_start3A_340, %dma_start3A_341, %dma_start3A_342, %dma_start3A_343] : memref<2x32x26x32xf32, #tpu.memory_space<vmem>> -> memref<1x32x26x32xf32, #tpu.memory_space<vmem>>
    %dma_start3A_345 = tpu.memref_squeeze %dma_start3A_344 : memref<1x32x26x32xf32, #tpu.memory_space<vmem>> -> memref<32x26x32xf32, #tpu.memory_space<vmem>>
    %dma_start3A_346 = arith.constant 0 : i32
    %dma_start3A_347 = arith.constant 0 : i32
    %dma_start3A_348 = tpu.memref_slice %arg4[%add3A_339, %dma_start3A_346, %dma_start3A_347] : memref<16384x26x32xf32, #tpu.memory_space<hbm>> -> memref<32x26x32xf32, #tpu.memory_space<hbm>>
    %dma_start3A_349 = arith.constant 0 : i32
    %dma_start3A_350 = arith.constant 0 : i32
    %dma_start3A_351 = tpu.memref_slice %arg4[%add3A_339, %dma_start3A_349, %dma_start3A_350] : memref<16384x26x32xf32, #tpu.memory_space<hbm>> -> memref<32x26x32xf32, #tpu.memory_space<hbm>>
    %dma_start3A_352 = arith.constant 0 : i32
    %dma_start3A_353 = arith.constant 0 : i32
    %dma_start3A_354 = arith.constant 0 : i32
    %dma_start3A_355 = tpu.memref_slice %arg6[%dma_start3A_340, %dma_start3A_352, %dma_start3A_353, %dma_start3A_354] : memref<2x32x26x32xf32, #tpu.memory_space<vmem>> -> memref<1x32x26x32xf32, #tpu.memory_space<vmem>>
    %dma_start3A_356 = tpu.memref_squeeze %dma_start3A_355 : memref<1x32x26x32xf32, #tpu.memory_space<vmem>> -> memref<32x26x32xf32, #tpu.memory_space<vmem>>
    tpu.enqueue_dma source(%dma_start3A_356 : memref<32x26x32xf32, #tpu.memory_space<vmem>>) target(%dma_start3A_351 : memref<32x26x32xf32, #tpu.memory_space<hbm>>) target_semaphore(%arg10 : memref<!tpu.dma_semaphore, #tpu.memory_space<semaphore_mem>>)
    %dma_wait3A_357 = arith.constant 1 : i32
    %dma_wait3A_358 = arith.constant 0 : i32
    %dma_wait3A_359 = arith.constant 0 : i32
    %dma_wait3A_360 = arith.constant 0 : i32
    %dma_wait3A_361 = tpu.memref_slice %arg6[%dma_wait3A_357, %dma_wait3A_358, %dma_wait3A_359, %dma_wait3A_360] : memref<2x32x26x32xf32, #tpu.memory_space<vmem>> -> memref<1x32x26x32xf32, #tpu.memory_space<vmem>>
    %dma_wait3A_362 = tpu.memref_squeeze %dma_wait3A_361 : memref<1x32x26x32xf32, #tpu.memory_space<vmem>> -> memref<32x26x32xf32, #tpu.memory_space<vmem>>
    %dma_wait3A_363 = arith.constant 0 : i32
    %dma_wait3A_364 = arith.constant 0 : i32
    %dma_wait3A_365 = tpu.memref_slice %arg4[%add3A_339, %dma_wait3A_363, %dma_wait3A_364] : memref<16384x26x32xf32, #tpu.memory_space<hbm>> -> memref<32x26x32xf32, #tpu.memory_space<hbm>>
    %dma_wait3A_366 = arith.constant 0 : i32
    %dma_wait3A_367 = arith.constant 0 : i32
    %dma_wait3A_368 = tpu.memref_slice %arg4[%add3A_339, %dma_wait3A_366, %dma_wait3A_367] : memref<16384x26x32xf32, #tpu.memory_space<hbm>> -> memref<32x26x32xf32, #tpu.memory_space<hbm>>
    %dma_wait3A_369 = arith.constant 0 : i32
    %dma_wait3A_370 = arith.constant 0 : i32
    %dma_wait3A_371 = arith.constant 0 : i32
    %dma_wait3A_372 = tpu.memref_slice %arg6[%dma_wait3A_357, %dma_wait3A_369, %dma_wait3A_370, %dma_wait3A_371] : memref<2x32x26x32xf32, #tpu.memory_space<vmem>> -> memref<1x32x26x32xf32, #tpu.memory_space<vmem>>
    %dma_wait3A_373 = tpu.memref_squeeze %dma_wait3A_372 : memref<1x32x26x32xf32, #tpu.memory_space<vmem>> -> memref<32x26x32xf32, #tpu.memory_space<vmem>>
    tpu.wait_dma2 semaphore(%arg10 : memref<!tpu.dma_semaphore, #tpu.memory_space<semaphore_mem>>) src(%dma_wait3A_373 : memref<32x26x32xf32, #tpu.memory_space<vmem>>) dst(%dma_wait3A_368 : memref<32x26x32xf32, #tpu.memory_space<hbm>>)
    %scan3A_374 = arith.constant 0 : i32
    %scan3A_375 = arith.constant 0 : i32
    %scan3A_376 = arith.constant 32 : i32
    %scan3A_377 = arith.addi %scan3A_375, %scan3A_376 : i32
    %scan3A_378 = arith.constant 1 : i32
    scf.for %scan3A_978 = %scan3A_375 to %scan3A_377 step %scan3A_378  : i32 {
      %add3A_979 = arith.constant 224 : i32
      %add3A_980 = arith.addi %add3A_979, %scan3A_978 : i32
      %mul3A_981 = arith.constant 32 : i32
      %mul3A_982 = arith.muli %add3A_980, %mul3A_981 : i32
      %dma_start3A_983 = arith.constant 1 : i32
      %dma_start3A_984 = arith.constant 0 : i32
      %dma_start3A_985 = arith.constant 0 : i32
      %dma_start3A_986 = arith.constant 0 : i32
      %dma_start3A_987 = tpu.memref_slice %arg6[%dma_start3A_983, %dma_start3A_984, %dma_start3A_985, %dma_start3A_986] : memref<2x32x26x32xf32, #tpu.memory_space<vmem>> -> memref<1x32x26x32xf32, #tpu.memory_space<vmem>>
      %dma_start3A_988 = tpu.memref_squeeze %dma_start3A_987 : memref<1x32x26x32xf32, #tpu.memory_space<vmem>> -> memref<32x26x32xf32, #tpu.memory_space<vmem>>
      %dma_start3A_989 = arith.constant 0 : i32
      %dma_start3A_990 = arith.constant 0 : i32
      %dma_start3A_991 = tpu.memref_slice %dma_start3A_988[%scan3A_978, %dma_start3A_989, %dma_start3A_990] : memref<32x26x32xf32, #tpu.memory_space<vmem>> -> memref<1x26x32xf32, #tpu.memory_space<vmem>>
      %dma_start3A_992 = tpu.memref_squeeze %dma_start3A_991 : memref<1x26x32xf32, #tpu.memory_space<vmem>> -> memref<26x32xf32, #tpu.memory_space<vmem>>
      %dma_start3A_993 = tpu.memref_slice %arg5[%mul3A_982] : memref<16384xi32, #tpu.memory_space<vmem>> -> memref<26xi32, #tpu.memory_space<vmem>>
      %dma_start3A_994 = arith.constant 0 : i32
      %dma_start3A_995 = arith.constant 0 : i32
      %dma_start3A_996 = tpu.memref_slice %arg3[%dma_start3A_994, %dma_start3A_995] : memref<1000000x32xf32, #tpu.memory_space<hbm>> -> memref<1000000x32xf32, #tpu.memory_space<hbm>>
      tpu.enqueue_indirect_dma source(%dma_start3A_996 : memref<1000000x32xf32, #tpu.memory_space<hbm>>) target(%dma_start3A_992 : memref<26x32xf32, #tpu.memory_space<vmem>>) offsets(%dma_start3A_993 : memref<26xi32, #tpu.memory_space<vmem>>) semaphore(%arg8 : memref<!tpu.dma_semaphore, #tpu.memory_space<semaphore_mem>>)
    }
    %scan3A_379 = arith.constant 32 : i32
    %dma_wait3A_380 = arith.constant 0 : i32
    %dma_wait3A_381 = arith.constant 0 : i32
    %dma_wait3A_382 = arith.constant 0 : i32
    %dma_wait3A_383 = arith.constant 0 : i32
    %dma_wait3A_384 = tpu.memref_slice %arg6[%dma_wait3A_380, %dma_wait3A_381, %dma_wait3A_382, %dma_wait3A_383] : memref<2x32x26x32xf32, #tpu.memory_space<vmem>> -> memref<1x32x26x32xf32, #tpu.memory_space<vmem>>
    %dma_wait3A_385 = tpu.memref_squeeze %dma_wait3A_384 : memref<1x32x26x32xf32, #tpu.memory_space<vmem>> -> memref<32x26x32xf32, #tpu.memory_space<vmem>>
    %dma_wait3A_386 = arith.constant 0 : i32
    %dma_wait3A_387 = arith.constant 0 : i32
    %dma_wait3A_388 = arith.constant 0 : i32
    %dma_wait3A_389 = tpu.memref_slice %arg4[%dma_wait3A_386, %dma_wait3A_387, %dma_wait3A_388] : memref<16384x26x32xf32, #tpu.memory_space<hbm>> -> memref<32x26x32xf32, #tpu.memory_space<hbm>>
    %dma_wait3A_390 = arith.constant 0 : i32
    %dma_wait3A_391 = arith.constant 0 : i32
    %dma_wait3A_392 = arith.constant 0 : i32
    %dma_wait3A_393 = tpu.memref_slice %arg6[%dma_wait3A_380, %dma_wait3A_390, %dma_wait3A_391, %dma_wait3A_392] : memref<2x32x26x32xf32, #tpu.memory_space<vmem>> -> memref<1x32x26x32xf32, #tpu.memory_space<vmem>>
    %dma_wait3A_394 = tpu.memref_squeeze %dma_wait3A_393 : memref<1x32x26x32xf32, #tpu.memory_space<vmem>> -> memref<32x26x32xf32, #tpu.memory_space<vmem>>
    %dma_wait3A_395 = arith.constant 0 : i32
    %dma_wait3A_396 = arith.constant 0 : i32
    %dma_wait3A_397 = arith.constant 0 : i32
    %dma_wait3A_398 = tpu.memref_slice %arg4[%dma_wait3A_395, %dma_wait3A_396, %dma_wait3A_397] : memref<16384x26x32xf32, #tpu.memory_space<hbm>> -> memref<32x26x32xf32, #tpu.memory_space<hbm>>
    tpu.wait_dma2 semaphore(%arg7 : memref<!tpu.dma_semaphore, #tpu.memory_space<semaphore_mem>>) src(%dma_wait3A_398 : memref<32x26x32xf32, #tpu.memory_space<hbm>>) dst(%dma_wait3A_394 : memref<32x26x32xf32, #tpu.memory_space<vmem>>)
    %add3A_399 = arith.constant 192 : i32
    %add3A_400 = arith.addi %mul3A_2, %add3A_399 : i32
    %dma_start3A_401 = arith.constant 0 : i32
    %dma_start3A_402 = arith.constant 0 : i32
    %dma_start3A_403 = arith.constant 0 : i32
    %dma_start3A_404 = arith.constant 0 : i32
    %dma_start3A_405 = tpu.memref_slice %arg6[%dma_start3A_401, %dma_start3A_402, %dma_start3A_403, %dma_start3A_404] : memref<2x32x26x32xf32, #tpu.memory_space<vmem>> -> memref<1x32x26x32xf32, #tpu.memory_space<vmem>>
    %dma_start3A_406 = tpu.memref_squeeze %dma_start3A_405 : memref<1x32x26x32xf32, #tpu.memory_space<vmem>> -> memref<32x26x32xf32, #tpu.memory_space<vmem>>
    %dma_start3A_407 = arith.constant 0 : i32
    %dma_start3A_408 = arith.constant 0 : i32
    %dma_start3A_409 = tpu.memref_slice %arg4[%add3A_400, %dma_start3A_407, %dma_start3A_408] : memref<16384x26x32xf32, #tpu.memory_space<hbm>> -> memref<32x26x32xf32, #tpu.memory_space<hbm>>
    %dma_start3A_410 = arith.constant 0 : i32
    %dma_start3A_411 = arith.constant 0 : i32
    %dma_start3A_412 = tpu.memref_slice %arg4[%add3A_400, %dma_start3A_410, %dma_start3A_411] : memref<16384x26x32xf32, #tpu.memory_space<hbm>> -> memref<32x26x32xf32, #tpu.memory_space<hbm>>
    %dma_start3A_413 = arith.constant 0 : i32
    %dma_start3A_414 = arith.constant 0 : i32
    %dma_start3A_415 = arith.constant 0 : i32
    %dma_start3A_416 = tpu.memref_slice %arg6[%dma_start3A_401, %dma_start3A_413, %dma_start3A_414, %dma_start3A_415] : memref<2x32x26x32xf32, #tpu.memory_space<vmem>> -> memref<1x32x26x32xf32, #tpu.memory_space<vmem>>
    %dma_start3A_417 = tpu.memref_squeeze %dma_start3A_416 : memref<1x32x26x32xf32, #tpu.memory_space<vmem>> -> memref<32x26x32xf32, #tpu.memory_space<vmem>>
    tpu.enqueue_dma source(%dma_start3A_417 : memref<32x26x32xf32, #tpu.memory_space<vmem>>) target(%dma_start3A_412 : memref<32x26x32xf32, #tpu.memory_space<hbm>>) target_semaphore(%arg9 : memref<!tpu.dma_semaphore, #tpu.memory_space<semaphore_mem>>)
    %dma_wait3A_418 = arith.constant 0 : i32
    %dma_wait3A_419 = arith.constant 0 : i32
    %dma_wait3A_420 = arith.constant 0 : i32
    %dma_wait3A_421 = arith.constant 0 : i32
    %dma_wait3A_422 = tpu.memref_slice %arg6[%dma_wait3A_418, %dma_wait3A_419, %dma_wait3A_420, %dma_wait3A_421] : memref<2x32x26x32xf32, #tpu.memory_space<vmem>> -> memref<1x32x26x32xf32, #tpu.memory_space<vmem>>
    %dma_wait3A_423 = tpu.memref_squeeze %dma_wait3A_422 : memref<1x32x26x32xf32, #tpu.memory_space<vmem>> -> memref<32x26x32xf32, #tpu.memory_space<vmem>>
    %dma_wait3A_424 = arith.constant 0 : i32
    %dma_wait3A_425 = arith.constant 0 : i32
    %dma_wait3A_426 = tpu.memref_slice %arg4[%add3A_400, %dma_wait3A_424, %dma_wait3A_425] : memref<16384x26x32xf32, #tpu.memory_space<hbm>> -> memref<32x26x32xf32, #tpu.memory_space<hbm>>
    %dma_wait3A_427 = arith.constant 0 : i32
    %dma_wait3A_428 = arith.constant 0 : i32
    %dma_wait3A_429 = tpu.memref_slice %arg4[%add3A_400, %dma_wait3A_427, %dma_wait3A_428] : memref<16384x26x32xf32, #tpu.memory_space<hbm>> -> memref<32x26x32xf32, #tpu.memory_space<hbm>>
    %dma_wait3A_430 = arith.constant 0 : i32
    %dma_wait3A_431 = arith.constant 0 : i32
    %dma_wait3A_432 = arith.constant 0 : i32
    %dma_wait3A_433 = tpu.memref_slice %arg6[%dma_wait3A_418, %dma_wait3A_430, %dma_wait3A_431, %dma_wait3A_432] : memref<2x32x26x32xf32, #tpu.memory_space<vmem>> -> memref<1x32x26x32xf32, #tpu.memory_space<vmem>>
    %dma_wait3A_434 = tpu.memref_squeeze %dma_wait3A_433 : memref<1x32x26x32xf32, #tpu.memory_space<vmem>> -> memref<32x26x32xf32, #tpu.memory_space<vmem>>
    tpu.wait_dma2 semaphore(%arg9 : memref<!tpu.dma_semaphore, #tpu.memory_space<semaphore_mem>>) src(%dma_wait3A_434 : memref<32x26x32xf32, #tpu.memory_space<vmem>>) dst(%dma_wait3A_429 : memref<32x26x32xf32, #tpu.memory_space<hbm>>)
    %scan3A_435 = arith.constant 0 : i32
    %scan3A_436 = arith.constant 0 : i32
    %scan3A_437 = arith.constant 32 : i32
    %scan3A_438 = arith.addi %scan3A_436, %scan3A_437 : i32
    %scan3A_439 = arith.constant 1 : i32
    scf.for %scan3A_978 = %scan3A_436 to %scan3A_438 step %scan3A_439  : i32 {
      %add3A_979 = arith.constant 256 : i32
      %add3A_980 = arith.addi %add3A_979, %scan3A_978 : i32
      %mul3A_981 = arith.constant 32 : i32
      %mul3A_982 = arith.muli %add3A_980, %mul3A_981 : i32
      %dma_start3A_983 = arith.constant 0 : i32
      %dma_start3A_984 = arith.constant 0 : i32
      %dma_start3A_985 = arith.constant 0 : i32
      %dma_start3A_986 = arith.constant 0 : i32
      %dma_start3A_987 = tpu.memref_slice %arg6[%dma_start3A_983, %dma_start3A_984, %dma_start3A_985, %dma_start3A_986] : memref<2x32x26x32xf32, #tpu.memory_space<vmem>> -> memref<1x32x26x32xf32, #tpu.memory_space<vmem>>
      %dma_start3A_988 = tpu.memref_squeeze %dma_start3A_987 : memref<1x32x26x32xf32, #tpu.memory_space<vmem>> -> memref<32x26x32xf32, #tpu.memory_space<vmem>>
      %dma_start3A_989 = arith.constant 0 : i32
      %dma_start3A_990 = arith.constant 0 : i32
      %dma_start3A_991 = tpu.memref_slice %dma_start3A_988[%scan3A_978, %dma_start3A_989, %dma_start3A_990] : memref<32x26x32xf32, #tpu.memory_space<vmem>> -> memref<1x26x32xf32, #tpu.memory_space<vmem>>
      %dma_start3A_992 = tpu.memref_squeeze %dma_start3A_991 : memref<1x26x32xf32, #tpu.memory_space<vmem>> -> memref<26x32xf32, #tpu.memory_space<vmem>>
      %dma_start3A_993 = tpu.memref_slice %arg5[%mul3A_982] : memref<16384xi32, #tpu.memory_space<vmem>> -> memref<26xi32, #tpu.memory_space<vmem>>
      %dma_start3A_994 = arith.constant 0 : i32
      %dma_start3A_995 = arith.constant 0 : i32
      %dma_start3A_996 = tpu.memref_slice %arg3[%dma_start3A_994, %dma_start3A_995] : memref<1000000x32xf32, #tpu.memory_space<hbm>> -> memref<1000000x32xf32, #tpu.memory_space<hbm>>
      tpu.enqueue_indirect_dma source(%dma_start3A_996 : memref<1000000x32xf32, #tpu.memory_space<hbm>>) target(%dma_start3A_992 : memref<26x32xf32, #tpu.memory_space<vmem>>) offsets(%dma_start3A_993 : memref<26xi32, #tpu.memory_space<vmem>>) semaphore(%arg7 : memref<!tpu.dma_semaphore, #tpu.memory_space<semaphore_mem>>)
    }
    %scan3A_440 = arith.constant 32 : i32
    %dma_wait3A_441 = arith.constant 1 : i32
    %dma_wait3A_442 = arith.constant 0 : i32
    %dma_wait3A_443 = arith.constant 0 : i32
    %dma_wait3A_444 = arith.constant 0 : i32
    %dma_wait3A_445 = tpu.memref_slice %arg6[%dma_wait3A_441, %dma_wait3A_442, %dma_wait3A_443, %dma_wait3A_444] : memref<2x32x26x32xf32, #tpu.memory_space<vmem>> -> memref<1x32x26x32xf32, #tpu.memory_space<vmem>>
    %dma_wait3A_446 = tpu.memref_squeeze %dma_wait3A_445 : memref<1x32x26x32xf32, #tpu.memory_space<vmem>> -> memref<32x26x32xf32, #tpu.memory_space<vmem>>
    %dma_wait3A_447 = arith.constant 0 : i32
    %dma_wait3A_448 = arith.constant 0 : i32
    %dma_wait3A_449 = arith.constant 0 : i32
    %dma_wait3A_450 = tpu.memref_slice %arg4[%dma_wait3A_447, %dma_wait3A_448, %dma_wait3A_449] : memref<16384x26x32xf32, #tpu.memory_space<hbm>> -> memref<32x26x32xf32, #tpu.memory_space<hbm>>
    %dma_wait3A_451 = arith.constant 0 : i32
    %dma_wait3A_452 = arith.constant 0 : i32
    %dma_wait3A_453 = arith.constant 0 : i32
    %dma_wait3A_454 = tpu.memref_slice %arg6[%dma_wait3A_441, %dma_wait3A_451, %dma_wait3A_452, %dma_wait3A_453] : memref<2x32x26x32xf32, #tpu.memory_space<vmem>> -> memref<1x32x26x32xf32, #tpu.memory_space<vmem>>
    %dma_wait3A_455 = tpu.memref_squeeze %dma_wait3A_454 : memref<1x32x26x32xf32, #tpu.memory_space<vmem>> -> memref<32x26x32xf32, #tpu.memory_space<vmem>>
    %dma_wait3A_456 = arith.constant 0 : i32
    %dma_wait3A_457 = arith.constant 0 : i32
    %dma_wait3A_458 = arith.constant 0 : i32
    %dma_wait3A_459 = tpu.memref_slice %arg4[%dma_wait3A_456, %dma_wait3A_457, %dma_wait3A_458] : memref<16384x26x32xf32, #tpu.memory_space<hbm>> -> memref<32x26x32xf32, #tpu.memory_space<hbm>>
    tpu.wait_dma2 semaphore(%arg8 : memref<!tpu.dma_semaphore, #tpu.memory_space<semaphore_mem>>) src(%dma_wait3A_459 : memref<32x26x32xf32, #tpu.memory_space<hbm>>) dst(%dma_wait3A_455 : memref<32x26x32xf32, #tpu.memory_space<vmem>>)
    %add3A_460 = arith.constant 224 : i32
    %add3A_461 = arith.addi %mul3A_2, %add3A_460 : i32
    %dma_start3A_462 = arith.constant 1 : i32
    %dma_start3A_463 = arith.constant 0 : i32
    %dma_start3A_464 = arith.constant 0 : i32
    %dma_start3A_465 = arith.constant 0 : i32
    %dma_start3A_466 = tpu.memref_slice %arg6[%dma_start3A_462, %dma_start3A_463, %dma_start3A_464, %dma_start3A_465] : memref<2x32x26x32xf32, #tpu.memory_space<vmem>> -> memref<1x32x26x32xf32, #tpu.memory_space<vmem>>
    %dma_start3A_467 = tpu.memref_squeeze %dma_start3A_466 : memref<1x32x26x32xf32, #tpu.memory_space<vmem>> -> memref<32x26x32xf32, #tpu.memory_space<vmem>>
    %dma_start3A_468 = arith.constant 0 : i32
    %dma_start3A_469 = arith.constant 0 : i32
    %dma_start3A_470 = tpu.memref_slice %arg4[%add3A_461, %dma_start3A_468, %dma_start3A_469] : memref<16384x26x32xf32, #tpu.memory_space<hbm>> -> memref<32x26x32xf32, #tpu.memory_space<hbm>>
    %dma_start3A_471 = arith.constant 0 : i32
    %dma_start3A_472 = arith.constant 0 : i32
    %dma_start3A_473 = tpu.memref_slice %arg4[%add3A_461, %dma_start3A_471, %dma_start3A_472] : memref<16384x26x32xf32, #tpu.memory_space<hbm>> -> memref<32x26x32xf32, #tpu.memory_space<hbm>>
    %dma_start3A_474 = arith.constant 0 : i32
    %dma_start3A_475 = arith.constant 0 : i32
    %dma_start3A_476 = arith.constant 0 : i32
    %dma_start3A_477 = tpu.memref_slice %arg6[%dma_start3A_462, %dma_start3A_474, %dma_start3A_475, %dma_start3A_476] : memref<2x32x26x32xf32, #tpu.memory_space<vmem>> -> memref<1x32x26x32xf32, #tpu.memory_space<vmem>>
    %dma_start3A_478 = tpu.memref_squeeze %dma_start3A_477 : memref<1x32x26x32xf32, #tpu.memory_space<vmem>> -> memref<32x26x32xf32, #tpu.memory_space<vmem>>
    tpu.enqueue_dma source(%dma_start3A_478 : memref<32x26x32xf32, #tpu.memory_space<vmem>>) target(%dma_start3A_473 : memref<32x26x32xf32, #tpu.memory_space<hbm>>) target_semaphore(%arg10 : memref<!tpu.dma_semaphore, #tpu.memory_space<semaphore_mem>>)
    %dma_wait3A_479 = arith.constant 1 : i32
    %dma_wait3A_480 = arith.constant 0 : i32
    %dma_wait3A_481 = arith.constant 0 : i32
    %dma_wait3A_482 = arith.constant 0 : i32
    %dma_wait3A_483 = tpu.memref_slice %arg6[%dma_wait3A_479, %dma_wait3A_480, %dma_wait3A_481, %dma_wait3A_482] : memref<2x32x26x32xf32, #tpu.memory_space<vmem>> -> memref<1x32x26x32xf32, #tpu.memory_space<vmem>>
    %dma_wait3A_484 = tpu.memref_squeeze %dma_wait3A_483 : memref<1x32x26x32xf32, #tpu.memory_space<vmem>> -> memref<32x26x32xf32, #tpu.memory_space<vmem>>
    %dma_wait3A_485 = arith.constant 0 : i32
    %dma_wait3A_486 = arith.constant 0 : i32
    %dma_wait3A_487 = tpu.memref_slice %arg4[%add3A_461, %dma_wait3A_485, %dma_wait3A_486] : memref<16384x26x32xf32, #tpu.memory_space<hbm>> -> memref<32x26x32xf32, #tpu.memory_space<hbm>>
    %dma_wait3A_488 = arith.constant 0 : i32
    %dma_wait3A_489 = arith.constant 0 : i32
    %dma_wait3A_490 = tpu.memref_slice %arg4[%add3A_461, %dma_wait3A_488, %dma_wait3A_489] : memref<16384x26x32xf32, #tpu.memory_space<hbm>> -> memref<32x26x32xf32, #tpu.memory_space<hbm>>
    %dma_wait3A_491 = arith.constant 0 : i32
    %dma_wait3A_492 = arith.constant 0 : i32
    %dma_wait3A_493 = arith.constant 0 : i32
    %dma_wait3A_494 = tpu.memref_slice %arg6[%dma_wait3A_479, %dma_wait3A_491, %dma_wait3A_492, %dma_wait3A_493] : memref<2x32x26x32xf32, #tpu.memory_space<vmem>> -> memref<1x32x26x32xf32, #tpu.memory_space<vmem>>
    %dma_wait3A_495 = tpu.memref_squeeze %dma_wait3A_494 : memref<1x32x26x32xf32, #tpu.memory_space<vmem>> -> memref<32x26x32xf32, #tpu.memory_space<vmem>>
    tpu.wait_dma2 semaphore(%arg10 : memref<!tpu.dma_semaphore, #tpu.memory_space<semaphore_mem>>) src(%dma_wait3A_495 : memref<32x26x32xf32, #tpu.memory_space<vmem>>) dst(%dma_wait3A_490 : memref<32x26x32xf32, #tpu.memory_space<hbm>>)
    %scan3A_496 = arith.constant 0 : i32
    %scan3A_497 = arith.constant 0 : i32
    %scan3A_498 = arith.constant 32 : i32
    %scan3A_499 = arith.addi %scan3A_497, %scan3A_498 : i32
    %scan3A_500 = arith.constant 1 : i32
    scf.for %scan3A_978 = %scan3A_497 to %scan3A_499 step %scan3A_500  : i32 {
      %add3A_979 = arith.constant 288 : i32
      %add3A_980 = arith.addi %add3A_979, %scan3A_978 : i32
      %mul3A_981 = arith.constant 32 : i32
      %mul3A_982 = arith.muli %add3A_980, %mul3A_981 : i32
      %dma_start3A_983 = arith.constant 1 : i32
      %dma_start3A_984 = arith.constant 0 : i32
      %dma_start3A_985 = arith.constant 0 : i32
      %dma_start3A_986 = arith.constant 0 : i32
      %dma_start3A_987 = tpu.memref_slice %arg6[%dma_start3A_983, %dma_start3A_984, %dma_start3A_985, %dma_start3A_986] : memref<2x32x26x32xf32, #tpu.memory_space<vmem>> -> memref<1x32x26x32xf32, #tpu.memory_space<vmem>>
      %dma_start3A_988 = tpu.memref_squeeze %dma_start3A_987 : memref<1x32x26x32xf32, #tpu.memory_space<vmem>> -> memref<32x26x32xf32, #tpu.memory_space<vmem>>
      %dma_start3A_989 = arith.constant 0 : i32
      %dma_start3A_990 = arith.constant 0 : i32
      %dma_start3A_991 = tpu.memref_slice %dma_start3A_988[%scan3A_978, %dma_start3A_989, %dma_start3A_990] : memref<32x26x32xf32, #tpu.memory_space<vmem>> -> memref<1x26x32xf32, #tpu.memory_space<vmem>>
      %dma_start3A_992 = tpu.memref_squeeze %dma_start3A_991 : memref<1x26x32xf32, #tpu.memory_space<vmem>> -> memref<26x32xf32, #tpu.memory_space<vmem>>
      %dma_start3A_993 = tpu.memref_slice %arg5[%mul3A_982] : memref<16384xi32, #tpu.memory_space<vmem>> -> memref<26xi32, #tpu.memory_space<vmem>>
      %dma_start3A_994 = arith.constant 0 : i32
      %dma_start3A_995 = arith.constant 0 : i32
      %dma_start3A_996 = tpu.memref_slice %arg3[%dma_start3A_994, %dma_start3A_995] : memref<1000000x32xf32, #tpu.memory_space<hbm>> -> memref<1000000x32xf32, #tpu.memory_space<hbm>>
      tpu.enqueue_indirect_dma source(%dma_start3A_996 : memref<1000000x32xf32, #tpu.memory_space<hbm>>) target(%dma_start3A_992 : memref<26x32xf32, #tpu.memory_space<vmem>>) offsets(%dma_start3A_993 : memref<26xi32, #tpu.memory_space<vmem>>) semaphore(%arg8 : memref<!tpu.dma_semaphore, #tpu.memory_space<semaphore_mem>>)
    }
    %scan3A_501 = arith.constant 32 : i32
    %dma_wait3A_502 = arith.constant 0 : i32
    %dma_wait3A_503 = arith.constant 0 : i32
    %dma_wait3A_504 = arith.constant 0 : i32
    %dma_wait3A_505 = arith.constant 0 : i32
    %dma_wait3A_506 = tpu.memref_slice %arg6[%dma_wait3A_502, %dma_wait3A_503, %dma_wait3A_504, %dma_wait3A_505] : memref<2x32x26x32xf32, #tpu.memory_space<vmem>> -> memref<1x32x26x32xf32, #tpu.memory_space<vmem>>
    %dma_wait3A_507 = tpu.memref_squeeze %dma_wait3A_506 : memref<1x32x26x32xf32, #tpu.memory_space<vmem>> -> memref<32x26x32xf32, #tpu.memory_space<vmem>>
    %dma_wait3A_508 = arith.constant 0 : i32
    %dma_wait3A_509 = arith.constant 0 : i32
    %dma_wait3A_510 = arith.constant 0 : i32
    %dma_wait3A_511 = tpu.memref_slice %arg4[%dma_wait3A_508, %dma_wait3A_509, %dma_wait3A_510] : memref<16384x26x32xf32, #tpu.memory_space<hbm>> -> memref<32x26x32xf32, #tpu.memory_space<hbm>>
    %dma_wait3A_512 = arith.constant 0 : i32
    %dma_wait3A_513 = arith.constant 0 : i32
    %dma_wait3A_514 = arith.constant 0 : i32
    %dma_wait3A_515 = tpu.memref_slice %arg6[%dma_wait3A_502, %dma_wait3A_512, %dma_wait3A_513, %dma_wait3A_514] : memref<2x32x26x32xf32, #tpu.memory_space<vmem>> -> memref<1x32x26x32xf32, #tpu.memory_space<vmem>>
    %dma_wait3A_516 = tpu.memref_squeeze %dma_wait3A_515 : memref<1x32x26x32xf32, #tpu.memory_space<vmem>> -> memref<32x26x32xf32, #tpu.memory_space<vmem>>
    %dma_wait3A_517 = arith.constant 0 : i32
    %dma_wait3A_518 = arith.constant 0 : i32
    %dma_wait3A_519 = arith.constant 0 : i32
    %dma_wait3A_520 = tpu.memref_slice %arg4[%dma_wait3A_517, %dma_wait3A_518, %dma_wait3A_519] : memref<16384x26x32xf32, #tpu.memory_space<hbm>> -> memref<32x26x32xf32, #tpu.memory_space<hbm>>
    tpu.wait_dma2 semaphore(%arg7 : memref<!tpu.dma_semaphore, #tpu.memory_space<semaphore_mem>>) src(%dma_wait3A_520 : memref<32x26x32xf32, #tpu.memory_space<hbm>>) dst(%dma_wait3A_516 : memref<32x26x32xf32, #tpu.memory_space<vmem>>)
    %add3A_521 = arith.constant 256 : i32
    %add3A_522 = arith.addi %mul3A_2, %add3A_521 : i32
    %dma_start3A_523 = arith.constant 0 : i32
    %dma_start3A_524 = arith.constant 0 : i32
    %dma_start3A_525 = arith.constant 0 : i32
    %dma_start3A_526 = arith.constant 0 : i32
    %dma_start3A_527 = tpu.memref_slice %arg6[%dma_start3A_523, %dma_start3A_524, %dma_start3A_525, %dma_start3A_526] : memref<2x32x26x32xf32, #tpu.memory_space<vmem>> -> memref<1x32x26x32xf32, #tpu.memory_space<vmem>>
    %dma_start3A_528 = tpu.memref_squeeze %dma_start3A_527 : memref<1x32x26x32xf32, #tpu.memory_space<vmem>> -> memref<32x26x32xf32, #tpu.memory_space<vmem>>
    %dma_start3A_529 = arith.constant 0 : i32
    %dma_start3A_530 = arith.constant 0 : i32
    %dma_start3A_531 = tpu.memref_slice %arg4[%add3A_522, %dma_start3A_529, %dma_start3A_530] : memref<16384x26x32xf32, #tpu.memory_space<hbm>> -> memref<32x26x32xf32, #tpu.memory_space<hbm>>
    %dma_start3A_532 = arith.constant 0 : i32
    %dma_start3A_533 = arith.constant 0 : i32
    %dma_start3A_534 = tpu.memref_slice %arg4[%add3A_522, %dma_start3A_532, %dma_start3A_533] : memref<16384x26x32xf32, #tpu.memory_space<hbm>> -> memref<32x26x32xf32, #tpu.memory_space<hbm>>
    %dma_start3A_535 = arith.constant 0 : i32
    %dma_start3A_536 = arith.constant 0 : i32
    %dma_start3A_537 = arith.constant 0 : i32
    %dma_start3A_538 = tpu.memref_slice %arg6[%dma_start3A_523, %dma_start3A_535, %dma_start3A_536, %dma_start3A_537] : memref<2x32x26x32xf32, #tpu.memory_space<vmem>> -> memref<1x32x26x32xf32, #tpu.memory_space<vmem>>
    %dma_start3A_539 = tpu.memref_squeeze %dma_start3A_538 : memref<1x32x26x32xf32, #tpu.memory_space<vmem>> -> memref<32x26x32xf32, #tpu.memory_space<vmem>>
    tpu.enqueue_dma source(%dma_start3A_539 : memref<32x26x32xf32, #tpu.memory_space<vmem>>) target(%dma_start3A_534 : memref<32x26x32xf32, #tpu.memory_space<hbm>>) target_semaphore(%arg9 : memref<!tpu.dma_semaphore, #tpu.memory_space<semaphore_mem>>)
    %dma_wait3A_540 = arith.constant 0 : i32
    %dma_wait3A_541 = arith.constant 0 : i32
    %dma_wait3A_542 = arith.constant 0 : i32
    %dma_wait3A_543 = arith.constant 0 : i32
    %dma_wait3A_544 = tpu.memref_slice %arg6[%dma_wait3A_540, %dma_wait3A_541, %dma_wait3A_542, %dma_wait3A_543] : memref<2x32x26x32xf32, #tpu.memory_space<vmem>> -> memref<1x32x26x32xf32, #tpu.memory_space<vmem>>
    %dma_wait3A_545 = tpu.memref_squeeze %dma_wait3A_544 : memref<1x32x26x32xf32, #tpu.memory_space<vmem>> -> memref<32x26x32xf32, #tpu.memory_space<vmem>>
    %dma_wait3A_546 = arith.constant 0 : i32
    %dma_wait3A_547 = arith.constant 0 : i32
    %dma_wait3A_548 = tpu.memref_slice %arg4[%add3A_522, %dma_wait3A_546, %dma_wait3A_547] : memref<16384x26x32xf32, #tpu.memory_space<hbm>> -> memref<32x26x32xf32, #tpu.memory_space<hbm>>
    %dma_wait3A_549 = arith.constant 0 : i32
    %dma_wait3A_550 = arith.constant 0 : i32
    %dma_wait3A_551 = tpu.memref_slice %arg4[%add3A_522, %dma_wait3A_549, %dma_wait3A_550] : memref<16384x26x32xf32, #tpu.memory_space<hbm>> -> memref<32x26x32xf32, #tpu.memory_space<hbm>>
    %dma_wait3A_552 = arith.constant 0 : i32
    %dma_wait3A_553 = arith.constant 0 : i32
    %dma_wait3A_554 = arith.constant 0 : i32
    %dma_wait3A_555 = tpu.memref_slice %arg6[%dma_wait3A_540, %dma_wait3A_552, %dma_wait3A_553, %dma_wait3A_554] : memref<2x32x26x32xf32, #tpu.memory_space<vmem>> -> memref<1x32x26x32xf32, #tpu.memory_space<vmem>>
    %dma_wait3A_556 = tpu.memref_squeeze %dma_wait3A_555 : memref<1x32x26x32xf32, #tpu.memory_space<vmem>> -> memref<32x26x32xf32, #tpu.memory_space<vmem>>
    tpu.wait_dma2 semaphore(%arg9 : memref<!tpu.dma_semaphore, #tpu.memory_space<semaphore_mem>>) src(%dma_wait3A_556 : memref<32x26x32xf32, #tpu.memory_space<vmem>>) dst(%dma_wait3A_551 : memref<32x26x32xf32, #tpu.memory_space<hbm>>)
    %scan3A_557 = arith.constant 0 : i32
    %scan3A_558 = arith.constant 0 : i32
    %scan3A_559 = arith.constant 32 : i32
    %scan3A_560 = arith.addi %scan3A_558, %scan3A_559 : i32
    %scan3A_561 = arith.constant 1 : i32
    scf.for %scan3A_978 = %scan3A_558 to %scan3A_560 step %scan3A_561  : i32 {
      %add3A_979 = arith.constant 320 : i32
      %add3A_980 = arith.addi %add3A_979, %scan3A_978 : i32
      %mul3A_981 = arith.constant 32 : i32
      %mul3A_982 = arith.muli %add3A_980, %mul3A_981 : i32
      %dma_start3A_983 = arith.constant 0 : i32
      %dma_start3A_984 = arith.constant 0 : i32
      %dma_start3A_985 = arith.constant 0 : i32
      %dma_start3A_986 = arith.constant 0 : i32
      %dma_start3A_987 = tpu.memref_slice %arg6[%dma_start3A_983, %dma_start3A_984, %dma_start3A_985, %dma_start3A_986] : memref<2x32x26x32xf32, #tpu.memory_space<vmem>> -> memref<1x32x26x32xf32, #tpu.memory_space<vmem>>
      %dma_start3A_988 = tpu.memref_squeeze %dma_start3A_987 : memref<1x32x26x32xf32, #tpu.memory_space<vmem>> -> memref<32x26x32xf32, #tpu.memory_space<vmem>>
      %dma_start3A_989 = arith.constant 0 : i32
      %dma_start3A_990 = arith.constant 0 : i32
      %dma_start3A_991 = tpu.memref_slice %dma_start3A_988[%scan3A_978, %dma_start3A_989, %dma_start3A_990] : memref<32x26x32xf32, #tpu.memory_space<vmem>> -> memref<1x26x32xf32, #tpu.memory_space<vmem>>
      %dma_start3A_992 = tpu.memref_squeeze %dma_start3A_991 : memref<1x26x32xf32, #tpu.memory_space<vmem>> -> memref<26x32xf32, #tpu.memory_space<vmem>>
      %dma_start3A_993 = tpu.memref_slice %arg5[%mul3A_982] : memref<16384xi32, #tpu.memory_space<vmem>> -> memref<26xi32, #tpu.memory_space<vmem>>
      %dma_start3A_994 = arith.constant 0 : i32
      %dma_start3A_995 = arith.constant 0 : i32
      %dma_start3A_996 = tpu.memref_slice %arg3[%dma_start3A_994, %dma_start3A_995] : memref<1000000x32xf32, #tpu.memory_space<hbm>> -> memref<1000000x32xf32, #tpu.memory_space<hbm>>
      tpu.enqueue_indirect_dma source(%dma_start3A_996 : memref<1000000x32xf32, #tpu.memory_space<hbm>>) target(%dma_start3A_992 : memref<26x32xf32, #tpu.memory_space<vmem>>) offsets(%dma_start3A_993 : memref<26xi32, #tpu.memory_space<vmem>>) semaphore(%arg7 : memref<!tpu.dma_semaphore, #tpu.memory_space<semaphore_mem>>)
    }
    %scan3A_562 = arith.constant 32 : i32
    %dma_wait3A_563 = arith.constant 1 : i32
    %dma_wait3A_564 = arith.constant 0 : i32
    %dma_wait3A_565 = arith.constant 0 : i32
    %dma_wait3A_566 = arith.constant 0 : i32
    %dma_wait3A_567 = tpu.memref_slice %arg6[%dma_wait3A_563, %dma_wait3A_564, %dma_wait3A_565, %dma_wait3A_566] : memref<2x32x26x32xf32, #tpu.memory_space<vmem>> -> memref<1x32x26x32xf32, #tpu.memory_space<vmem>>
    %dma_wait3A_568 = tpu.memref_squeeze %dma_wait3A_567 : memref<1x32x26x32xf32, #tpu.memory_space<vmem>> -> memref<32x26x32xf32, #tpu.memory_space<vmem>>
    %dma_wait3A_569 = arith.constant 0 : i32
    %dma_wait3A_570 = arith.constant 0 : i32
    %dma_wait3A_571 = arith.constant 0 : i32
    %dma_wait3A_572 = tpu.memref_slice %arg4[%dma_wait3A_569, %dma_wait3A_570, %dma_wait3A_571] : memref<16384x26x32xf32, #tpu.memory_space<hbm>> -> memref<32x26x32xf32, #tpu.memory_space<hbm>>
    %dma_wait3A_573 = arith.constant 0 : i32
    %dma_wait3A_574 = arith.constant 0 : i32
    %dma_wait3A_575 = arith.constant 0 : i32
    %dma_wait3A_576 = tpu.memref_slice %arg6[%dma_wait3A_563, %dma_wait3A_573, %dma_wait3A_574, %dma_wait3A_575] : memref<2x32x26x32xf32, #tpu.memory_space<vmem>> -> memref<1x32x26x32xf32, #tpu.memory_space<vmem>>
    %dma_wait3A_577 = tpu.memref_squeeze %dma_wait3A_576 : memref<1x32x26x32xf32, #tpu.memory_space<vmem>> -> memref<32x26x32xf32, #tpu.memory_space<vmem>>
    %dma_wait3A_578 = arith.constant 0 : i32
    %dma_wait3A_579 = arith.constant 0 : i32
    %dma_wait3A_580 = arith.constant 0 : i32
    %dma_wait3A_581 = tpu.memref_slice %arg4[%dma_wait3A_578, %dma_wait3A_579, %dma_wait3A_580] : memref<16384x26x32xf32, #tpu.memory_space<hbm>> -> memref<32x26x32xf32, #tpu.memory_space<hbm>>
    tpu.wait_dma2 semaphore(%arg8 : memref<!tpu.dma_semaphore, #tpu.memory_space<semaphore_mem>>) src(%dma_wait3A_581 : memref<32x26x32xf32, #tpu.memory_space<hbm>>) dst(%dma_wait3A_577 : memref<32x26x32xf32, #tpu.memory_space<vmem>>)
    %add3A_582 = arith.constant 288 : i32
    %add3A_583 = arith.addi %mul3A_2, %add3A_582 : i32
    %dma_start3A_584 = arith.constant 1 : i32
    %dma_start3A_585 = arith.constant 0 : i32
    %dma_start3A_586 = arith.constant 0 : i32
    %dma_start3A_587 = arith.constant 0 : i32
    %dma_start3A_588 = tpu.memref_slice %arg6[%dma_start3A_584, %dma_start3A_585, %dma_start3A_586, %dma_start3A_587] : memref<2x32x26x32xf32, #tpu.memory_space<vmem>> -> memref<1x32x26x32xf32, #tpu.memory_space<vmem>>
    %dma_start3A_589 = tpu.memref_squeeze %dma_start3A_588 : memref<1x32x26x32xf32, #tpu.memory_space<vmem>> -> memref<32x26x32xf32, #tpu.memory_space<vmem>>
    %dma_start3A_590 = arith.constant 0 : i32
    %dma_start3A_591 = arith.constant 0 : i32
    %dma_start3A_592 = tpu.memref_slice %arg4[%add3A_583, %dma_start3A_590, %dma_start3A_591] : memref<16384x26x32xf32, #tpu.memory_space<hbm>> -> memref<32x26x32xf32, #tpu.memory_space<hbm>>
    %dma_start3A_593 = arith.constant 0 : i32
    %dma_start3A_594 = arith.constant 0 : i32
    %dma_start3A_595 = tpu.memref_slice %arg4[%add3A_583, %dma_start3A_593, %dma_start3A_594] : memref<16384x26x32xf32, #tpu.memory_space<hbm>> -> memref<32x26x32xf32, #tpu.memory_space<hbm>>
    %dma_start3A_596 = arith.constant 0 : i32
    %dma_start3A_597 = arith.constant 0 : i32
    %dma_start3A_598 = arith.constant 0 : i32
    %dma_start3A_599 = tpu.memref_slice %arg6[%dma_start3A_584, %dma_start3A_596, %dma_start3A_597, %dma_start3A_598] : memref<2x32x26x32xf32, #tpu.memory_space<vmem>> -> memref<1x32x26x32xf32, #tpu.memory_space<vmem>>
    %dma_start3A_600 = tpu.memref_squeeze %dma_start3A_599 : memref<1x32x26x32xf32, #tpu.memory_space<vmem>> -> memref<32x26x32xf32, #tpu.memory_space<vmem>>
    tpu.enqueue_dma source(%dma_start3A_600 : memref<32x26x32xf32, #tpu.memory_space<vmem>>) target(%dma_start3A_595 : memref<32x26x32xf32, #tpu.memory_space<hbm>>) target_semaphore(%arg10 : memref<!tpu.dma_semaphore, #tpu.memory_space<semaphore_mem>>)
    %dma_wait3A_601 = arith.constant 1 : i32
    %dma_wait3A_602 = arith.constant 0 : i32
    %dma_wait3A_603 = arith.constant 0 : i32
    %dma_wait3A_604 = arith.constant 0 : i32
    %dma_wait3A_605 = tpu.memref_slice %arg6[%dma_wait3A_601, %dma_wait3A_602, %dma_wait3A_603, %dma_wait3A_604] : memref<2x32x26x32xf32, #tpu.memory_space<vmem>> -> memref<1x32x26x32xf32, #tpu.memory_space<vmem>>
    %dma_wait3A_606 = tpu.memref_squeeze %dma_wait3A_605 : memref<1x32x26x32xf32, #tpu.memory_space<vmem>> -> memref<32x26x32xf32, #tpu.memory_space<vmem>>
    %dma_wait3A_607 = arith.constant 0 : i32
    %dma_wait3A_608 = arith.constant 0 : i32
    %dma_wait3A_609 = tpu.memref_slice %arg4[%add3A_583, %dma_wait3A_607, %dma_wait3A_608] : memref<16384x26x32xf32, #tpu.memory_space<hbm>> -> memref<32x26x32xf32, #tpu.memory_space<hbm>>
    %dma_wait3A_610 = arith.constant 0 : i32
    %dma_wait3A_611 = arith.constant 0 : i32
    %dma_wait3A_612 = tpu.memref_slice %arg4[%add3A_583, %dma_wait3A_610, %dma_wait3A_611] : memref<16384x26x32xf32, #tpu.memory_space<hbm>> -> memref<32x26x32xf32, #tpu.memory_space<hbm>>
    %dma_wait3A_613 = arith.constant 0 : i32
    %dma_wait3A_614 = arith.constant 0 : i32
    %dma_wait3A_615 = arith.constant 0 : i32
    %dma_wait3A_616 = tpu.memref_slice %arg6[%dma_wait3A_601, %dma_wait3A_613, %dma_wait3A_614, %dma_wait3A_615] : memref<2x32x26x32xf32, #tpu.memory_space<vmem>> -> memref<1x32x26x32xf32, #tpu.memory_space<vmem>>
    %dma_wait3A_617 = tpu.memref_squeeze %dma_wait3A_616 : memref<1x32x26x32xf32, #tpu.memory_space<vmem>> -> memref<32x26x32xf32, #tpu.memory_space<vmem>>
    tpu.wait_dma2 semaphore(%arg10 : memref<!tpu.dma_semaphore, #tpu.memory_space<semaphore_mem>>) src(%dma_wait3A_617 : memref<32x26x32xf32, #tpu.memory_space<vmem>>) dst(%dma_wait3A_612 : memref<32x26x32xf32, #tpu.memory_space<hbm>>)
    %scan3A_618 = arith.constant 0 : i32
    %scan3A_619 = arith.constant 0 : i32
    %scan3A_620 = arith.constant 32 : i32
    %scan3A_621 = arith.addi %scan3A_619, %scan3A_620 : i32
    %scan3A_622 = arith.constant 1 : i32
    scf.for %scan3A_978 = %scan3A_619 to %scan3A_621 step %scan3A_622  : i32 {
      %add3A_979 = arith.constant 352 : i32
      %add3A_980 = arith.addi %add3A_979, %scan3A_978 : i32
      %mul3A_981 = arith.constant 32 : i32
      %mul3A_982 = arith.muli %add3A_980, %mul3A_981 : i32
      %dma_start3A_983 = arith.constant 1 : i32
      %dma_start3A_984 = arith.constant 0 : i32
      %dma_start3A_985 = arith.constant 0 : i32
      %dma_start3A_986 = arith.constant 0 : i32
      %dma_start3A_987 = tpu.memref_slice %arg6[%dma_start3A_983, %dma_start3A_984, %dma_start3A_985, %dma_start3A_986] : memref<2x32x26x32xf32, #tpu.memory_space<vmem>> -> memref<1x32x26x32xf32, #tpu.memory_space<vmem>>
      %dma_start3A_988 = tpu.memref_squeeze %dma_start3A_987 : memref<1x32x26x32xf32, #tpu.memory_space<vmem>> -> memref<32x26x32xf32, #tpu.memory_space<vmem>>
      %dma_start3A_989 = arith.constant 0 : i32
      %dma_start3A_990 = arith.constant 0 : i32
      %dma_start3A_991 = tpu.memref_slice %dma_start3A_988[%scan3A_978, %dma_start3A_989, %dma_start3A_990] : memref<32x26x32xf32, #tpu.memory_space<vmem>> -> memref<1x26x32xf32, #tpu.memory_space<vmem>>
      %dma_start3A_992 = tpu.memref_squeeze %dma_start3A_991 : memref<1x26x32xf32, #tpu.memory_space<vmem>> -> memref<26x32xf32, #tpu.memory_space<vmem>>
      %dma_start3A_993 = tpu.memref_slice %arg5[%mul3A_982] : memref<16384xi32, #tpu.memory_space<vmem>> -> memref<26xi32, #tpu.memory_space<vmem>>
      %dma_start3A_994 = arith.constant 0 : i32
      %dma_start3A_995 = arith.constant 0 : i32
      %dma_start3A_996 = tpu.memref_slice %arg3[%dma_start3A_994, %dma_start3A_995] : memref<1000000x32xf32, #tpu.memory_space<hbm>> -> memref<1000000x32xf32, #tpu.memory_space<hbm>>
      tpu.enqueue_indirect_dma source(%dma_start3A_996 : memref<1000000x32xf32, #tpu.memory_space<hbm>>) target(%dma_start3A_992 : memref<26x32xf32, #tpu.memory_space<vmem>>) offsets(%dma_start3A_993 : memref<26xi32, #tpu.memory_space<vmem>>) semaphore(%arg8 : memref<!tpu.dma_semaphore, #tpu.memory_space<semaphore_mem>>)
    }
    %scan3A_623 = arith.constant 32 : i32
    %dma_wait3A_624 = arith.constant 0 : i32
    %dma_wait3A_625 = arith.constant 0 : i32
    %dma_wait3A_626 = arith.constant 0 : i32
    %dma_wait3A_627 = arith.constant 0 : i32
    %dma_wait3A_628 = tpu.memref_slice %arg6[%dma_wait3A_624, %dma_wait3A_625, %dma_wait3A_626, %dma_wait3A_627] : memref<2x32x26x32xf32, #tpu.memory_space<vmem>> -> memref<1x32x26x32xf32, #tpu.memory_space<vmem>>
    %dma_wait3A_629 = tpu.memref_squeeze %dma_wait3A_628 : memref<1x32x26x32xf32, #tpu.memory_space<vmem>> -> memref<32x26x32xf32, #tpu.memory_space<vmem>>
    %dma_wait3A_630 = arith.constant 0 : i32
    %dma_wait3A_631 = arith.constant 0 : i32
    %dma_wait3A_632 = arith.constant 0 : i32
    %dma_wait3A_633 = tpu.memref_slice %arg4[%dma_wait3A_630, %dma_wait3A_631, %dma_wait3A_632] : memref<16384x26x32xf32, #tpu.memory_space<hbm>> -> memref<32x26x32xf32, #tpu.memory_space<hbm>>
    %dma_wait3A_634 = arith.constant 0 : i32
    %dma_wait3A_635 = arith.constant 0 : i32
    %dma_wait3A_636 = arith.constant 0 : i32
    %dma_wait3A_637 = tpu.memref_slice %arg6[%dma_wait3A_624, %dma_wait3A_634, %dma_wait3A_635, %dma_wait3A_636] : memref<2x32x26x32xf32, #tpu.memory_space<vmem>> -> memref<1x32x26x32xf32, #tpu.memory_space<vmem>>
    %dma_wait3A_638 = tpu.memref_squeeze %dma_wait3A_637 : memref<1x32x26x32xf32, #tpu.memory_space<vmem>> -> memref<32x26x32xf32, #tpu.memory_space<vmem>>
    %dma_wait3A_639 = arith.constant 0 : i32
    %dma_wait3A_640 = arith.constant 0 : i32
    %dma_wait3A_641 = arith.constant 0 : i32
    %dma_wait3A_642 = tpu.memref_slice %arg4[%dma_wait3A_639, %dma_wait3A_640, %dma_wait3A_641] : memref<16384x26x32xf32, #tpu.memory_space<hbm>> -> memref<32x26x32xf32, #tpu.memory_space<hbm>>
    tpu.wait_dma2 semaphore(%arg7 : memref<!tpu.dma_semaphore, #tpu.memory_space<semaphore_mem>>) src(%dma_wait3A_642 : memref<32x26x32xf32, #tpu.memory_space<hbm>>) dst(%dma_wait3A_638 : memref<32x26x32xf32, #tpu.memory_space<vmem>>)
    %add3A_643 = arith.constant 320 : i32
    %add3A_644 = arith.addi %mul3A_2, %add3A_643 : i32
    %dma_start3A_645 = arith.constant 0 : i32
    %dma_start3A_646 = arith.constant 0 : i32
    %dma_start3A_647 = arith.constant 0 : i32
    %dma_start3A_648 = arith.constant 0 : i32
    %dma_start3A_649 = tpu.memref_slice %arg6[%dma_start3A_645, %dma_start3A_646, %dma_start3A_647, %dma_start3A_648] : memref<2x32x26x32xf32, #tpu.memory_space<vmem>> -> memref<1x32x26x32xf32, #tpu.memory_space<vmem>>
    %dma_start3A_650 = tpu.memref_squeeze %dma_start3A_649 : memref<1x32x26x32xf32, #tpu.memory_space<vmem>> -> memref<32x26x32xf32, #tpu.memory_space<vmem>>
    %dma_start3A_651 = arith.constant 0 : i32
    %dma_start3A_652 = arith.constant 0 : i32
    %dma_start3A_653 = tpu.memref_slice %arg4[%add3A_644, %dma_start3A_651, %dma_start3A_652] : memref<16384x26x32xf32, #tpu.memory_space<hbm>> -> memref<32x26x32xf32, #tpu.memory_space<hbm>>
    %dma_start3A_654 = arith.constant 0 : i32
    %dma_start3A_655 = arith.constant 0 : i32
    %dma_start3A_656 = tpu.memref_slice %arg4[%add3A_644, %dma_start3A_654, %dma_start3A_655] : memref<16384x26x32xf32, #tpu.memory_space<hbm>> -> memref<32x26x32xf32, #tpu.memory_space<hbm>>
    %dma_start3A_657 = arith.constant 0 : i32
    %dma_start3A_658 = arith.constant 0 : i32
    %dma_start3A_659 = arith.constant 0 : i32
    %dma_start3A_660 = tpu.memref_slice %arg6[%dma_start3A_645, %dma_start3A_657, %dma_start3A_658, %dma_start3A_659] : memref<2x32x26x32xf32, #tpu.memory_space<vmem>> -> memref<1x32x26x32xf32, #tpu.memory_space<vmem>>
    %dma_start3A_661 = tpu.memref_squeeze %dma_start3A_660 : memref<1x32x26x32xf32, #tpu.memory_space<vmem>> -> memref<32x26x32xf32, #tpu.memory_space<vmem>>
    tpu.enqueue_dma source(%dma_start3A_661 : memref<32x26x32xf32, #tpu.memory_space<vmem>>) target(%dma_start3A_656 : memref<32x26x32xf32, #tpu.memory_space<hbm>>) target_semaphore(%arg9 : memref<!tpu.dma_semaphore, #tpu.memory_space<semaphore_mem>>)
    %dma_wait3A_662 = arith.constant 0 : i32
    %dma_wait3A_663 = arith.constant 0 : i32
    %dma_wait3A_664 = arith.constant 0 : i32
    %dma_wait3A_665 = arith.constant 0 : i32
    %dma_wait3A_666 = tpu.memref_slice %arg6[%dma_wait3A_662, %dma_wait3A_663, %dma_wait3A_664, %dma_wait3A_665] : memref<2x32x26x32xf32, #tpu.memory_space<vmem>> -> memref<1x32x26x32xf32, #tpu.memory_space<vmem>>
    %dma_wait3A_667 = tpu.memref_squeeze %dma_wait3A_666 : memref<1x32x26x32xf32, #tpu.memory_space<vmem>> -> memref<32x26x32xf32, #tpu.memory_space<vmem>>
    %dma_wait3A_668 = arith.constant 0 : i32
    %dma_wait3A_669 = arith.constant 0 : i32
    %dma_wait3A_670 = tpu.memref_slice %arg4[%add3A_644, %dma_wait3A_668, %dma_wait3A_669] : memref<16384x26x32xf32, #tpu.memory_space<hbm>> -> memref<32x26x32xf32, #tpu.memory_space<hbm>>
    %dma_wait3A_671 = arith.constant 0 : i32
    %dma_wait3A_672 = arith.constant 0 : i32
    %dma_wait3A_673 = tpu.memref_slice %arg4[%add3A_644, %dma_wait3A_671, %dma_wait3A_672] : memref<16384x26x32xf32, #tpu.memory_space<hbm>> -> memref<32x26x32xf32, #tpu.memory_space<hbm>>
    %dma_wait3A_674 = arith.constant 0 : i32
    %dma_wait3A_675 = arith.constant 0 : i32
    %dma_wait3A_676 = arith.constant 0 : i32
    %dma_wait3A_677 = tpu.memref_slice %arg6[%dma_wait3A_662, %dma_wait3A_674, %dma_wait3A_675, %dma_wait3A_676] : memref<2x32x26x32xf32, #tpu.memory_space<vmem>> -> memref<1x32x26x32xf32, #tpu.memory_space<vmem>>
    %dma_wait3A_678 = tpu.memref_squeeze %dma_wait3A_677 : memref<1x32x26x32xf32, #tpu.memory_space<vmem>> -> memref<32x26x32xf32, #tpu.memory_space<vmem>>
    tpu.wait_dma2 semaphore(%arg9 : memref<!tpu.dma_semaphore, #tpu.memory_space<semaphore_mem>>) src(%dma_wait3A_678 : memref<32x26x32xf32, #tpu.memory_space<vmem>>) dst(%dma_wait3A_673 : memref<32x26x32xf32, #tpu.memory_space<hbm>>)
    %scan3A_679 = arith.constant 0 : i32
    %scan3A_680 = arith.constant 0 : i32
    %scan3A_681 = arith.constant 32 : i32
    %scan3A_682 = arith.addi %scan3A_680, %scan3A_681 : i32
    %scan3A_683 = arith.constant 1 : i32
    scf.for %scan3A_978 = %scan3A_680 to %scan3A_682 step %scan3A_683  : i32 {
      %add3A_979 = arith.constant 384 : i32
      %add3A_980 = arith.addi %add3A_979, %scan3A_978 : i32
      %mul3A_981 = arith.constant 32 : i32
      %mul3A_982 = arith.muli %add3A_980, %mul3A_981 : i32
      %dma_start3A_983 = arith.constant 0 : i32
      %dma_start3A_984 = arith.constant 0 : i32
      %dma_start3A_985 = arith.constant 0 : i32
      %dma_start3A_986 = arith.constant 0 : i32
      %dma_start3A_987 = tpu.memref_slice %arg6[%dma_start3A_983, %dma_start3A_984, %dma_start3A_985, %dma_start3A_986] : memref<2x32x26x32xf32, #tpu.memory_space<vmem>> -> memref<1x32x26x32xf32, #tpu.memory_space<vmem>>
      %dma_start3A_988 = tpu.memref_squeeze %dma_start3A_987 : memref<1x32x26x32xf32, #tpu.memory_space<vmem>> -> memref<32x26x32xf32, #tpu.memory_space<vmem>>
      %dma_start3A_989 = arith.constant 0 : i32
      %dma_start3A_990 = arith.constant 0 : i32
      %dma_start3A_991 = tpu.memref_slice %dma_start3A_988[%scan3A_978, %dma_start3A_989, %dma_start3A_990] : memref<32x26x32xf32, #tpu.memory_space<vmem>> -> memref<1x26x32xf32, #tpu.memory_space<vmem>>
      %dma_start3A_992 = tpu.memref_squeeze %dma_start3A_991 : memref<1x26x32xf32, #tpu.memory_space<vmem>> -> memref<26x32xf32, #tpu.memory_space<vmem>>
      %dma_start3A_993 = tpu.memref_slice %arg5[%mul3A_982] : memref<16384xi32, #tpu.memory_space<vmem>> -> memref<26xi32, #tpu.memory_space<vmem>>
      %dma_start3A_994 = arith.constant 0 : i32
      %dma_start3A_995 = arith.constant 0 : i32
      %dma_start3A_996 = tpu.memref_slice %arg3[%dma_start3A_994, %dma_start3A_995] : memref<1000000x32xf32, #tpu.memory_space<hbm>> -> memref<1000000x32xf32, #tpu.memory_space<hbm>>
      tpu.enqueue_indirect_dma source(%dma_start3A_996 : memref<1000000x32xf32, #tpu.memory_space<hbm>>) target(%dma_start3A_992 : memref<26x32xf32, #tpu.memory_space<vmem>>) offsets(%dma_start3A_993 : memref<26xi32, #tpu.memory_space<vmem>>) semaphore(%arg7 : memref<!tpu.dma_semaphore, #tpu.memory_space<semaphore_mem>>)
    }
    %scan3A_684 = arith.constant 32 : i32
    %dma_wait3A_685 = arith.constant 1 : i32
    %dma_wait3A_686 = arith.constant 0 : i32
    %dma_wait3A_687 = arith.constant 0 : i32
    %dma_wait3A_688 = arith.constant 0 : i32
    %dma_wait3A_689 = tpu.memref_slice %arg6[%dma_wait3A_685, %dma_wait3A_686, %dma_wait3A_687, %dma_wait3A_688] : memref<2x32x26x32xf32, #tpu.memory_space<vmem>> -> memref<1x32x26x32xf32, #tpu.memory_space<vmem>>
    %dma_wait3A_690 = tpu.memref_squeeze %dma_wait3A_689 : memref<1x32x26x32xf32, #tpu.memory_space<vmem>> -> memref<32x26x32xf32, #tpu.memory_space<vmem>>
    %dma_wait3A_691 = arith.constant 0 : i32
    %dma_wait3A_692 = arith.constant 0 : i32
    %dma_wait3A_693 = arith.constant 0 : i32
    %dma_wait3A_694 = tpu.memref_slice %arg4[%dma_wait3A_691, %dma_wait3A_692, %dma_wait3A_693] : memref<16384x26x32xf32, #tpu.memory_space<hbm>> -> memref<32x26x32xf32, #tpu.memory_space<hbm>>
    %dma_wait3A_695 = arith.constant 0 : i32
    %dma_wait3A_696 = arith.constant 0 : i32
    %dma_wait3A_697 = arith.constant 0 : i32
    %dma_wait3A_698 = tpu.memref_slice %arg6[%dma_wait3A_685, %dma_wait3A_695, %dma_wait3A_696, %dma_wait3A_697] : memref<2x32x26x32xf32, #tpu.memory_space<vmem>> -> memref<1x32x26x32xf32, #tpu.memory_space<vmem>>
    %dma_wait3A_699 = tpu.memref_squeeze %dma_wait3A_698 : memref<1x32x26x32xf32, #tpu.memory_space<vmem>> -> memref<32x26x32xf32, #tpu.memory_space<vmem>>
    %dma_wait3A_700 = arith.constant 0 : i32
    %dma_wait3A_701 = arith.constant 0 : i32
    %dma_wait3A_702 = arith.constant 0 : i32
    %dma_wait3A_703 = tpu.memref_slice %arg4[%dma_wait3A_700, %dma_wait3A_701, %dma_wait3A_702] : memref<16384x26x32xf32, #tpu.memory_space<hbm>> -> memref<32x26x32xf32, #tpu.memory_space<hbm>>
    tpu.wait_dma2 semaphore(%arg8 : memref<!tpu.dma_semaphore, #tpu.memory_space<semaphore_mem>>) src(%dma_wait3A_703 : memref<32x26x32xf32, #tpu.memory_space<hbm>>) dst(%dma_wait3A_699 : memref<32x26x32xf32, #tpu.memory_space<vmem>>)
    %add3A_704 = arith.constant 352 : i32
    %add3A_705 = arith.addi %mul3A_2, %add3A_704 : i32
    %dma_start3A_706 = arith.constant 1 : i32
    %dma_start3A_707 = arith.constant 0 : i32
    %dma_start3A_708 = arith.constant 0 : i32
    %dma_start3A_709 = arith.constant 0 : i32
    %dma_start3A_710 = tpu.memref_slice %arg6[%dma_start3A_706, %dma_start3A_707, %dma_start3A_708, %dma_start3A_709] : memref<2x32x26x32xf32, #tpu.memory_space<vmem>> -> memref<1x32x26x32xf32, #tpu.memory_space<vmem>>
    %dma_start3A_711 = tpu.memref_squeeze %dma_start3A_710 : memref<1x32x26x32xf32, #tpu.memory_space<vmem>> -> memref<32x26x32xf32, #tpu.memory_space<vmem>>
    %dma_start3A_712 = arith.constant 0 : i32
    %dma_start3A_713 = arith.constant 0 : i32
    %dma_start3A_714 = tpu.memref_slice %arg4[%add3A_705, %dma_start3A_712, %dma_start3A_713] : memref<16384x26x32xf32, #tpu.memory_space<hbm>> -> memref<32x26x32xf32, #tpu.memory_space<hbm>>
    %dma_start3A_715 = arith.constant 0 : i32
    %dma_start3A_716 = arith.constant 0 : i32
    %dma_start3A_717 = tpu.memref_slice %arg4[%add3A_705, %dma_start3A_715, %dma_start3A_716] : memref<16384x26x32xf32, #tpu.memory_space<hbm>> -> memref<32x26x32xf32, #tpu.memory_space<hbm>>
    %dma_start3A_718 = arith.constant 0 : i32
    %dma_start3A_719 = arith.constant 0 : i32
    %dma_start3A_720 = arith.constant 0 : i32
    %dma_start3A_721 = tpu.memref_slice %arg6[%dma_start3A_706, %dma_start3A_718, %dma_start3A_719, %dma_start3A_720] : memref<2x32x26x32xf32, #tpu.memory_space<vmem>> -> memref<1x32x26x32xf32, #tpu.memory_space<vmem>>
    %dma_start3A_722 = tpu.memref_squeeze %dma_start3A_721 : memref<1x32x26x32xf32, #tpu.memory_space<vmem>> -> memref<32x26x32xf32, #tpu.memory_space<vmem>>
    tpu.enqueue_dma source(%dma_start3A_722 : memref<32x26x32xf32, #tpu.memory_space<vmem>>) target(%dma_start3A_717 : memref<32x26x32xf32, #tpu.memory_space<hbm>>) target_semaphore(%arg10 : memref<!tpu.dma_semaphore, #tpu.memory_space<semaphore_mem>>)
    %dma_wait3A_723 = arith.constant 1 : i32
    %dma_wait3A_724 = arith.constant 0 : i32
    %dma_wait3A_725 = arith.constant 0 : i32
    %dma_wait3A_726 = arith.constant 0 : i32
    %dma_wait3A_727 = tpu.memref_slice %arg6[%dma_wait3A_723, %dma_wait3A_724, %dma_wait3A_725, %dma_wait3A_726] : memref<2x32x26x32xf32, #tpu.memory_space<vmem>> -> memref<1x32x26x32xf32, #tpu.memory_space<vmem>>
    %dma_wait3A_728 = tpu.memref_squeeze %dma_wait3A_727 : memref<1x32x26x32xf32, #tpu.memory_space<vmem>> -> memref<32x26x32xf32, #tpu.memory_space<vmem>>
    %dma_wait3A_729 = arith.constant 0 : i32
    %dma_wait3A_730 = arith.constant 0 : i32
    %dma_wait3A_731 = tpu.memref_slice %arg4[%add3A_705, %dma_wait3A_729, %dma_wait3A_730] : memref<16384x26x32xf32, #tpu.memory_space<hbm>> -> memref<32x26x32xf32, #tpu.memory_space<hbm>>
    %dma_wait3A_732 = arith.constant 0 : i32
    %dma_wait3A_733 = arith.constant 0 : i32
    %dma_wait3A_734 = tpu.memref_slice %arg4[%add3A_705, %dma_wait3A_732, %dma_wait3A_733] : memref<16384x26x32xf32, #tpu.memory_space<hbm>> -> memref<32x26x32xf32, #tpu.memory_space<hbm>>
    %dma_wait3A_735 = arith.constant 0 : i32
    %dma_wait3A_736 = arith.constant 0 : i32
    %dma_wait3A_737 = arith.constant 0 : i32
    %dma_wait3A_738 = tpu.memref_slice %arg6[%dma_wait3A_723, %dma_wait3A_735, %dma_wait3A_736, %dma_wait3A_737] : memref<2x32x26x32xf32, #tpu.memory_space<vmem>> -> memref<1x32x26x32xf32, #tpu.memory_space<vmem>>
    %dma_wait3A_739 = tpu.memref_squeeze %dma_wait3A_738 : memref<1x32x26x32xf32, #tpu.memory_space<vmem>> -> memref<32x26x32xf32, #tpu.memory_space<vmem>>
    tpu.wait_dma2 semaphore(%arg10 : memref<!tpu.dma_semaphore, #tpu.memory_space<semaphore_mem>>) src(%dma_wait3A_739 : memref<32x26x32xf32, #tpu.memory_space<vmem>>) dst(%dma_wait3A_734 : memref<32x26x32xf32, #tpu.memory_space<hbm>>)
    %scan3A_740 = arith.constant 0 : i32
    %scan3A_741 = arith.constant 0 : i32
    %scan3A_742 = arith.constant 32 : i32
    %scan3A_743 = arith.addi %scan3A_741, %scan3A_742 : i32
    %scan3A_744 = arith.constant 1 : i32
    scf.for %scan3A_978 = %scan3A_741 to %scan3A_743 step %scan3A_744  : i32 {
      %add3A_979 = arith.constant 416 : i32
      %add3A_980 = arith.addi %add3A_979, %scan3A_978 : i32
      %mul3A_981 = arith.constant 32 : i32
      %mul3A_982 = arith.muli %add3A_980, %mul3A_981 : i32
      %dma_start3A_983 = arith.constant 1 : i32
      %dma_start3A_984 = arith.constant 0 : i32
      %dma_start3A_985 = arith.constant 0 : i32
      %dma_start3A_986 = arith.constant 0 : i32
      %dma_start3A_987 = tpu.memref_slice %arg6[%dma_start3A_983, %dma_start3A_984, %dma_start3A_985, %dma_start3A_986] : memref<2x32x26x32xf32, #tpu.memory_space<vmem>> -> memref<1x32x26x32xf32, #tpu.memory_space<vmem>>
      %dma_start3A_988 = tpu.memref_squeeze %dma_start3A_987 : memref<1x32x26x32xf32, #tpu.memory_space<vmem>> -> memref<32x26x32xf32, #tpu.memory_space<vmem>>
      %dma_start3A_989 = arith.constant 0 : i32
      %dma_start3A_990 = arith.constant 0 : i32
      %dma_start3A_991 = tpu.memref_slice %dma_start3A_988[%scan3A_978, %dma_start3A_989, %dma_start3A_990] : memref<32x26x32xf32, #tpu.memory_space<vmem>> -> memref<1x26x32xf32, #tpu.memory_space<vmem>>
      %dma_start3A_992 = tpu.memref_squeeze %dma_start3A_991 : memref<1x26x32xf32, #tpu.memory_space<vmem>> -> memref<26x32xf32, #tpu.memory_space<vmem>>
      %dma_start3A_993 = tpu.memref_slice %arg5[%mul3A_982] : memref<16384xi32, #tpu.memory_space<vmem>> -> memref<26xi32, #tpu.memory_space<vmem>>
      %dma_start3A_994 = arith.constant 0 : i32
      %dma_start3A_995 = arith.constant 0 : i32
      %dma_start3A_996 = tpu.memref_slice %arg3[%dma_start3A_994, %dma_start3A_995] : memref<1000000x32xf32, #tpu.memory_space<hbm>> -> memref<1000000x32xf32, #tpu.memory_space<hbm>>
      tpu.enqueue_indirect_dma source(%dma_start3A_996 : memref<1000000x32xf32, #tpu.memory_space<hbm>>) target(%dma_start3A_992 : memref<26x32xf32, #tpu.memory_space<vmem>>) offsets(%dma_start3A_993 : memref<26xi32, #tpu.memory_space<vmem>>) semaphore(%arg8 : memref<!tpu.dma_semaphore, #tpu.memory_space<semaphore_mem>>)
    }
    %scan3A_745 = arith.constant 32 : i32
    %dma_wait3A_746 = arith.constant 0 : i32
    %dma_wait3A_747 = arith.constant 0 : i32
    %dma_wait3A_748 = arith.constant 0 : i32
    %dma_wait3A_749 = arith.constant 0 : i32
    %dma_wait3A_750 = tpu.memref_slice %arg6[%dma_wait3A_746, %dma_wait3A_747, %dma_wait3A_748, %dma_wait3A_749] : memref<2x32x26x32xf32, #tpu.memory_space<vmem>> -> memref<1x32x26x32xf32, #tpu.memory_space<vmem>>
    %dma_wait3A_751 = tpu.memref_squeeze %dma_wait3A_750 : memref<1x32x26x32xf32, #tpu.memory_space<vmem>> -> memref<32x26x32xf32, #tpu.memory_space<vmem>>
    %dma_wait3A_752 = arith.constant 0 : i32
    %dma_wait3A_753 = arith.constant 0 : i32
    %dma_wait3A_754 = arith.constant 0 : i32
    %dma_wait3A_755 = tpu.memref_slice %arg4[%dma_wait3A_752, %dma_wait3A_753, %dma_wait3A_754] : memref<16384x26x32xf32, #tpu.memory_space<hbm>> -> memref<32x26x32xf32, #tpu.memory_space<hbm>>
    %dma_wait3A_756 = arith.constant 0 : i32
    %dma_wait3A_757 = arith.constant 0 : i32
    %dma_wait3A_758 = arith.constant 0 : i32
    %dma_wait3A_759 = tpu.memref_slice %arg6[%dma_wait3A_746, %dma_wait3A_756, %dma_wait3A_757, %dma_wait3A_758] : memref<2x32x26x32xf32, #tpu.memory_space<vmem>> -> memref<1x32x26x32xf32, #tpu.memory_space<vmem>>
    %dma_wait3A_760 = tpu.memref_squeeze %dma_wait3A_759 : memref<1x32x26x32xf32, #tpu.memory_space<vmem>> -> memref<32x26x32xf32, #tpu.memory_space<vmem>>
    %dma_wait3A_761 = arith.constant 0 : i32
    %dma_wait3A_762 = arith.constant 0 : i32
    %dma_wait3A_763 = arith.constant 0 : i32
    %dma_wait3A_764 = tpu.memref_slice %arg4[%dma_wait3A_761, %dma_wait3A_762, %dma_wait3A_763] : memref<16384x26x32xf32, #tpu.memory_space<hbm>> -> memref<32x26x32xf32, #tpu.memory_space<hbm>>
    tpu.wait_dma2 semaphore(%arg7 : memref<!tpu.dma_semaphore, #tpu.memory_space<semaphore_mem>>) src(%dma_wait3A_764 : memref<32x26x32xf32, #tpu.memory_space<hbm>>) dst(%dma_wait3A_760 : memref<32x26x32xf32, #tpu.memory_space<vmem>>)
    %add3A_765 = arith.constant 384 : i32
    %add3A_766 = arith.addi %mul3A_2, %add3A_765 : i32
    %dma_start3A_767 = arith.constant 0 : i32
    %dma_start3A_768 = arith.constant 0 : i32
    %dma_start3A_769 = arith.constant 0 : i32
    %dma_start3A_770 = arith.constant 0 : i32
    %dma_start3A_771 = tpu.memref_slice %arg6[%dma_start3A_767, %dma_start3A_768, %dma_start3A_769, %dma_start3A_770] : memref<2x32x26x32xf32, #tpu.memory_space<vmem>> -> memref<1x32x26x32xf32, #tpu.memory_space<vmem>>
    %dma_start3A_772 = tpu.memref_squeeze %dma_start3A_771 : memref<1x32x26x32xf32, #tpu.memory_space<vmem>> -> memref<32x26x32xf32, #tpu.memory_space<vmem>>
    %dma_start3A_773 = arith.constant 0 : i32
    %dma_start3A_774 = arith.constant 0 : i32
    %dma_start3A_775 = tpu.memref_slice %arg4[%add3A_766, %dma_start3A_773, %dma_start3A_774] : memref<16384x26x32xf32, #tpu.memory_space<hbm>> -> memref<32x26x32xf32, #tpu.memory_space<hbm>>
    %dma_start3A_776 = arith.constant 0 : i32
    %dma_start3A_777 = arith.constant 0 : i32
    %dma_start3A_778 = tpu.memref_slice %arg4[%add3A_766, %dma_start3A_776, %dma_start3A_777] : memref<16384x26x32xf32, #tpu.memory_space<hbm>> -> memref<32x26x32xf32, #tpu.memory_space<hbm>>
    %dma_start3A_779 = arith.constant 0 : i32
    %dma_start3A_780 = arith.constant 0 : i32
    %dma_start3A_781 = arith.constant 0 : i32
    %dma_start3A_782 = tpu.memref_slice %arg6[%dma_start3A_767, %dma_start3A_779, %dma_start3A_780, %dma_start3A_781] : memref<2x32x26x32xf32, #tpu.memory_space<vmem>> -> memref<1x32x26x32xf32, #tpu.memory_space<vmem>>
    %dma_start3A_783 = tpu.memref_squeeze %dma_start3A_782 : memref<1x32x26x32xf32, #tpu.memory_space<vmem>> -> memref<32x26x32xf32, #tpu.memory_space<vmem>>
    tpu.enqueue_dma source(%dma_start3A_783 : memref<32x26x32xf32, #tpu.memory_space<vmem>>) target(%dma_start3A_778 : memref<32x26x32xf32, #tpu.memory_space<hbm>>) target_semaphore(%arg9 : memref<!tpu.dma_semaphore, #tpu.memory_space<semaphore_mem>>)
    %dma_wait3A_784 = arith.constant 0 : i32
    %dma_wait3A_785 = arith.constant 0 : i32
    %dma_wait3A_786 = arith.constant 0 : i32
    %dma_wait3A_787 = arith.constant 0 : i32
    %dma_wait3A_788 = tpu.memref_slice %arg6[%dma_wait3A_784, %dma_wait3A_785, %dma_wait3A_786, %dma_wait3A_787] : memref<2x32x26x32xf32, #tpu.memory_space<vmem>> -> memref<1x32x26x32xf32, #tpu.memory_space<vmem>>
    %dma_wait3A_789 = tpu.memref_squeeze %dma_wait3A_788 : memref<1x32x26x32xf32, #tpu.memory_space<vmem>> -> memref<32x26x32xf32, #tpu.memory_space<vmem>>
    %dma_wait3A_790 = arith.constant 0 : i32
    %dma_wait3A_791 = arith.constant 0 : i32
    %dma_wait3A_792 = tpu.memref_slice %arg4[%add3A_766, %dma_wait3A_790, %dma_wait3A_791] : memref<16384x26x32xf32, #tpu.memory_space<hbm>> -> memref<32x26x32xf32, #tpu.memory_space<hbm>>
    %dma_wait3A_793 = arith.constant 0 : i32
    %dma_wait3A_794 = arith.constant 0 : i32
    %dma_wait3A_795 = tpu.memref_slice %arg4[%add3A_766, %dma_wait3A_793, %dma_wait3A_794] : memref<16384x26x32xf32, #tpu.memory_space<hbm>> -> memref<32x26x32xf32, #tpu.memory_space<hbm>>
    %dma_wait3A_796 = arith.constant 0 : i32
    %dma_wait3A_797 = arith.constant 0 : i32
    %dma_wait3A_798 = arith.constant 0 : i32
    %dma_wait3A_799 = tpu.memref_slice %arg6[%dma_wait3A_784, %dma_wait3A_796, %dma_wait3A_797, %dma_wait3A_798] : memref<2x32x26x32xf32, #tpu.memory_space<vmem>> -> memref<1x32x26x32xf32, #tpu.memory_space<vmem>>
    %dma_wait3A_800 = tpu.memref_squeeze %dma_wait3A_799 : memref<1x32x26x32xf32, #tpu.memory_space<vmem>> -> memref<32x26x32xf32, #tpu.memory_space<vmem>>
    tpu.wait_dma2 semaphore(%arg9 : memref<!tpu.dma_semaphore, #tpu.memory_space<semaphore_mem>>) src(%dma_wait3A_800 : memref<32x26x32xf32, #tpu.memory_space<vmem>>) dst(%dma_wait3A_795 : memref<32x26x32xf32, #tpu.memory_space<hbm>>)
    %scan3A_801 = arith.constant 0 : i32
    %scan3A_802 = arith.constant 0 : i32
    %scan3A_803 = arith.constant 32 : i32
    %scan3A_804 = arith.addi %scan3A_802, %scan3A_803 : i32
    %scan3A_805 = arith.constant 1 : i32
    scf.for %scan3A_978 = %scan3A_802 to %scan3A_804 step %scan3A_805  : i32 {
      %add3A_979 = arith.constant 448 : i32
      %add3A_980 = arith.addi %add3A_979, %scan3A_978 : i32
      %mul3A_981 = arith.constant 32 : i32
      %mul3A_982 = arith.muli %add3A_980, %mul3A_981 : i32
      %dma_start3A_983 = arith.constant 0 : i32
      %dma_start3A_984 = arith.constant 0 : i32
      %dma_start3A_985 = arith.constant 0 : i32
      %dma_start3A_986 = arith.constant 0 : i32
      %dma_start3A_987 = tpu.memref_slice %arg6[%dma_start3A_983, %dma_start3A_984, %dma_start3A_985, %dma_start3A_986] : memref<2x32x26x32xf32, #tpu.memory_space<vmem>> -> memref<1x32x26x32xf32, #tpu.memory_space<vmem>>
      %dma_start3A_988 = tpu.memref_squeeze %dma_start3A_987 : memref<1x32x26x32xf32, #tpu.memory_space<vmem>> -> memref<32x26x32xf32, #tpu.memory_space<vmem>>
      %dma_start3A_989 = arith.constant 0 : i32
      %dma_start3A_990 = arith.constant 0 : i32
      %dma_start3A_991 = tpu.memref_slice %dma_start3A_988[%scan3A_978, %dma_start3A_989, %dma_start3A_990] : memref<32x26x32xf32, #tpu.memory_space<vmem>> -> memref<1x26x32xf32, #tpu.memory_space<vmem>>
      %dma_start3A_992 = tpu.memref_squeeze %dma_start3A_991 : memref<1x26x32xf32, #tpu.memory_space<vmem>> -> memref<26x32xf32, #tpu.memory_space<vmem>>
      %dma_start3A_993 = tpu.memref_slice %arg5[%mul3A_982] : memref<16384xi32, #tpu.memory_space<vmem>> -> memref<26xi32, #tpu.memory_space<vmem>>
      %dma_start3A_994 = arith.constant 0 : i32
      %dma_start3A_995 = arith.constant 0 : i32
      %dma_start3A_996 = tpu.memref_slice %arg3[%dma_start3A_994, %dma_start3A_995] : memref<1000000x32xf32, #tpu.memory_space<hbm>> -> memref<1000000x32xf32, #tpu.memory_space<hbm>>
      tpu.enqueue_indirect_dma source(%dma_start3A_996 : memref<1000000x32xf32, #tpu.memory_space<hbm>>) target(%dma_start3A_992 : memref<26x32xf32, #tpu.memory_space<vmem>>) offsets(%dma_start3A_993 : memref<26xi32, #tpu.memory_space<vmem>>) semaphore(%arg7 : memref<!tpu.dma_semaphore, #tpu.memory_space<semaphore_mem>>)
    }
    %scan3A_806 = arith.constant 32 : i32
    %dma_wait3A_807 = arith.constant 1 : i32
    %dma_wait3A_808 = arith.constant 0 : i32
    %dma_wait3A_809 = arith.constant 0 : i32
    %dma_wait3A_810 = arith.constant 0 : i32
    %dma_wait3A_811 = tpu.memref_slice %arg6[%dma_wait3A_807, %dma_wait3A_808, %dma_wait3A_809, %dma_wait3A_810] : memref<2x32x26x32xf32, #tpu.memory_space<vmem>> -> memref<1x32x26x32xf32, #tpu.memory_space<vmem>>
    %dma_wait3A_812 = tpu.memref_squeeze %dma_wait3A_811 : memref<1x32x26x32xf32, #tpu.memory_space<vmem>> -> memref<32x26x32xf32, #tpu.memory_space<vmem>>
    %dma_wait3A_813 = arith.constant 0 : i32
    %dma_wait3A_814 = arith.constant 0 : i32
    %dma_wait3A_815 = arith.constant 0 : i32
    %dma_wait3A_816 = tpu.memref_slice %arg4[%dma_wait3A_813, %dma_wait3A_814, %dma_wait3A_815] : memref<16384x26x32xf32, #tpu.memory_space<hbm>> -> memref<32x26x32xf32, #tpu.memory_space<hbm>>
    %dma_wait3A_817 = arith.constant 0 : i32
    %dma_wait3A_818 = arith.constant 0 : i32
    %dma_wait3A_819 = arith.constant 0 : i32
    %dma_wait3A_820 = tpu.memref_slice %arg6[%dma_wait3A_807, %dma_wait3A_817, %dma_wait3A_818, %dma_wait3A_819] : memref<2x32x26x32xf32, #tpu.memory_space<vmem>> -> memref<1x32x26x32xf32, #tpu.memory_space<vmem>>
    %dma_wait3A_821 = tpu.memref_squeeze %dma_wait3A_820 : memref<1x32x26x32xf32, #tpu.memory_space<vmem>> -> memref<32x26x32xf32, #tpu.memory_space<vmem>>
    %dma_wait3A_822 = arith.constant 0 : i32
    %dma_wait3A_823 = arith.constant 0 : i32
    %dma_wait3A_824 = arith.constant 0 : i32
    %dma_wait3A_825 = tpu.memref_slice %arg4[%dma_wait3A_822, %dma_wait3A_823, %dma_wait3A_824] : memref<16384x26x32xf32, #tpu.memory_space<hbm>> -> memref<32x26x32xf32, #tpu.memory_space<hbm>>
    tpu.wait_dma2 semaphore(%arg8 : memref<!tpu.dma_semaphore, #tpu.memory_space<semaphore_mem>>) src(%dma_wait3A_825 : memref<32x26x32xf32, #tpu.memory_space<hbm>>) dst(%dma_wait3A_821 : memref<32x26x32xf32, #tpu.memory_space<vmem>>)
    %add3A_826 = arith.constant 416 : i32
    %add3A_827 = arith.addi %mul3A_2, %add3A_826 : i32
    %dma_start3A_828 = arith.constant 1 : i32
    %dma_start3A_829 = arith.constant 0 : i32
    %dma_start3A_830 = arith.constant 0 : i32
    %dma_start3A_831 = arith.constant 0 : i32
    %dma_start3A_832 = tpu.memref_slice %arg6[%dma_start3A_828, %dma_start3A_829, %dma_start3A_830, %dma_start3A_831] : memref<2x32x26x32xf32, #tpu.memory_space<vmem>> -> memref<1x32x26x32xf32, #tpu.memory_space<vmem>>
    %dma_start3A_833 = tpu.memref_squeeze %dma_start3A_832 : memref<1x32x26x32xf32, #tpu.memory_space<vmem>> -> memref<32x26x32xf32, #tpu.memory_space<vmem>>
    %dma_start3A_834 = arith.constant 0 : i32
    %dma_start3A_835 = arith.constant 0 : i32
    %dma_start3A_836 = tpu.memref_slice %arg4[%add3A_827, %dma_start3A_834, %dma_start3A_835] : memref<16384x26x32xf32, #tpu.memory_space<hbm>> -> memref<32x26x32xf32, #tpu.memory_space<hbm>>
    %dma_start3A_837 = arith.constant 0 : i32
    %dma_start3A_838 = arith.constant 0 : i32
    %dma_start3A_839 = tpu.memref_slice %arg4[%add3A_827, %dma_start3A_837, %dma_start3A_838] : memref<16384x26x32xf32, #tpu.memory_space<hbm>> -> memref<32x26x32xf32, #tpu.memory_space<hbm>>
    %dma_start3A_840 = arith.constant 0 : i32
    %dma_start3A_841 = arith.constant 0 : i32
    %dma_start3A_842 = arith.constant 0 : i32
    %dma_start3A_843 = tpu.memref_slice %arg6[%dma_start3A_828, %dma_start3A_840, %dma_start3A_841, %dma_start3A_842] : memref<2x32x26x32xf32, #tpu.memory_space<vmem>> -> memref<1x32x26x32xf32, #tpu.memory_space<vmem>>
    %dma_start3A_844 = tpu.memref_squeeze %dma_start3A_843 : memref<1x32x26x32xf32, #tpu.memory_space<vmem>> -> memref<32x26x32xf32, #tpu.memory_space<vmem>>
    tpu.enqueue_dma source(%dma_start3A_844 : memref<32x26x32xf32, #tpu.memory_space<vmem>>) target(%dma_start3A_839 : memref<32x26x32xf32, #tpu.memory_space<hbm>>) target_semaphore(%arg10 : memref<!tpu.dma_semaphore, #tpu.memory_space<semaphore_mem>>)
    %dma_wait3A_845 = arith.constant 1 : i32
    %dma_wait3A_846 = arith.constant 0 : i32
    %dma_wait3A_847 = arith.constant 0 : i32
    %dma_wait3A_848 = arith.constant 0 : i32
    %dma_wait3A_849 = tpu.memref_slice %arg6[%dma_wait3A_845, %dma_wait3A_846, %dma_wait3A_847, %dma_wait3A_848] : memref<2x32x26x32xf32, #tpu.memory_space<vmem>> -> memref<1x32x26x32xf32, #tpu.memory_space<vmem>>
    %dma_wait3A_850 = tpu.memref_squeeze %dma_wait3A_849 : memref<1x32x26x32xf32, #tpu.memory_space<vmem>> -> memref<32x26x32xf32, #tpu.memory_space<vmem>>
    %dma_wait3A_851 = arith.constant 0 : i32
    %dma_wait3A_852 = arith.constant 0 : i32
    %dma_wait3A_853 = tpu.memref_slice %arg4[%add3A_827, %dma_wait3A_851, %dma_wait3A_852] : memref<16384x26x32xf32, #tpu.memory_space<hbm>> -> memref<32x26x32xf32, #tpu.memory_space<hbm>>
    %dma_wait3A_854 = arith.constant 0 : i32
    %dma_wait3A_855 = arith.constant 0 : i32
    %dma_wait3A_856 = tpu.memref_slice %arg4[%add3A_827, %dma_wait3A_854, %dma_wait3A_855] : memref<16384x26x32xf32, #tpu.memory_space<hbm>> -> memref<32x26x32xf32, #tpu.memory_space<hbm>>
    %dma_wait3A_857 = arith.constant 0 : i32
    %dma_wait3A_858 = arith.constant 0 : i32
    %dma_wait3A_859 = arith.constant 0 : i32
    %dma_wait3A_860 = tpu.memref_slice %arg6[%dma_wait3A_845, %dma_wait3A_857, %dma_wait3A_858, %dma_wait3A_859] : memref<2x32x26x32xf32, #tpu.memory_space<vmem>> -> memref<1x32x26x32xf32, #tpu.memory_space<vmem>>
    %dma_wait3A_861 = tpu.memref_squeeze %dma_wait3A_860 : memref<1x32x26x32xf32, #tpu.memory_space<vmem>> -> memref<32x26x32xf32, #tpu.memory_space<vmem>>
    tpu.wait_dma2 semaphore(%arg10 : memref<!tpu.dma_semaphore, #tpu.memory_space<semaphore_mem>>) src(%dma_wait3A_861 : memref<32x26x32xf32, #tpu.memory_space<vmem>>) dst(%dma_wait3A_856 : memref<32x26x32xf32, #tpu.memory_space<hbm>>)
    %scan3A_862 = arith.constant 0 : i32
    %scan3A_863 = arith.constant 0 : i32
    %scan3A_864 = arith.constant 32 : i32
    %scan3A_865 = arith.addi %scan3A_863, %scan3A_864 : i32
    %scan3A_866 = arith.constant 1 : i32
    scf.for %scan3A_978 = %scan3A_863 to %scan3A_865 step %scan3A_866  : i32 {
      %add3A_979 = arith.constant 480 : i32
      %add3A_980 = arith.addi %add3A_979, %scan3A_978 : i32
      %mul3A_981 = arith.constant 32 : i32
      %mul3A_982 = arith.muli %add3A_980, %mul3A_981 : i32
      %dma_start3A_983 = arith.constant 1 : i32
      %dma_start3A_984 = arith.constant 0 : i32
      %dma_start3A_985 = arith.constant 0 : i32
      %dma_start3A_986 = arith.constant 0 : i32
      %dma_start3A_987 = tpu.memref_slice %arg6[%dma_start3A_983, %dma_start3A_984, %dma_start3A_985, %dma_start3A_986] : memref<2x32x26x32xf32, #tpu.memory_space<vmem>> -> memref<1x32x26x32xf32, #tpu.memory_space<vmem>>
      %dma_start3A_988 = tpu.memref_squeeze %dma_start3A_987 : memref<1x32x26x32xf32, #tpu.memory_space<vmem>> -> memref<32x26x32xf32, #tpu.memory_space<vmem>>
      %dma_start3A_989 = arith.constant 0 : i32
      %dma_start3A_990 = arith.constant 0 : i32
      %dma_start3A_991 = tpu.memref_slice %dma_start3A_988[%scan3A_978, %dma_start3A_989, %dma_start3A_990] : memref<32x26x32xf32, #tpu.memory_space<vmem>> -> memref<1x26x32xf32, #tpu.memory_space<vmem>>
      %dma_start3A_992 = tpu.memref_squeeze %dma_start3A_991 : memref<1x26x32xf32, #tpu.memory_space<vmem>> -> memref<26x32xf32, #tpu.memory_space<vmem>>
      %dma_start3A_993 = tpu.memref_slice %arg5[%mul3A_982] : memref<16384xi32, #tpu.memory_space<vmem>> -> memref<26xi32, #tpu.memory_space<vmem>>
      %dma_start3A_994 = arith.constant 0 : i32
      %dma_start3A_995 = arith.constant 0 : i32
      %dma_start3A_996 = tpu.memref_slice %arg3[%dma_start3A_994, %dma_start3A_995] : memref<1000000x32xf32, #tpu.memory_space<hbm>> -> memref<1000000x32xf32, #tpu.memory_space<hbm>>
      tpu.enqueue_indirect_dma source(%dma_start3A_996 : memref<1000000x32xf32, #tpu.memory_space<hbm>>) target(%dma_start3A_992 : memref<26x32xf32, #tpu.memory_space<vmem>>) offsets(%dma_start3A_993 : memref<26xi32, #tpu.memory_space<vmem>>) semaphore(%arg8 : memref<!tpu.dma_semaphore, #tpu.memory_space<semaphore_mem>>)
    }
    %scan3A_867 = arith.constant 32 : i32
    %dma_wait3A_868 = arith.constant 0 : i32
    %dma_wait3A_869 = arith.constant 0 : i32
    %dma_wait3A_870 = arith.constant 0 : i32
    %dma_wait3A_871 = arith.constant 0 : i32
    %dma_wait3A_872 = tpu.memref_slice %arg6[%dma_wait3A_868, %dma_wait3A_869, %dma_wait3A_870, %dma_wait3A_871] : memref<2x32x26x32xf32, #tpu.memory_space<vmem>> -> memref<1x32x26x32xf32, #tpu.memory_space<vmem>>
    %dma_wait3A_873 = tpu.memref_squeeze %dma_wait3A_872 : memref<1x32x26x32xf32, #tpu.memory_space<vmem>> -> memref<32x26x32xf32, #tpu.memory_space<vmem>>
    %dma_wait3A_874 = arith.constant 0 : i32
    %dma_wait3A_875 = arith.constant 0 : i32
    %dma_wait3A_876 = arith.constant 0 : i32
    %dma_wait3A_877 = tpu.memref_slice %arg4[%dma_wait3A_874, %dma_wait3A_875, %dma_wait3A_876] : memref<16384x26x32xf32, #tpu.memory_space<hbm>> -> memref<32x26x32xf32, #tpu.memory_space<hbm>>
    %dma_wait3A_878 = arith.constant 0 : i32
    %dma_wait3A_879 = arith.constant 0 : i32
    %dma_wait3A_880 = arith.constant 0 : i32
    %dma_wait3A_881 = tpu.memref_slice %arg6[%dma_wait3A_868, %dma_wait3A_878, %dma_wait3A_879, %dma_wait3A_880] : memref<2x32x26x32xf32, #tpu.memory_space<vmem>> -> memref<1x32x26x32xf32, #tpu.memory_space<vmem>>
    %dma_wait3A_882 = tpu.memref_squeeze %dma_wait3A_881 : memref<1x32x26x32xf32, #tpu.memory_space<vmem>> -> memref<32x26x32xf32, #tpu.memory_space<vmem>>
    %dma_wait3A_883 = arith.constant 0 : i32
    %dma_wait3A_884 = arith.constant 0 : i32
    %dma_wait3A_885 = arith.constant 0 : i32
    %dma_wait3A_886 = tpu.memref_slice %arg4[%dma_wait3A_883, %dma_wait3A_884, %dma_wait3A_885] : memref<16384x26x32xf32, #tpu.memory_space<hbm>> -> memref<32x26x32xf32, #tpu.memory_space<hbm>>
    tpu.wait_dma2 semaphore(%arg7 : memref<!tpu.dma_semaphore, #tpu.memory_space<semaphore_mem>>) src(%dma_wait3A_886 : memref<32x26x32xf32, #tpu.memory_space<hbm>>) dst(%dma_wait3A_882 : memref<32x26x32xf32, #tpu.memory_space<vmem>>)
    %add3A_887 = arith.constant 448 : i32
    %add3A_888 = arith.addi %mul3A_2, %add3A_887 : i32
    %dma_start3A_889 = arith.constant 0 : i32
    %dma_start3A_890 = arith.constant 0 : i32
    %dma_start3A_891 = arith.constant 0 : i32
    %dma_start3A_892 = arith.constant 0 : i32
    %dma_start3A_893 = tpu.memref_slice %arg6[%dma_start3A_889, %dma_start3A_890, %dma_start3A_891, %dma_start3A_892] : memref<2x32x26x32xf32, #tpu.memory_space<vmem>> -> memref<1x32x26x32xf32, #tpu.memory_space<vmem>>
    %dma_start3A_894 = tpu.memref_squeeze %dma_start3A_893 : memref<1x32x26x32xf32, #tpu.memory_space<vmem>> -> memref<32x26x32xf32, #tpu.memory_space<vmem>>
    %dma_start3A_895 = arith.constant 0 : i32
    %dma_start3A_896 = arith.constant 0 : i32
    %dma_start3A_897 = tpu.memref_slice %arg4[%add3A_888, %dma_start3A_895, %dma_start3A_896] : memref<16384x26x32xf32, #tpu.memory_space<hbm>> -> memref<32x26x32xf32, #tpu.memory_space<hbm>>
    %dma_start3A_898 = arith.constant 0 : i32
    %dma_start3A_899 = arith.constant 0 : i32
    %dma_start3A_900 = tpu.memref_slice %arg4[%add3A_888, %dma_start3A_898, %dma_start3A_899] : memref<16384x26x32xf32, #tpu.memory_space<hbm>> -> memref<32x26x32xf32, #tpu.memory_space<hbm>>
    %dma_start3A_901 = arith.constant 0 : i32
    %dma_start3A_902 = arith.constant 0 : i32
    %dma_start3A_903 = arith.constant 0 : i32
    %dma_start3A_904 = tpu.memref_slice %arg6[%dma_start3A_889, %dma_start3A_901, %dma_start3A_902, %dma_start3A_903] : memref<2x32x26x32xf32, #tpu.memory_space<vmem>> -> memref<1x32x26x32xf32, #tpu.memory_space<vmem>>
    %dma_start3A_905 = tpu.memref_squeeze %dma_start3A_904 : memref<1x32x26x32xf32, #tpu.memory_space<vmem>> -> memref<32x26x32xf32, #tpu.memory_space<vmem>>
    tpu.enqueue_dma source(%dma_start3A_905 : memref<32x26x32xf32, #tpu.memory_space<vmem>>) target(%dma_start3A_900 : memref<32x26x32xf32, #tpu.memory_space<hbm>>) target_semaphore(%arg9 : memref<!tpu.dma_semaphore, #tpu.memory_space<semaphore_mem>>)
    %dma_wait3A_906 = arith.constant 1 : i32
    %dma_wait3A_907 = arith.constant 0 : i32
    %dma_wait3A_908 = arith.constant 0 : i32
    %dma_wait3A_909 = arith.constant 0 : i32
    %dma_wait3A_910 = tpu.memref_slice %arg6[%dma_wait3A_906, %dma_wait3A_907, %dma_wait3A_908, %dma_wait3A_909] : memref<2x32x26x32xf32, #tpu.memory_space<vmem>> -> memref<1x32x26x32xf32, #tpu.memory_space<vmem>>
    %dma_wait3A_911 = tpu.memref_squeeze %dma_wait3A_910 : memref<1x32x26x32xf32, #tpu.memory_space<vmem>> -> memref<32x26x32xf32, #tpu.memory_space<vmem>>
    %dma_wait3A_912 = arith.constant 0 : i32
    %dma_wait3A_913 = arith.constant 0 : i32
    %dma_wait3A_914 = arith.constant 0 : i32
    %dma_wait3A_915 = tpu.memref_slice %arg4[%dma_wait3A_912, %dma_wait3A_913, %dma_wait3A_914] : memref<16384x26x32xf32, #tpu.memory_space<hbm>> -> memref<32x26x32xf32, #tpu.memory_space<hbm>>
    %dma_wait3A_916 = arith.constant 0 : i32
    %dma_wait3A_917 = arith.constant 0 : i32
    %dma_wait3A_918 = arith.constant 0 : i32
    %dma_wait3A_919 = tpu.memref_slice %arg6[%dma_wait3A_906, %dma_wait3A_916, %dma_wait3A_917, %dma_wait3A_918] : memref<2x32x26x32xf32, #tpu.memory_space<vmem>> -> memref<1x32x26x32xf32, #tpu.memory_space<vmem>>
    %dma_wait3A_920 = tpu.memref_squeeze %dma_wait3A_919 : memref<1x32x26x32xf32, #tpu.memory_space<vmem>> -> memref<32x26x32xf32, #tpu.memory_space<vmem>>
    %dma_wait3A_921 = arith.constant 0 : i32
    %dma_wait3A_922 = arith.constant 0 : i32
    %dma_wait3A_923 = arith.constant 0 : i32
    %dma_wait3A_924 = tpu.memref_slice %arg4[%dma_wait3A_921, %dma_wait3A_922, %dma_wait3A_923] : memref<16384x26x32xf32, #tpu.memory_space<hbm>> -> memref<32x26x32xf32, #tpu.memory_space<hbm>>
    tpu.wait_dma2 semaphore(%arg8 : memref<!tpu.dma_semaphore, #tpu.memory_space<semaphore_mem>>) src(%dma_wait3A_924 : memref<32x26x32xf32, #tpu.memory_space<hbm>>) dst(%dma_wait3A_920 : memref<32x26x32xf32, #tpu.memory_space<vmem>>)
    %add3A_925 = arith.constant 480 : i32
    %add3A_926 = arith.addi %mul3A_2, %add3A_925 : i32
    %dma_start3A_927 = arith.constant 1 : i32
    %dma_start3A_928 = arith.constant 0 : i32
    %dma_start3A_929 = arith.constant 0 : i32
    %dma_start3A_930 = arith.constant 0 : i32
    %dma_start3A_931 = tpu.memref_slice %arg6[%dma_start3A_927, %dma_start3A_928, %dma_start3A_929, %dma_start3A_930] : memref<2x32x26x32xf32, #tpu.memory_space<vmem>> -> memref<1x32x26x32xf32, #tpu.memory_space<vmem>>
    %dma_start3A_932 = tpu.memref_squeeze %dma_start3A_931 : memref<1x32x26x32xf32, #tpu.memory_space<vmem>> -> memref<32x26x32xf32, #tpu.memory_space<vmem>>
    %dma_start3A_933 = arith.constant 0 : i32
    %dma_start3A_934 = arith.constant 0 : i32
    %dma_start3A_935 = tpu.memref_slice %arg4[%add3A_926, %dma_start3A_933, %dma_start3A_934] : memref<16384x26x32xf32, #tpu.memory_space<hbm>> -> memref<32x26x32xf32, #tpu.memory_space<hbm>>
    %dma_start3A_936 = arith.constant 0 : i32
    %dma_start3A_937 = arith.constant 0 : i32
    %dma_start3A_938 = tpu.memref_slice %arg4[%add3A_926, %dma_start3A_936, %dma_start3A_937] : memref<16384x26x32xf32, #tpu.memory_space<hbm>> -> memref<32x26x32xf32, #tpu.memory_space<hbm>>
    %dma_start3A_939 = arith.constant 0 : i32
    %dma_start3A_940 = arith.constant 0 : i32
    %dma_start3A_941 = arith.constant 0 : i32
    %dma_start3A_942 = tpu.memref_slice %arg6[%dma_start3A_927, %dma_start3A_939, %dma_start3A_940, %dma_start3A_941] : memref<2x32x26x32xf32, #tpu.memory_space<vmem>> -> memref<1x32x26x32xf32, #tpu.memory_space<vmem>>
    %dma_start3A_943 = tpu.memref_squeeze %dma_start3A_942 : memref<1x32x26x32xf32, #tpu.memory_space<vmem>> -> memref<32x26x32xf32, #tpu.memory_space<vmem>>
    tpu.enqueue_dma source(%dma_start3A_943 : memref<32x26x32xf32, #tpu.memory_space<vmem>>) target(%dma_start3A_938 : memref<32x26x32xf32, #tpu.memory_space<hbm>>) target_semaphore(%arg10 : memref<!tpu.dma_semaphore, #tpu.memory_space<semaphore_mem>>)
    %dma_wait3A_944 = arith.constant 0 : i32
    %dma_wait3A_945 = arith.constant 0 : i32
    %dma_wait3A_946 = arith.constant 0 : i32
    %dma_wait3A_947 = arith.constant 0 : i32
    %dma_wait3A_948 = tpu.memref_slice %arg6[%dma_wait3A_944, %dma_wait3A_945, %dma_wait3A_946, %dma_wait3A_947] : memref<2x32x26x32xf32, #tpu.memory_space<vmem>> -> memref<1x32x26x32xf32, #tpu.memory_space<vmem>>
    %dma_wait3A_949 = tpu.memref_squeeze %dma_wait3A_948 : memref<1x32x26x32xf32, #tpu.memory_space<vmem>> -> memref<32x26x32xf32, #tpu.memory_space<vmem>>
    %dma_wait3A_950 = arith.constant 0 : i32
    %dma_wait3A_951 = arith.constant 0 : i32
    %dma_wait3A_952 = tpu.memref_slice %arg4[%add3A_888, %dma_wait3A_950, %dma_wait3A_951] : memref<16384x26x32xf32, #tpu.memory_space<hbm>> -> memref<32x26x32xf32, #tpu.memory_space<hbm>>
    %dma_wait3A_953 = arith.constant 0 : i32
    %dma_wait3A_954 = arith.constant 0 : i32
    %dma_wait3A_955 = tpu.memref_slice %arg4[%add3A_888, %dma_wait3A_953, %dma_wait3A_954] : memref<16384x26x32xf32, #tpu.memory_space<hbm>> -> memref<32x26x32xf32, #tpu.memory_space<hbm>>
    %dma_wait3A_956 = arith.constant 0 : i32
    %dma_wait3A_957 = arith.constant 0 : i32
    %dma_wait3A_958 = arith.constant 0 : i32
    %dma_wait3A_959 = tpu.memref_slice %arg6[%dma_wait3A_944, %dma_wait3A_956, %dma_wait3A_957, %dma_wait3A_958] : memref<2x32x26x32xf32, #tpu.memory_space<vmem>> -> memref<1x32x26x32xf32, #tpu.memory_space<vmem>>
    %dma_wait3A_960 = tpu.memref_squeeze %dma_wait3A_959 : memref<1x32x26x32xf32, #tpu.memory_space<vmem>> -> memref<32x26x32xf32, #tpu.memory_space<vmem>>
    tpu.wait_dma2 semaphore(%arg9 : memref<!tpu.dma_semaphore, #tpu.memory_space<semaphore_mem>>) src(%dma_wait3A_960 : memref<32x26x32xf32, #tpu.memory_space<vmem>>) dst(%dma_wait3A_955 : memref<32x26x32xf32, #tpu.memory_space<hbm>>)
    %dma_wait3A_961 = arith.constant 1 : i32
    %dma_wait3A_962 = arith.constant 0 : i32
    %dma_wait3A_963 = arith.constant 0 : i32
    %dma_wait3A_964 = arith.constant 0 : i32
    %dma_wait3A_965 = tpu.memref_slice %arg6[%dma_wait3A_961, %dma_wait3A_962, %dma_wait3A_963, %dma_wait3A_964] : memref<2x32x26x32xf32, #tpu.memory_space<vmem>> -> memref<1x32x26x32xf32, #tpu.memory_space<vmem>>
    %dma_wait3A_966 = tpu.memref_squeeze %dma_wait3A_965 : memref<1x32x26x32xf32, #tpu.memory_space<vmem>> -> memref<32x26x32xf32, #tpu.memory_space<vmem>>
    %dma_wait3A_967 = arith.constant 0 : i32
    %dma_wait3A_968 = arith.constant 0 : i32
    %dma_wait3A_969 = tpu.memref_slice %arg4[%add3A_926, %dma_wait3A_967, %dma_wait3A_968] : memref<16384x26x32xf32, #tpu.memory_space<hbm>> -> memref<32x26x32xf32, #tpu.memory_space<hbm>>
    %dma_wait3A_970 = arith.constant 0 : i32
    %dma_wait3A_971 = arith.constant 0 : i32
    %dma_wait3A_972 = tpu.memref_slice %arg4[%add3A_926, %dma_wait3A_970, %dma_wait3A_971] : memref<16384x26x32xf32, #tpu.memory_space<hbm>> -> memref<32x26x32xf32, #tpu.memory_space<hbm>>
    %dma_wait3A_973 = arith.constant 0 : i32
    %dma_wait3A_974 = arith.constant 0 : i32
    %dma_wait3A_975 = arith.constant 0 : i32
    %dma_wait3A_976 = tpu.memref_slice %arg6[%dma_wait3A_961, %dma_wait3A_973, %dma_wait3A_974, %dma_wait3A_975] : memref<2x32x26x32xf32, #tpu.memory_space<vmem>> -> memref<1x32x26x32xf32, #tpu.memory_space<vmem>>
    %dma_wait3A_977 = tpu.memref_squeeze %dma_wait3A_976 : memref<1x32x26x32xf32, #tpu.memory_space<vmem>> -> memref<32x26x32xf32, #tpu.memory_space<vmem>>
    tpu.wait_dma2 semaphore(%arg10 : memref<!tpu.dma_semaphore, #tpu.memory_space<semaphore_mem>>) src(%dma_wait3A_977 : memref<32x26x32xf32, #tpu.memory_space<vmem>>) dst(%dma_wait3A_972 : memref<32x26x32xf32, #tpu.memory_space<hbm>>)
    return
  }
}

</mosaic_0001>

<sc_bundles>
// kernel: kernel.4.cloned.1.call-start
scs
__scs_entry_jumppad:
0x0: {  	(pc) =	sbr.rel $0x88, $3  }
0x1: {  	(tag) =	ssettag $0x0;
	lr =	simm.s32 $0x1  }
0x2: {  	[smem:$0x3F9F] =	sst lr;
	_ =	strace $0xD0000000  }
0x3: {  	_ = 	snop  }
0x4: {  	_ = 	snop  }
0x5: {  	_ = 	snop  }
0x6: {  	_ = 	snop  }
0x7: {  	_ = 	snop  }
__scs_overlays_trampoline_lowered:
0x8: {  	[smem:$0x3FAE] =	sst s0  }
0x9: {  	[smem:$0x3FAF] =	sst s1  }
0xa: {  	[smem:$0x3FB0] =	sst s2  }
0xb: {  	[smem:$0x3FB1] =	sst s3  }
0xc: {  	[smem:$0x3FB2] =	sst s4  }
0xd: {  	[smem:$0x3FB3] =	sst s5  }
0xe: {  	[smem:$0x3FB4] =	sst s6  }
0xf: {  	[smem:$0x3FB5] =	sst s7  }
0x10: {  	[smem:$0x3FB6] =	sst s8  }
0x11: {  	[smem:$0x3FB7] =	sst s9;
	s0 =	simm.s32 @!p0 $0x0  }
0x12: {  	s1 =	sld [smem:$0x3F9D];
	s0 =	simm.s32 @p0 $0x1  }
0x13: {  	[smem:$0x3FB8] =	sst s0;
	s0 =	simm.s32 @!p1 $0x0  }
0x14: {  	s2 =	sld [smem:$0x3F9C];
	s0 =	simm.s32 @p1 $0x1  }
0x15: {  	[smem:$0x3FB9] =	sst s0;
	s0 =	simm.s32 @!p2 $0x0  }
0x16: {  	s3 =	sld [smem:$0x3FDB];
	s0 =	simm.s32 @p2 $0x1  }
0x17: {  	s4 =	simm.s32 $0x1BF5;
	[smem:$0x3FBB] =	sst s0  }
0x18: {  	s0 =	sld [smem:$0x3F9E];
	_ =	swait.ge [sflag:s4], $0x0  }
0x19: {  	s7 =	sld [smem:$0x3F9F]  }
0x1a: {  	s8 =	sadd.s32 $0xFFFFE003, lr  }
0x1b: {  	s9 =	sadd.s32 $0xFFFFFEF7, lr;
	s5 =	simm.s32 $0xFFFFFFFF;
	p2 =	slt.u32 s8, $0xFFFFF086  }
0x1c: {  	p1 =	slt.u32 s9, $0xF7A;
	s5 =	simm.s32 @!p2 $0x0  }
0x1d: {  	s5 =	simm.s32 @p1 $0x1;
	p0 =	seq.s32 s7, s2  }
0x1e: {  	s7 =	smul.u32 @!p0 $0xF7A, s2;
	p2 =	seq.s32 @!p0 s5, $0x0  }
0x1f: {  	s9 =	smul.u32 $0xF7A, s1;
	s8 =	simm.s32 @!p0 $0x1BF5;
	p2 =	por !p2, p0  }
0x20: {  	[sflag:s8] =	ssyncset.s32 @!p0 $0xFFFFF086;
	s6 =	sadd.s32 @!p0 s3, s7;
	s7 =	simm.s32 @!p0 $0x108  }
0x21: {  	s3 =	sadd.s32 s3, s9;
	s6 =	sadd.s32 @!p0 $0x88, s6;
	s7 =	simm.s32 @p2 $0x1082  }
0x22: {  	[simem:s7], [sflag:s8] =	dma.local @!p0 [hbm:s6], $0xF7A  }
0x23: {  	s9 =	sor.u32 $0xD0000000, s2;
	s6 =	simm.s32 $0x108;
	_ =	swait.ge @!p0 [sflag:s8], $0x0  }
0x24: {  	s3 =	sadd.s32 $0x88, s3;
	s6 =	simm.s32 @!p1 $0x1082;
	[sflag:s4] =	ssyncset.s32 $0xFFFFF086  }
0x25: {  	[simem:s6], [sflag:s4] =	dma.local [hbm:s3], $0xF7A  }
0x26: {  	[smem:$0x3F9F] =	sst s1;
	(tag) =	ssettag s2;
	_ =	strace s9  }
0x27: {  	s1 =	sld [smem:$0x3FAF]  }
0x28: {  	s2 =	sld [smem:$0x3FB0]  }
0x29: {  	s4 =	sld [smem:$0x3FB2]  }
0x2a: {  	p0 =	seq.s32 s5, $0x0;
	s5 =	sld [smem:$0x3FB3]  }
0x2b: {  	s6 =	sld [smem:$0x3FB4]  }
0x2c: {  	s7 =	sld [smem:$0x3FB5]  }
0x2d: {  	s3 =	simm.s32 $0x108;
	s8 =	sld [smem:$0x3FB6]  }
0x2e: {  	s3 =	simm.s32 @!p0 $0x1082;
	s9 =	sld [smem:$0x3FB7]  }
0x2f: {  	lr =	sadd.s32 s0, s3;
	s0 =	sld [smem:$0x3FAE]  }
0x30: {  	s3 =	sld [smem:$0x3FB1]  }
0x31: {  	[smem:$0x3FBA] =	sst s10  }
0x32: {  	s10 =	sld [smem:$0x3FB8];
	_ =	sdelay $0x3  }
0x33: {  	p0 =	seq.s32 s10, $0x1;
	s10 =	sld [smem:$0x3FBA];
	_ =	sdelay $0x3  }
0x34: {  	[smem:$0x3FBA] =	sst s10  }
0x35: {  	s10 =	sld [smem:$0x3FB9];
	_ =	sdelay $0x3  }
0x36: {  	p1 =	seq.s32 s10, $0x1;
	s10 =	sld [smem:$0x3FBA];
	_ =	sdelay $0x3  }
0x37: {  	[smem:$0x3FBA] =	sst s10  }
0x38: {  	s10 =	sld [smem:$0x3FBB]  }
0x39: {  	_ = 	snop;
	(pc) =	sbr.ind lr, $3  }
0x3a: {  	_ = 	snop  }
0x3b: {  	_ = 	snop  }
0x3c: {  	p2 =	seq.s32 s10, $0x1;
	s10 =	sld [smem:$0x3FBA]  }
0x3d: {  	_ =	shalt  }
0x3e: {  	_ =	shalt  }
0x3f: {  	_ =	shalt  }
0x40: {  	_ =	shalt  }
0x41: {  	_ =	shalt  }
0x42: {  	_ =	shalt  }
0x43: {  	_ =	shalt  }
0x44: {  	_ =	shalt  }
0x45: {  	_ =	shalt  }
0x46: {  	_ =	shalt  }
0x47: {  	_ =	shalt  }
0x48: {  	_ =	shalt  }
0x49: {  	_ =	shalt  }
0x4a: {  	_ =	shalt  }
0x4b: {  	_ =	shalt  }
0x4c: {  	_ =	shalt  }
0x4d: {  	_ =	shalt  }
0x4e: {  	_ =	shalt  }
0x4f: {  	_ =	shalt  }
0x50: {  	_ =	shalt  }
0x51: {  	_ =	shalt  }
0x52: {  	_ =	shalt  }
0x53: {  	_ =	shalt  }
0x54: {  	_ =	shalt  }
0x55: {  	_ =	shalt  }
0x56: {  	_ =	shalt  }
0x57: {  	_ =	shalt  }
0x58: {  	_ =	shalt  }
0x59: {  	_ =	shalt  }
0x5a: {  	_ =	shalt  }
0x5b: {  	_ =	shalt  }
0x5c: {  	_ =	shalt  }
0x5d: {  	_ =	shalt  }
0x5e: {  	_ =	shalt  }
0x5f: {  	_ =	shalt  }
0x60: {  	_ =	shalt  }
0x61: {  	_ =	shalt  }
0x62: {  	_ =	shalt  }
0x63: {  	_ =	shalt  }
0x64: {  	_ =	shalt  }
0x65: {  	_ =	shalt  }
0x66: {  	_ =	shalt  }
0x67: {  	_ =	shalt  }
0x68: {  	_ =	shalt  }
0x69: {  	_ =	shalt  }
0x6a: {  	_ =	shalt  }
0x6b: {  	_ =	shalt  }
0x6c: {  	_ =	shalt  }
0x6d: {  	_ =	shalt  }
0x6e: {  	_ =	shalt  }
0x6f: {  	_ =	shalt  }
0x70: {  	_ =	shalt  }
0x71: {  	_ =	shalt  }
0x72: {  	_ =	shalt  }
0x73: {  	_ =	shalt  }
0x74: {  	_ =	shalt  }
0x75: {  	_ =	shalt  }
0x76: {  	_ =	shalt  }
0x77: {  	_ =	shalt  }
0x78: {  	_ =	shalt  }
0x79: {  	_ =	shalt  }
0x7a: {  	_ =	shalt  }
0x7b: {  	_ =	shalt  }
0x7c: {  	_ =	shalt  }
0x7d: {  	_ =	shalt  }
0x7e: {  	_ =	shalt  }
0x7f: {  	_ =	shalt  }
0x80: {  	_ =	shalt  }
0x81: {  	_ =	shalt  }
0x82: {  	_ =	shalt  }
0x83: {  	_ =	shalt  }
0x84: {  	_ =	shalt  }
0x85: {  	_ =	shalt  }
0x86: {  	_ =	shalt  }
0x87: {  	_ =	shalt  }
.Lfunc_end0:
.L_simem_size_0:
called_computation.1_lowered:
.L_overlay_start_0:
0x88: {  	s2 =	sld [smem:$0x3FD9]  }
0x89: {  	s3 =	sld [smem:$0x3FFE];
	_ =	sdelay $0x1  }
0x8a: {  	s1 =	srdreg.scid  }
0x8b: {  	s0 =	sand.u32 $0x1, s1  }
0x8c: {  	s17 =	sshll.u32 s0, $0xA;
	s2 =	sadd.s32 s3, s2  }
0x8d: {  	s2 =	sadd.s32 s2, s17  }
0x8e: {  	[smem:$0x3FC6] =	sst s2  }
0x8f: {  	_ = 	snop  }
0x90: {  	s2 =	sld [smem:$0x3FD0];
	(tm) =	ssettm $0x1  }
0x91: {  	s18 =	sld [smem:$0x3FFB];
	_ =	sdelay $0x3  }
0x92: {  	_ =	strace s18  }
0x93: {  	s3 =	sld [smem:$0x3FFC];
	_ =	sdelay $0x3  }
0x94: {  	_ =	strace s3  }
0x95: {  	s3 =	sld [smem:$0x3FFD];
	_ =	sdelay $0x3  }
0x96: {  	_ =	strace s3  }
0x97: {  	_ =	strace $0x8FFFFFFF  }
0x98: {  	s19 =	sld [smem:$0x3FDB];
	_ =	sdelay $0x1  }
0x99: {  	s4 =	simm.s32 $_scs_section_size  }
0x9a: {  	s5 =	simm.s32 $_size__tile_overlayer_lowered;
	s6 =	simm.s32 $_tile_overlayer_lowered  }
0x9b: {  	s22 =	simm.s32 $0x1BFF;
	s21 =	sshll.u32 s6, $0x1;
	s3 =	sadd.s32 s4, s19  }
0x9c: {  	s7 =	simm.s32 $0x0;
	s20 =	sshll.u32 s5, $0x1;
	s5 =	sadd.s32 s21, s3  }
0x9d: {  	[timem:s7], [sflag:s22] =	dma.local [hbm:s5], s20  }
0x9e: {  	_ =	swait.ge [sflag:s22], s20  }
0x9f: {  	s4 =	ssub.s32 $0x0, s20;
	[sflag:s22] =	ssyncset.done $0x0  }
0xa0: {  	[sflag:s22] =	ssyncadd.s32 s4;
	_ =	sdelay $0x1  }
0xa1: {  	s23 =	simm.s32 $0x1B8B  }
0xa2: {  	_ =	swait.ge [sflag:s23], $0x1  }
0xa3: {  	[sflag:s23] =	ssyncset.done $0x0  }
0xa4: {  	s25 =	simm.s32 $0x1B8E;
	s24 =	sld [smem:$0x3FFE];
	[sflag:s23] =	ssyncadd.s32 $0xFFFFFFFF  }
0xa5: {  	s26 =	simm.s32 $execute0_lowered;
	[smem:$0x3FD2] =	sst s25  }
0xa6: {  	s5 =	sshll.u32 s26, $0x1;
	_ =	strace $0x80000046;
	[dreg:$0x1] =	wrdreg $0xFFFFFFFF  }
0xa7: {  	s28 =	simm.s32 $_size_execute0_lowered;
	s3 =	sadd.s32 s3, s5;
	[dreg:$0x0] =	wrdreg $0x0  }
0xa8: {  	s5 =	sshll.u32 s28, $0x1;
	[dreg:$0x2] =	wrdreg s3  }
0xa9: {  	[dreg:$0x3] =	wrdreg s5  }
0xaa: {  	[dreg:$0x4] =	wrdreg $0xC0  }
0xab: {  	_ =	task [dreg:s7], $0x5FFFF  }
0xac: {  	[dreg:$0x1] =	wrdreg $0xFFFFFFFF  }
0xad: {  	[dreg:$0x0] =	wrdreg $0x60  }
0xae: {  	[dreg:$0x2] =	wrdreg s2  }
0xaf: {  	[dreg:$0x3] =	wrdreg s24  }
0xb0: {  	[dreg:$0x4] =	wrdreg $0x9  }
0xb1: {  	_ =	task.clear_ibuf [dreg:s7], $0x5FFFF;
	_ =	strace $0x90000046  }
0xb2: {  	s29 =	simm.s32 $0x9;
	_ =	strace $0x80000048  }
0xb3: {  	_ =	swait.ge [sflag:s29], $0x1  }
0xb4: {  	[sflag:s29] =	ssyncadd.s32 $0xFFFFFFFF  }
0xb5: {  	_ =	strace $0x90000048  }
0xb6: {  	_ =	sfence  }
0xb7: {  	s30 =	sld [smem:$0x0];
	_ =	sdelay $0x2  }
0xb8: {  	s31 =	sshll.u32 s1, $0xD;
	s1 =	sshrl.u32 s1, $0x2  }
0xb9: {  	s3 =	sand.u32 $0x4000, s31;
	s1 =	sadd.s32 s1, s30  }
0xba: {  	s0 =	sor.u32 s3, s0;
	s1 =	sshll.u32 s1, $0x11  }
0xbb: {  	s0 =	sor.u32 s1, s0  }
0xbc: {  	s0 =	sadd.s32 $0x8F2B, s0  }
0xbd: {  	[sflag:s0] =	ssyncadd.remote.s32 $0x1  }
0xbe: {  	_ =	sfence.sel $0xFFFF  }
0xbf: {  	[dreg:$0x0] =	wrdreg $0xFFFFFFFF;
	(pc) =	sbr.abs _section_cstart, $3  }
0xc0: {  	[dreg:$0x1] =	wrdreg $0xFFFFFFFF  }
0xc1: {  	_ =	task.clear_ibuf [dreg:s7], $0x2FFFF;
	_ =	strace $0x9FFFFFFF  }
0xc2: {  	(tm) =	ssettm $0x7FFFFFFF  }
0xc3: {  	_ =	shalt  }
tec
execute0_lowered:
.L_overlay_start_1:
0x0: {  	(tag) =	ssettag $0x1  }
0x1: {  	s3 =	rddreg [dreg:$0x0]  }
0x2: {  	s4 =	rddreg [dreg:$0x1]  }
0x3: {  	s0 =	rddreg [dreg:$0x2]  }
0x4: {  	s5 =	srdreg.scid;
	s1 =	stileid.u32  }
0x5: {  	s2 =	simm.s32 $0x0;
	v0 =	vimm.s32 $0x13121110;
	s5 =	sand.u32 $0x1, s5;
	s6 =	sshll.u32 s1, $0x1  }
0x6: {  	v1 =	vimm.s32 $0x17161514;
	[smem:$0x7FF] =	sst s2;
	v0 =	vunpack.c.0.s8.s32 v0;
	s6 =	sor.u32 s5, s6;
	s5 =	ssub.s32 $0x2, s5  }
0x7: {  	vm0 =	vcmask $0xF00;
	v1 =	vunpack.c.0.s8.s32 v1;
	_ =	strace $0x80000047;
	s7 =	sshll.u32 s6, $0xB;
	s8 =	sshrl.u32 s5, $0x1  }
0x8: {  	vm14 =	vcmask $0x1F10;
	s6 =	sshll.u32 s6, $0xD;
	v0 =	vnsel vm0, $0x19, v0;
	s4 =	sadd.s32 s7, s4;
	s5 =	ssub.s32 s5, s8  }
0x9: {  	vm15 =	vcmask $0x2320;
	s3 =	sadd.s32 s3, s6;
	v0 =	vsel vm14, v1, v0;
	s6 =	simm.s32 $0x1;
	s7 =	simm.s32 $0x10000  }
0xa: {  	s8 =	simm.s32 $0x0;
	s4 =	sadd.s32 $0xC00, s4;
	s5 =	smax.u32 s5, $0x1;
	v0 =	vsel vm15, $0x18, v0  }
.LBB2_1:
0xb: {  	s9 =	simm.s32 $0x0  }
0xc: {  	v1 =	vor.u32 s9, v0  }
0xd: {  	[tilespmem:s2], [sflag:$0x1] =	stream.linear.gather [hbm4b:s3+s2], $0x10000, $0x38;
	[tilespmem:$0x14000] =	vst v63  }
0xe: {  	_ =	swait.ge [sflag:s6], $0x10000  }
0xf: {  	[sflag:s6] =	ssyncset.done $0x0  }
0x10: {  	[sflag:s6] =	ssyncadd.s32 $0xFFFF0000  }
0x11: {  	v3 =	vld.idx.msk [tilespmem:v1+s2+$0x0], $0xffff  }
0x12: {  	s10 =	simm.s32 $0x80;
	s12 =	simm.s32 $0x2;
	v1 =	vld [tilespmem:s2+$0x0]  }
0x13: {  	s11 =	simm.s32 $0x0;
	s9 =	simm.s32 $0x10010;
	v2 =	vor.u32 s10, v0;
	s10 =	simm.s32 $0x10010  }
.LBB2_2:
0x14: {  	_ = 	snop  }
0x15: {  	s11 =	sadd.s32 $0x80, s11;
	s10 =	sadd.s32 $0x20, s10  }
0x16: {  	s13 =	smov.u32 s12;
	s14 =	sadd.s32 $0x1, s12;
	p0 =	sne.s32 s12, $0x1FF;
	[tilespmem:s9+$0x0] =	vst v3  }
.Ltmp0:
0x17: {  	[tilespmem:s9+$0xFFFFFFF0] =	vst v1;
	s9 =	smov.u32 s10;
	(pc) =	sbr.rel @p0 .LBB2_2-.Ltmp0, $4  }
0x18: {  	v3 =	vld.idx.msk [tilespmem:v2+s2+$0x0], $0xffff  }
0x19: {  	v1 =	vld [tilespmem:s11+$0x0]  }
0x1a: {  	s12 =	sshll.u32 s13, $0x7  }
0x1b: {  	v2 =	vor.u32 s12, v0;
	s12 =	smov.u32 s14  }
0x1c: {  	_ =	sdelay $0x1  }
0x1d: {  	[tilespmem:s9+$0x0] =	vst v3  }
0x1e: {  	[tilespmem:s9+$0xFFFFFFF0] =	vst v1  }
0x1f: {  	s30 =	sadd.s32 $0x80, s11;
	v1 =	vld.idx.msk [tilespmem:v2+s2+$0x0], $0xffff  }
0x20: {  	v2 =	vld [tilespmem:s30+$0x0];
	_ =	sdelay $0x2  }
0x21: {  	s31 =	sadd.s32 $0x20, s10;
	s8 =	sadd.s32 $0x1, s8  }
0x22: {  	p0 =	sne.s32 s8, s5;
	[tilespmem:s31+$0x0] =	vst v1  }
.Ltmp1:
0x23: {  	[tilespmem:s31+$0xFFFFFFF0] =	vst v2;
	(pc) =	sbr.rel @p0 .LBB2_1-.Ltmp1, $4  }
0x24: {  	[hbm4b:s4+s2] =	stream.linear.scatter [tilespmem:s7], [sflag:$0x1], $0x4000, $0x38;
	[tilespmem:$0x14000] =	vst v63  }
0x25: {  	_ =	swait.ge [sflag:s6], $0x4000  }
0x26: {  	[sflag:s6] =	ssyncset.done $0x0  }
0x27: {  	[sflag:s6] =	ssyncadd.s32 $0xFFFFC000  }
0x28: {  	_ =	sfence.sel $0x180000  }
0x29: {  	[bflag:$0x0] =	sbarrier.arrive $0xFFFF  }
0x2a: {  	p0 =	sne.s32 s1, $0x0;
	_ =	strace $0x90000047  }
0x2b: {  	s0 =	sadd.s32 @!p0 $0x100000, s0;
	[bflag:$0x2] =	sbarrier.arrive $0xFFFF  }
0x2c: {  	[sflag:s0] =	ssyncadd.tile.s32 @!p0 $0x1;
	_ =	shalt  }
.Lfunc_end2:
_tile_overlayer_lowered:
.L_overlay_start_2:
0x2d: {  	(tag) =	ssettag $0x2  }
0x2e: {  	s0 =	rddreg [dreg:$0x0];
	s2 =	stileid.u32  }
0x2f: {  	s1 =	rddreg [dreg:$0x1];
	p0 =	sne.s32 s2, $0x0  }
0x30: {  	s3 =	rddreg [dreg:$0x2];
	[bflag:$0x3] =	sbarrier.arrive $0xFFFF;
	s2 =	simm.s32 @!p0 $0x1C01  }
0x31: {  	[timem:s3], [sflag:s2] =	dma.local @!p0 [hbm:s0], s1  }
0x32: {  	s0 =	simm.s32 @!p0 $0x1  }
0x33: {  	_ =	swait.ge @!p0 [sflag:s0], s1  }
0x34: {  	s1 =	ssub.s32 @!p0 $0x0, s1;
	[sflag:s0] =	ssyncset.done @!p0 $0x0  }
0x35: {  	[sflag:s0] =	ssyncadd.s32 @!p0 s1  }
0x36: {  	[bflag:$0x3] =	sbarrier.arrive $0xFFFF  }
0x37: {  	_ =	shalt  }

// kernel: kernel.7.cloned.1.call-start
scs
__scs_entry_jumppad:
0x0: {  	(pc) =	sbr.rel $0x88, $3  }
0x1: {  	(tag) =	ssettag $0x0;
	lr =	simm.s32 $0x1  }
0x2: {  	[smem:$0x3F9F] =	sst lr;
	_ =	strace $0xD0000000  }
0x3: {  	_ = 	snop  }
0x4: {  	_ = 	snop  }
0x5: {  	_ = 	snop  }
0x6: {  	_ = 	snop  }
0x7: {  	_ = 	snop  }
__scs_overlays_trampoline_lowered:
0x8: {  	[smem:$0x3FAE] =	sst s0  }
0x9: {  	[smem:$0x3FAF] =	sst s1  }
0xa: {  	[smem:$0x3FB0] =	sst s2  }
0xb: {  	[smem:$0x3FB1] =	sst s3  }
0xc: {  	[smem:$0x3FB2] =	sst s4  }
0xd: {  	[smem:$0x3FB3] =	sst s5  }
0xe: {  	[smem:$0x3FB4] =	sst s6  }
0xf: {  	[smem:$0x3FB5] =	sst s7  }
0x10: {  	[smem:$0x3FB6] =	sst s8  }
0x11: {  	[smem:$0x3FB7] =	sst s9;
	s0 =	simm.s32 @!p0 $0x0  }
0x12: {  	s1 =	sld [smem:$0x3F9D];
	s0 =	simm.s32 @p0 $0x1  }
0x13: {  	[smem:$0x3FB8] =	sst s0;
	s0 =	simm.s32 @!p1 $0x0  }
0x14: {  	s2 =	sld [smem:$0x3F9C];
	s0 =	simm.s32 @p1 $0x1  }
0x15: {  	[smem:$0x3FB9] =	sst s0;
	s0 =	simm.s32 @!p2 $0x0  }
0x16: {  	s3 =	sld [smem:$0x3FDB];
	s0 =	simm.s32 @p2 $0x1  }
0x17: {  	s4 =	simm.s32 $0x1BF5;
	[smem:$0x3FBB] =	sst s0  }
0x18: {  	s0 =	sld [smem:$0x3F9E];
	_ =	swait.ge [sflag:s4], $0x0  }
0x19: {  	s7 =	sld [smem:$0x3F9F]  }
0x1a: {  	s8 =	sadd.s32 $0xFFFFE003, lr  }
0x1b: {  	s9 =	sadd.s32 $0xFFFFFEF7, lr;
	s5 =	simm.s32 $0xFFFFFFFF;
	p2 =	slt.u32 s8, $0xFFFFF086  }
0x1c: {  	p1 =	slt.u32 s9, $0xF7A;
	s5 =	simm.s32 @!p2 $0x0  }
0x1d: {  	s5 =	simm.s32 @p1 $0x1;
	p0 =	seq.s32 s7, s2  }
0x1e: {  	s7 =	smul.u32 @!p0 $0xF7A, s2;
	p2 =	seq.s32 @!p0 s5, $0x0  }
0x1f: {  	s9 =	smul.u32 $0xF7A, s1;
	s8 =	simm.s32 @!p0 $0x1BF5;
	p2 =	por !p2, p0  }
0x20: {  	[sflag:s8] =	ssyncset.s32 @!p0 $0xFFFFF086;
	s6 =	sadd.s32 @!p0 s3, s7;
	s7 =	simm.s32 @!p0 $0x108  }
0x21: {  	s3 =	sadd.s32 s3, s9;
	s6 =	sadd.s32 @!p0 $0x88, s6;
	s7 =	simm.s32 @p2 $0x1082  }
0x22: {  	[simem:s7], [sflag:s8] =	dma.local @!p0 [hbm:s6], $0xF7A  }
0x23: {  	s9 =	sor.u32 $0xD0000000, s2;
	s6 =	simm.s32 $0x108;
	_ =	swait.ge @!p0 [sflag:s8], $0x0  }
0x24: {  	s3 =	sadd.s32 $0x88, s3;
	s6 =	simm.s32 @!p1 $0x1082;
	[sflag:s4] =	ssyncset.s32 $0xFFFFF086  }
0x25: {  	[simem:s6], [sflag:s4] =	dma.local [hbm:s3], $0xF7A  }
0x26: {  	[smem:$0x3F9F] =	sst s1;
	(tag) =	ssettag s2;
	_ =	strace s9  }
0x27: {  	s1 =	sld [smem:$0x3FAF]  }
0x28: {  	s2 =	sld [smem:$0x3FB0]  }
0x29: {  	s4 =	sld [smem:$0x3FB2]  }
0x2a: {  	p0 =	seq.s32 s5, $0x0;
	s5 =	sld [smem:$0x3FB3]  }
0x2b: {  	s6 =	sld [smem:$0x3FB4]  }
0x2c: {  	s7 =	sld [smem:$0x3FB5]  }
0x2d: {  	s3 =	simm.s32 $0x108;
	s8 =	sld [smem:$0x3FB6]  }
0x2e: {  	s3 =	simm.s32 @!p0 $0x1082;
	s9 =	sld [smem:$0x3FB7]  }
0x2f: {  	lr =	sadd.s32 s0, s3;
	s0 =	sld [smem:$0x3FAE]  }
0x30: {  	s3 =	sld [smem:$0x3FB1]  }
0x31: {  	[smem:$0x3FBA] =	sst s10  }
0x32: {  	s10 =	sld [smem:$0x3FB8];
	_ =	sdelay $0x3  }
0x33: {  	p0 =	seq.s32 s10, $0x1;
	s10 =	sld [smem:$0x3FBA];
	_ =	sdelay $0x3  }
0x34: {  	[smem:$0x3FBA] =	sst s10  }
0x35: {  	s10 =	sld [smem:$0x3FB9];
	_ =	sdelay $0x3  }
0x36: {  	p1 =	seq.s32 s10, $0x1;
	s10 =	sld [smem:$0x3FBA];
	_ =	sdelay $0x3  }
0x37: {  	[smem:$0x3FBA] =	sst s10  }
0x38: {  	s10 =	sld [smem:$0x3FBB]  }
0x39: {  	_ = 	snop;
	(pc) =	sbr.ind lr, $3  }
0x3a: {  	_ = 	snop  }
0x3b: {  	_ = 	snop  }
0x3c: {  	p2 =	seq.s32 s10, $0x1;
	s10 =	sld [smem:$0x3FBA]  }
0x3d: {  	_ =	shalt  }
0x3e: {  	_ =	shalt  }
0x3f: {  	_ =	shalt  }
0x40: {  	_ =	shalt  }
0x41: {  	_ =	shalt  }
0x42: {  	_ =	shalt  }
0x43: {  	_ =	shalt  }
0x44: {  	_ =	shalt  }
0x45: {  	_ =	shalt  }
0x46: {  	_ =	shalt  }
0x47: {  	_ =	shalt  }
0x48: {  	_ =	shalt  }
0x49: {  	_ =	shalt  }
0x4a: {  	_ =	shalt  }
0x4b: {  	_ =	shalt  }
0x4c: {  	_ =	shalt  }
0x4d: {  	_ =	shalt  }
0x4e: {  	_ =	shalt  }
0x4f: {  	_ =	shalt  }
0x50: {  	_ =	shalt  }
0x51: {  	_ =	shalt  }
0x52: {  	_ =	shalt  }
0x53: {  	_ =	shalt  }
0x54: {  	_ =	shalt  }
0x55: {  	_ =	shalt  }
0x56: {  	_ =	shalt  }
0x57: {  	_ =	shalt  }
0x58: {  	_ =	shalt  }
0x59: {  	_ =	shalt  }
0x5a: {  	_ =	shalt  }
0x5b: {  	_ =	shalt  }
0x5c: {  	_ =	shalt  }
0x5d: {  	_ =	shalt  }
0x5e: {  	_ =	shalt  }
0x5f: {  	_ =	shalt  }
0x60: {  	_ =	shalt  }
0x61: {  	_ =	shalt  }
0x62: {  	_ =	shalt  }
0x63: {  	_ =	shalt  }
0x64: {  	_ =	shalt  }
0x65: {  	_ =	shalt  }
0x66: {  	_ =	shalt  }
0x67: {  	_ =	shalt  }
0x68: {  	_ =	shalt  }
0x69: {  	_ =	shalt  }
0x6a: {  	_ =	shalt  }
0x6b: {  	_ =	shalt  }
0x6c: {  	_ =	shalt  }
0x6d: {  	_ =	shalt  }
0x6e: {  	_ =	shalt  }
0x6f: {  	_ =	shalt  }
0x70: {  	_ =	shalt  }
0x71: {  	_ =	shalt  }
0x72: {  	_ =	shalt  }
0x73: {  	_ =	shalt  }
0x74: {  	_ =	shalt  }
0x75: {  	_ =	shalt  }
0x76: {  	_ =	shalt  }
0x77: {  	_ =	shalt  }
0x78: {  	_ =	shalt  }
0x79: {  	_ =	shalt  }
0x7a: {  	_ =	shalt  }
0x7b: {  	_ =	shalt  }
0x7c: {  	_ =	shalt  }
0x7d: {  	_ =	shalt  }
0x7e: {  	_ =	shalt  }
0x7f: {  	_ =	shalt  }
0x80: {  	_ =	shalt  }
0x81: {  	_ =	shalt  }
0x82: {  	_ =	shalt  }
0x83: {  	_ =	shalt  }
0x84: {  	_ =	shalt  }
0x85: {  	_ =	shalt  }
0x86: {  	_ =	shalt  }
0x87: {  	_ =	shalt  }
.Lfunc_end0:
.L_simem_size_0:
called_computation.2_lowered:
.L_overlay_start_0:
0x88: {  	s2 =	sld [smem:$0x3FD9]  }
0x89: {  	s3 =	sld [smem:$0x3FFE];
	_ =	sdelay $0x1  }
0x8a: {  	s1 =	srdreg.scid  }
0x8b: {  	s0 =	sand.u32 $0x1, s1  }
0x8c: {  	s17 =	sshll.u32 s0, $0xA;
	s2 =	sadd.s32 s3, s2  }
0x8d: {  	s2 =	sadd.s32 s2, s17  }
0x8e: {  	[smem:$0x3FC6] =	sst s2  }
0x8f: {  	_ = 	snop  }
0x90: {  	s2 =	sld [smem:$0x3FD0];
	(tm) =	ssettm $0x1  }
0x91: {  	s18 =	sld [smem:$0x3FFB];
	_ =	sdelay $0x3  }
0x92: {  	_ =	strace s18  }
0x93: {  	s3 =	sld [smem:$0x3FFC];
	_ =	sdelay $0x3  }
0x94: {  	_ =	strace s3  }
0x95: {  	s3 =	sld [smem:$0x3FFD];
	_ =	sdelay $0x3  }
0x96: {  	_ =	strace s3  }
0x97: {  	_ =	strace $0x8FFFFFFF  }
0x98: {  	s19 =	sld [smem:$0x3FDB];
	_ =	sdelay $0x1  }
0x99: {  	s4 =	simm.s32 $_scs_section_size  }
0x9a: {  	s5 =	simm.s32 $_size__tile_overlayer_lowered;
	s6 =	simm.s32 $_tile_overlayer_lowered  }
0x9b: {  	s22 =	simm.s32 $0x1BFF;
	s21 =	sshll.u32 s6, $0x1;
	s3 =	sadd.s32 s4, s19  }
0x9c: {  	s7 =	simm.s32 $0x0;
	s20 =	sshll.u32 s5, $0x1;
	s5 =	sadd.s32 s21, s3  }
0x9d: {  	[timem:s7], [sflag:s22] =	dma.local [hbm:s5], s20  }
0x9e: {  	_ =	swait.ge [sflag:s22], s20  }
0x9f: {  	s4 =	ssub.s32 $0x0, s20;
	[sflag:s22] =	ssyncset.done $0x0  }
0xa0: {  	[sflag:s22] =	ssyncadd.s32 s4;
	_ =	sdelay $0x1  }
0xa1: {  	s23 =	simm.s32 $0x1B8B  }
0xa2: {  	_ =	swait.ge [sflag:s23], $0x1  }
0xa3: {  	[sflag:s23] =	ssyncset.done $0x0  }
0xa4: {  	s25 =	simm.s32 $0x1B8E;
	s24 =	sld [smem:$0x3FFE];
	[sflag:s23] =	ssyncadd.s32 $0xFFFFFFFF  }
0xa5: {  	s26 =	simm.s32 $execute0_lowered;
	[smem:$0x3FD2] =	sst s25  }
0xa6: {  	s5 =	sshll.u32 s26, $0x1;
	_ =	strace $0x80000049;
	[dreg:$0x1] =	wrdreg $0xFFFFFFFF  }
0xa7: {  	s28 =	simm.s32 $_size_execute0_lowered;
	s3 =	sadd.s32 s3, s5;
	[dreg:$0x0] =	wrdreg $0x0  }
0xa8: {  	s5 =	sshll.u32 s28, $0x1;
	[dreg:$0x2] =	wrdreg s3  }
0xa9: {  	[dreg:$0x3] =	wrdreg s5  }
0xaa: {  	[dreg:$0x4] =	wrdreg $0xC0  }
0xab: {  	_ =	task [dreg:s7], $0x5FFFF  }
0xac: {  	[dreg:$0x1] =	wrdreg $0xFFFFFFFF  }
0xad: {  	[dreg:$0x0] =	wrdreg $0x60  }
0xae: {  	[dreg:$0x2] =	wrdreg s24  }
0xaf: {  	[dreg:$0x3] =	wrdreg s2  }
0xb0: {  	[dreg:$0x4] =	wrdreg $0x9  }
0xb1: {  	_ =	task.clear_ibuf [dreg:s7], $0x5FFFF;
	_ =	strace $0x90000049  }
0xb2: {  	s29 =	simm.s32 $0x9;
	_ =	strace $0x8000004B  }
0xb3: {  	_ =	swait.ge [sflag:s29], $0x1  }
0xb4: {  	[sflag:s29] =	ssyncadd.s32 $0xFFFFFFFF  }
0xb5: {  	_ =	strace $0x9000004B  }
0xb6: {  	_ =	sfence  }
0xb7: {  	s30 =	sld [smem:$0x0];
	_ =	sdelay $0x2  }
0xb8: {  	s31 =	sshll.u32 s1, $0xD;
	s1 =	sshrl.u32 s1, $0x2  }
0xb9: {  	s3 =	sand.u32 $0x4000, s31;
	s1 =	sadd.s32 s1, s30  }
0xba: {  	s0 =	sor.u32 s3, s0;
	s1 =	sshll.u32 s1, $0x11  }
0xbb: {  	s0 =	sor.u32 s1, s0  }
0xbc: {  	s0 =	sadd.s32 $0x8F2B, s0  }
0xbd: {  	[sflag:s0] =	ssyncadd.remote.s32 $0x1  }
0xbe: {  	_ =	sfence.sel $0xFFFF  }
0xbf: {  	[dreg:$0x0] =	wrdreg $0xFFFFFFFF;
	(pc) =	sbr.abs _section_cstart, $3  }
0xc0: {  	[dreg:$0x1] =	wrdreg $0xFFFFFFFF  }
0xc1: {  	_ =	task.clear_ibuf [dreg:s7], $0x2FFFF;
	_ =	strace $0x9FFFFFFF  }
0xc2: {  	(tm) =	ssettm $0x7FFFFFFF  }
0xc3: {  	_ =	shalt  }
tec
execute0_lowered:
.L_overlay_start_1:
0x0: {  	(tag) =	ssettag $0x1  }
0x1: {  	s1 =	rddreg [dreg:$0x0]  }
0x2: {  	s3 =	rddreg [dreg:$0x1];
	s8 =	simm.s32 $0x0  }
0x3: {  	s21 =	simm.s32 $0x20;
	[smem:$0x7FF] =	sst s8  }
0x4: {  	s22 =	simm.s32 $0x40;
	_ =	strace $0x8000004A;
	[dreg:$0x13] =	wrdreg s21  }
0x5: {  	s23 =	simm.s32 $0x60;
	[dreg:$0x14] =	wrdreg s22  }
0x6: {  	s24 =	simm.s32 $0x80;
	[dreg:$0x15] =	wrdreg s23  }
0x7: {  	s25 =	simm.s32 $0xA0;
	[dreg:$0x16] =	wrdreg s24  }
0x8: {  	s0 =	srdreg.scid;
	s26 =	simm.s32 $0xC0;
	[dreg:$0x17] =	wrdreg s25  }
0x9: {  	s2 =	stileid.u32;
	s28 =	simm.s32 $0xE0;
	[dreg:$0x18] =	wrdreg s26  }
0xa: {  	s29 =	simm.s32 $0x100;
	s30 =	simm.s32 $0x120;
	[dreg:$0x19] =	wrdreg s28  }
0xb: {  	s0 =	sand.u32 $0x1, s0;
	s2 =	sshll.u32 s2, $0x1;
	[dreg:$0x1a] =	wrdreg s29  }
0xc: {  	s31 =	simm.s32 $0x140;
	s4 =	sor.u32 s0, s2;
	[dreg:$0x1b] =	wrdreg s30  }
0xd: {  	[dreg:$0x1c] =	wrdreg s31;
	s5 =	smul.u32 $0xD000, s4;
	s6 =	sshll.u32 s4, $0xB  }
0xe: {  	s2 =	simm.s32 $0x160;
	s4 =	smul.u32 $0x68000, s4;
	s6 =	sadd.s32 s6, s1  }
0xf: {  	[dreg:$0x1d] =	wrdreg s2;
	s6 =	sadd.s32 $0xC00, s6  }
0x10: {  	s5 =	sadd.s32 s3, s5;
	s4 =	sshrl.u32 s4, $0x3;
	[dreg:$0x3] =	wrdreg s6  }
0x11: {  	[smem:$0x60B] =	sst s5;
	s5 =	sadd.s32 $0xD00, s5;
	s3 =	sadd.s32 s3, s4  }
0x12: {  	[dreg:$0x4] =	wrdreg s5;
	s4 =	sadd.s32 $0x1A00, s3  }
0x13: {  	s9 =	sadd.s32 $0x2700, s3;
	[dreg:$0x5] =	wrdreg s4  }
0x14: {  	s10 =	sadd.s32 $0x3400, s3;
	[dreg:$0x6] =	wrdreg s9  }
0x15: {  	s11 =	sadd.s32 $0x4100, s3;
	[dreg:$0x7] =	wrdreg s10  }
0x16: {  	s12 =	sadd.s32 $0x4E00, s3;
	[dreg:$0x8] =	wrdreg s11  }
0x17: {  	s13 =	sadd.s32 $0x5B00, s3;
	[dreg:$0x9] =	wrdreg s12  }
0x18: {  	s14 =	sadd.s32 $0x6800, s3;
	[dreg:$0xa] =	wrdreg s13  }
0x19: {  	s15 =	sadd.s32 $0x7500, s3;
	[dreg:$0xb] =	wrdreg s14  }
0x1a: {  	s16 =	sadd.s32 $0x8200, s3;
	[dreg:$0xc] =	wrdreg s15  }
0x1b: {  	s17 =	sadd.s32 $0x8F00, s3;
	[dreg:$0xd] =	wrdreg s16  }
0x1c: {  	s18 =	sadd.s32 $0x9C00, s3;
	[dreg:$0xe] =	wrdreg s17  }
0x1d: {  	s19 =	sadd.s32 $0xA900, s3;
	[dreg:$0xf] =	wrdreg s18  }
0x1e: {  	s20 =	sadd.s32 $0xB600, s3;
	[dreg:$0x10] =	wrdreg s19  }
0x1f: {  	s3 =	sadd.s32 $0xC300, s3;
	[dreg:$0x11] =	wrdreg s20  }
0x20: {  	[dreg:$0x12] =	wrdreg s3;
	s4 =	simm.s32 $0x180  }
0x21: {  	s5 =	simm.s32 $0x1A0;
	[dreg:$0x1e] =	wrdreg s4  }
0x22: {  	s6 =	simm.s32 $0x1C0;
	[dreg:$0x1f] =	wrdreg s5  }
0x23: {  	s7 =	simm.s32 $0x1E0;
	[smem:$0x60C] =	sst s6  }
0x24: {  	s8 =	simm.s32 $0x200;
	[smem:$0x60D] =	sst s7  }
0x25: {  	s9 =	simm.s32 $0x220;
	[smem:$0x60E] =	sst s8  }
0x26: {  	s10 =	simm.s32 $0x240;
	[smem:$0x60F] =	sst s9  }
0x27: {  	s11 =	simm.s32 $0x260;
	[smem:$0x610] =	sst s10  }
0x28: {  	s12 =	simm.s32 $0x280;
	[smem:$0x611] =	sst s11  }
0x29: {  	s13 =	simm.s32 $0x2A0;
	[smem:$0x612] =	sst s12  }
0x2a: {  	s14 =	simm.s32 $0x2C0;
	[smem:$0x613] =	sst s13  }
0x2b: {  	s15 =	simm.s32 $0x2E0;
	[smem:$0x614] =	sst s14  }
0x2c: {  	s16 =	simm.s32 $0x300;
	[smem:$0x615] =	sst s15  }
0x2d: {  	s17 =	simm.s32 $0x320;
	[smem:$0x616] =	sst s16  }
0x2e: {  	s18 =	simm.s32 $0x340;
	[smem:$0x617] =	sst s17  }
0x2f: {  	s19 =	simm.s32 $0x360;
	[smem:$0x618] =	sst s18  }
0x30: {  	s20 =	simm.s32 $0x380;
	[smem:$0x619] =	sst s19  }
0x31: {  	s21 =	simm.s32 $0x3A0;
	[smem:$0x61A] =	sst s20  }
0x32: {  	s22 =	simm.s32 $0x3C0;
	[smem:$0x61B] =	sst s21  }
0x33: {  	s23 =	simm.s32 $0x3E0;
	[smem:$0x61C] =	sst s22  }
0x34: {  	s24 =	simm.s32 $0x400;
	[smem:$0x61D] =	sst s23  }
0x35: {  	s25 =	simm.s32 $0x420;
	[smem:$0x61E] =	sst s24  }
0x36: {  	s26 =	simm.s32 $0x440;
	[smem:$0x61F] =	sst s25  }
0x37: {  	s28 =	simm.s32 $0x460;
	[smem:$0x620] =	sst s26  }
0x38: {  	s29 =	simm.s32 $0x480;
	[smem:$0x621] =	sst s28  }
0x39: {  	s30 =	simm.s32 $0x4A0;
	[smem:$0x622] =	sst s29  }
0x3a: {  	s31 =	simm.s32 $0x4C0;
	[smem:$0x623] =	sst s30  }
0x3b: {  	s2 =	simm.s32 $0x4E0;
	[smem:$0x624] =	sst s31  }
0x3c: {  	[smem:$0x625] =	sst s2;
	s4 =	simm.s32 $0x500  }
0x3d: {  	s5 =	simm.s32 $0x520;
	[smem:$0x626] =	sst s4  }
0x3e: {  	s6 =	simm.s32 $0x540;
	[smem:$0x627] =	sst s5  }
0x3f: {  	s7 =	simm.s32 $0x560;
	[smem:$0x628] =	sst s6  }
0x40: {  	s8 =	simm.s32 $0x580;
	[smem:$0x629] =	sst s7  }
0x41: {  	s9 =	simm.s32 $0x5A0;
	[smem:$0x62A] =	sst s8  }
0x42: {  	s10 =	simm.s32 $0x5C0;
	[smem:$0x62B] =	sst s9  }
0x43: {  	s11 =	simm.s32 $0x5E0;
	[smem:$0x62C] =	sst s10  }
0x44: {  	s12 =	simm.s32 $0x600;
	[smem:$0x62D] =	sst s11  }
0x45: {  	s13 =	simm.s32 $0x620;
	[smem:$0x62E] =	sst s12  }
0x46: {  	s14 =	simm.s32 $0x640;
	[smem:$0x62F] =	sst s13  }
0x47: {  	s15 =	simm.s32 $0x660;
	[smem:$0x630] =	sst s14  }
0x48: {  	s16 =	simm.s32 $0x680;
	[smem:$0x631] =	sst s15  }
0x49: {  	s17 =	simm.s32 $0x6A0;
	[smem:$0x632] =	sst s16  }
0x4a: {  	s18 =	simm.s32 $0x6C0;
	[smem:$0x633] =	sst s17  }
0x4b: {  	s19 =	simm.s32 $0x6E0;
	[smem:$0x634] =	sst s18  }
0x4c: {  	s20 =	simm.s32 $0x700;
	[smem:$0x635] =	sst s19  }
0x4d: {  	s21 =	simm.s32 $0x720;
	[smem:$0x636] =	sst s20  }
0x4e: {  	s22 =	simm.s32 $0x740;
	[smem:$0x637] =	sst s21  }
0x4f: {  	s23 =	simm.s32 $0x760;
	[smem:$0x638] =	sst s22  }
0x50: {  	s24 =	simm.s32 $0x780;
	[smem:$0x639] =	sst s23  }
0x51: {  	s25 =	simm.s32 $0x7A0;
	[smem:$0x63A] =	sst s24  }
0x52: {  	s26 =	simm.s32 $0x7C0;
	[smem:$0x63B] =	sst s25  }
0x53: {  	s28 =	simm.s32 $0x7E0;
	[smem:$0x63C] =	sst s26  }
0x54: {  	s29 =	simm.s32 $0x800;
	[smem:$0x63D] =	sst s28  }
0x55: {  	s30 =	simm.s32 $0x820;
	[smem:$0x63E] =	sst s29  }
0x56: {  	s31 =	simm.s32 $0x840;
	[smem:$0x63F] =	sst s30  }
0x57: {  	s2 =	simm.s32 $0x860;
	[smem:$0x640] =	sst s31  }
0x58: {  	[smem:$0x641] =	sst s2;
	s4 =	simm.s32 $0x880  }
0x59: {  	s5 =	simm.s32 $0x8A0;
	[smem:$0x642] =	sst s4  }
0x5a: {  	s6 =	simm.s32 $0x8C0;
	[smem:$0x643] =	sst s5  }
0x5b: {  	s7 =	simm.s32 $0x8E0;
	[smem:$0x644] =	sst s6  }
0x5c: {  	s8 =	simm.s32 $0x900;
	[smem:$0x645] =	sst s7  }
0x5d: {  	s9 =	simm.s32 $0x920;
	[smem:$0x646] =	sst s8  }
0x5e: {  	s10 =	simm.s32 $0x940;
	[smem:$0x647] =	sst s9  }
0x5f: {  	s11 =	simm.s32 $0x960;
	[smem:$0x648] =	sst s10  }
0x60: {  	s12 =	simm.s32 $0x980;
	[smem:$0x649] =	sst s11  }
0x61: {  	s13 =	simm.s32 $0x9A0;
	[smem:$0x64A] =	sst s12  }
0x62: {  	s14 =	simm.s32 $0x9C0;
	[smem:$0x64B] =	sst s13  }
0x63: {  	s15 =	simm.s32 $0x9E0;
	[smem:$0x64C] =	sst s14  }
0x64: {  	s16 =	simm.s32 $0xA00;
	[smem:$0x64D] =	sst s15  }
0x65: {  	s17 =	simm.s32 $0xA20;
	[smem:$0x64E] =	sst s16  }
0x66: {  	s18 =	simm.s32 $0xA40;
	[smem:$0x64F] =	sst s17  }
0x67: {  	s19 =	simm.s32 $0xA60;
	[smem:$0x650] =	sst s18  }
0x68: {  	s20 =	simm.s32 $0xA80;
	[smem:$0x651] =	sst s19  }
0x69: {  	s21 =	simm.s32 $0xAA0;
	[smem:$0x652] =	sst s20  }
0x6a: {  	s22 =	simm.s32 $0xAC0;
	[smem:$0x653] =	sst s21  }
0x6b: {  	s23 =	simm.s32 $0xAE0;
	[smem:$0x654] =	sst s22  }
0x6c: {  	s24 =	simm.s32 $0xB00;
	[smem:$0x655] =	sst s23  }
0x6d: {  	s25 =	simm.s32 $0xB20;
	[smem:$0x656] =	sst s24  }
0x6e: {  	s26 =	simm.s32 $0xB40;
	[smem:$0x657] =	sst s25  }
0x6f: {  	s28 =	simm.s32 $0xB60;
	[smem:$0x658] =	sst s26  }
0x70: {  	s29 =	simm.s32 $0xB80;
	[smem:$0x659] =	sst s28  }
0x71: {  	s30 =	simm.s32 $0xBA0;
	[smem:$0x65A] =	sst s29  }
0x72: {  	s31 =	simm.s32 $0xBC0;
	[smem:$0x65B] =	sst s30  }
0x73: {  	s2 =	simm.s32 $0xBE0;
	[smem:$0x65C] =	sst s31  }
0x74: {  	[smem:$0x65D] =	sst s2;
	s4 =	simm.s32 $0xC00  }
0x75: {  	s5 =	simm.s32 $0xC20;
	[smem:$0x65E] =	sst s4  }
0x76: {  	s6 =	simm.s32 $0xC40;
	[smem:$0x65F] =	sst s5  }
0x77: {  	s7 =	simm.s32 $0xC60;
	[smem:$0x660] =	sst s6  }
0x78: {  	s8 =	simm.s32 $0xC80;
	[smem:$0x661] =	sst s7  }
0x79: {  	s9 =	simm.s32 $0xCA0;
	[smem:$0x662] =	sst s8  }
0x7a: {  	s10 =	simm.s32 $0xCC0;
	[smem:$0x663] =	sst s9  }
0x7b: {  	s11 =	simm.s32 $0xCE0;
	[smem:$0x664] =	sst s10  }
0x7c: {  	s12 =	simm.s32 $0xD00;
	[smem:$0x665] =	sst s11  }
0x7d: {  	s13 =	simm.s32 $0xD20;
	[smem:$0x666] =	sst s12  }
0x7e: {  	s14 =	simm.s32 $0xD40;
	[smem:$0x667] =	sst s13  }
0x7f: {  	s15 =	simm.s32 $0xD60;
	[smem:$0x668] =	sst s14  }
0x80: {  	s16 =	simm.s32 $0xD80;
	[smem:$0x669] =	sst s15  }
0x81: {  	s17 =	simm.s32 $0xDA0;
	[smem:$0x66A] =	sst s16  }
0x82: {  	s18 =	simm.s32 $0xDC0;
	[smem:$0x66B] =	sst s17  }
0x83: {  	s19 =	simm.s32 $0xDE0;
	[smem:$0x66C] =	sst s18  }
0x84: {  	s20 =	simm.s32 $0xE00;
	[smem:$0x66D] =	sst s19  }
0x85: {  	s21 =	simm.s32 $0xE20;
	[smem:$0x66E] =	sst s20  }
0x86: {  	s22 =	simm.s32 $0xE40;
	[smem:$0x66F] =	sst s21  }
0x87: {  	s23 =	simm.s32 $0xE60;
	[smem:$0x670] =	sst s22  }
0x88: {  	s24 =	simm.s32 $0xE80;
	[smem:$0x671] =	sst s23  }
0x89: {  	s25 =	simm.s32 $0xEA0;
	[smem:$0x672] =	sst s24  }
0x8a: {  	s26 =	simm.s32 $0xEC0;
	[smem:$0x673] =	sst s25  }
0x8b: {  	s28 =	simm.s32 $0xEE0;
	[smem:$0x674] =	sst s26  }
0x8c: {  	s29 =	simm.s32 $0xF00;
	[smem:$0x675] =	sst s28  }
0x8d: {  	s30 =	simm.s32 $0xF20;
	[smem:$0x676] =	sst s29  }
0x8e: {  	s31 =	simm.s32 $0xF40;
	[smem:$0x677] =	sst s30  }
0x8f: {  	s2 =	simm.s32 $0xF60;
	[smem:$0x678] =	sst s31  }
0x90: {  	[smem:$0x679] =	sst s2;
	s4 =	simm.s32 $0xF80  }
0x91: {  	s5 =	simm.s32 $0xFA0;
	[smem:$0x67A] =	sst s4  }
0x92: {  	s6 =	simm.s32 $0xFC0;
	[smem:$0x67B] =	sst s5  }
0x93: {  	s7 =	simm.s32 $0xFE0;
	[smem:$0x67C] =	sst s6  }
0x94: {  	s8 =	simm.s32 $0x1000;
	[smem:$0x67D] =	sst s7  }
0x95: {  	s9 =	simm.s32 $0x1020;
	[smem:$0x67E] =	sst s8  }
0x96: {  	s10 =	simm.s32 $0x1040;
	[smem:$0x67F] =	sst s9  }
0x97: {  	s11 =	simm.s32 $0x1060;
	[smem:$0x680] =	sst s10  }
0x98: {  	s12 =	simm.s32 $0x1080;
	[smem:$0x681] =	sst s11  }
0x99: {  	s13 =	simm.s32 $0x10A0;
	[smem:$0x682] =	sst s12  }
0x9a: {  	s14 =	simm.s32 $0x10C0;
	[smem:$0x683] =	sst s13  }
0x9b: {  	s15 =	simm.s32 $0x10E0;
	[smem:$0x684] =	sst s14  }
0x9c: {  	s16 =	simm.s32 $0x1100;
	[smem:$0x685] =	sst s15  }
0x9d: {  	s17 =	simm.s32 $0x1120;
	[smem:$0x686] =	sst s16  }
0x9e: {  	s18 =	simm.s32 $0x1140;
	[smem:$0x687] =	sst s17  }
0x9f: {  	s19 =	simm.s32 $0x1160;
	[smem:$0x688] =	sst s18  }
0xa0: {  	s20 =	simm.s32 $0x1180;
	[smem:$0x689] =	sst s19  }
0xa1: {  	s21 =	simm.s32 $0x11A0;
	[smem:$0x68A] =	sst s20  }
0xa2: {  	s22 =	simm.s32 $0x11C0;
	[smem:$0x68B] =	sst s21  }
0xa3: {  	s23 =	simm.s32 $0x11E0;
	[smem:$0x68C] =	sst s22  }
0xa4: {  	s24 =	simm.s32 $0x1200;
	[smem:$0x68D] =	sst s23  }
0xa5: {  	s25 =	simm.s32 $0x1220;
	[smem:$0x68E] =	sst s24  }
0xa6: {  	s26 =	simm.s32 $0x1240;
	[smem:$0x68F] =	sst s25  }
0xa7: {  	s28 =	simm.s32 $0x1260;
	[smem:$0x690] =	sst s26  }
0xa8: {  	s29 =	simm.s32 $0x1280;
	[smem:$0x691] =	sst s28  }
0xa9: {  	s30 =	simm.s32 $0x12A0;
	[smem:$0x692] =	sst s29  }
0xaa: {  	s31 =	simm.s32 $0x12C0;
	[smem:$0x693] =	sst s30  }
0xab: {  	s2 =	simm.s32 $0x12E0;
	[smem:$0x694] =	sst s31  }
0xac: {  	[smem:$0x695] =	sst s2;
	s4 =	simm.s32 $0x1300  }
0xad: {  	s5 =	simm.s32 $0x1320;
	[smem:$0x696] =	sst s4  }
0xae: {  	s6 =	simm.s32 $0x1340;
	[smem:$0x697] =	sst s5  }
0xaf: {  	s7 =	simm.s32 $0x1360;
	[smem:$0x698] =	sst s6  }
0xb0: {  	s8 =	simm.s32 $0x1380;
	[smem:$0x699] =	sst s7  }
0xb1: {  	s9 =	simm.s32 $0x13A0;
	[smem:$0x69A] =	sst s8  }
0xb2: {  	s10 =	simm.s32 $0x13C0;
	[smem:$0x69B] =	sst s9  }
0xb3: {  	s11 =	simm.s32 $0x13E0;
	[smem:$0x69C] =	sst s10  }
0xb4: {  	s12 =	simm.s32 $0x1400;
	[smem:$0x69D] =	sst s11  }
0xb5: {  	s13 =	simm.s32 $0x1420;
	[smem:$0x69E] =	sst s12  }
0xb6: {  	s14 =	simm.s32 $0x1440;
	[smem:$0x69F] =	sst s13  }
0xb7: {  	s15 =	simm.s32 $0x1460;
	[smem:$0x6A0] =	sst s14  }
0xb8: {  	s16 =	simm.s32 $0x1480;
	[smem:$0x6A1] =	sst s15  }
0xb9: {  	s17 =	simm.s32 $0x14A0;
	[smem:$0x6A2] =	sst s16  }
0xba: {  	s18 =	simm.s32 $0x14C0;
	[smem:$0x6A3] =	sst s17  }
0xbb: {  	s19 =	simm.s32 $0x14E0;
	[smem:$0x6A4] =	sst s18  }
0xbc: {  	s20 =	simm.s32 $0x1500;
	[smem:$0x6A5] =	sst s19  }
0xbd: {  	s21 =	simm.s32 $0x1520;
	[smem:$0x6A6] =	sst s20  }
0xbe: {  	s22 =	simm.s32 $0x1540;
	[smem:$0x6A7] =	sst s21  }
0xbf: {  	s23 =	simm.s32 $0x1560;
	[smem:$0x6A8] =	sst s22  }
0xc0: {  	s24 =	simm.s32 $0x1580;
	[smem:$0x6A9] =	sst s23  }
0xc1: {  	s25 =	simm.s32 $0x15A0;
	[smem:$0x6AA] =	sst s24  }
0xc2: {  	s26 =	simm.s32 $0x15C0;
	[smem:$0x6AB] =	sst s25  }
0xc3: {  	s28 =	simm.s32 $0x15E0;
	[smem:$0x6AC] =	sst s26  }
0xc4: {  	s29 =	simm.s32 $0x1600;
	[smem:$0x6AD] =	sst s28  }
0xc5: {  	s30 =	simm.s32 $0x1620;
	[smem:$0x6AE] =	sst s29  }
0xc6: {  	s31 =	simm.s32 $0x1640;
	[smem:$0x6AF] =	sst s30  }
0xc7: {  	s2 =	simm.s32 $0x1660;
	[smem:$0x6B0] =	sst s31  }
0xc8: {  	[smem:$0x6B1] =	sst s2;
	s4 =	simm.s32 $0x1680  }
0xc9: {  	s5 =	simm.s32 $0x16A0;
	[smem:$0x6B2] =	sst s4  }
0xca: {  	s6 =	simm.s32 $0x16C0;
	[smem:$0x6B3] =	sst s5  }
0xcb: {  	s7 =	simm.s32 $0x16E0;
	[smem:$0x6B4] =	sst s6  }
0xcc: {  	s8 =	simm.s32 $0x1700;
	[smem:$0x6B5] =	sst s7  }
0xcd: {  	s9 =	simm.s32 $0x1720;
	[smem:$0x6B6] =	sst s8  }
0xce: {  	s10 =	simm.s32 $0x1740;
	[smem:$0x6B7] =	sst s9  }
0xcf: {  	s11 =	simm.s32 $0x1760;
	[smem:$0x6B8] =	sst s10  }
0xd0: {  	s12 =	simm.s32 $0x1780;
	[smem:$0x6B9] =	sst s11  }
0xd1: {  	s13 =	simm.s32 $0x17A0;
	[smem:$0x6BA] =	sst s12  }
0xd2: {  	s14 =	simm.s32 $0x17C0;
	[smem:$0x6BB] =	sst s13  }
0xd3: {  	s15 =	simm.s32 $0x17E0;
	[smem:$0x6BC] =	sst s14  }
0xd4: {  	s16 =	simm.s32 $0x1800;
	[smem:$0x6BD] =	sst s15  }
0xd5: {  	s17 =	simm.s32 $0x1820;
	[smem:$0x6BE] =	sst s16  }
0xd6: {  	s18 =	simm.s32 $0x1840;
	[smem:$0x6BF] =	sst s17  }
0xd7: {  	s19 =	simm.s32 $0x1860;
	[smem:$0x6C0] =	sst s18  }
0xd8: {  	s20 =	simm.s32 $0x1880;
	[smem:$0x6C1] =	sst s19  }
0xd9: {  	s21 =	simm.s32 $0x18A0;
	[smem:$0x6C2] =	sst s20  }
0xda: {  	s22 =	simm.s32 $0x18C0;
	[smem:$0x6C3] =	sst s21  }
0xdb: {  	s23 =	simm.s32 $0x18E0;
	[smem:$0x6C4] =	sst s22  }
0xdc: {  	s24 =	simm.s32 $0x1900;
	[smem:$0x6C5] =	sst s23  }
0xdd: {  	s25 =	simm.s32 $0x1920;
	[smem:$0x6C6] =	sst s24  }
0xde: {  	s26 =	simm.s32 $0x1940;
	[smem:$0x6C7] =	sst s25  }
0xdf: {  	s28 =	simm.s32 $0x1960;
	[smem:$0x6C8] =	sst s26  }
0xe0: {  	s29 =	simm.s32 $0x1980;
	[smem:$0x6C9] =	sst s28  }
0xe1: {  	s30 =	simm.s32 $0x19A0;
	[smem:$0x6CA] =	sst s29  }
0xe2: {  	s31 =	simm.s32 $0x19C0;
	[smem:$0x6CB] =	sst s30  }
0xe3: {  	s2 =	simm.s32 $0x19E0;
	[smem:$0x6CC] =	sst s31  }
0xe4: {  	[smem:$0x6CD] =	sst s2;
	s4 =	simm.s32 $0x1A00  }
0xe5: {  	s5 =	simm.s32 $0x1A20;
	[smem:$0x6CE] =	sst s4  }
0xe6: {  	s6 =	simm.s32 $0x1A40;
	[smem:$0x6CF] =	sst s5  }
0xe7: {  	s7 =	simm.s32 $0x1A60;
	[smem:$0x6D0] =	sst s6  }
0xe8: {  	s8 =	simm.s32 $0x1A80;
	[smem:$0x6D1] =	sst s7  }
0xe9: {  	s9 =	simm.s32 $0x1AA0;
	[smem:$0x6D2] =	sst s8  }
0xea: {  	s10 =	simm.s32 $0x1AC0;
	[smem:$0x6D3] =	sst s9  }
0xeb: {  	s11 =	simm.s32 $0x1AE0;
	[smem:$0x6D4] =	sst s10  }
0xec: {  	s12 =	simm.s32 $0x1B00;
	[smem:$0x6D5] =	sst s11  }
0xed: {  	s13 =	simm.s32 $0x1B20;
	[smem:$0x6D6] =	sst s12  }
0xee: {  	s14 =	simm.s32 $0x1B40;
	[smem:$0x6D7] =	sst s13  }
0xef: {  	s15 =	simm.s32 $0x1B60;
	[smem:$0x6D8] =	sst s14  }
0xf0: {  	s16 =	simm.s32 $0x1B80;
	[smem:$0x6D9] =	sst s15  }
0xf1: {  	s17 =	simm.s32 $0x1BA0;
	[smem:$0x6DA] =	sst s16  }
0xf2: {  	s18 =	simm.s32 $0x1BC0;
	[smem:$0x6DB] =	sst s17  }
0xf3: {  	s19 =	simm.s32 $0x1BE0;
	[smem:$0x6DC] =	sst s18  }
0xf4: {  	s20 =	simm.s32 $0x1C00;
	[smem:$0x6DD] =	sst s19  }
0xf5: {  	s21 =	simm.s32 $0x1C20;
	[smem:$0x6DE] =	sst s20  }
0xf6: {  	s22 =	simm.s32 $0x1C40;
	[smem:$0x6DF] =	sst s21  }
0xf7: {  	s23 =	simm.s32 $0x1C60;
	[smem:$0x6E0] =	sst s22  }
0xf8: {  	s24 =	simm.s32 $0x1C80;
	[smem:$0x6E1] =	sst s23  }
0xf9: {  	s25 =	simm.s32 $0x1CA0;
	[smem:$0x6E2] =	sst s24  }
0xfa: {  	s26 =	simm.s32 $0x1CC0;
	[smem:$0x6E3] =	sst s25  }
0xfb: {  	s28 =	simm.s32 $0x1CE0;
	[smem:$0x6E4] =	sst s26  }
0xfc: {  	s29 =	simm.s32 $0x1D00;
	[smem:$0x6E5] =	sst s28  }
0xfd: {  	s30 =	simm.s32 $0x1D20;
	[smem:$0x6E6] =	sst s29  }
0xfe: {  	s31 =	simm.s32 $0x1D40;
	[smem:$0x6E7] =	sst s30  }
0xff: {  	s2 =	simm.s32 $0x1D60;
	[smem:$0x6E8] =	sst s31  }
0x100: {  	[smem:$0x6E9] =	sst s2;
	s4 =	simm.s32 $0x1D80  }
0x101: {  	s5 =	simm.s32 $0x1DA0;
	[smem:$0x6EA] =	sst s4  }
0x102: {  	s6 =	simm.s32 $0x1DC0;
	[smem:$0x6EB] =	sst s5  }
0x103: {  	s7 =	simm.s32 $0x1DE0;
	[smem:$0x6EC] =	sst s6  }
0x104: {  	s8 =	simm.s32 $0x1E00;
	[smem:$0x6ED] =	sst s7  }
0x105: {  	s9 =	simm.s32 $0x1E20;
	[smem:$0x6EE] =	sst s8  }
0x106: {  	s10 =	simm.s32 $0x1E40;
	[smem:$0x6EF] =	sst s9  }
0x107: {  	s11 =	simm.s32 $0x1E60;
	[smem:$0x6F0] =	sst s10  }
0x108: {  	s12 =	simm.s32 $0x1E80;
	[smem:$0x6F1] =	sst s11  }
0x109: {  	s13 =	simm.s32 $0x1EA0;
	[smem:$0x6F2] =	sst s12  }
0x10a: {  	s14 =	simm.s32 $0x1EC0;
	[smem:$0x6F3] =	sst s13  }
0x10b: {  	s15 =	simm.s32 $0x1EE0;
	[smem:$0x6F4] =	sst s14  }
0x10c: {  	s16 =	simm.s32 $0x1F00;
	[smem:$0x6F5] =	sst s15  }
0x10d: {  	s17 =	simm.s32 $0x1F20;
	[smem:$0x6F6] =	sst s16  }
0x10e: {  	s18 =	simm.s32 $0x1F40;
	[smem:$0x6F7] =	sst s17  }
0x10f: {  	s19 =	simm.s32 $0x1F60;
	[smem:$0x6F8] =	sst s18  }
0x110: {  	s20 =	simm.s32 $0x1F80;
	[smem:$0x6F9] =	sst s19  }
0x111: {  	s21 =	simm.s32 $0x1FA0;
	[smem:$0x6FA] =	sst s20  }
0x112: {  	s22 =	simm.s32 $0x1FC0;
	[smem:$0x6FB] =	sst s21  }
0x113: {  	s23 =	simm.s32 $0x1FE0;
	[smem:$0x6FC] =	sst s22  }
0x114: {  	s24 =	simm.s32 $0x2000;
	[smem:$0x6FD] =	sst s23  }
0x115: {  	s25 =	simm.s32 $0x2020;
	[smem:$0x6FE] =	sst s24  }
0x116: {  	s26 =	simm.s32 $0x2040;
	[smem:$0x6FF] =	sst s25  }
0x117: {  	s28 =	simm.s32 $0x2060;
	[smem:$0x700] =	sst s26  }
0x118: {  	s29 =	simm.s32 $0x2080;
	[smem:$0x701] =	sst s28  }
0x119: {  	s30 =	simm.s32 $0x20A0;
	[smem:$0x702] =	sst s29  }
0x11a: {  	s31 =	simm.s32 $0x20C0;
	[smem:$0x703] =	sst s30  }
0x11b: {  	s2 =	simm.s32 $0x20E0;
	[smem:$0x704] =	sst s31  }
0x11c: {  	[smem:$0x705] =	sst s2;
	s4 =	simm.s32 $0x2100  }
0x11d: {  	s5 =	simm.s32 $0x2120;
	[smem:$0x706] =	sst s4  }
0x11e: {  	s6 =	simm.s32 $0x2140;
	[smem:$0x707] =	sst s5  }
0x11f: {  	s7 =	simm.s32 $0x2160;
	[smem:$0x708] =	sst s6  }
0x120: {  	s8 =	simm.s32 $0x2180;
	[smem:$0x709] =	sst s7  }
0x121: {  	s9 =	simm.s32 $0x21A0;
	[smem:$0x70A] =	sst s8  }
0x122: {  	s10 =	simm.s32 $0x21C0;
	[smem:$0x70B] =	sst s9  }
0x123: {  	s11 =	simm.s32 $0x21E0;
	[smem:$0x70C] =	sst s10  }
0x124: {  	s12 =	simm.s32 $0x2200;
	[smem:$0x70D] =	sst s11  }
0x125: {  	s13 =	simm.s32 $0x2220;
	[smem:$0x70E] =	sst s12  }
0x126: {  	s14 =	simm.s32 $0x2240;
	[smem:$0x70F] =	sst s13  }
0x127: {  	s15 =	simm.s32 $0x2260;
	[smem:$0x710] =	sst s14  }
0x128: {  	s16 =	simm.s32 $0x2280;
	[smem:$0x711] =	sst s15  }
0x129: {  	s17 =	simm.s32 $0x22A0;
	[smem:$0x712] =	sst s16  }
0x12a: {  	s18 =	simm.s32 $0x22C0;
	[smem:$0x713] =	sst s17  }
0x12b: {  	s19 =	simm.s32 $0x22E0;
	[smem:$0x714] =	sst s18  }
0x12c: {  	s20 =	simm.s32 $0x2300;
	[smem:$0x715] =	sst s19  }
0x12d: {  	s21 =	simm.s32 $0x2320;
	[smem:$0x716] =	sst s20  }
0x12e: {  	s22 =	simm.s32 $0x2340;
	[smem:$0x717] =	sst s21  }
0x12f: {  	s23 =	simm.s32 $0x2360;
	[smem:$0x718] =	sst s22  }
0x130: {  	s24 =	simm.s32 $0x2380;
	[smem:$0x719] =	sst s23  }
0x131: {  	s25 =	simm.s32 $0x23A0;
	[smem:$0x71A] =	sst s24  }
0x132: {  	s26 =	simm.s32 $0x23C0;
	[smem:$0x71B] =	sst s25  }
0x133: {  	s28 =	simm.s32 $0x23E0;
	[smem:$0x71C] =	sst s26  }
0x134: {  	s29 =	simm.s32 $0x2400;
	[smem:$0x71D] =	sst s28  }
0x135: {  	s30 =	simm.s32 $0x2420;
	[smem:$0x71E] =	sst s29  }
0x136: {  	s31 =	simm.s32 $0x2440;
	[smem:$0x71F] =	sst s30  }
0x137: {  	s2 =	simm.s32 $0x2460;
	[smem:$0x720] =	sst s31  }
0x138: {  	[smem:$0x721] =	sst s2;
	s4 =	simm.s32 $0x2480  }
0x139: {  	s5 =	simm.s32 $0x24A0;
	[smem:$0x722] =	sst s4  }
0x13a: {  	s6 =	simm.s32 $0x24C0;
	[smem:$0x723] =	sst s5  }
0x13b: {  	s7 =	simm.s32 $0x24E0;
	[smem:$0x724] =	sst s6  }
0x13c: {  	s8 =	simm.s32 $0x2500;
	[smem:$0x725] =	sst s7  }
0x13d: {  	s9 =	simm.s32 $0x2520;
	[smem:$0x726] =	sst s8  }
0x13e: {  	s10 =	simm.s32 $0x2540;
	[smem:$0x727] =	sst s9  }
0x13f: {  	s11 =	simm.s32 $0x2560;
	[smem:$0x728] =	sst s10  }
0x140: {  	s12 =	simm.s32 $0x2580;
	[smem:$0x729] =	sst s11  }
0x141: {  	s13 =	simm.s32 $0x25A0;
	[smem:$0x72A] =	sst s12  }
0x142: {  	s14 =	simm.s32 $0x25C0;
	[smem:$0x72B] =	sst s13  }
0x143: {  	s15 =	simm.s32 $0x25E0;
	[smem:$0x72C] =	sst s14  }
0x144: {  	s16 =	simm.s32 $0x2600;
	[smem:$0x72D] =	sst s15  }
0x145: {  	s17 =	simm.s32 $0x2620;
	[smem:$0x72E] =	sst s16  }
0x146: {  	s18 =	simm.s32 $0x2640;
	[smem:$0x72F] =	sst s17  }
0x147: {  	s19 =	simm.s32 $0x2660;
	[smem:$0x730] =	sst s18  }
0x148: {  	s20 =	simm.s32 $0x2680;
	[smem:$0x731] =	sst s19  }
0x149: {  	s21 =	simm.s32 $0x26A0;
	[smem:$0x732] =	sst s20  }
0x14a: {  	s22 =	simm.s32 $0x26C0;
	[smem:$0x733] =	sst s21  }
0x14b: {  	s23 =	simm.s32 $0x26E0;
	[smem:$0x734] =	sst s22  }
0x14c: {  	s24 =	simm.s32 $0x2700;
	[smem:$0x735] =	sst s23  }
0x14d: {  	s25 =	simm.s32 $0x2720;
	[smem:$0x736] =	sst s24  }
0x14e: {  	s26 =	simm.s32 $0x2740;
	[smem:$0x737] =	sst s25  }
0x14f: {  	s28 =	simm.s32 $0x2760;
	[smem:$0x738] =	sst s26  }
0x150: {  	s29 =	simm.s32 $0x2780;
	[smem:$0x739] =	sst s28  }
0x151: {  	s30 =	simm.s32 $0x27A0;
	[smem:$0x73A] =	sst s29  }
0x152: {  	s31 =	simm.s32 $0x27C0;
	[smem:$0x73B] =	sst s30  }
0x153: {  	s2 =	simm.s32 $0x27E0;
	[smem:$0x73C] =	sst s31  }
0x154: {  	[smem:$0x73D] =	sst s2;
	s4 =	simm.s32 $0x2800  }
0x155: {  	s5 =	simm.s32 $0x2820;
	[smem:$0x73E] =	sst s4  }
0x156: {  	s6 =	simm.s32 $0x2840;
	[smem:$0x73F] =	sst s5  }
0x157: {  	s7 =	simm.s32 $0x2860;
	[smem:$0x740] =	sst s6  }
0x158: {  	s8 =	simm.s32 $0x2880;
	[smem:$0x741] =	sst s7  }
0x159: {  	s9 =	simm.s32 $0x28A0;
	[smem:$0x742] =	sst s8  }
0x15a: {  	s10 =	simm.s32 $0x28C0;
	[smem:$0x743] =	sst s9  }
0x15b: {  	s11 =	simm.s32 $0x28E0;
	[smem:$0x744] =	sst s10  }
0x15c: {  	s12 =	simm.s32 $0x2900;
	[smem:$0x745] =	sst s11  }
0x15d: {  	s13 =	simm.s32 $0x2920;
	[smem:$0x746] =	sst s12  }
0x15e: {  	s14 =	simm.s32 $0x2940;
	[smem:$0x747] =	sst s13  }
0x15f: {  	s15 =	simm.s32 $0x2960;
	[smem:$0x748] =	sst s14  }
0x160: {  	s16 =	simm.s32 $0x2980;
	[smem:$0x749] =	sst s15  }
0x161: {  	s17 =	simm.s32 $0x29A0;
	[smem:$0x74A] =	sst s16  }
0x162: {  	s18 =	simm.s32 $0x29C0;
	[smem:$0x74B] =	sst s17  }
0x163: {  	s19 =	simm.s32 $0x29E0;
	[smem:$0x74C] =	sst s18  }
0x164: {  	s20 =	simm.s32 $0x2A00;
	[smem:$0x74D] =	sst s19  }
0x165: {  	s21 =	simm.s32 $0x2A20;
	[smem:$0x74E] =	sst s20  }
0x166: {  	s22 =	simm.s32 $0x2A40;
	[smem:$0x74F] =	sst s21  }
0x167: {  	s23 =	simm.s32 $0x2A60;
	[smem:$0x750] =	sst s22  }
0x168: {  	s24 =	simm.s32 $0x2A80;
	[smem:$0x751] =	sst s23  }
0x169: {  	s25 =	simm.s32 $0x2AA0;
	[smem:$0x752] =	sst s24  }
0x16a: {  	s26 =	simm.s32 $0x2AC0;
	[smem:$0x753] =	sst s25  }
0x16b: {  	s28 =	simm.s32 $0x2AE0;
	[smem:$0x754] =	sst s26  }
0x16c: {  	s29 =	simm.s32 $0x2B00;
	[smem:$0x755] =	sst s28  }
0x16d: {  	s30 =	simm.s32 $0x2B20;
	[smem:$0x756] =	sst s29  }
0x16e: {  	s31 =	simm.s32 $0x2B40;
	[smem:$0x757] =	sst s30  }
0x16f: {  	s2 =	simm.s32 $0x2B60;
	[smem:$0x758] =	sst s31  }
0x170: {  	[smem:$0x759] =	sst s2;
	s4 =	simm.s32 $0x2B80  }
0x171: {  	s5 =	simm.s32 $0x2BA0;
	[smem:$0x75A] =	sst s4  }
0x172: {  	s6 =	simm.s32 $0x2BC0;
	[smem:$0x75B] =	sst s5  }
0x173: {  	s7 =	simm.s32 $0x2BE0;
	[smem:$0x75C] =	sst s6  }
0x174: {  	s8 =	simm.s32 $0x2C00;
	[smem:$0x75D] =	sst s7  }
0x175: {  	s9 =	simm.s32 $0x2C20;
	[smem:$0x75E] =	sst s8  }
0x176: {  	s10 =	simm.s32 $0x2C40;
	[smem:$0x75F] =	sst s9  }
0x177: {  	s11 =	simm.s32 $0x2C60;
	[smem:$0x760] =	sst s10  }
0x178: {  	s12 =	simm.s32 $0x2C80;
	[smem:$0x761] =	sst s11  }
0x179: {  	s13 =	simm.s32 $0x2CA0;
	[smem:$0x762] =	sst s12  }
0x17a: {  	s14 =	simm.s32 $0x2CC0;
	[smem:$0x763] =	sst s13  }
0x17b: {  	s15 =	simm.s32 $0x2CE0;
	[smem:$0x764] =	sst s14  }
0x17c: {  	s16 =	simm.s32 $0x2D00;
	[smem:$0x765] =	sst s15  }
0x17d: {  	s17 =	simm.s32 $0x2D20;
	[smem:$0x766] =	sst s16  }
0x17e: {  	s18 =	simm.s32 $0x2D40;
	[smem:$0x767] =	sst s17  }
0x17f: {  	s19 =	simm.s32 $0x2D60;
	[smem:$0x768] =	sst s18  }
0x180: {  	s20 =	simm.s32 $0x2D80;
	[smem:$0x769] =	sst s19  }
0x181: {  	s21 =	simm.s32 $0x2DA0;
	[smem:$0x76A] =	sst s20  }
0x182: {  	s22 =	simm.s32 $0x2DC0;
	[smem:$0x76B] =	sst s21  }
0x183: {  	s23 =	simm.s32 $0x2DE0;
	[smem:$0x76C] =	sst s22  }
0x184: {  	s24 =	simm.s32 $0x2E00;
	[smem:$0x76D] =	sst s23  }
0x185: {  	s25 =	simm.s32 $0x2E20;
	[smem:$0x76E] =	sst s24  }
0x186: {  	s26 =	simm.s32 $0x2E40;
	[smem:$0x76F] =	sst s25  }
0x187: {  	s28 =	simm.s32 $0x2E60;
	[smem:$0x770] =	sst s26  }
0x188: {  	s29 =	simm.s32 $0x2E80;
	[smem:$0x771] =	sst s28  }
0x189: {  	s30 =	simm.s32 $0x2EA0;
	[smem:$0x772] =	sst s29  }
0x18a: {  	s31 =	simm.s32 $0x2EC0;
	[smem:$0x773] =	sst s30  }
0x18b: {  	s2 =	simm.s32 $0x2EE0;
	[smem:$0x774] =	sst s31  }
0x18c: {  	[smem:$0x775] =	sst s2;
	s4 =	simm.s32 $0x2F00  }
0x18d: {  	s5 =	simm.s32 $0x2F20;
	[smem:$0x776] =	sst s4  }
0x18e: {  	s6 =	simm.s32 $0x2F40;
	[smem:$0x777] =	sst s5  }
0x18f: {  	s7 =	simm.s32 $0x2F60;
	[smem:$0x778] =	sst s6  }
0x190: {  	s8 =	simm.s32 $0x2F80;
	[smem:$0x779] =	sst s7  }
0x191: {  	s9 =	simm.s32 $0x2FA0;
	[smem:$0x77A] =	sst s8  }
0x192: {  	s10 =	simm.s32 $0x2FC0;
	[smem:$0x77B] =	sst s9  }
0x193: {  	s11 =	simm.s32 $0x2FE0;
	[smem:$0x77C] =	sst s10  }
0x194: {  	s12 =	simm.s32 $0x3000;
	[smem:$0x77D] =	sst s11  }
0x195: {  	s13 =	simm.s32 $0x3020;
	[smem:$0x77E] =	sst s12  }
0x196: {  	s14 =	simm.s32 $0x3040;
	[smem:$0x77F] =	sst s13  }
0x197: {  	s15 =	simm.s32 $0x3060;
	[smem:$0x780] =	sst s14  }
0x198: {  	s16 =	simm.s32 $0x3080;
	[smem:$0x781] =	sst s15  }
0x199: {  	s17 =	simm.s32 $0x30A0;
	[smem:$0x782] =	sst s16  }
0x19a: {  	s18 =	simm.s32 $0x30C0;
	[smem:$0x783] =	sst s17  }
0x19b: {  	s19 =	simm.s32 $0x30E0;
	[smem:$0x784] =	sst s18  }
0x19c: {  	s20 =	simm.s32 $0x3100;
	[smem:$0x785] =	sst s19  }
0x19d: {  	s21 =	simm.s32 $0x3120;
	[smem:$0x786] =	sst s20  }
0x19e: {  	s22 =	simm.s32 $0x3140;
	[smem:$0x787] =	sst s21  }
0x19f: {  	s23 =	simm.s32 $0x3160;
	[smem:$0x788] =	sst s22  }
0x1a0: {  	s24 =	simm.s32 $0x3180;
	[smem:$0x789] =	sst s23  }
0x1a1: {  	s25 =	simm.s32 $0x31A0;
	[smem:$0x78A] =	sst s24  }
0x1a2: {  	s26 =	simm.s32 $0x31C0;
	[smem:$0x78B] =	sst s25  }
0x1a3: {  	s28 =	simm.s32 $0x31E0;
	[smem:$0x78C] =	sst s26  }
0x1a4: {  	s29 =	simm.s32 $0x3200;
	[smem:$0x78D] =	sst s28  }
0x1a5: {  	s30 =	simm.s32 $0x3220;
	[smem:$0x78E] =	sst s29  }
0x1a6: {  	s31 =	simm.s32 $0x3240;
	[smem:$0x78F] =	sst s30  }
0x1a7: {  	s2 =	simm.s32 $0x3260;
	[smem:$0x790] =	sst s31  }
0x1a8: {  	[smem:$0x791] =	sst s2;
	s4 =	simm.s32 $0x3280  }
0x1a9: {  	s5 =	simm.s32 $0x32A0;
	[smem:$0x792] =	sst s4  }
0x1aa: {  	s6 =	simm.s32 $0x32C0;
	[smem:$0x793] =	sst s5  }
0x1ab: {  	s7 =	simm.s32 $0x32E0;
	[smem:$0x794] =	sst s6  }
0x1ac: {  	s8 =	simm.s32 $0x3300;
	[smem:$0x795] =	sst s7  }
0x1ad: {  	s9 =	simm.s32 $0x3320;
	[smem:$0x796] =	sst s8  }
0x1ae: {  	s10 =	simm.s32 $0x3340;
	[smem:$0x797] =	sst s9  }
0x1af: {  	s11 =	simm.s32 $0x3360;
	[smem:$0x798] =	sst s10  }
0x1b0: {  	s12 =	simm.s32 $0x3380;
	[smem:$0x799] =	sst s11  }
0x1b1: {  	s13 =	simm.s32 $0x33A0;
	[smem:$0x79A] =	sst s12  }
0x1b2: {  	s14 =	simm.s32 $0x33C0;
	[smem:$0x79B] =	sst s13  }
0x1b3: {  	s15 =	simm.s32 $0x33E0;
	[smem:$0x79C] =	sst s14  }
0x1b4: {  	s16 =	simm.s32 $0x3400;
	[smem:$0x79D] =	sst s15  }
0x1b5: {  	s17 =	simm.s32 $0x3420;
	[smem:$0x79E] =	sst s16  }
0x1b6: {  	s18 =	simm.s32 $0x3440;
	[smem:$0x79F] =	sst s17  }
0x1b7: {  	s19 =	simm.s32 $0x3460;
	[smem:$0x7A0] =	sst s18  }
0x1b8: {  	s20 =	simm.s32 $0x3480;
	[smem:$0x7A1] =	sst s19  }
0x1b9: {  	s21 =	simm.s32 $0x34A0;
	[smem:$0x7A2] =	sst s20  }
0x1ba: {  	s22 =	simm.s32 $0x34C0;
	[smem:$0x7A3] =	sst s21  }
0x1bb: {  	s23 =	simm.s32 $0x34E0;
	[smem:$0x7A4] =	sst s22  }
0x1bc: {  	s24 =	simm.s32 $0x3500;
	[smem:$0x7A5] =	sst s23  }
0x1bd: {  	s25 =	simm.s32 $0x3520;
	[smem:$0x7A6] =	sst s24  }
0x1be: {  	s26 =	simm.s32 $0x3540;
	[smem:$0x7A7] =	sst s25  }
0x1bf: {  	s28 =	simm.s32 $0x3920;
	[smem:$0x7A8] =	sst s26  }
0x1c0: {  	s29 =	simm.s32 $0x3FA0;
	[smem:$0x7A9] =	sst s28  }
0x1c1: {  	s30 =	simm.s32 $0x3560;
	[smem:$0x7AA] =	sst s29  }
0x1c2: {  	s31 =	simm.s32 $0x3580;
	[smem:$0x7AB] =	sst s30  }
0x1c3: {  	s2 =	simm.s32 $0x35A0;
	[smem:$0x7AC] =	sst s31  }
0x1c4: {  	[smem:$0x7AD] =	sst s2;
	s4 =	simm.s32 $0x35C0  }
0x1c5: {  	s5 =	simm.s32 $0x35E0;
	[smem:$0x7AE] =	sst s4  }
0x1c6: {  	s6 =	simm.s32 $0x3600;
	[smem:$0x7AF] =	sst s5  }
0x1c7: {  	s7 =	simm.s32 $0x3620;
	[smem:$0x7B0] =	sst s6  }
0x1c8: {  	s8 =	simm.s32 $0x3640;
	[smem:$0x7B1] =	sst s7  }
0x1c9: {  	s9 =	simm.s32 $0x3660;
	[smem:$0x7B2] =	sst s8  }
0x1ca: {  	s10 =	simm.s32 $0x3680;
	[smem:$0x7B3] =	sst s9  }
0x1cb: {  	s11 =	simm.s32 $0x36A0;
	[smem:$0x7B4] =	sst s10  }
0x1cc: {  	s12 =	simm.s32 $0x36C0;
	[smem:$0x7B5] =	sst s11  }
0x1cd: {  	s13 =	simm.s32 $0x36E0;
	[smem:$0x7B6] =	sst s12  }
0x1ce: {  	s14 =	simm.s32 $0x3700;
	[smem:$0x7B7] =	sst s13  }
0x1cf: {  	s15 =	simm.s32 $0x3720;
	[smem:$0x7B8] =	sst s14  }
0x1d0: {  	s16 =	simm.s32 $0x3740;
	[smem:$0x7B9] =	sst s15  }
0x1d1: {  	s17 =	simm.s32 $0x3760;
	[smem:$0x7BA] =	sst s16  }
0x1d2: {  	s18 =	simm.s32 $0x3780;
	[smem:$0x7BB] =	sst s17  }
0x1d3: {  	s19 =	simm.s32 $0x37A0;
	[smem:$0x7BC] =	sst s18  }
0x1d4: {  	s20 =	simm.s32 $0x37C0;
	[smem:$0x7BD] =	sst s19  }
0x1d5: {  	s21 =	simm.s32 $0x37E0;
	[smem:$0x7BE] =	sst s20  }
0x1d6: {  	s22 =	simm.s32 $0x3800;
	[smem:$0x7BF] =	sst s21  }
0x1d7: {  	s23 =	simm.s32 $0x3820;
	[smem:$0x7C0] =	sst s22  }
0x1d8: {  	s24 =	simm.s32 $0x3840;
	[smem:$0x7C1] =	sst s23  }
0x1d9: {  	s25 =	simm.s32 $0x3860;
	[smem:$0x7C2] =	sst s24  }
0x1da: {  	s26 =	simm.s32 $0x3880;
	[smem:$0x7C3] =	sst s25  }
0x1db: {  	s28 =	simm.s32 $0x38A0;
	[smem:$0x7C4] =	sst s26  }
0x1dc: {  	s29 =	simm.s32 $0x38C0;
	[smem:$0x7C5] =	sst s28  }
0x1dd: {  	s30 =	simm.s32 $0x38E0;
	[smem:$0x7C6] =	sst s29  }
0x1de: {  	s31 =	simm.s32 $0x3900;
	[smem:$0x7C7] =	sst s30  }
0x1df: {  	s2 =	simm.s32 $0x3940;
	[smem:$0x7C8] =	sst s31  }
0x1e0: {  	[smem:$0x7C9] =	sst s2;
	s5 =	simm.s32 $0x3960  }
0x1e1: {  	s6 =	simm.s32 $0x3F80;
	[smem:$0x7CA] =	sst s5  }
0x1e2: {  	s7 =	simm.s32 $0x3F60;
	[smem:$0x7CB] =	sst s6  }
0x1e3: {  	s8 =	simm.s32 $0x3F40;
	[smem:$0x7CC] =	sst s7  }
0x1e4: {  	s9 =	simm.s32 $0x3980;
	[smem:$0x7CD] =	sst s8  }
0x1e5: {  	s10 =	simm.s32 $0x3F20;
	[smem:$0x7CE] =	sst s9  }
0x1e6: {  	s11 =	simm.s32 $0x39A0;
	[smem:$0x7CF] =	sst s10  }
0x1e7: {  	s12 =	simm.s32 $0x3F00;
	[smem:$0x7D0] =	sst s11  }
0x1e8: {  	s13 =	simm.s32 $0x39C0;
	[smem:$0x7D1] =	sst s12  }
0x1e9: {  	s14 =	simm.s32 $0x3EE0;
	[smem:$0x7D2] =	sst s13  }
0x1ea: {  	s15 =	simm.s32 $0x39E0;
	[smem:$0x7D3] =	sst s14  }
0x1eb: {  	s16 =	simm.s32 $0x3EC0;
	[smem:$0x7D4] =	sst s15  }
0x1ec: {  	s17 =	simm.s32 $0x3A00;
	[smem:$0x7D5] =	sst s16  }
0x1ed: {  	s18 =	simm.s32 $0x3EA0;
	[smem:$0x7D6] =	sst s17  }
0x1ee: {  	s19 =	simm.s32 $0x3A20;
	[smem:$0x7D7] =	sst s18  }
0x1ef: {  	s20 =	simm.s32 $0x3E80;
	[smem:$0x7D8] =	sst s19  }
0x1f0: {  	s21 =	simm.s32 $0x3A40;
	[smem:$0x7D9] =	sst s20  }
0x1f1: {  	s22 =	simm.s32 $0x3E60;
	[smem:$0x7DA] =	sst s21  }
0x1f2: {  	s23 =	simm.s32 $0x3A60;
	[smem:$0x7DB] =	sst s22  }
0x1f3: {  	s24 =	simm.s32 $0x3E40;
	[smem:$0x7DC] =	sst s23  }
0x1f4: {  	s25 =	simm.s32 $0x3A80;
	[smem:$0x7DD] =	sst s24  }
0x1f5: {  	s26 =	simm.s32 $0x3E20;
	[smem:$0x7DE] =	sst s25  }
0x1f6: {  	s28 =	simm.s32 $0x3AA0;
	[smem:$0x7DF] =	sst s26  }
0x1f7: {  	s29 =	simm.s32 $0x3E00;
	[smem:$0x7E0] =	sst s28  }
0x1f8: {  	s30 =	simm.s32 $0x3AC0;
	[smem:$0x7E1] =	sst s29  }
0x1f9: {  	s31 =	simm.s32 $0x3DE0;
	[smem:$0x7E2] =	sst s30  }
0x1fa: {  	s2 =	simm.s32 $0x3DC0;
	[smem:$0x7E3] =	sst s31  }
0x1fb: {  	[smem:$0x7E4] =	sst s2;
	s5 =	simm.s32 $0x3DA0  }
0x1fc: {  	s6 =	simm.s32 $0x3AE0;
	[smem:$0x7E5] =	sst s5  }
0x1fd: {  	s8 =	simm.s32 $0x3D80;
	[smem:$0x7E6] =	sst s6  }
0x1fe: {  	s9 =	simm.s32 $0x3D60;
	[smem:$0x7E7] =	sst s8  }
0x1ff: {  	s10 =	simm.s32 $0x3D40;
	[smem:$0x7E8] =	sst s9  }
0x200: {  	s11 =	simm.s32 $0x3D20;
	[smem:$0x7E9] =	sst s10  }
0x201: {  	s12 =	simm.s32 $0x3D00;
	[smem:$0x7EA] =	sst s11  }
0x202: {  	s13 =	simm.s32 $0x3CE0;
	[smem:$0x7EB] =	sst s12  }
0x203: {  	s14 =	simm.s32 $0x3CC0;
	[smem:$0x7EC] =	sst s13  }
0x204: {  	s15 =	simm.s32 $0x3CA0;
	[smem:$0x7ED] =	sst s14  }
0x205: {  	s16 =	simm.s32 $0x3C80;
	[smem:$0x7EE] =	sst s15  }
0x206: {  	s17 =	simm.s32 $0x3C60;
	[smem:$0x7EF] =	sst s16  }
0x207: {  	s18 =	simm.s32 $0x3C40;
	[smem:$0x7F0] =	sst s17  }
0x208: {  	s19 =	simm.s32 $0x3C20;
	[smem:$0x7F1] =	sst s18  }
0x209: {  	s20 =	simm.s32 $0x3C00;
	[smem:$0x7F2] =	sst s19  }
0x20a: {  	s21 =	simm.s32 $0x3BE0;
	[smem:$0x7F3] =	sst s20  }
0x20b: {  	s22 =	simm.s32 $0x3BC0;
	[smem:$0x7F4] =	sst s21  }
0x20c: {  	s23 =	simm.s32 $0x3BA0;
	[smem:$0x7F5] =	sst s22  }
0x20d: {  	s24 =	simm.s32 $0x3B80;
	[smem:$0x7F6] =	sst s23  }
0x20e: {  	s25 =	simm.s32 $0x3B60;
	[smem:$0x7F7] =	sst s24  }
0x20f: {  	s0 =	ssub.s32 $0x2, s0;
	s26 =	simm.s32 $0x3B40;
	[smem:$0x7F8] =	sst s25  }
0x210: {  	s4 =	sadd.s32 $0xF53000, s1;
	s28 =	simm.s32 $0x3B00;
	[smem:$0x7F9] =	sst s26  }
0x211: {  	s7 =	sshrl.u32 s0, $0x1;
	s30 =	simm.s32 $0x3B20;
	[smem:$0x7FA] =	sst s28  }
0x212: {  	s29 =	simm.s32 $0x3FE0;
	s31 =	simm.s32 $0x3FC0;
	[smem:$0x7FB] =	sst s30  }
0x213: {  	s0 =	ssub.s32 s0, s7;
	s7 =	simm.s32 $0x1A;
	[smem:$0x7FC] =	sst s31  }
0x214: {  	s21 =	simm.s32 $0x1;
	s22 =	simm.s32 $0x3;
	s23 =	simm.s32 $0x2  }
0x215: {  	s24 =	simm.s32 $0x4;
	[smem:$0x7FD] =	sst s29;
	s2 =	smax.u32 s0, $0x1  }
.LBB2_1:
0x216: {  	[smem:$0x60A] =	sst s2  }
0x217: {  	s25 =	rddreg [dreg:$0x3];
	s0 =	simm.s32 $0x0;
	s16 =	simm.s32 $0x5  }
0x218: {  	[tilespmem:s0], [sflag:$0x5] =	stream.linear.gather [hbm4b:s25+s0], $0x4000, $0x38;
	[tilespmem:$0x11000] =	vst v63  }
0x219: {  	_ =	swait.ge [sflag:s16], $0x4000  }
0x21a: {  	[sflag:s16] =	ssyncset.done $0x0  }
0x21b: {  	s1 =	simm.s32 $0x4000;
	s17 =	rddreg [dreg:$0x13];
	[sflag:s16] =	ssyncadd.s32 $0xFFFFC000  }
0x21c: {  	[tilespmem:s1], [sflag:$0x1] =	stream.indirect.gather [hbm4b:s4+s7], $0x20, s0, s7, $0xb8;
	[tilespmem:$0x11000] =	vst v63  }
0x21d: {  	s18 =	simm.s32 $0x4340;
	s26 =	rddreg [dreg:$0x14]  }
0x21e: {  	[tilespmem:s18], [sflag:$0x1] =	stream.indirect.gather [hbm4b:s4+s7], $0x20, s17, s7, $0xb8;
	[tilespmem:$0x11000] =	vst v63  }
0x21f: {  	s20 =	simm.s32 $0x4680;
	s19 =	rddreg [dreg:$0x15]  }
0x220: {  	[tilespmem:s20], [sflag:$0x1] =	stream.indirect.gather [hbm4b:s4+s7], $0x20, s26, s7, $0xb8;
	[tilespmem:$0x11000] =	vst v63  }
0x221: {  	s29 =	simm.s32 $0x49C0;
	s28 =	rddreg [dreg:$0x16]  }
0x222: {  	[tilespmem:s29], [sflag:$0x1] =	stream.indirect.gather [hbm4b:s4+s7], $0x20, s19, s7, $0xb8;
	[tilespmem:$0x11000] =	vst v63  }
0x223: {  	s31 =	simm.s32 $0x4D00;
	s30 =	rddreg [dreg:$0x17]  }
0x224: {  	[tilespmem:s31], [sflag:$0x1] =	stream.indirect.gather [hbm4b:s4+s7], $0x20, s28, s7, $0xb8;
	[tilespmem:$0x11000] =	vst v63  }
0x225: {  	s3 =	simm.s32 $0x5040;
	s2 =	rddreg [dreg:$0x18]  }
0x226: {  	[tilespmem:s3], [sflag:$0x1] =	stream.indirect.gather [hbm4b:s4+s7], $0x20, s30, s7, $0xb8;
	[tilespmem:$0x11000] =	vst v63  }
0x227: {  	s12 =	simm.s32 $0x5380;
	s5 =	rddreg [dreg:$0x19]  }
0x228: {  	[tilespmem:s12], [sflag:$0x1] =	stream.indirect.gather [hbm4b:s4+s7], $0x20, s2, s7, $0xb8;
	[tilespmem:$0x11000] =	vst v63  }
0x229: {  	s14 =	simm.s32 $0x56C0;
	s13 =	rddreg [dreg:$0x1a]  }
0x22a: {  	[tilespmem:s14], [sflag:$0x1] =	stream.indirect.gather [hbm4b:s4+s7], $0x20, s5, s7, $0xb8;
	[tilespmem:$0x11000] =	vst v63  }
0x22b: {  	s15 =	rddreg [dreg:$0x1b];
	s16 =	simm.s32 $0x5A00  }
0x22c: {  	[tilespmem:s16], [sflag:$0x1] =	stream.indirect.gather [hbm4b:s4+s7], $0x20, s13, s7, $0xb8;
	[tilespmem:$0x11000] =	vst v63  }
0x22d: {  	s17 =	rddreg [dreg:$0x1c];
	s18 =	simm.s32 $0x5D40  }
0x22e: {  	[tilespmem:s18], [sflag:$0x1] =	stream.indirect.gather [hbm4b:s4+s7], $0x20, s15, s7, $0xb8;
	[tilespmem:$0x11000] =	vst v63  }
0x22f: {  	s20 =	simm.s32 $0x6080;
	s19 =	rddreg [dreg:$0x1d]  }
0x230: {  	[tilespmem:s20], [sflag:$0x1] =	stream.indirect.gather [hbm4b:s4+s7], $0x20, s17, s7, $0xb8;
	[tilespmem:$0x11000] =	vst v63  }
0x231: {  	s29 =	simm.s32 $0x63C0;
	s28 =	rddreg [dreg:$0x1e]  }
0x232: {  	[tilespmem:s29], [sflag:$0x1] =	stream.indirect.gather [hbm4b:s4+s7], $0x20, s19, s7, $0xb8;
	[tilespmem:$0x11000] =	vst v63  }
0x233: {  	s31 =	simm.s32 $0x6700;
	s30 =	rddreg [dreg:$0x1f]  }
0x234: {  	[tilespmem:s31], [sflag:$0x1] =	stream.indirect.gather [hbm4b:s4+s7], $0x20, s28, s7, $0xb8;
	[tilespmem:$0x11000] =	vst v63  }
0x235: {  	s3 =	simm.s32 $0x6A40;
	s2 =	sld [smem:$0x60C]  }
0x236: {  	[tilespmem:s3], [sflag:$0x1] =	stream.indirect.gather [hbm4b:s4+s7], $0x20, s30, s7, $0xb8;
	[tilespmem:$0x11000] =	vst v63  }
0x237: {  	s5 =	sld [smem:$0x60D];
	s20 =	simm.s32 $0x6D80  }
0x238: {  	[tilespmem:s20], [sflag:$0x1] =	stream.indirect.gather [hbm4b:s4+s7], $0x20, s2, s7, $0xb8;
	[tilespmem:$0x11000] =	vst v63  }
0x239: {  	s29 =	simm.s32 $0x70C0;
	s28 =	sld [smem:$0x60E]  }
0x23a: {  	[tilespmem:s29], [sflag:$0x1] =	stream.indirect.gather [hbm4b:s4+s7], $0x20, s5, s7, $0xb8;
	[tilespmem:$0x11000] =	vst v63  }
0x23b: {  	s31 =	simm.s32 $0x7400;
	s30 =	sld [smem:$0x60F]  }
0x23c: {  	[tilespmem:s31], [sflag:$0x1] =	stream.indirect.gather [hbm4b:s4+s7], $0x20, s28, s7, $0xb8;
	[tilespmem:$0x11000] =	vst v63  }
0x23d: {  	s3 =	simm.s32 $0x7740;
	s2 =	sld [smem:$0x610]  }
0x23e: {  	[tilespmem:s3], [sflag:$0x1] =	stream.indirect.gather [hbm4b:s4+s7], $0x20, s30, s7, $0xb8;
	[tilespmem:$0x11000] =	vst v63  }
0x23f: {  	s5 =	sld [smem:$0x611];
	s31 =	simm.s32 $0x7A80  }
0x240: {  	[tilespmem:s31], [sflag:$0x1] =	stream.indirect.gather [hbm4b:s4+s7], $0x20, s2, s7, $0xb8;
	[tilespmem:$0x11000] =	vst v63  }
0x241: {  	s26 =	sld [smem:$0x612];
	s2 =	simm.s32 $0x7DC0  }
0x242: {  	[tilespmem:s2], [sflag:$0x1] =	stream.indirect.gather [hbm4b:s4+s7], $0x20, s5, s7, $0xb8;
	[tilespmem:$0x11000] =	vst v63  }
0x243: {  	s3 =	sld [smem:$0x613];
	s5 =	simm.s32 $0x8100  }
0x244: {  	[tilespmem:s5], [sflag:$0x1] =	stream.indirect.gather [hbm4b:s4+s7], $0x20, s26, s7, $0xb8;
	[tilespmem:$0x11000] =	vst v63  }
0x245: {  	s2 =	simm.s32 $0x8440;
	s26 =	sld [smem:$0x614]  }
0x246: {  	[tilespmem:s2], [sflag:$0x1] =	stream.indirect.gather [hbm4b:s4+s7], $0x20, s3, s7, $0xb8;
	[tilespmem:$0x11000] =	vst v63  }
0x247: {  	s5 =	simm.s32 $0x8780;
	s3 =	sld [smem:$0x615]  }
0x248: {  	[tilespmem:s5], [sflag:$0x1] =	stream.indirect.gather [hbm4b:s4+s7], $0x20, s26, s7, $0xb8;
	[tilespmem:$0x11000] =	vst v63  }
0x249: {  	s2 =	simm.s32 $0x8AC0;
	s26 =	sld [smem:$0x616]  }
0x24a: {  	[tilespmem:s2], [sflag:$0x1] =	stream.indirect.gather [hbm4b:s4+s7], $0x20, s3, s7, $0xb8;
	[tilespmem:$0x11000] =	vst v63  }
0x24b: {  	s5 =	simm.s32 $0x8E00;
	s3 =	sld [smem:$0x617]  }
0x24c: {  	[tilespmem:s5], [sflag:$0x1] =	stream.indirect.gather [hbm4b:s4+s7], $0x20, s26, s7, $0xb8;
	[tilespmem:$0x11000] =	vst v63  }
0x24d: {  	s2 =	simm.s32 $0x9140;
	s26 =	sld [smem:$0x618]  }
0x24e: {  	[tilespmem:s2], [sflag:$0x1] =	stream.indirect.gather [hbm4b:s4+s7], $0x20, s3, s7, $0xb8;
	[tilespmem:$0x11000] =	vst v63  }
0x24f: {  	s5 =	simm.s32 $0x9480;
	s3 =	sld [smem:$0x619]  }
0x250: {  	[tilespmem:s5], [sflag:$0x1] =	stream.indirect.gather [hbm4b:s4+s7], $0x20, s26, s7, $0xb8;
	[tilespmem:$0x11000] =	vst v63  }
0x251: {  	s2 =	simm.s32 $0x97C0;
	s26 =	sld [smem:$0x61A]  }
0x252: {  	[tilespmem:s2], [sflag:$0x1] =	stream.indirect.gather [hbm4b:s4+s7], $0x20, s3, s7, $0xb8;
	[tilespmem:$0x11000] =	vst v63  }
0x253: {  	s5 =	simm.s32 $0x9B00;
	s3 =	sld [smem:$0x61B]  }
0x254: {  	[tilespmem:s5], [sflag:$0x1] =	stream.indirect.gather [hbm4b:s4+s7], $0x20, s26, s7, $0xb8;
	[tilespmem:$0x11000] =	vst v63  }
0x255: {  	s2 =	simm.s32 $0x9E40;
	s26 =	sld [smem:$0x61C]  }
0x256: {  	[tilespmem:s2], [sflag:$0x1] =	stream.indirect.gather [hbm4b:s4+s7], $0x20, s3, s7, $0xb8;
	[tilespmem:$0x11000] =	vst v63  }
0x257: {  	s5 =	simm.s32 $0xA180;
	s3 =	sld [smem:$0x61D]  }
0x258: {  	[tilespmem:s5], [sflag:$0x1] =	stream.indirect.gather [hbm4b:s4+s7], $0x20, s26, s7, $0xb8;
	[tilespmem:$0x11000] =	vst v63  }
0x259: {  	s2 =	simm.s32 $0xA4C0;
	s26 =	sld [smem:$0x61E]  }
0x25a: {  	[tilespmem:s2], [sflag:$0x1] =	stream.indirect.gather [hbm4b:s4+s7], $0x20, s3, s7, $0xb8;
	[tilespmem:$0x11000] =	vst v63  }
0x25b: {  	s5 =	simm.s32 $0xA800;
	s3 =	sld [smem:$0x61F]  }
0x25c: {  	[tilespmem:s5], [sflag:$0x2] =	stream.indirect.gather [hbm4b:s4+s7], $0x20, s26, s7, $0xb8;
	[tilespmem:$0x11000] =	vst v63  }
0x25d: {  	s0 =	simm.s32 $0xAB40;
	s26 =	sld [smem:$0x620]  }
0x25e: {  	[tilespmem:s0], [sflag:$0x2] =	stream.indirect.gather [hbm4b:s4+s7], $0x20, s3, s7, $0xb8;
	[tilespmem:$0x11000] =	vst v63  }
0x25f: {  	s5 =	simm.s32 $0xAE80;
	s3 =	sld [smem:$0x621]  }
0x260: {  	[tilespmem:s5], [sflag:$0x2] =	stream.indirect.gather [hbm4b:s4+s7], $0x20, s26, s7, $0xb8;
	[tilespmem:$0x11000] =	vst v63  }
0x261: {  	s0 =	simm.s32 $0xB1C0;
	s26 =	sld [smem:$0x622]  }
0x262: {  	[tilespmem:s0], [sflag:$0x2] =	stream.indirect.gather [hbm4b:s4+s7], $0x20, s3, s7, $0xb8;
	[tilespmem:$0x11000] =	vst v63  }
0x263: {  	s5 =	simm.s32 $0xB500;
	s3 =	sld [smem:$0x623]  }
0x264: {  	[tilespmem:s5], [sflag:$0x2] =	stream.indirect.gather [hbm4b:s4+s7], $0x20, s26, s7, $0xb8;
	[tilespmem:$0x11000] =	vst v63  }
0x265: {  	s0 =	simm.s32 $0xB840;
	s26 =	sld [smem:$0x624]  }
0x266: {  	[tilespmem:s0], [sflag:$0x2] =	stream.indirect.gather [hbm4b:s4+s7], $0x20, s3, s7, $0xb8;
	[tilespmem:$0x11000] =	vst v63  }
0x267: {  	s5 =	simm.s32 $0xBB80;
	s3 =	sld [smem:$0x625]  }
0x268: {  	[tilespmem:s5], [sflag:$0x2] =	stream.indirect.gather [hbm4b:s4+s7], $0x20, s26, s7, $0xb8;
	[tilespmem:$0x11000] =	vst v63  }
0x269: {  	s0 =	simm.s32 $0xBEC0;
	s26 =	sld [smem:$0x626]  }
0x26a: {  	[tilespmem:s0], [sflag:$0x2] =	stream.indirect.gather [hbm4b:s4+s7], $0x20, s3, s7, $0xb8;
	[tilespmem:$0x11000] =	vst v63  }
0x26b: {  	s5 =	simm.s32 $0xC200;
	s3 =	sld [smem:$0x627]  }
0x26c: {  	[tilespmem:s5], [sflag:$0x2] =	stream.indirect.gather [hbm4b:s4+s7], $0x20, s26, s7, $0xb8;
	[tilespmem:$0x11000] =	vst v63  }
0x26d: {  	s0 =	simm.s32 $0xC540;
	s26 =	sld [smem:$0x628]  }
0x26e: {  	[tilespmem:s0], [sflag:$0x2] =	stream.indirect.gather [hbm4b:s4+s7], $0x20, s3, s7, $0xb8;
	[tilespmem:$0x11000] =	vst v63  }
0x26f: {  	s5 =	simm.s32 $0xC880;
	s3 =	sld [smem:$0x629]  }
0x270: {  	[tilespmem:s5], [sflag:$0x2] =	stream.indirect.gather [hbm4b:s4+s7], $0x20, s26, s7, $0xb8;
	[tilespmem:$0x11000] =	vst v63  }
0x271: {  	s0 =	simm.s32 $0xCBC0;
	s26 =	sld [smem:$0x62A]  }
0x272: {  	[tilespmem:s0], [sflag:$0x2] =	stream.indirect.gather [hbm4b:s4+s7], $0x20, s3, s7, $0xb8;
	[tilespmem:$0x11000] =	vst v63  }
0x273: {  	s5 =	simm.s32 $0xCF00;
	s3 =	sld [smem:$0x62B]  }
0x274: {  	[tilespmem:s5], [sflag:$0x2] =	stream.indirect.gather [hbm4b:s4+s7], $0x20, s26, s7, $0xb8;
	[tilespmem:$0x11000] =	vst v63  }
0x275: {  	s0 =	simm.s32 $0xD240;
	s26 =	sld [smem:$0x62C]  }
0x276: {  	[tilespmem:s0], [sflag:$0x2] =	stream.indirect.gather [hbm4b:s4+s7], $0x20, s3, s7, $0xb8;
	[tilespmem:$0x11000] =	vst v63  }
0x277: {  	s5 =	simm.s32 $0xD580;
	s3 =	sld [smem:$0x62D]  }
0x278: {  	[tilespmem:s5], [sflag:$0x2] =	stream.indirect.gather [hbm4b:s4+s7], $0x20, s26, s7, $0xb8;
	[tilespmem:$0x11000] =	vst v63  }
0x279: {  	s0 =	simm.s32 $0xD8C0;
	s26 =	sld [smem:$0x62E]  }
0x27a: {  	[tilespmem:s0], [sflag:$0x2] =	stream.indirect.gather [hbm4b:s4+s7], $0x20, s3, s7, $0xb8;
	[tilespmem:$0x11000] =	vst v63  }
0x27b: {  	s5 =	simm.s32 $0xDC00;
	s3 =	sld [smem:$0x62F]  }
0x27c: {  	[tilespmem:s5], [sflag:$0x2] =	stream.indirect.gather [hbm4b:s4+s7], $0x20, s26, s7, $0xb8;
	[tilespmem:$0x11000] =	vst v63  }
0x27d: {  	s0 =	simm.s32 $0xDF40;
	s26 =	sld [smem:$0x630]  }
0x27e: {  	[tilespmem:s0], [sflag:$0x2] =	stream.indirect.gather [hbm4b:s4+s7], $0x20, s3, s7, $0xb8;
	[tilespmem:$0x11000] =	vst v63  }
0x27f: {  	s5 =	simm.s32 $0xE280;
	s3 =	sld [smem:$0x631]  }
0x280: {  	[tilespmem:s5], [sflag:$0x2] =	stream.indirect.gather [hbm4b:s4+s7], $0x20, s26, s7, $0xb8;
	[tilespmem:$0x11000] =	vst v63  }
0x281: {  	s0 =	simm.s32 $0xE5C0;
	s26 =	sld [smem:$0x632]  }
0x282: {  	[tilespmem:s0], [sflag:$0x2] =	stream.indirect.gather [hbm4b:s4+s7], $0x20, s3, s7, $0xb8;
	[tilespmem:$0x11000] =	vst v63  }
0x283: {  	s25 =	sld [smem:$0x633];
	s3 =	simm.s32 $0xE900  }
0x284: {  	[tilespmem:s3], [sflag:$0x2] =	stream.indirect.gather [hbm4b:s4+s7], $0x20, s26, s7, $0xb8;
	[tilespmem:$0x11000] =	vst v63  }
0x285: {  	s0 =	simm.s32 $0xEC40;
	s26 =	sld [smem:$0x634]  }
0x286: {  	[tilespmem:s0], [sflag:$0x2] =	stream.indirect.gather [hbm4b:s4+s7], $0x20, s25, s7, $0xb8;
	[tilespmem:$0x11000] =	vst v63  }
0x287: {  	s3 =	simm.s32 $0xEF80;
	s25 =	sld [smem:$0x635]  }
0x288: {  	[tilespmem:s3], [sflag:$0x2] =	stream.indirect.gather [hbm4b:s4+s7], $0x20, s26, s7, $0xb8;
	[tilespmem:$0x11000] =	vst v63  }
0x289: {  	s0 =	simm.s32 $0xF2C0;
	s26 =	sld [smem:$0x636]  }
0x28a: {  	[tilespmem:s0], [sflag:$0x2] =	stream.indirect.gather [hbm4b:s4+s7], $0x20, s25, s7, $0xb8;
	[tilespmem:$0x11000] =	vst v63  }
0x28b: {  	s3 =	simm.s32 $0xF600;
	s25 =	sld [smem:$0x637]  }
0x28c: {  	[tilespmem:s3], [sflag:$0x2] =	stream.indirect.gather [hbm4b:s4+s7], $0x20, s26, s7, $0xb8;
	[tilespmem:$0x11000] =	vst v63  }
0x28d: {  	s0 =	simm.s32 $0xF940;
	s26 =	sld [smem:$0x638]  }
0x28e: {  	[tilespmem:s0], [sflag:$0x2] =	stream.indirect.gather [hbm4b:s4+s7], $0x20, s25, s7, $0xb8;
	[tilespmem:$0x11000] =	vst v63  }
0x28f: {  	s3 =	sld [smem:$0x639];
	s0 =	simm.s32 $0xFC80  }
0x290: {  	[tilespmem:s0], [sflag:$0x2] =	stream.indirect.gather [hbm4b:s4+s7], $0x20, s26, s7, $0xb8;
	[tilespmem:$0x11000] =	vst v63  }
0x291: {  	s2 =	simm.s32 $0xFFC0  }
0x292: {  	[tilespmem:s2], [sflag:$0x2] =	stream.indirect.gather [hbm4b:s4+s7], $0x20, s3, s7, $0xb8;
	[tilespmem:$0x11000] =	vst v63  }
0x293: {  	s3 =	sld [smem:$0x63A];
	_ =	sdelay $0x1  }
0x294: {  	s0 =	simm.s32 $0x10300;
	s26 =	sld [smem:$0x63B]  }
0x295: {  	[tilespmem:s0], [sflag:$0x2] =	stream.indirect.gather [hbm4b:s4+s7], $0x20, s3, s7, $0xb8;
	[tilespmem:$0x11000] =	vst v63  }
0x296: {  	s25 =	sld [smem:$0x63C];
	s3 =	simm.s32 $0x10640  }
0x297: {  	[tilespmem:s3], [sflag:$0x2] =	stream.indirect.gather [hbm4b:s4+s7], $0x20, s26, s7, $0xb8;
	[tilespmem:$0x11000] =	vst v63  }
0x298: {  	s0 =	sld [smem:$0x63D];
	s3 =	simm.s32 $0x10980  }
0x299: {  	[tilespmem:s3], [sflag:$0x2] =	stream.indirect.gather [hbm4b:s4+s7], $0x20, s25, s7, $0xb8;
	[tilespmem:$0x11000] =	vst v63  }
0x29a: {  	s3 =	simm.s32 $0x10CC0  }
0x29b: {  	[tilespmem:s3], [sflag:$0x2] =	stream.indirect.gather [hbm4b:s4+s7], $0x20, s0, s7, $0xb8;
	[tilespmem:$0x11000] =	vst v63  }
0x29c: {  	_ =	swait.ge [sflag:s21], $0x6800  }
0x29d: {  	s26 =	sld [smem:$0x60B]  }
0x29e: {  	[sflag:s21] =	ssyncset.done $0x0  }
0x29f: {  	s3 =	simm.s32 $0x4000;
	s0 =	simm.s32 $0x0;
	[sflag:s21] =	ssyncadd.s32 $0xFFFF9800  }
0x2a0: {  	[hbm4b:s26+s0] =	stream.linear.scatter [tilespmem:s3], [sflag:$0x3], $0x6800, $0x38;
	[tilespmem:$0x11000] =	vst v63  }
0x2a1: {  	_ =	swait.ge [sflag:s22], $0x6800  }
0x2a2: {  	s2 =	sld [smem:$0x63E]  }
0x2a3: {  	[sflag:s22] =	ssyncset.done $0x0  }
0x2a4: {  	s26 =	sld [smem:$0x63F];
	[sflag:s22] =	ssyncadd.s32 $0xFFFF9800  }
0x2a5: {  	[tilespmem:s3], [sflag:$0x1] =	stream.indirect.gather [hbm4b:s4+s7], $0x20, s2, s7, $0xb8;
	[tilespmem:$0x11000] =	vst v63  }
0x2a6: {  	s1 =	simm.s32 $0x4340;
	s2 =	sld [smem:$0x640]  }
0x2a7: {  	[tilespmem:s1], [sflag:$0x1] =	stream.indirect.gather [hbm4b:s4+s7], $0x20, s26, s7, $0xb8;
	[tilespmem:$0x11000] =	vst v63  }
0x2a8: {  	s6 =	simm.s32 $0x4680;
	s3 =	sld [smem:$0x641]  }
0x2a9: {  	[tilespmem:s6], [sflag:$0x1] =	stream.indirect.gather [hbm4b:s4+s7], $0x20, s2, s7, $0xb8;
	[tilespmem:$0x11000] =	vst v63  }
0x2aa: {  	s8 =	simm.s32 $0x49C0;
	s6 =	sld [smem:$0x642]  }
0x2ab: {  	[tilespmem:s8], [sflag:$0x1] =	stream.indirect.gather [hbm4b:s4+s7], $0x20, s3, s7, $0xb8;
	[tilespmem:$0x11000] =	vst v63  }
0x2ac: {  	s9 =	simm.s32 $0x4D00;
	s8 =	sld [smem:$0x643]  }
0x2ad: {  	[tilespmem:s9], [sflag:$0x1] =	stream.indirect.gather [hbm4b:s4+s7], $0x20, s6, s7, $0xb8;
	[tilespmem:$0x11000] =	vst v63  }
0x2ae: {  	s10 =	simm.s32 $0x5040;
	s9 =	sld [smem:$0x644]  }
0x2af: {  	[tilespmem:s10], [sflag:$0x1] =	stream.indirect.gather [hbm4b:s4+s7], $0x20, s8, s7, $0xb8;
	[tilespmem:$0x11000] =	vst v63  }
0x2b0: {  	s11 =	simm.s32 $0x5380;
	s10 =	sld [smem:$0x645]  }
0x2b1: {  	[tilespmem:s11], [sflag:$0x1] =	stream.indirect.gather [hbm4b:s4+s7], $0x20, s9, s7, $0xb8;
	[tilespmem:$0x11000] =	vst v63  }
0x2b2: {  	s12 =	simm.s32 $0x56C0;
	s11 =	sld [smem:$0x646]  }
0x2b3: {  	[tilespmem:s12], [sflag:$0x1] =	stream.indirect.gather [hbm4b:s4+s7], $0x20, s10, s7, $0xb8;
	[tilespmem:$0x11000] =	vst v63  }
0x2b4: {  	s13 =	simm.s32 $0x5A00;
	s12 =	sld [smem:$0x647]  }
0x2b5: {  	[tilespmem:s13], [sflag:$0x1] =	stream.indirect.gather [hbm4b:s4+s7], $0x20, s11, s7, $0xb8;
	[tilespmem:$0x11000] =	vst v63  }
0x2b6: {  	s14 =	simm.s32 $0x5D40;
	s13 =	sld [smem:$0x648]  }
0x2b7: {  	[tilespmem:s14], [sflag:$0x1] =	stream.indirect.gather [hbm4b:s4+s7], $0x20, s12, s7, $0xb8;
	[tilespmem:$0x11000] =	vst v63  }
0x2b8: {  	s15 =	simm.s32 $0x6080;
	s14 =	sld [smem:$0x649]  }
0x2b9: {  	[tilespmem:s15], [sflag:$0x1] =	stream.indirect.gather [hbm4b:s4+s7], $0x20, s13, s7, $0xb8;
	[tilespmem:$0x11000] =	vst v63  }
0x2ba: {  	s16 =	simm.s32 $0x63C0;
	s15 =	sld [smem:$0x64A]  }
0x2bb: {  	[tilespmem:s16], [sflag:$0x1] =	stream.indirect.gather [hbm4b:s4+s7], $0x20, s14, s7, $0xb8;
	[tilespmem:$0x11000] =	vst v63  }
0x2bc: {  	s17 =	simm.s32 $0x6700;
	s16 =	sld [smem:$0x64B]  }
0x2bd: {  	[tilespmem:s17], [sflag:$0x1] =	stream.indirect.gather [hbm4b:s4+s7], $0x20, s15, s7, $0xb8;
	[tilespmem:$0x11000] =	vst v63  }
0x2be: {  	s18 =	simm.s32 $0x6A40;
	s17 =	sld [smem:$0x64C]  }
0x2bf: {  	[tilespmem:s18], [sflag:$0x1] =	stream.indirect.gather [hbm4b:s4+s7], $0x20, s16, s7, $0xb8;
	[tilespmem:$0x11000] =	vst v63  }
0x2c0: {  	s19 =	simm.s32 $0x6D80;
	s1 =	sld [smem:$0x64D]  }
0x2c1: {  	[tilespmem:s19], [sflag:$0x1] =	stream.indirect.gather [hbm4b:s4+s7], $0x20, s17, s7, $0xb8;
	[tilespmem:$0x11000] =	vst v63  }
0x2c2: {  	s20 =	simm.s32 $0x70C0;
	s2 =	sld [smem:$0x64E]  }
0x2c3: {  	[tilespmem:s20], [sflag:$0x1] =	stream.indirect.gather [hbm4b:s4+s7], $0x20, s1, s7, $0xb8;
	[tilespmem:$0x11000] =	vst v63  }
0x2c4: {  	s28 =	simm.s32 $0x7400;
	s3 =	sld [smem:$0x64F]  }
0x2c5: {  	[tilespmem:s28], [sflag:$0x1] =	stream.indirect.gather [hbm4b:s4+s7], $0x20, s2, s7, $0xb8;
	[tilespmem:$0x11000] =	vst v63  }
0x2c6: {  	s29 =	simm.s32 $0x7740;
	s6 =	sld [smem:$0x650]  }
0x2c7: {  	[tilespmem:s29], [sflag:$0x1] =	stream.indirect.gather [hbm4b:s4+s7], $0x20, s3, s7, $0xb8;
	[tilespmem:$0x11000] =	vst v63  }
0x2c8: {  	s30 =	simm.s32 $0x7A80;
	s8 =	sld [smem:$0x651]  }
0x2c9: {  	[tilespmem:s30], [sflag:$0x1] =	stream.indirect.gather [hbm4b:s4+s7], $0x20, s6, s7, $0xb8;
	[tilespmem:$0x11000] =	vst v63  }
0x2ca: {  	s31 =	simm.s32 $0x7DC0;
	s9 =	sld [smem:$0x652]  }
0x2cb: {  	[tilespmem:s31], [sflag:$0x1] =	stream.indirect.gather [hbm4b:s4+s7], $0x20, s8, s7, $0xb8;
	[tilespmem:$0x11000] =	vst v63  }
0x2cc: {  	s10 =	sld [smem:$0x653];
	s2 =	simm.s32 $0x8100  }
0x2cd: {  	[tilespmem:s2], [sflag:$0x1] =	stream.indirect.gather [hbm4b:s4+s7], $0x20, s9, s7, $0xb8;
	[tilespmem:$0x11000] =	vst v63  }
0x2ce: {  	s11 =	sld [smem:$0x654];
	s12 =	simm.s32 $0x8440  }
0x2cf: {  	[tilespmem:s12], [sflag:$0x1] =	stream.indirect.gather [hbm4b:s4+s7], $0x20, s10, s7, $0xb8;
	[tilespmem:$0x11000] =	vst v63  }
0x2d0: {  	s13 =	sld [smem:$0x655];
	s14 =	simm.s32 $0x8780  }
0x2d1: {  	[tilespmem:s14], [sflag:$0x1] =	stream.indirect.gather [hbm4b:s4+s7], $0x20, s11, s7, $0xb8;
	[tilespmem:$0x11000] =	vst v63  }
0x2d2: {  	s15 =	sld [smem:$0x656];
	s16 =	simm.s32 $0x8AC0  }
0x2d3: {  	[tilespmem:s16], [sflag:$0x1] =	stream.indirect.gather [hbm4b:s4+s7], $0x20, s13, s7, $0xb8;
	[tilespmem:$0x11000] =	vst v63  }
0x2d4: {  	s18 =	simm.s32 $0x8E00;
	s17 =	sld [smem:$0x657]  }
0x2d5: {  	[tilespmem:s18], [sflag:$0x1] =	stream.indirect.gather [hbm4b:s4+s7], $0x20, s15, s7, $0xb8;
	[tilespmem:$0x11000] =	vst v63  }
0x2d6: {  	s19 =	sld [smem:$0x658];
	s20 =	simm.s32 $0x9140  }
0x2d7: {  	[tilespmem:s20], [sflag:$0x1] =	stream.indirect.gather [hbm4b:s4+s7], $0x20, s17, s7, $0xb8;
	[tilespmem:$0x11000] =	vst v63  }
0x2d8: {  	s28 =	sld [smem:$0x659];
	s29 =	simm.s32 $0x9480  }
0x2d9: {  	[tilespmem:s29], [sflag:$0x1] =	stream.indirect.gather [hbm4b:s4+s7], $0x20, s19, s7, $0xb8;
	[tilespmem:$0x11000] =	vst v63  }
0x2da: {  	s30 =	sld [smem:$0x65A];
	s31 =	simm.s32 $0x97C0  }
0x2db: {  	[tilespmem:s31], [sflag:$0x1] =	stream.indirect.gather [hbm4b:s4+s7], $0x20, s28, s7, $0xb8;
	[tilespmem:$0x11000] =	vst v63  }
0x2dc: {  	s3 =	sld [smem:$0x65B];
	s6 =	simm.s32 $0x9B00  }
0x2dd: {  	[tilespmem:s6], [sflag:$0x1] =	stream.indirect.gather [hbm4b:s4+s7], $0x20, s30, s7, $0xb8;
	[tilespmem:$0x11000] =	vst v63  }
0x2de: {  	s8 =	sld [smem:$0x65C];
	s9 =	simm.s32 $0x9E40  }
0x2df: {  	[tilespmem:s9], [sflag:$0x1] =	stream.indirect.gather [hbm4b:s4+s7], $0x20, s3, s7, $0xb8;
	[tilespmem:$0x11000] =	vst v63  }
0x2e0: {  	s10 =	sld [smem:$0x65D];
	s11 =	simm.s32 $0xA180  }
0x2e1: {  	[tilespmem:s11], [sflag:$0x1] =	stream.indirect.gather [hbm4b:s4+s7], $0x20, s8, s7, $0xb8;
	[tilespmem:$0x11000] =	vst v63  }
0x2e2: {  	s12 =	simm.s32 $0xA4C0  }
0x2e3: {  	[tilespmem:s12], [sflag:$0x1] =	stream.indirect.gather [hbm4b:s4+s7], $0x20, s10, s7, $0xb8;
	[tilespmem:$0x11000] =	vst v63  }
0x2e4: {  	_ =	swait.ge [sflag:s23], $0x6800  }
0x2e5: {  	[sflag:s23] =	ssyncset.done $0x0  }
0x2e6: {  	s14 =	simm.s32 $0xA800;
	s13 =	rddreg [dreg:$0x4];
	[sflag:s23] =	ssyncadd.s32 $0xFFFF9800  }
0x2e7: {  	[hbm4b:s13+s0] =	stream.linear.scatter [tilespmem:s14], [sflag:$0x4], $0x6800, $0x38;
	[tilespmem:$0x11000] =	vst v63  }
0x2e8: {  	_ =	swait.ge [sflag:s24], $0x6800  }
0x2e9: {  	s15 =	sld [smem:$0x65E]  }
0x2ea: {  	[sflag:s24] =	ssyncset.done $0x0  }
0x2eb: {  	s16 =	sld [smem:$0x65F];
	[sflag:s24] =	ssyncadd.s32 $0xFFFF9800  }
0x2ec: {  	[tilespmem:s14], [sflag:$0x2] =	stream.indirect.gather [hbm4b:s4+s7], $0x20, s15, s7, $0xb8;
	[tilespmem:$0x11000] =	vst v63  }
0x2ed: {  	s6 =	simm.s32 $0xAB40;
	s17 =	sld [smem:$0x660]  }
0x2ee: {  	[tilespmem:s6], [sflag:$0x2] =	stream.indirect.gather [hbm4b:s4+s7], $0x20, s16, s7, $0xb8;
	[tilespmem:$0x11000] =	vst v63  }
0x2ef: {  	s11 =	simm.s32 $0xAE80;
	s18 =	sld [smem:$0x661]  }
0x2f0: {  	[tilespmem:s11], [sflag:$0x2] =	stream.indirect.gather [hbm4b:s4+s7], $0x20, s17, s7, $0xb8;
	[tilespmem:$0x11000] =	vst v63  }
0x2f1: {  	s10 =	simm.s32 $0xB1C0;
	s19 =	sld [smem:$0x662]  }
0x2f2: {  	[tilespmem:s10], [sflag:$0x2] =	stream.indirect.gather [hbm4b:s4+s7], $0x20, s18, s7, $0xb8;
	[tilespmem:$0x11000] =	vst v63  }
0x2f3: {  	s13 =	simm.s32 $0xB500;
	s20 =	sld [smem:$0x663]  }
0x2f4: {  	[tilespmem:s13], [sflag:$0x2] =	stream.indirect.gather [hbm4b:s4+s7], $0x20, s19, s7, $0xb8;
	[tilespmem:$0x11000] =	vst v63  }
0x2f5: {  	s12 =	simm.s32 $0xB840;
	s28 =	sld [smem:$0x664]  }
0x2f6: {  	[tilespmem:s12], [sflag:$0x2] =	stream.indirect.gather [hbm4b:s4+s7], $0x20, s20, s7, $0xb8;
	[tilespmem:$0x11000] =	vst v63  }
0x2f7: {  	s29 =	sld [smem:$0x665];
	s16 =	simm.s32 $0xBB80  }
0x2f8: {  	[tilespmem:s16], [sflag:$0x2] =	stream.indirect.gather [hbm4b:s4+s7], $0x20, s28, s7, $0xb8;
	[tilespmem:$0x11000] =	vst v63  }
0x2f9: {  	s30 =	sld [smem:$0x666];
	s15 =	simm.s32 $0xBEC0  }
0x2fa: {  	[tilespmem:s15], [sflag:$0x2] =	stream.indirect.gather [hbm4b:s4+s7], $0x20, s29, s7, $0xb8;
	[tilespmem:$0x11000] =	vst v63  }
0x2fb: {  	s31 =	sld [smem:$0x667];
	s18 =	simm.s32 $0xC200  }
0x2fc: {  	[tilespmem:s18], [sflag:$0x2] =	stream.indirect.gather [hbm4b:s4+s7], $0x20, s30, s7, $0xb8;
	[tilespmem:$0x11000] =	vst v63  }
0x2fd: {  	s0 =	sld [smem:$0x668];
	s17 =	simm.s32 $0xC540  }
0x2fe: {  	[tilespmem:s17], [sflag:$0x2] =	stream.indirect.gather [hbm4b:s4+s7], $0x20, s31, s7, $0xb8;
	[tilespmem:$0x11000] =	vst v63  }
0x2ff: {  	s1 =	sld [smem:$0x669];
	s20 =	simm.s32 $0xC880  }
0x300: {  	[tilespmem:s20], [sflag:$0x2] =	stream.indirect.gather [hbm4b:s4+s7], $0x20, s0, s7, $0xb8;
	[tilespmem:$0x11000] =	vst v63  }
0x301: {  	s3 =	sld [smem:$0x66A];
	s19 =	simm.s32 $0xCBC0  }
0x302: {  	[tilespmem:s19], [sflag:$0x2] =	stream.indirect.gather [hbm4b:s4+s7], $0x20, s1, s7, $0xb8;
	[tilespmem:$0x11000] =	vst v63  }
0x303: {  	s8 =	sld [smem:$0x66B];
	s29 =	simm.s32 $0xCF00  }
0x304: {  	[tilespmem:s29], [sflag:$0x2] =	stream.indirect.gather [hbm4b:s4+s7], $0x20, s3, s7, $0xb8;
	[tilespmem:$0x11000] =	vst v63  }
0x305: {  	s9 =	sld [smem:$0x66C];
	s28 =	simm.s32 $0xD240  }
0x306: {  	[tilespmem:s28], [sflag:$0x2] =	stream.indirect.gather [hbm4b:s4+s7], $0x20, s8, s7, $0xb8;
	[tilespmem:$0x11000] =	vst v63  }
0x307: {  	s14 =	sld [smem:$0x66D];
	s31 =	simm.s32 $0xD580  }
0x308: {  	[tilespmem:s31], [sflag:$0x2] =	stream.indirect.gather [hbm4b:s4+s7], $0x20, s9, s7, $0xb8;
	[tilespmem:$0x11000] =	vst v63  }
0x309: {  	s30 =	simm.s32 $0xD8C0;
	s0 =	sld [smem:$0x66E]  }
0x30a: {  	[tilespmem:s30], [sflag:$0x2] =	stream.indirect.gather [hbm4b:s4+s7], $0x20, s14, s7, $0xb8;
	[tilespmem:$0x11000] =	vst v63  }
0x30b: {  	s1 =	sld [smem:$0x66F];
	s8 =	simm.s32 $0xDC00  }
0x30c: {  	[tilespmem:s8], [sflag:$0x2] =	stream.indirect.gather [hbm4b:s4+s7], $0x20, s0, s7, $0xb8;
	[tilespmem:$0x11000] =	vst v63  }
0x30d: {  	s3 =	sld [smem:$0x670];
	s9 =	simm.s32 $0xDF40  }
0x30e: {  	[tilespmem:s9], [sflag:$0x2] =	stream.indirect.gather [hbm4b:s4+s7], $0x20, s1, s7, $0xb8;
	[tilespmem:$0x11000] =	vst v63  }
0x30f: {  	s14 =	simm.s32 $0xE280;
	s0 =	sld [smem:$0x671]  }
0x310: {  	[tilespmem:s14], [sflag:$0x2] =	stream.indirect.gather [hbm4b:s4+s7], $0x20, s3, s7, $0xb8;
	[tilespmem:$0x11000] =	vst v63  }
0x311: {  	s5 =	simm.s32 $0xE5C0;
	s1 =	sld [smem:$0x672]  }
0x312: {  	[tilespmem:s5], [sflag:$0x2] =	stream.indirect.gather [hbm4b:s4+s7], $0x20, s0, s7, $0xb8;
	[tilespmem:$0x11000] =	vst v63  }
0x313: {  	s3 =	sld [smem:$0x673];
	s5 =	simm.s32 $0xE900  }
0x314: {  	[tilespmem:s5], [sflag:$0x2] =	stream.indirect.gather [hbm4b:s4+s7], $0x20, s1, s7, $0xb8;
	[tilespmem:$0x11000] =	vst v63  }
0x315: {  	s25 =	sld [smem:$0x674];
	s1 =	simm.s32 $0xEC40  }
0x316: {  	[tilespmem:s1], [sflag:$0x2] =	stream.indirect.gather [hbm4b:s4+s7], $0x20, s3, s7, $0xb8;
	[tilespmem:$0x11000] =	vst v63  }
0x317: {  	s5 =	simm.s32 $0xEF80;
	s3 =	sld [smem:$0x675]  }
0x318: {  	[tilespmem:s5], [sflag:$0x2] =	stream.indirect.gather [hbm4b:s4+s7], $0x20, s25, s7, $0xb8;
	[tilespmem:$0x11000] =	vst v63  }
0x319: {  	s1 =	simm.s32 $0xF2C0;
	s25 =	sld [smem:$0x676]  }
0x31a: {  	[tilespmem:s1], [sflag:$0x2] =	stream.indirect.gather [hbm4b:s4+s7], $0x20, s3, s7, $0xb8;
	[tilespmem:$0x11000] =	vst v63  }
0x31b: {  	s5 =	simm.s32 $0xF600;
	s3 =	sld [smem:$0x677]  }
0x31c: {  	[tilespmem:s5], [sflag:$0x2] =	stream.indirect.gather [hbm4b:s4+s7], $0x20, s25, s7, $0xb8;
	[tilespmem:$0x11000] =	vst v63  }
0x31d: {  	s1 =	simm.s32 $0xF940;
	s25 =	sld [smem:$0x678]  }
0x31e: {  	[tilespmem:s1], [sflag:$0x2] =	stream.indirect.gather [hbm4b:s4+s7], $0x20, s3, s7, $0xb8;
	[tilespmem:$0x11000] =	vst v63  }
0x31f: {  	s5 =	simm.s32 $0xFC80;
	s3 =	sld [smem:$0x679]  }
0x320: {  	[tilespmem:s5], [sflag:$0x2] =	stream.indirect.gather [hbm4b:s4+s7], $0x20, s25, s7, $0xb8;
	[tilespmem:$0x11000] =	vst v63  }
0x321: {  	s0 =	sld [smem:$0x67A];
	s5 =	simm.s32 $0xFFC0  }
0x322: {  	[tilespmem:s5], [sflag:$0x2] =	stream.indirect.gather [hbm4b:s4+s7], $0x20, s3, s7, $0xb8;
	[tilespmem:$0x11000] =	vst v63  }
0x323: {  	s26 =	sld [smem:$0x67B];
	s1 =	simm.s32 $0x10300  }
0x324: {  	[tilespmem:s1], [sflag:$0x2] =	stream.indirect.gather [hbm4b:s4+s7], $0x20, s0, s7, $0xb8;
	[tilespmem:$0x11000] =	vst v63  }
0x325: {  	s25 =	sld [smem:$0x67C];
	s3 =	simm.s32 $0x10640  }
0x326: {  	[tilespmem:s3], [sflag:$0x2] =	stream.indirect.gather [hbm4b:s4+s7], $0x20, s26, s7, $0xb8;
	[tilespmem:$0x11000] =	vst v63  }
0x327: {  	s1 =	sld [smem:$0x67D];
	s3 =	simm.s32 $0x10980  }
0x328: {  	[tilespmem:s3], [sflag:$0x2] =	stream.indirect.gather [hbm4b:s4+s7], $0x20, s25, s7, $0xb8;
	[tilespmem:$0x11000] =	vst v63  }
0x329: {  	s3 =	simm.s32 $0x10CC0  }
0x32a: {  	[tilespmem:s3], [sflag:$0x2] =	stream.indirect.gather [hbm4b:s4+s7], $0x20, s1, s7, $0xb8;
	[tilespmem:$0x11000] =	vst v63  }
0x32b: {  	_ =	swait.ge [sflag:s21], $0x6800  }
0x32c: {  	s0 =	simm.s32 $0x4000;
	[sflag:s21] =	ssyncset.done $0x0  }
0x32d: {  	s1 =	simm.s32 $0x0;
	s26 =	rddreg [dreg:$0x5];
	[sflag:s21] =	ssyncadd.s32 $0xFFFF9800  }
0x32e: {  	[hbm4b:s26+s1] =	stream.linear.scatter [tilespmem:s0], [sflag:$0x3], $0x6800, $0x38;
	[tilespmem:$0x11000] =	vst v63  }
0x32f: {  	_ =	swait.ge [sflag:s22], $0x6800  }
0x330: {  	s25 =	sld [smem:$0x67E]  }
0x331: {  	[sflag:s22] =	ssyncset.done $0x0  }
0x332: {  	s26 =	sld [smem:$0x67F];
	[sflag:s22] =	ssyncadd.s32 $0xFFFF9800  }
0x333: {  	[tilespmem:s0], [sflag:$0x1] =	stream.indirect.gather [hbm4b:s4+s7], $0x20, s25, s7, $0xb8;
	[tilespmem:$0x11000] =	vst v63  }
0x334: {  	s25 =	sld [smem:$0x680];
	s0 =	simm.s32 $0x4340  }
0x335: {  	[tilespmem:s0], [sflag:$0x1] =	stream.indirect.gather [hbm4b:s4+s7], $0x20, s26, s7, $0xb8;
	[tilespmem:$0x11000] =	vst v63  }
0x336: {  	s26 =	sld [smem:$0x681];
	s0 =	simm.s32 $0x4680  }
0x337: {  	[tilespmem:s0], [sflag:$0x1] =	stream.indirect.gather [hbm4b:s4+s7], $0x20, s25, s7, $0xb8;
	[tilespmem:$0x11000] =	vst v63  }
0x338: {  	s25 =	sld [smem:$0x682];
	s0 =	simm.s32 $0x49C0  }
0x339: {  	[tilespmem:s0], [sflag:$0x1] =	stream.indirect.gather [hbm4b:s4+s7], $0x20, s26, s7, $0xb8;
	[tilespmem:$0x11000] =	vst v63  }
0x33a: {  	s26 =	sld [smem:$0x683];
	s0 =	simm.s32 $0x4D00  }
0x33b: {  	[tilespmem:s0], [sflag:$0x1] =	stream.indirect.gather [hbm4b:s4+s7], $0x20, s25, s7, $0xb8;
	[tilespmem:$0x11000] =	vst v63  }
0x33c: {  	s25 =	sld [smem:$0x684];
	s0 =	simm.s32 $0x5040  }
0x33d: {  	[tilespmem:s0], [sflag:$0x1] =	stream.indirect.gather [hbm4b:s4+s7], $0x20, s26, s7, $0xb8;
	[tilespmem:$0x11000] =	vst v63  }
0x33e: {  	s26 =	sld [smem:$0x685];
	s0 =	simm.s32 $0x5380  }
0x33f: {  	[tilespmem:s0], [sflag:$0x1] =	stream.indirect.gather [hbm4b:s4+s7], $0x20, s25, s7, $0xb8;
	[tilespmem:$0x11000] =	vst v63  }
0x340: {  	s25 =	sld [smem:$0x686];
	s0 =	simm.s32 $0x56C0  }
0x341: {  	[tilespmem:s0], [sflag:$0x1] =	stream.indirect.gather [hbm4b:s4+s7], $0x20, s26, s7, $0xb8;
	[tilespmem:$0x11000] =	vst v63  }
0x342: {  	s26 =	sld [smem:$0x687];
	s0 =	simm.s32 $0x5A00  }
0x343: {  	[tilespmem:s0], [sflag:$0x1] =	stream.indirect.gather [hbm4b:s4+s7], $0x20, s25, s7, $0xb8;
	[tilespmem:$0x11000] =	vst v63  }
0x344: {  	s25 =	sld [smem:$0x688];
	s0 =	simm.s32 $0x5D40  }
0x345: {  	[tilespmem:s0], [sflag:$0x1] =	stream.indirect.gather [hbm4b:s4+s7], $0x20, s26, s7, $0xb8;
	[tilespmem:$0x11000] =	vst v63  }
0x346: {  	s26 =	sld [smem:$0x689];
	s0 =	simm.s32 $0x6080  }
0x347: {  	[tilespmem:s0], [sflag:$0x1] =	stream.indirect.gather [hbm4b:s4+s7], $0x20, s25, s7, $0xb8;
	[tilespmem:$0x11000] =	vst v63  }
0x348: {  	s25 =	sld [smem:$0x68A];
	s0 =	simm.s32 $0x63C0  }
0x349: {  	[tilespmem:s0], [sflag:$0x1] =	stream.indirect.gather [hbm4b:s4+s7], $0x20, s26, s7, $0xb8;
	[tilespmem:$0x11000] =	vst v63  }
0x34a: {  	s26 =	sld [smem:$0x68B];
	s0 =	simm.s32 $0x6700  }
0x34b: {  	[tilespmem:s0], [sflag:$0x1] =	stream.indirect.gather [hbm4b:s4+s7], $0x20, s25, s7, $0xb8;
	[tilespmem:$0x11000] =	vst v63  }
0x34c: {  	s25 =	sld [smem:$0x68C];
	s0 =	simm.s32 $0x6A40  }
0x34d: {  	[tilespmem:s0], [sflag:$0x1] =	stream.indirect.gather [hbm4b:s4+s7], $0x20, s26, s7, $0xb8;
	[tilespmem:$0x11000] =	vst v63  }
0x34e: {  	s26 =	sld [smem:$0x68D];
	s0 =	simm.s32 $0x6D80  }
0x34f: {  	[tilespmem:s0], [sflag:$0x1] =	stream.indirect.gather [hbm4b:s4+s7], $0x20, s25, s7, $0xb8;
	[tilespmem:$0x11000] =	vst v63  }
0x350: {  	s25 =	sld [smem:$0x68E];
	s0 =	simm.s32 $0x70C0  }
0x351: {  	[tilespmem:s0], [sflag:$0x1] =	stream.indirect.gather [hbm4b:s4+s7], $0x20, s26, s7, $0xb8;
	[tilespmem:$0x11000] =	vst v63  }
0x352: {  	s26 =	sld [smem:$0x68F];
	s0 =	simm.s32 $0x7400  }
0x353: {  	[tilespmem:s0], [sflag:$0x1] =	stream.indirect.gather [hbm4b:s4+s7], $0x20, s25, s7, $0xb8;
	[tilespmem:$0x11000] =	vst v63  }
0x354: {  	s25 =	sld [smem:$0x690];
	s0 =	simm.s32 $0x7740  }
0x355: {  	[tilespmem:s0], [sflag:$0x1] =	stream.indirect.gather [hbm4b:s4+s7], $0x20, s26, s7, $0xb8;
	[tilespmem:$0x11000] =	vst v63  }
0x356: {  	s26 =	sld [smem:$0x691];
	s0 =	simm.s32 $0x7A80  }
0x357: {  	[tilespmem:s0], [sflag:$0x1] =	stream.indirect.gather [hbm4b:s4+s7], $0x20, s25, s7, $0xb8;
	[tilespmem:$0x11000] =	vst v63  }
0x358: {  	s25 =	sld [smem:$0x692];
	s0 =	simm.s32 $0x7DC0  }
0x359: {  	[tilespmem:s0], [sflag:$0x1] =	stream.indirect.gather [hbm4b:s4+s7], $0x20, s26, s7, $0xb8;
	[tilespmem:$0x11000] =	vst v63  }
0x35a: {  	s0 =	sld [smem:$0x693]  }
0x35b: {  	[tilespmem:s2], [sflag:$0x1] =	stream.indirect.gather [hbm4b:s4+s7], $0x20, s25, s7, $0xb8;
	[tilespmem:$0x11000] =	vst v63  }
0x35c: {  	s25 =	sld [smem:$0x694];
	s2 =	simm.s32 $0x8440  }
0x35d: {  	[tilespmem:s2], [sflag:$0x1] =	stream.indirect.gather [hbm4b:s4+s7], $0x20, s0, s7, $0xb8;
	[tilespmem:$0x11000] =	vst v63  }
0x35e: {  	s26 =	sld [smem:$0x695];
	s2 =	simm.s32 $0x8780  }
0x35f: {  	[tilespmem:s2], [sflag:$0x1] =	stream.indirect.gather [hbm4b:s4+s7], $0x20, s25, s7, $0xb8;
	[tilespmem:$0x11000] =	vst v63  }
0x360: {  	s25 =	sld [smem:$0x696];
	s2 =	simm.s32 $0x8AC0  }
0x361: {  	[tilespmem:s2], [sflag:$0x1] =	stream.indirect.gather [hbm4b:s4+s7], $0x20, s26, s7, $0xb8;
	[tilespmem:$0x11000] =	vst v63  }
0x362: {  	s26 =	sld [smem:$0x697];
	s2 =	simm.s32 $0x8E00  }
0x363: {  	[tilespmem:s2], [sflag:$0x1] =	stream.indirect.gather [hbm4b:s4+s7], $0x20, s25, s7, $0xb8;
	[tilespmem:$0x11000] =	vst v63  }
0x364: {  	s25 =	sld [smem:$0x698];
	s2 =	simm.s32 $0x9140  }
0x365: {  	[tilespmem:s2], [sflag:$0x1] =	stream.indirect.gather [hbm4b:s4+s7], $0x20, s26, s7, $0xb8;
	[tilespmem:$0x11000] =	vst v63  }
0x366: {  	s26 =	sld [smem:$0x699];
	s2 =	simm.s32 $0x9480  }
0x367: {  	[tilespmem:s2], [sflag:$0x1] =	stream.indirect.gather [hbm4b:s4+s7], $0x20, s25, s7, $0xb8;
	[tilespmem:$0x11000] =	vst v63  }
0x368: {  	s25 =	sld [smem:$0x69A];
	s2 =	simm.s32 $0x97C0  }
0x369: {  	[tilespmem:s2], [sflag:$0x1] =	stream.indirect.gather [hbm4b:s4+s7], $0x20, s26, s7, $0xb8;
	[tilespmem:$0x11000] =	vst v63  }
0x36a: {  	s26 =	sld [smem:$0x69B];
	s2 =	simm.s32 $0x9B00  }
0x36b: {  	[tilespmem:s2], [sflag:$0x1] =	stream.indirect.gather [hbm4b:s4+s7], $0x20, s25, s7, $0xb8;
	[tilespmem:$0x11000] =	vst v63  }
0x36c: {  	s25 =	sld [smem:$0x69C];
	s2 =	simm.s32 $0x9E40  }
0x36d: {  	[tilespmem:s2], [sflag:$0x1] =	stream.indirect.gather [hbm4b:s4+s7], $0x20, s26, s7, $0xb8;
	[tilespmem:$0x11000] =	vst v63  }
0x36e: {  	s26 =	sld [smem:$0x69D];
	s2 =	simm.s32 $0xA180  }
0x36f: {  	[tilespmem:s2], [sflag:$0x1] =	stream.indirect.gather [hbm4b:s4+s7], $0x20, s25, s7, $0xb8;
	[tilespmem:$0x11000] =	vst v63  }
0x370: {  	s25 =	simm.s32 $0xA4C0  }
0x371: {  	[tilespmem:s25], [sflag:$0x1] =	stream.indirect.gather [hbm4b:s4+s7], $0x20, s26, s7, $0xb8;
	[tilespmem:$0x11000] =	vst v63  }
0x372: {  	_ =	swait.ge [sflag:s23], $0x6800  }
0x373: {  	[sflag:s23] =	ssyncset.done $0x0  }
0x374: {  	s0 =	simm.s32 $0xA800;
	s2 =	rddreg [dreg:$0x6];
	[sflag:s23] =	ssyncadd.s32 $0xFFFF9800  }
0x375: {  	[hbm4b:s2+s1] =	stream.linear.scatter [tilespmem:s0], [sflag:$0x4], $0x6800, $0x38;
	[tilespmem:$0x11000] =	vst v63  }
0x376: {  	_ =	swait.ge [sflag:s24], $0x6800  }
0x377: {  	s26 =	sld [smem:$0x69E]  }
0x378: {  	[sflag:s24] =	ssyncset.done $0x0  }
0x379: {  	s1 =	sld [smem:$0x69F];
	[sflag:s24] =	ssyncadd.s32 $0xFFFF9800  }
0x37a: {  	[tilespmem:s0], [sflag:$0x2] =	stream.indirect.gather [hbm4b:s4+s7], $0x20, s26, s7, $0xb8;
	[tilespmem:$0x11000] =	vst v63  }
0x37b: {  	s0 =	sld [smem:$0x6A0]  }
0x37c: {  	[tilespmem:s6], [sflag:$0x2] =	stream.indirect.gather [hbm4b:s4+s7], $0x20, s1, s7, $0xb8;
	[tilespmem:$0x11000] =	vst v63  }
0x37d: {  	s1 =	sld [smem:$0x6A1]  }
0x37e: {  	[tilespmem:s11], [sflag:$0x2] =	stream.indirect.gather [hbm4b:s4+s7], $0x20, s0, s7, $0xb8;
	[tilespmem:$0x11000] =	vst v63  }
0x37f: {  	s6 =	sld [smem:$0x6A2]  }
0x380: {  	[tilespmem:s10], [sflag:$0x2] =	stream.indirect.gather [hbm4b:s4+s7], $0x20, s1, s7, $0xb8;
	[tilespmem:$0x11000] =	vst v63  }
0x381: {  	s10 =	sld [smem:$0x6A3]  }
0x382: {  	[tilespmem:s13], [sflag:$0x2] =	stream.indirect.gather [hbm4b:s4+s7], $0x20, s6, s7, $0xb8;
	[tilespmem:$0x11000] =	vst v63  }
0x383: {  	s11 =	sld [smem:$0x6A4]  }
0x384: {  	[tilespmem:s12], [sflag:$0x2] =	stream.indirect.gather [hbm4b:s4+s7], $0x20, s10, s7, $0xb8;
	[tilespmem:$0x11000] =	vst v63  }
0x385: {  	s12 =	sld [smem:$0x6A5]  }
0x386: {  	[tilespmem:s16], [sflag:$0x2] =	stream.indirect.gather [hbm4b:s4+s7], $0x20, s11, s7, $0xb8;
	[tilespmem:$0x11000] =	vst v63  }
0x387: {  	s13 =	sld [smem:$0x6A6]  }
0x388: {  	[tilespmem:s15], [sflag:$0x2] =	stream.indirect.gather [hbm4b:s4+s7], $0x20, s12, s7, $0xb8;
	[tilespmem:$0x11000] =	vst v63  }
0x389: {  	s15 =	sld [smem:$0x6A7]  }
0x38a: {  	[tilespmem:s18], [sflag:$0x2] =	stream.indirect.gather [hbm4b:s4+s7], $0x20, s13, s7, $0xb8;
	[tilespmem:$0x11000] =	vst v63  }
0x38b: {  	s16 =	sld [smem:$0x6A8]  }
0x38c: {  	[tilespmem:s17], [sflag:$0x2] =	stream.indirect.gather [hbm4b:s4+s7], $0x20, s15, s7, $0xb8;
	[tilespmem:$0x11000] =	vst v63  }
0x38d: {  	s18 =	sld [smem:$0x6A9]  }
0x38e: {  	[tilespmem:s20], [sflag:$0x2] =	stream.indirect.gather [hbm4b:s4+s7], $0x20, s16, s7, $0xb8;
	[tilespmem:$0x11000] =	vst v63  }
0x38f: {  	s20 =	sld [smem:$0x6AA]  }
0x390: {  	[tilespmem:s19], [sflag:$0x2] =	stream.indirect.gather [hbm4b:s4+s7], $0x20, s18, s7, $0xb8;
	[tilespmem:$0x11000] =	vst v63  }
0x391: {  	s0 =	sld [smem:$0x6AB]  }
0x392: {  	[tilespmem:s29], [sflag:$0x2] =	stream.indirect.gather [hbm4b:s4+s7], $0x20, s20, s7, $0xb8;
	[tilespmem:$0x11000] =	vst v63  }
0x393: {  	s1 =	sld [smem:$0x6AC]  }
0x394: {  	[tilespmem:s28], [sflag:$0x2] =	stream.indirect.gather [hbm4b:s4+s7], $0x20, s0, s7, $0xb8;
	[tilespmem:$0x11000] =	vst v63  }
0x395: {  	s6 =	sld [smem:$0x6AD]  }
0x396: {  	[tilespmem:s31], [sflag:$0x2] =	stream.indirect.gather [hbm4b:s4+s7], $0x20, s1, s7, $0xb8;
	[tilespmem:$0x11000] =	vst v63  }
0x397: {  	s10 =	sld [smem:$0x6AE]  }
0x398: {  	[tilespmem:s30], [sflag:$0x2] =	stream.indirect.gather [hbm4b:s4+s7], $0x20, s6, s7, $0xb8;
	[tilespmem:$0x11000] =	vst v63  }
0x399: {  	s11 =	sld [smem:$0x6AF]  }
0x39a: {  	[tilespmem:s8], [sflag:$0x2] =	stream.indirect.gather [hbm4b:s4+s7], $0x20, s10, s7, $0xb8;
	[tilespmem:$0x11000] =	vst v63  }
0x39b: {  	s12 =	sld [smem:$0x6B0]  }
0x39c: {  	[tilespmem:s9], [sflag:$0x2] =	stream.indirect.gather [hbm4b:s4+s7], $0x20, s11, s7, $0xb8;
	[tilespmem:$0x11000] =	vst v63  }
0x39d: {  	s13 =	sld [smem:$0x6B1]  }
0x39e: {  	[tilespmem:s14], [sflag:$0x2] =	stream.indirect.gather [hbm4b:s4+s7], $0x20, s12, s7, $0xb8;
	[tilespmem:$0x11000] =	vst v63  }
0x39f: {  	s15 =	sld [smem:$0x6B2];
	s6 =	simm.s32 $0xE5C0  }
0x3a0: {  	[tilespmem:s6], [sflag:$0x2] =	stream.indirect.gather [hbm4b:s4+s7], $0x20, s13, s7, $0xb8;
	[tilespmem:$0x11000] =	vst v63  }
0x3a1: {  	s17 =	simm.s32 $0xE900;
	s16 =	sld [smem:$0x6B3]  }
0x3a2: {  	[tilespmem:s17], [sflag:$0x2] =	stream.indirect.gather [hbm4b:s4+s7], $0x20, s15, s7, $0xb8;
	[tilespmem:$0x11000] =	vst v63  }
0x3a3: {  	s18 =	sld [smem:$0x6B4];
	s19 =	simm.s32 $0xEC40  }
0x3a4: {  	[tilespmem:s19], [sflag:$0x2] =	stream.indirect.gather [hbm4b:s4+s7], $0x20, s16, s7, $0xb8;
	[tilespmem:$0x11000] =	vst v63  }
0x3a5: {  	s20 =	sld [smem:$0x6B5];
	s28 =	simm.s32 $0xEF80  }
0x3a6: {  	[tilespmem:s28], [sflag:$0x2] =	stream.indirect.gather [hbm4b:s4+s7], $0x20, s18, s7, $0xb8;
	[tilespmem:$0x11000] =	vst v63  }
0x3a7: {  	s29 =	sld [smem:$0x6B6];
	s30 =	simm.s32 $0xF2C0  }
0x3a8: {  	[tilespmem:s30], [sflag:$0x2] =	stream.indirect.gather [hbm4b:s4+s7], $0x20, s20, s7, $0xb8;
	[tilespmem:$0x11000] =	vst v63  }
0x3a9: {  	s1 =	sld [smem:$0x6B7];
	s8 =	simm.s32 $0xF600  }
0x3aa: {  	[tilespmem:s8], [sflag:$0x2] =	stream.indirect.gather [hbm4b:s4+s7], $0x20, s29, s7, $0xb8;
	[tilespmem:$0x11000] =	vst v63  }
0x3ab: {  	s10 =	simm.s32 $0xF940;
	s9 =	sld [smem:$0x6B8]  }
0x3ac: {  	[tilespmem:s10], [sflag:$0x2] =	stream.indirect.gather [hbm4b:s4+s7], $0x20, s1, s7, $0xb8;
	[tilespmem:$0x11000] =	vst v63  }
0x3ad: {  	s11 =	sld [smem:$0x6B9];
	s12 =	simm.s32 $0xFC80  }
0x3ae: {  	[tilespmem:s12], [sflag:$0x2] =	stream.indirect.gather [hbm4b:s4+s7], $0x20, s9, s7, $0xb8;
	[tilespmem:$0x11000] =	vst v63  }
0x3af: {  	s13 =	sld [smem:$0x6BA]  }
0x3b0: {  	[tilespmem:s5], [sflag:$0x2] =	stream.indirect.gather [hbm4b:s4+s7], $0x20, s11, s7, $0xb8;
	[tilespmem:$0x11000] =	vst v63  }
0x3b1: {  	s14 =	sld [smem:$0x6BB];
	s15 =	simm.s32 $0x10300  }
0x3b2: {  	[tilespmem:s15], [sflag:$0x2] =	stream.indirect.gather [hbm4b:s4+s7], $0x20, s13, s7, $0xb8;
	[tilespmem:$0x11000] =	vst v63  }
0x3b3: {  	s17 =	simm.s32 $0x10640;
	s16 =	sld [smem:$0x6BC]  }
0x3b4: {  	[tilespmem:s17], [sflag:$0x2] =	stream.indirect.gather [hbm4b:s4+s7], $0x20, s14, s7, $0xb8;
	[tilespmem:$0x11000] =	vst v63  }
0x3b5: {  	s0 =	simm.s32 $0x10980;
	s18 =	sld [smem:$0x6BD]  }
0x3b6: {  	[tilespmem:s0], [sflag:$0x2] =	stream.indirect.gather [hbm4b:s4+s7], $0x20, s16, s7, $0xb8;
	[tilespmem:$0x11000] =	vst v63  }
0x3b7: {  	_ = 	snop  }
0x3b8: {  	[tilespmem:s3], [sflag:$0x2] =	stream.indirect.gather [hbm4b:s4+s7], $0x20, s18, s7, $0xb8;
	[tilespmem:$0x11000] =	vst v63  }
0x3b9: {  	_ =	swait.ge [sflag:s21], $0x6800  }
0x3ba: {  	s2 =	simm.s32 $0x0;
	[sflag:s21] =	ssyncset.done $0x0  }
0x3bb: {  	s20 =	simm.s32 $0x4000;
	s19 =	rddreg [dreg:$0x7];
	[sflag:s21] =	ssyncadd.s32 $0xFFFF9800  }
0x3bc: {  	[hbm4b:s19+s2] =	stream.linear.scatter [tilespmem:s20], [sflag:$0x3], $0x6800, $0x38;
	[tilespmem:$0x11000] =	vst v63  }
0x3bd: {  	_ =	swait.ge [sflag:s22], $0x6800  }
0x3be: {  	s26 =	sld [smem:$0x6BE]  }
0x3bf: {  	[sflag:s22] =	ssyncset.done $0x0  }
0x3c0: {  	s28 =	sld [smem:$0x6BF];
	[sflag:s22] =	ssyncadd.s32 $0xFFFF9800  }
0x3c1: {  	[tilespmem:s20], [sflag:$0x1] =	stream.indirect.gather [hbm4b:s4+s7], $0x20, s26, s7, $0xb8;
	[tilespmem:$0x11000] =	vst v63  }
0x3c2: {  	s30 =	simm.s32 $0x4340;
	s29 =	sld [smem:$0x6C0]  }
0x3c3: {  	[tilespmem:s30], [sflag:$0x1] =	stream.indirect.gather [hbm4b:s4+s7], $0x20, s28, s7, $0xb8;
	[tilespmem:$0x11000] =	vst v63  }
0x3c4: {  	s5 =	simm.s32 $0x4680;
	s3 =	sld [smem:$0x6C1]  }
0x3c5: {  	[tilespmem:s5], [sflag:$0x1] =	stream.indirect.gather [hbm4b:s4+s7], $0x20, s29, s7, $0xb8;
	[tilespmem:$0x11000] =	vst v63  }
0x3c6: {  	s9 =	simm.s32 $0x49C0;
	s8 =	sld [smem:$0x6C2]  }
0x3c7: {  	[tilespmem:s9], [sflag:$0x1] =	stream.indirect.gather [hbm4b:s4+s7], $0x20, s3, s7, $0xb8;
	[tilespmem:$0x11000] =	vst v63  }
0x3c8: {  	s10 =	sld [smem:$0x6C3];
	s3 =	simm.s32 $0x4D00  }
0x3c9: {  	[tilespmem:s3], [sflag:$0x1] =	stream.indirect.gather [hbm4b:s4+s7], $0x20, s8, s7, $0xb8;
	[tilespmem:$0x11000] =	vst v63  }
0x3ca: {  	s11 =	sld [smem:$0x6C4];
	s5 =	simm.s32 $0x5040  }
0x3cb: {  	[tilespmem:s5], [sflag:$0x1] =	stream.indirect.gather [hbm4b:s4+s7], $0x20, s10, s7, $0xb8;
	[tilespmem:$0x11000] =	vst v63  }
0x3cc: {  	s12 =	sld [smem:$0x6C5];
	s8 =	simm.s32 $0x5380  }
0x3cd: {  	[tilespmem:s8], [sflag:$0x1] =	stream.indirect.gather [hbm4b:s4+s7], $0x20, s11, s7, $0xb8;
	[tilespmem:$0x11000] =	vst v63  }
0x3ce: {  	s13 =	sld [smem:$0x6C6];
	s9 =	simm.s32 $0x56C0  }
0x3cf: {  	[tilespmem:s9], [sflag:$0x1] =	stream.indirect.gather [hbm4b:s4+s7], $0x20, s12, s7, $0xb8;
	[tilespmem:$0x11000] =	vst v63  }
0x3d0: {  	s14 =	sld [smem:$0x6C7];
	s10 =	simm.s32 $0x5A00  }
0x3d1: {  	[tilespmem:s10], [sflag:$0x1] =	stream.indirect.gather [hbm4b:s4+s7], $0x20, s13, s7, $0xb8;
	[tilespmem:$0x11000] =	vst v63  }
0x3d2: {  	s15 =	sld [smem:$0x6C8];
	s11 =	simm.s32 $0x5D40  }
0x3d3: {  	[tilespmem:s11], [sflag:$0x1] =	stream.indirect.gather [hbm4b:s4+s7], $0x20, s14, s7, $0xb8;
	[tilespmem:$0x11000] =	vst v63  }
0x3d4: {  	s16 =	sld [smem:$0x6C9];
	s12 =	simm.s32 $0x6080  }
0x3d5: {  	[tilespmem:s12], [sflag:$0x1] =	stream.indirect.gather [hbm4b:s4+s7], $0x20, s15, s7, $0xb8;
	[tilespmem:$0x11000] =	vst v63  }
0x3d6: {  	s17 =	sld [smem:$0x6CA];
	s13 =	simm.s32 $0x63C0  }
0x3d7: {  	[tilespmem:s13], [sflag:$0x1] =	stream.indirect.gather [hbm4b:s4+s7], $0x20, s16, s7, $0xb8;
	[tilespmem:$0x11000] =	vst v63  }
0x3d8: {  	s18 =	sld [smem:$0x6CB];
	s14 =	simm.s32 $0x6700  }
0x3d9: {  	[tilespmem:s14], [sflag:$0x1] =	stream.indirect.gather [hbm4b:s4+s7], $0x20, s17, s7, $0xb8;
	[tilespmem:$0x11000] =	vst v63  }
0x3da: {  	s19 =	sld [smem:$0x6CC];
	s15 =	simm.s32 $0x6A40  }
0x3db: {  	[tilespmem:s15], [sflag:$0x1] =	stream.indirect.gather [hbm4b:s4+s7], $0x20, s18, s7, $0xb8;
	[tilespmem:$0x11000] =	vst v63  }
0x3dc: {  	s20 =	sld [smem:$0x6CD];
	s16 =	simm.s32 $0x6D80  }
0x3dd: {  	[tilespmem:s16], [sflag:$0x1] =	stream.indirect.gather [hbm4b:s4+s7], $0x20, s19, s7, $0xb8;
	[tilespmem:$0x11000] =	vst v63  }
0x3de: {  	s28 =	sld [smem:$0x6CE];
	s17 =	simm.s32 $0x70C0  }
0x3df: {  	[tilespmem:s17], [sflag:$0x1] =	stream.indirect.gather [hbm4b:s4+s7], $0x20, s20, s7, $0xb8;
	[tilespmem:$0x11000] =	vst v63  }
0x3e0: {  	s29 =	sld [smem:$0x6CF];
	s18 =	simm.s32 $0x7400  }
0x3e1: {  	[tilespmem:s18], [sflag:$0x1] =	stream.indirect.gather [hbm4b:s4+s7], $0x20, s28, s7, $0xb8;
	[tilespmem:$0x11000] =	vst v63  }
0x3e2: {  	s30 =	sld [smem:$0x6D0];
	s19 =	simm.s32 $0x7740  }
0x3e3: {  	[tilespmem:s19], [sflag:$0x1] =	stream.indirect.gather [hbm4b:s4+s7], $0x20, s29, s7, $0xb8;
	[tilespmem:$0x11000] =	vst v63  }
0x3e4: {  	s1 =	sld [smem:$0x6D1];
	s20 =	simm.s32 $0x7A80  }
0x3e5: {  	[tilespmem:s20], [sflag:$0x1] =	stream.indirect.gather [hbm4b:s4+s7], $0x20, s30, s7, $0xb8;
	[tilespmem:$0x11000] =	vst v63  }
0x3e6: {  	s28 =	simm.s32 $0x7DC0;
	s29 =	sld [smem:$0x6D2]  }
0x3e7: {  	[tilespmem:s28], [sflag:$0x1] =	stream.indirect.gather [hbm4b:s4+s7], $0x20, s1, s7, $0xb8;
	[tilespmem:$0x11000] =	vst v63  }
0x3e8: {  	s26 =	sld [smem:$0x6D3];
	s30 =	simm.s32 $0x8100  }
0x3e9: {  	[tilespmem:s30], [sflag:$0x1] =	stream.indirect.gather [hbm4b:s4+s7], $0x20, s29, s7, $0xb8;
	[tilespmem:$0x11000] =	vst v63  }
0x3ea: {  	s25 =	sld [smem:$0x6D4];
	s29 =	simm.s32 $0x8440  }
0x3eb: {  	[tilespmem:s29], [sflag:$0x1] =	stream.indirect.gather [hbm4b:s4+s7], $0x20, s26, s7, $0xb8;
	[tilespmem:$0x11000] =	vst v63  }
0x3ec: {  	s30 =	simm.s32 $0x8780;
	s26 =	sld [smem:$0x6D5]  }
0x3ed: {  	[tilespmem:s30], [sflag:$0x1] =	stream.indirect.gather [hbm4b:s4+s7], $0x20, s25, s7, $0xb8;
	[tilespmem:$0x11000] =	vst v63  }
0x3ee: {  	s29 =	simm.s32 $0x8AC0;
	s25 =	sld [smem:$0x6D6]  }
0x3ef: {  	[tilespmem:s29], [sflag:$0x1] =	stream.indirect.gather [hbm4b:s4+s7], $0x20, s26, s7, $0xb8;
	[tilespmem:$0x11000] =	vst v63  }
0x3f0: {  	s30 =	simm.s32 $0x8E00;
	s26 =	sld [smem:$0x6D7]  }
0x3f1: {  	[tilespmem:s30], [sflag:$0x1] =	stream.indirect.gather [hbm4b:s4+s7], $0x20, s25, s7, $0xb8;
	[tilespmem:$0x11000] =	vst v63  }
0x3f2: {  	s29 =	simm.s32 $0x9140;
	s25 =	sld [smem:$0x6D8]  }
0x3f3: {  	[tilespmem:s29], [sflag:$0x1] =	stream.indirect.gather [hbm4b:s4+s7], $0x20, s26, s7, $0xb8;
	[tilespmem:$0x11000] =	vst v63  }
0x3f4: {  	s30 =	simm.s32 $0x9480;
	s26 =	sld [smem:$0x6D9]  }
0x3f5: {  	[tilespmem:s30], [sflag:$0x1] =	stream.indirect.gather [hbm4b:s4+s7], $0x20, s25, s7, $0xb8;
	[tilespmem:$0x11000] =	vst v63  }
0x3f6: {  	s29 =	simm.s32 $0x97C0;
	s25 =	sld [smem:$0x6DA]  }
0x3f7: {  	[tilespmem:s29], [sflag:$0x1] =	stream.indirect.gather [hbm4b:s4+s7], $0x20, s26, s7, $0xb8;
	[tilespmem:$0x11000] =	vst v63  }
0x3f8: {  	s30 =	simm.s32 $0x9B00;
	s26 =	sld [smem:$0x6DB]  }
0x3f9: {  	[tilespmem:s30], [sflag:$0x1] =	stream.indirect.gather [hbm4b:s4+s7], $0x20, s25, s7, $0xb8;
	[tilespmem:$0x11000] =	vst v63  }
0x3fa: {  	s29 =	simm.s32 $0x9E40;
	s25 =	sld [smem:$0x6DC]  }
0x3fb: {  	[tilespmem:s29], [sflag:$0x1] =	stream.indirect.gather [hbm4b:s4+s7], $0x20, s26, s7, $0xb8;
	[tilespmem:$0x11000] =	vst v63  }
0x3fc: {  	s30 =	simm.s32 $0xA180;
	s26 =	sld [smem:$0x6DD]  }
0x3fd: {  	[tilespmem:s30], [sflag:$0x1] =	stream.indirect.gather [hbm4b:s4+s7], $0x20, s25, s7, $0xb8;
	[tilespmem:$0x11000] =	vst v63  }
0x3fe: {  	s29 =	simm.s32 $0xA4C0  }
0x3ff: {  	[tilespmem:s29], [sflag:$0x1] =	stream.indirect.gather [hbm4b:s4+s7], $0x20, s26, s7, $0xb8;
	[tilespmem:$0x11000] =	vst v63  }
0x400: {  	_ =	swait.ge [sflag:s23], $0x6800  }
0x401: {  	[sflag:s23] =	ssyncset.done $0x0  }
0x402: {  	s1 =	simm.s32 $0xA800;
	s30 =	rddreg [dreg:$0x8];
	[sflag:s23] =	ssyncadd.s32 $0xFFFF9800  }
0x403: {  	[hbm4b:s30+s2] =	stream.linear.scatter [tilespmem:s1], [sflag:$0x4], $0x6800, $0x38;
	[tilespmem:$0x11000] =	vst v63  }
0x404: {  	_ =	swait.ge [sflag:s24], $0x6800  }
0x405: {  	s26 =	sld [smem:$0x6DE]  }
0x406: {  	[sflag:s24] =	ssyncset.done $0x0  }
0x407: {  	s30 =	sld [smem:$0x6DF];
	[sflag:s24] =	ssyncadd.s32 $0xFFFF9800  }
0x408: {  	[tilespmem:s1], [sflag:$0x2] =	stream.indirect.gather [hbm4b:s4+s7], $0x20, s26, s7, $0xb8;
	[tilespmem:$0x11000] =	vst v63  }
0x409: {  	s29 =	simm.s32 $0xAB40;
	s1 =	sld [smem:$0x6E0]  }
0x40a: {  	[tilespmem:s29], [sflag:$0x2] =	stream.indirect.gather [hbm4b:s4+s7], $0x20, s30, s7, $0xb8;
	[tilespmem:$0x11000] =	vst v63  }
0x40b: {  	s2 =	sld [smem:$0x6E1];
	s30 =	simm.s32 $0xAE80  }
0x40c: {  	[tilespmem:s30], [sflag:$0x2] =	stream.indirect.gather [hbm4b:s4+s7], $0x20, s1, s7, $0xb8;
	[tilespmem:$0x11000] =	vst v63  }
0x40d: {  	s1 =	sld [smem:$0x6E2];
	s30 =	simm.s32 $0xB1C0  }
0x40e: {  	[tilespmem:s30], [sflag:$0x2] =	stream.indirect.gather [hbm4b:s4+s7], $0x20, s2, s7, $0xb8;
	[tilespmem:$0x11000] =	vst v63  }
0x40f: {  	s26 =	sld [smem:$0x6E3];
	s2 =	simm.s32 $0xB500  }
0x410: {  	[tilespmem:s2], [sflag:$0x2] =	stream.indirect.gather [hbm4b:s4+s7], $0x20, s1, s7, $0xb8;
	[tilespmem:$0x11000] =	vst v63  }
0x411: {  	s25 =	sld [smem:$0x6E4];
	s2 =	simm.s32 $0xB840  }
0x412: {  	[tilespmem:s2], [sflag:$0x2] =	stream.indirect.gather [hbm4b:s4+s7], $0x20, s26, s7, $0xb8;
	[tilespmem:$0x11000] =	vst v63  }
0x413: {  	s26 =	sld [smem:$0x6E5];
	s2 =	simm.s32 $0xBB80  }
0x414: {  	[tilespmem:s2], [sflag:$0x2] =	stream.indirect.gather [hbm4b:s4+s7], $0x20, s25, s7, $0xb8;
	[tilespmem:$0x11000] =	vst v63  }
0x415: {  	s25 =	sld [smem:$0x6E6];
	s2 =	simm.s32 $0xBEC0  }
0x416: {  	[tilespmem:s2], [sflag:$0x2] =	stream.indirect.gather [hbm4b:s4+s7], $0x20, s26, s7, $0xb8;
	[tilespmem:$0x11000] =	vst v63  }
0x417: {  	s26 =	sld [smem:$0x6E7];
	s2 =	simm.s32 $0xC200  }
0x418: {  	[tilespmem:s2], [sflag:$0x2] =	stream.indirect.gather [hbm4b:s4+s7], $0x20, s25, s7, $0xb8;
	[tilespmem:$0x11000] =	vst v63  }
0x419: {  	s25 =	sld [smem:$0x6E8];
	s2 =	simm.s32 $0xC540  }
0x41a: {  	[tilespmem:s2], [sflag:$0x2] =	stream.indirect.gather [hbm4b:s4+s7], $0x20, s26, s7, $0xb8;
	[tilespmem:$0x11000] =	vst v63  }
0x41b: {  	s26 =	sld [smem:$0x6E9];
	s2 =	simm.s32 $0xC880  }
0x41c: {  	[tilespmem:s2], [sflag:$0x2] =	stream.indirect.gather [hbm4b:s4+s7], $0x20, s25, s7, $0xb8;
	[tilespmem:$0x11000] =	vst v63  }
0x41d: {  	s25 =	sld [smem:$0x6EA];
	s2 =	simm.s32 $0xCBC0  }
0x41e: {  	[tilespmem:s2], [sflag:$0x2] =	stream.indirect.gather [hbm4b:s4+s7], $0x20, s26, s7, $0xb8;
	[tilespmem:$0x11000] =	vst v63  }
0x41f: {  	s26 =	sld [smem:$0x6EB];
	s2 =	simm.s32 $0xCF00  }
0x420: {  	[tilespmem:s2], [sflag:$0x2] =	stream.indirect.gather [hbm4b:s4+s7], $0x20, s25, s7, $0xb8;
	[tilespmem:$0x11000] =	vst v63  }
0x421: {  	s25 =	sld [smem:$0x6EC];
	s2 =	simm.s32 $0xD240  }
0x422: {  	[tilespmem:s2], [sflag:$0x2] =	stream.indirect.gather [hbm4b:s4+s7], $0x20, s26, s7, $0xb8;
	[tilespmem:$0x11000] =	vst v63  }
0x423: {  	s26 =	sld [smem:$0x6ED];
	s2 =	simm.s32 $0xD580  }
0x424: {  	[tilespmem:s2], [sflag:$0x2] =	stream.indirect.gather [hbm4b:s4+s7], $0x20, s25, s7, $0xb8;
	[tilespmem:$0x11000] =	vst v63  }
0x425: {  	s31 =	simm.s32 $0xD8C0;
	s1 =	sld [smem:$0x6EE]  }
0x426: {  	[tilespmem:s31], [sflag:$0x2] =	stream.indirect.gather [hbm4b:s4+s7], $0x20, s26, s7, $0xb8;
	[tilespmem:$0x11000] =	vst v63  }
0x427: {  	s2 =	simm.s32 $0xDC00;
	s26 =	sld [smem:$0x6EF]  }
0x428: {  	[tilespmem:s2], [sflag:$0x2] =	stream.indirect.gather [hbm4b:s4+s7], $0x20, s1, s7, $0xb8;
	[tilespmem:$0x11000] =	vst v63  }
0x429: {  	s25 =	sld [smem:$0x6F0];
	s31 =	simm.s32 $0xDF40  }
0x42a: {  	[tilespmem:s31], [sflag:$0x2] =	stream.indirect.gather [hbm4b:s4+s7], $0x20, s26, s7, $0xb8;
	[tilespmem:$0x11000] =	vst v63  }
0x42b: {  	s2 =	sld [smem:$0x6F1];
	s31 =	simm.s32 $0xE280  }
0x42c: {  	[tilespmem:s31], [sflag:$0x2] =	stream.indirect.gather [hbm4b:s4+s7], $0x20, s25, s7, $0xb8;
	[tilespmem:$0x11000] =	vst v63  }
0x42d: {  	s1 =	sld [smem:$0x6F2]  }
0x42e: {  	[tilespmem:s6], [sflag:$0x2] =	stream.indirect.gather [hbm4b:s4+s7], $0x20, s2, s7, $0xb8;
	[tilespmem:$0x11000] =	vst v63  }
0x42f: {  	s26 =	sld [smem:$0x6F3];
	s2 =	simm.s32 $0xE900  }
0x430: {  	[tilespmem:s2], [sflag:$0x2] =	stream.indirect.gather [hbm4b:s4+s7], $0x20, s1, s7, $0xb8;
	[tilespmem:$0x11000] =	vst v63  }
0x431: {  	s31 =	simm.s32 $0xEC40;
	s6 =	sld [smem:$0x6F4]  }
0x432: {  	[tilespmem:s31], [sflag:$0x2] =	stream.indirect.gather [hbm4b:s4+s7], $0x20, s26, s7, $0xb8;
	[tilespmem:$0x11000] =	vst v63  }
0x433: {  	s2 =	simm.s32 $0xEF80;
	s26 =	sld [smem:$0x6F5]  }
0x434: {  	[tilespmem:s2], [sflag:$0x2] =	stream.indirect.gather [hbm4b:s4+s7], $0x20, s6, s7, $0xb8;
	[tilespmem:$0x11000] =	vst v63  }
0x435: {  	s31 =	simm.s32 $0xF2C0;
	s6 =	sld [smem:$0x6F6]  }
0x436: {  	[tilespmem:s31], [sflag:$0x2] =	stream.indirect.gather [hbm4b:s4+s7], $0x20, s26, s7, $0xb8;
	[tilespmem:$0x11000] =	vst v63  }
0x437: {  	s2 =	simm.s32 $0xF600;
	s26 =	sld [smem:$0x6F7]  }
0x438: {  	[tilespmem:s2], [sflag:$0x2] =	stream.indirect.gather [hbm4b:s4+s7], $0x20, s6, s7, $0xb8;
	[tilespmem:$0x11000] =	vst v63  }
0x439: {  	s31 =	simm.s32 $0xF940;
	s6 =	sld [smem:$0x6F8]  }
0x43a: {  	[tilespmem:s31], [sflag:$0x2] =	stream.indirect.gather [hbm4b:s4+s7], $0x20, s26, s7, $0xb8;
	[tilespmem:$0x11000] =	vst v63  }
0x43b: {  	s2 =	sld [smem:$0x6F9];
	s31 =	simm.s32 $0xFC80  }
0x43c: {  	[tilespmem:s31], [sflag:$0x2] =	stream.indirect.gather [hbm4b:s4+s7], $0x20, s6, s7, $0xb8;
	[tilespmem:$0x11000] =	vst v63  }
0x43d: {  	s1 =	sld [smem:$0x6FA];
	s6 =	simm.s32 $0xFFC0  }
0x43e: {  	[tilespmem:s6], [sflag:$0x2] =	stream.indirect.gather [hbm4b:s4+s7], $0x20, s2, s7, $0xb8;
	[tilespmem:$0x11000] =	vst v63  }
0x43f: {  	s26 =	sld [smem:$0x6FB];
	s2 =	simm.s32 $0x10300  }
0x440: {  	[tilespmem:s2], [sflag:$0x2] =	stream.indirect.gather [hbm4b:s4+s7], $0x20, s1, s7, $0xb8;
	[tilespmem:$0x11000] =	vst v63  }
0x441: {  	s25 =	sld [smem:$0x6FC];
	s2 =	simm.s32 $0x10640  }
0x442: {  	[tilespmem:s2], [sflag:$0x2] =	stream.indirect.gather [hbm4b:s4+s7], $0x20, s26, s7, $0xb8;
	[tilespmem:$0x11000] =	vst v63  }
0x443: {  	s2 =	sld [smem:$0x6FD]  }
0x444: {  	[tilespmem:s0], [sflag:$0x2] =	stream.indirect.gather [hbm4b:s4+s7], $0x20, s25, s7, $0xb8;
	[tilespmem:$0x11000] =	vst v63  }
0x445: {  	s1 =	simm.s32 $0x10CC0  }
0x446: {  	[tilespmem:s1], [sflag:$0x2] =	stream.indirect.gather [hbm4b:s4+s7], $0x20, s2, s7, $0xb8;
	[tilespmem:$0x11000] =	vst v63  }
0x447: {  	_ =	swait.ge [sflag:s21], $0x6800  }
0x448: {  	s0 =	simm.s32 $0x0;
	[sflag:s21] =	ssyncset.done $0x0  }
0x449: {  	s2 =	simm.s32 $0x4000;
	s26 =	rddreg [dreg:$0x9];
	[sflag:s21] =	ssyncadd.s32 $0xFFFF9800  }
0x44a: {  	[hbm4b:s26+s0] =	stream.linear.scatter [tilespmem:s2], [sflag:$0x3], $0x6800, $0x38;
	[tilespmem:$0x11000] =	vst v63  }
0x44b: {  	_ =	swait.ge [sflag:s22], $0x6800  }
0x44c: {  	s25 =	sld [smem:$0x6FE]  }
0x44d: {  	[sflag:s22] =	ssyncset.done $0x0  }
0x44e: {  	s26 =	sld [smem:$0x6FF];
	[sflag:s22] =	ssyncadd.s32 $0xFFFF9800  }
0x44f: {  	[tilespmem:s2], [sflag:$0x1] =	stream.indirect.gather [hbm4b:s4+s7], $0x20, s25, s7, $0xb8;
	[tilespmem:$0x11000] =	vst v63  }
0x450: {  	s25 =	sld [smem:$0x700];
	s2 =	simm.s32 $0x4340  }
0x451: {  	[tilespmem:s2], [sflag:$0x1] =	stream.indirect.gather [hbm4b:s4+s7], $0x20, s26, s7, $0xb8;
	[tilespmem:$0x11000] =	vst v63  }
0x452: {  	s26 =	sld [smem:$0x701];
	s2 =	simm.s32 $0x4680  }
0x453: {  	[tilespmem:s2], [sflag:$0x1] =	stream.indirect.gather [hbm4b:s4+s7], $0x20, s25, s7, $0xb8;
	[tilespmem:$0x11000] =	vst v63  }
0x454: {  	s25 =	sld [smem:$0x702];
	s2 =	simm.s32 $0x49C0  }
0x455: {  	[tilespmem:s2], [sflag:$0x1] =	stream.indirect.gather [hbm4b:s4+s7], $0x20, s26, s7, $0xb8;
	[tilespmem:$0x11000] =	vst v63  }
0x456: {  	s2 =	sld [smem:$0x703]  }
0x457: {  	[tilespmem:s3], [sflag:$0x1] =	stream.indirect.gather [hbm4b:s4+s7], $0x20, s25, s7, $0xb8;
	[tilespmem:$0x11000] =	vst v63  }
0x458: {  	s3 =	sld [smem:$0x704]  }
0x459: {  	[tilespmem:s5], [sflag:$0x1] =	stream.indirect.gather [hbm4b:s4+s7], $0x20, s2, s7, $0xb8;
	[tilespmem:$0x11000] =	vst v63  }
0x45a: {  	s5 =	sld [smem:$0x705]  }
0x45b: {  	[tilespmem:s8], [sflag:$0x1] =	stream.indirect.gather [hbm4b:s4+s7], $0x20, s3, s7, $0xb8;
	[tilespmem:$0x11000] =	vst v63  }
0x45c: {  	s8 =	sld [smem:$0x706]  }
0x45d: {  	[tilespmem:s9], [sflag:$0x1] =	stream.indirect.gather [hbm4b:s4+s7], $0x20, s5, s7, $0xb8;
	[tilespmem:$0x11000] =	vst v63  }
0x45e: {  	s9 =	sld [smem:$0x707]  }
0x45f: {  	[tilespmem:s10], [sflag:$0x1] =	stream.indirect.gather [hbm4b:s4+s7], $0x20, s8, s7, $0xb8;
	[tilespmem:$0x11000] =	vst v63  }
0x460: {  	s10 =	sld [smem:$0x708]  }
0x461: {  	[tilespmem:s11], [sflag:$0x1] =	stream.indirect.gather [hbm4b:s4+s7], $0x20, s9, s7, $0xb8;
	[tilespmem:$0x11000] =	vst v63  }
0x462: {  	s11 =	sld [smem:$0x709]  }
0x463: {  	[tilespmem:s12], [sflag:$0x1] =	stream.indirect.gather [hbm4b:s4+s7], $0x20, s10, s7, $0xb8;
	[tilespmem:$0x11000] =	vst v63  }
0x464: {  	s12 =	sld [smem:$0x70A]  }
0x465: {  	[tilespmem:s13], [sflag:$0x1] =	stream.indirect.gather [hbm4b:s4+s7], $0x20, s11, s7, $0xb8;
	[tilespmem:$0x11000] =	vst v63  }
0x466: {  	s13 =	sld [smem:$0x70B]  }
0x467: {  	[tilespmem:s14], [sflag:$0x1] =	stream.indirect.gather [hbm4b:s4+s7], $0x20, s12, s7, $0xb8;
	[tilespmem:$0x11000] =	vst v63  }
0x468: {  	s14 =	sld [smem:$0x70C]  }
0x469: {  	[tilespmem:s15], [sflag:$0x1] =	stream.indirect.gather [hbm4b:s4+s7], $0x20, s13, s7, $0xb8;
	[tilespmem:$0x11000] =	vst v63  }
0x46a: {  	s15 =	sld [smem:$0x70D]  }
0x46b: {  	[tilespmem:s16], [sflag:$0x1] =	stream.indirect.gather [hbm4b:s4+s7], $0x20, s14, s7, $0xb8;
	[tilespmem:$0x11000] =	vst v63  }
0x46c: {  	s16 =	sld [smem:$0x70E]  }
0x46d: {  	[tilespmem:s17], [sflag:$0x1] =	stream.indirect.gather [hbm4b:s4+s7], $0x20, s15, s7, $0xb8;
	[tilespmem:$0x11000] =	vst v63  }
0x46e: {  	s2 =	sld [smem:$0x70F]  }
0x46f: {  	[tilespmem:s18], [sflag:$0x1] =	stream.indirect.gather [hbm4b:s4+s7], $0x20, s16, s7, $0xb8;
	[tilespmem:$0x11000] =	vst v63  }
0x470: {  	s3 =	sld [smem:$0x710]  }
0x471: {  	[tilespmem:s19], [sflag:$0x1] =	stream.indirect.gather [hbm4b:s4+s7], $0x20, s2, s7, $0xb8;
	[tilespmem:$0x11000] =	vst v63  }
0x472: {  	s5 =	sld [smem:$0x711]  }
0x473: {  	[tilespmem:s20], [sflag:$0x1] =	stream.indirect.gather [hbm4b:s4+s7], $0x20, s3, s7, $0xb8;
	[tilespmem:$0x11000] =	vst v63  }
0x474: {  	s8 =	sld [smem:$0x712]  }
0x475: {  	[tilespmem:s28], [sflag:$0x1] =	stream.indirect.gather [hbm4b:s4+s7], $0x20, s5, s7, $0xb8;
	[tilespmem:$0x11000] =	vst v63  }
0x476: {  	s9 =	sld [smem:$0x713];
	s16 =	simm.s32 $0x8100  }
0x477: {  	[tilespmem:s16], [sflag:$0x1] =	stream.indirect.gather [hbm4b:s4+s7], $0x20, s8, s7, $0xb8;
	[tilespmem:$0x11000] =	vst v63  }
0x478: {  	s10 =	sld [smem:$0x714];
	s2 =	simm.s32 $0x8440  }
0x479: {  	[tilespmem:s2], [sflag:$0x1] =	stream.indirect.gather [hbm4b:s4+s7], $0x20, s9, s7, $0xb8;
	[tilespmem:$0x11000] =	vst v63  }
0x47a: {  	s11 =	sld [smem:$0x715];
	s3 =	simm.s32 $0x8780  }
0x47b: {  	[tilespmem:s3], [sflag:$0x1] =	stream.indirect.gather [hbm4b:s4+s7], $0x20, s10, s7, $0xb8;
	[tilespmem:$0x11000] =	vst v63  }
0x47c: {  	s12 =	sld [smem:$0x716];
	s5 =	simm.s32 $0x8AC0  }
0x47d: {  	[tilespmem:s5], [sflag:$0x1] =	stream.indirect.gather [hbm4b:s4+s7], $0x20, s11, s7, $0xb8;
	[tilespmem:$0x11000] =	vst v63  }
0x47e: {  	s13 =	sld [smem:$0x717];
	s8 =	simm.s32 $0x8E00  }
0x47f: {  	[tilespmem:s8], [sflag:$0x1] =	stream.indirect.gather [hbm4b:s4+s7], $0x20, s12, s7, $0xb8;
	[tilespmem:$0x11000] =	vst v63  }
0x480: {  	s14 =	sld [smem:$0x718];
	s9 =	simm.s32 $0x9140  }
0x481: {  	[tilespmem:s9], [sflag:$0x1] =	stream.indirect.gather [hbm4b:s4+s7], $0x20, s13, s7, $0xb8;
	[tilespmem:$0x11000] =	vst v63  }
0x482: {  	s15 =	sld [smem:$0x719];
	s10 =	simm.s32 $0x9480  }
0x483: {  	[tilespmem:s10], [sflag:$0x1] =	stream.indirect.gather [hbm4b:s4+s7], $0x20, s14, s7, $0xb8;
	[tilespmem:$0x11000] =	vst v63  }
0x484: {  	s17 =	sld [smem:$0x71A];
	s11 =	simm.s32 $0x97C0  }
0x485: {  	[tilespmem:s11], [sflag:$0x1] =	stream.indirect.gather [hbm4b:s4+s7], $0x20, s15, s7, $0xb8;
	[tilespmem:$0x11000] =	vst v63  }
0x486: {  	s18 =	sld [smem:$0x71B];
	s12 =	simm.s32 $0x9B00  }
0x487: {  	[tilespmem:s12], [sflag:$0x1] =	stream.indirect.gather [hbm4b:s4+s7], $0x20, s17, s7, $0xb8;
	[tilespmem:$0x11000] =	vst v63  }
0x488: {  	s19 =	sld [smem:$0x71C];
	s13 =	simm.s32 $0x9E40  }
0x489: {  	[tilespmem:s13], [sflag:$0x1] =	stream.indirect.gather [hbm4b:s4+s7], $0x20, s18, s7, $0xb8;
	[tilespmem:$0x11000] =	vst v63  }
0x48a: {  	s20 =	sld [smem:$0x71D];
	s14 =	simm.s32 $0xA180  }
0x48b: {  	[tilespmem:s14], [sflag:$0x1] =	stream.indirect.gather [hbm4b:s4+s7], $0x20, s19, s7, $0xb8;
	[tilespmem:$0x11000] =	vst v63  }
0x48c: {  	s15 =	simm.s32 $0xA4C0  }
0x48d: {  	[tilespmem:s15], [sflag:$0x1] =	stream.indirect.gather [hbm4b:s4+s7], $0x20, s20, s7, $0xb8;
	[tilespmem:$0x11000] =	vst v63  }
0x48e: {  	_ =	swait.ge [sflag:s23], $0x6800  }
0x48f: {  	[sflag:s23] =	ssyncset.done $0x0  }
0x490: {  	s28 =	simm.s32 $0xA800;
	s26 =	rddreg [dreg:$0xa];
	[sflag:s23] =	ssyncadd.s32 $0xFFFF9800  }
0x491: {  	[hbm4b:s26+s0] =	stream.linear.scatter [tilespmem:s28], [sflag:$0x4], $0x6800, $0x38;
	[tilespmem:$0x11000] =	vst v63  }
0x492: {  	_ =	swait.ge [sflag:s24], $0x6800  }
0x493: {  	s18 =	sld [smem:$0x71E]  }
0x494: {  	[sflag:s24] =	ssyncset.done $0x0  }
0x495: {  	s19 =	sld [smem:$0x71F];
	[sflag:s24] =	ssyncadd.s32 $0xFFFF9800  }
0x496: {  	[tilespmem:s28], [sflag:$0x2] =	stream.indirect.gather [hbm4b:s4+s7], $0x20, s18, s7, $0xb8;
	[tilespmem:$0x11000] =	vst v63  }
0x497: {  	s20 =	sld [smem:$0x720]  }
0x498: {  	[tilespmem:s29], [sflag:$0x2] =	stream.indirect.gather [hbm4b:s4+s7], $0x20, s19, s7, $0xb8;
	[tilespmem:$0x11000] =	vst v63  }
0x499: {  	s28 =	sld [smem:$0x721];
	s29 =	simm.s32 $0xAE80  }
0x49a: {  	[tilespmem:s29], [sflag:$0x2] =	stream.indirect.gather [hbm4b:s4+s7], $0x20, s20, s7, $0xb8;
	[tilespmem:$0x11000] =	vst v63  }
0x49b: {  	s17 =	sld [smem:$0x722]  }
0x49c: {  	[tilespmem:s30], [sflag:$0x2] =	stream.indirect.gather [hbm4b:s4+s7], $0x20, s28, s7, $0xb8;
	[tilespmem:$0x11000] =	vst v63  }
0x49d: {  	s18 =	sld [smem:$0x723];
	s19 =	simm.s32 $0xB500  }
0x49e: {  	[tilespmem:s19], [sflag:$0x2] =	stream.indirect.gather [hbm4b:s4+s7], $0x20, s17, s7, $0xb8;
	[tilespmem:$0x11000] =	vst v63  }
0x49f: {  	s20 =	sld [smem:$0x724];
	s28 =	simm.s32 $0xB840  }
0x4a0: {  	[tilespmem:s28], [sflag:$0x2] =	stream.indirect.gather [hbm4b:s4+s7], $0x20, s18, s7, $0xb8;
	[tilespmem:$0x11000] =	vst v63  }
0x4a1: {  	s29 =	sld [smem:$0x725];
	s30 =	simm.s32 $0xBB80  }
0x4a2: {  	[tilespmem:s30], [sflag:$0x2] =	stream.indirect.gather [hbm4b:s4+s7], $0x20, s20, s7, $0xb8;
	[tilespmem:$0x11000] =	vst v63  }
0x4a3: {  	s17 =	sld [smem:$0x726];
	s18 =	simm.s32 $0xBEC0  }
0x4a4: {  	[tilespmem:s18], [sflag:$0x2] =	stream.indirect.gather [hbm4b:s4+s7], $0x20, s29, s7, $0xb8;
	[tilespmem:$0x11000] =	vst v63  }
0x4a5: {  	s19 =	sld [smem:$0x727];
	s20 =	simm.s32 $0xC200  }
0x4a6: {  	[tilespmem:s20], [sflag:$0x2] =	stream.indirect.gather [hbm4b:s4+s7], $0x20, s17, s7, $0xb8;
	[tilespmem:$0x11000] =	vst v63  }
0x4a7: {  	s28 =	sld [smem:$0x728];
	s29 =	simm.s32 $0xC540  }
0x4a8: {  	[tilespmem:s29], [sflag:$0x2] =	stream.indirect.gather [hbm4b:s4+s7], $0x20, s19, s7, $0xb8;
	[tilespmem:$0x11000] =	vst v63  }
0x4a9: {  	s30 =	sld [smem:$0x729];
	s17 =	simm.s32 $0xC880  }
0x4aa: {  	[tilespmem:s17], [sflag:$0x2] =	stream.indirect.gather [hbm4b:s4+s7], $0x20, s28, s7, $0xb8;
	[tilespmem:$0x11000] =	vst v63  }
0x4ab: {  	s18 =	sld [smem:$0x72A];
	s19 =	simm.s32 $0xCBC0  }
0x4ac: {  	[tilespmem:s19], [sflag:$0x2] =	stream.indirect.gather [hbm4b:s4+s7], $0x20, s30, s7, $0xb8;
	[tilespmem:$0x11000] =	vst v63  }
0x4ad: {  	s20 =	sld [smem:$0x72B];
	s28 =	simm.s32 $0xCF00  }
0x4ae: {  	[tilespmem:s28], [sflag:$0x2] =	stream.indirect.gather [hbm4b:s4+s7], $0x20, s18, s7, $0xb8;
	[tilespmem:$0x11000] =	vst v63  }
0x4af: {  	s29 =	sld [smem:$0x72C];
	s30 =	simm.s32 $0xD240  }
0x4b0: {  	[tilespmem:s30], [sflag:$0x2] =	stream.indirect.gather [hbm4b:s4+s7], $0x20, s20, s7, $0xb8;
	[tilespmem:$0x11000] =	vst v63  }
0x4b1: {  	s17 =	sld [smem:$0x72D];
	s18 =	simm.s32 $0xD580  }
0x4b2: {  	[tilespmem:s18], [sflag:$0x2] =	stream.indirect.gather [hbm4b:s4+s7], $0x20, s29, s7, $0xb8;
	[tilespmem:$0x11000] =	vst v63  }
0x4b3: {  	s19 =	sld [smem:$0x72E];
	s20 =	simm.s32 $0xD8C0  }
0x4b4: {  	[tilespmem:s20], [sflag:$0x2] =	stream.indirect.gather [hbm4b:s4+s7], $0x20, s17, s7, $0xb8;
	[tilespmem:$0x11000] =	vst v63  }
0x4b5: {  	s28 =	sld [smem:$0x72F];
	s29 =	simm.s32 $0xDC00  }
0x4b6: {  	[tilespmem:s29], [sflag:$0x2] =	stream.indirect.gather [hbm4b:s4+s7], $0x20, s19, s7, $0xb8;
	[tilespmem:$0x11000] =	vst v63  }
0x4b7: {  	s30 =	sld [smem:$0x730];
	s17 =	simm.s32 $0xDF40  }
0x4b8: {  	[tilespmem:s17], [sflag:$0x2] =	stream.indirect.gather [hbm4b:s4+s7], $0x20, s28, s7, $0xb8;
	[tilespmem:$0x11000] =	vst v63  }
0x4b9: {  	s18 =	sld [smem:$0x731];
	s19 =	simm.s32 $0xE280  }
0x4ba: {  	[tilespmem:s19], [sflag:$0x2] =	stream.indirect.gather [hbm4b:s4+s7], $0x20, s30, s7, $0xb8;
	[tilespmem:$0x11000] =	vst v63  }
0x4bb: {  	s28 =	sld [smem:$0x732];
	s19 =	simm.s32 $0xE5C0  }
0x4bc: {  	[tilespmem:s19], [sflag:$0x2] =	stream.indirect.gather [hbm4b:s4+s7], $0x20, s18, s7, $0xb8;
	[tilespmem:$0x11000] =	vst v63  }
0x4bd: {  	s29 =	sld [smem:$0x733];
	s30 =	simm.s32 $0xE900  }
0x4be: {  	[tilespmem:s30], [sflag:$0x2] =	stream.indirect.gather [hbm4b:s4+s7], $0x20, s28, s7, $0xb8;
	[tilespmem:$0x11000] =	vst v63  }
0x4bf: {  	s17 =	sld [smem:$0x734];
	s18 =	simm.s32 $0xEC40  }
0x4c0: {  	[tilespmem:s18], [sflag:$0x2] =	stream.indirect.gather [hbm4b:s4+s7], $0x20, s29, s7, $0xb8;
	[tilespmem:$0x11000] =	vst v63  }
0x4c1: {  	s28 =	sld [smem:$0x735];
	s29 =	simm.s32 $0xEF80  }
0x4c2: {  	[tilespmem:s29], [sflag:$0x2] =	stream.indirect.gather [hbm4b:s4+s7], $0x20, s17, s7, $0xb8;
	[tilespmem:$0x11000] =	vst v63  }
0x4c3: {  	s30 =	sld [smem:$0x736];
	s17 =	simm.s32 $0xF2C0  }
0x4c4: {  	[tilespmem:s17], [sflag:$0x2] =	stream.indirect.gather [hbm4b:s4+s7], $0x20, s28, s7, $0xb8;
	[tilespmem:$0x11000] =	vst v63  }
0x4c5: {  	s18 =	sld [smem:$0x737];
	s28 =	simm.s32 $0xF600  }
0x4c6: {  	[tilespmem:s28], [sflag:$0x2] =	stream.indirect.gather [hbm4b:s4+s7], $0x20, s30, s7, $0xb8;
	[tilespmem:$0x11000] =	vst v63  }
0x4c7: {  	s29 =	sld [smem:$0x738];
	s30 =	simm.s32 $0xF940  }
0x4c8: {  	[tilespmem:s30], [sflag:$0x2] =	stream.indirect.gather [hbm4b:s4+s7], $0x20, s18, s7, $0xb8;
	[tilespmem:$0x11000] =	vst v63  }
0x4c9: {  	s17 =	sld [smem:$0x739]  }
0x4ca: {  	[tilespmem:s31], [sflag:$0x2] =	stream.indirect.gather [hbm4b:s4+s7], $0x20, s29, s7, $0xb8;
	[tilespmem:$0x11000] =	vst v63  }
0x4cb: {  	s18 =	sld [smem:$0x73A]  }
0x4cc: {  	[tilespmem:s6], [sflag:$0x2] =	stream.indirect.gather [hbm4b:s4+s7], $0x20, s17, s7, $0xb8;
	[tilespmem:$0x11000] =	vst v63  }
0x4cd: {  	s28 =	sld [smem:$0x73B];
	s29 =	simm.s32 $0x10300  }
0x4ce: {  	[tilespmem:s29], [sflag:$0x2] =	stream.indirect.gather [hbm4b:s4+s7], $0x20, s18, s7, $0xb8;
	[tilespmem:$0x11000] =	vst v63  }
0x4cf: {  	s30 =	sld [smem:$0x73C];
	s31 =	simm.s32 $0x10640  }
0x4d0: {  	[tilespmem:s31], [sflag:$0x2] =	stream.indirect.gather [hbm4b:s4+s7], $0x20, s28, s7, $0xb8;
	[tilespmem:$0x11000] =	vst v63  }
0x4d1: {  	s0 =	sld [smem:$0x73D];
	s6 =	simm.s32 $0x10980  }
0x4d2: {  	[tilespmem:s6], [sflag:$0x2] =	stream.indirect.gather [hbm4b:s4+s7], $0x20, s30, s7, $0xb8;
	[tilespmem:$0x11000] =	vst v63  }
0x4d3: {  	_ = 	snop  }
0x4d4: {  	[tilespmem:s1], [sflag:$0x2] =	stream.indirect.gather [hbm4b:s4+s7], $0x20, s0, s7, $0xb8;
	[tilespmem:$0x11000] =	vst v63  }
0x4d5: {  	_ =	swait.ge [sflag:s21], $0x6800  }
0x4d6: {  	s18 =	simm.s32 $0x4000;
	[sflag:s21] =	ssyncset.done $0x0  }
0x4d7: {  	s1 =	simm.s32 $0x0;
	s17 =	rddreg [dreg:$0xb];
	[sflag:s21] =	ssyncadd.s32 $0xFFFF9800  }
0x4d8: {  	[hbm4b:s17+s1] =	stream.linear.scatter [tilespmem:s18], [sflag:$0x3], $0x6800, $0x38;
	[tilespmem:$0x11000] =	vst v63  }
0x4d9: {  	_ =	swait.ge [sflag:s22], $0x6800  }
0x4da: {  	s26 =	sld [smem:$0x73E]  }
0x4db: {  	[sflag:s22] =	ssyncset.done $0x0  }
0x4dc: {  	s28 =	sld [smem:$0x73F];
	[sflag:s22] =	ssyncadd.s32 $0xFFFF9800  }
0x4dd: {  	[tilespmem:s18], [sflag:$0x1] =	stream.indirect.gather [hbm4b:s4+s7], $0x20, s26, s7, $0xb8;
	[tilespmem:$0x11000] =	vst v63  }
0x4de: {  	s30 =	simm.s32 $0x4340;
	s29 =	sld [smem:$0x740]  }
0x4df: {  	[tilespmem:s30], [sflag:$0x1] =	stream.indirect.gather [hbm4b:s4+s7], $0x20, s28, s7, $0xb8;
	[tilespmem:$0x11000] =	vst v63  }
0x4e0: {  	s31 =	sld [smem:$0x741];
	s18 =	simm.s32 $0x4680  }
0x4e1: {  	[tilespmem:s18], [sflag:$0x1] =	stream.indirect.gather [hbm4b:s4+s7], $0x20, s29, s7, $0xb8;
	[tilespmem:$0x11000] =	vst v63  }
0x4e2: {  	s17 =	simm.s32 $0x49C0;
	s28 =	sld [smem:$0x742]  }
0x4e3: {  	[tilespmem:s17], [sflag:$0x1] =	stream.indirect.gather [hbm4b:s4+s7], $0x20, s31, s7, $0xb8;
	[tilespmem:$0x11000] =	vst v63  }
0x4e4: {  	s29 =	sld [smem:$0x743];
	s18 =	simm.s32 $0x4D00  }
0x4e5: {  	[tilespmem:s18], [sflag:$0x1] =	stream.indirect.gather [hbm4b:s4+s7], $0x20, s28, s7, $0xb8;
	[tilespmem:$0x11000] =	vst v63  }
0x4e6: {  	s30 =	sld [smem:$0x744];
	s28 =	simm.s32 $0x5040  }
0x4e7: {  	[tilespmem:s28], [sflag:$0x1] =	stream.indirect.gather [hbm4b:s4+s7], $0x20, s29, s7, $0xb8;
	[tilespmem:$0x11000] =	vst v63  }
0x4e8: {  	s31 =	sld [smem:$0x745];
	s29 =	simm.s32 $0x5380  }
0x4e9: {  	[tilespmem:s29], [sflag:$0x1] =	stream.indirect.gather [hbm4b:s4+s7], $0x20, s30, s7, $0xb8;
	[tilespmem:$0x11000] =	vst v63  }
0x4ea: {  	s0 =	sld [smem:$0x746];
	s30 =	simm.s32 $0x56C0  }
0x4eb: {  	[tilespmem:s30], [sflag:$0x1] =	stream.indirect.gather [hbm4b:s4+s7], $0x20, s31, s7, $0xb8;
	[tilespmem:$0x11000] =	vst v63  }
0x4ec: {  	s26 =	sld [smem:$0x747];
	s31 =	simm.s32 $0x5A00  }
0x4ed: {  	[tilespmem:s31], [sflag:$0x1] =	stream.indirect.gather [hbm4b:s4+s7], $0x20, s0, s7, $0xb8;
	[tilespmem:$0x11000] =	vst v63  }
0x4ee: {  	s25 =	sld [smem:$0x748];
	s0 =	simm.s32 $0x5D40  }
0x4ef: {  	[tilespmem:s0], [sflag:$0x1] =	stream.indirect.gather [hbm4b:s4+s7], $0x20, s26, s7, $0xb8;
	[tilespmem:$0x11000] =	vst v63  }
0x4f0: {  	s26 =	sld [smem:$0x749];
	s0 =	simm.s32 $0x6080  }
0x4f1: {  	[tilespmem:s0], [sflag:$0x1] =	stream.indirect.gather [hbm4b:s4+s7], $0x20, s25, s7, $0xb8;
	[tilespmem:$0x11000] =	vst v63  }
0x4f2: {  	s25 =	sld [smem:$0x74A];
	s0 =	simm.s32 $0x63C0  }
0x4f3: {  	[tilespmem:s0], [sflag:$0x1] =	stream.indirect.gather [hbm4b:s4+s7], $0x20, s26, s7, $0xb8;
	[tilespmem:$0x11000] =	vst v63  }
0x4f4: {  	s26 =	sld [smem:$0x74B];
	s0 =	simm.s32 $0x6700  }
0x4f5: {  	[tilespmem:s0], [sflag:$0x1] =	stream.indirect.gather [hbm4b:s4+s7], $0x20, s25, s7, $0xb8;
	[tilespmem:$0x11000] =	vst v63  }
0x4f6: {  	s25 =	sld [smem:$0x74C];
	s0 =	simm.s32 $0x6A40  }
0x4f7: {  	[tilespmem:s0], [sflag:$0x1] =	stream.indirect.gather [hbm4b:s4+s7], $0x20, s26, s7, $0xb8;
	[tilespmem:$0x11000] =	vst v63  }
0x4f8: {  	s26 =	sld [smem:$0x74D];
	s0 =	simm.s32 $0x6D80  }
0x4f9: {  	[tilespmem:s0], [sflag:$0x1] =	stream.indirect.gather [hbm4b:s4+s7], $0x20, s25, s7, $0xb8;
	[tilespmem:$0x11000] =	vst v63  }
0x4fa: {  	s25 =	sld [smem:$0x74E];
	s0 =	simm.s32 $0x70C0  }
0x4fb: {  	[tilespmem:s0], [sflag:$0x1] =	stream.indirect.gather [hbm4b:s4+s7], $0x20, s26, s7, $0xb8;
	[tilespmem:$0x11000] =	vst v63  }
0x4fc: {  	s26 =	sld [smem:$0x74F];
	s0 =	simm.s32 $0x7400  }
0x4fd: {  	[tilespmem:s0], [sflag:$0x1] =	stream.indirect.gather [hbm4b:s4+s7], $0x20, s25, s7, $0xb8;
	[tilespmem:$0x11000] =	vst v63  }
0x4fe: {  	s25 =	sld [smem:$0x750];
	s0 =	simm.s32 $0x7740  }
0x4ff: {  	[tilespmem:s0], [sflag:$0x1] =	stream.indirect.gather [hbm4b:s4+s7], $0x20, s26, s7, $0xb8;
	[tilespmem:$0x11000] =	vst v63  }
0x500: {  	s26 =	sld [smem:$0x751];
	s0 =	simm.s32 $0x7A80  }
0x501: {  	[tilespmem:s0], [sflag:$0x1] =	stream.indirect.gather [hbm4b:s4+s7], $0x20, s25, s7, $0xb8;
	[tilespmem:$0x11000] =	vst v63  }
0x502: {  	s25 =	sld [smem:$0x752];
	s0 =	simm.s32 $0x7DC0  }
0x503: {  	[tilespmem:s0], [sflag:$0x1] =	stream.indirect.gather [hbm4b:s4+s7], $0x20, s26, s7, $0xb8;
	[tilespmem:$0x11000] =	vst v63  }
0x504: {  	s26 =	sld [smem:$0x753]  }
0x505: {  	[tilespmem:s16], [sflag:$0x1] =	stream.indirect.gather [hbm4b:s4+s7], $0x20, s25, s7, $0xb8;
	[tilespmem:$0x11000] =	vst v63  }
0x506: {  	s0 =	sld [smem:$0x754]  }
0x507: {  	[tilespmem:s2], [sflag:$0x1] =	stream.indirect.gather [hbm4b:s4+s7], $0x20, s26, s7, $0xb8;
	[tilespmem:$0x11000] =	vst v63  }
0x508: {  	s2 =	sld [smem:$0x755]  }
0x509: {  	[tilespmem:s3], [sflag:$0x1] =	stream.indirect.gather [hbm4b:s4+s7], $0x20, s0, s7, $0xb8;
	[tilespmem:$0x11000] =	vst v63  }
0x50a: {  	s3 =	sld [smem:$0x756]  }
0x50b: {  	[tilespmem:s5], [sflag:$0x1] =	stream.indirect.gather [hbm4b:s4+s7], $0x20, s2, s7, $0xb8;
	[tilespmem:$0x11000] =	vst v63  }
0x50c: {  	s16 =	sld [smem:$0x757]  }
0x50d: {  	[tilespmem:s8], [sflag:$0x1] =	stream.indirect.gather [hbm4b:s4+s7], $0x20, s3, s7, $0xb8;
	[tilespmem:$0x11000] =	vst v63  }
0x50e: {  	s0 =	sld [smem:$0x758]  }
0x50f: {  	[tilespmem:s9], [sflag:$0x1] =	stream.indirect.gather [hbm4b:s4+s7], $0x20, s16, s7, $0xb8;
	[tilespmem:$0x11000] =	vst v63  }
0x510: {  	s2 =	sld [smem:$0x759]  }
0x511: {  	[tilespmem:s10], [sflag:$0x1] =	stream.indirect.gather [hbm4b:s4+s7], $0x20, s0, s7, $0xb8;
	[tilespmem:$0x11000] =	vst v63  }
0x512: {  	s3 =	sld [smem:$0x75A]  }
0x513: {  	[tilespmem:s11], [sflag:$0x1] =	stream.indirect.gather [hbm4b:s4+s7], $0x20, s2, s7, $0xb8;
	[tilespmem:$0x11000] =	vst v63  }
0x514: {  	s5 =	sld [smem:$0x75B]  }
0x515: {  	[tilespmem:s12], [sflag:$0x1] =	stream.indirect.gather [hbm4b:s4+s7], $0x20, s3, s7, $0xb8;
	[tilespmem:$0x11000] =	vst v63  }
0x516: {  	s8 =	sld [smem:$0x75C]  }
0x517: {  	[tilespmem:s13], [sflag:$0x1] =	stream.indirect.gather [hbm4b:s4+s7], $0x20, s5, s7, $0xb8;
	[tilespmem:$0x11000] =	vst v63  }
0x518: {  	s9 =	sld [smem:$0x75D]  }
0x519: {  	[tilespmem:s14], [sflag:$0x1] =	stream.indirect.gather [hbm4b:s4+s7], $0x20, s8, s7, $0xb8;
	[tilespmem:$0x11000] =	vst v63  }
0x51a: {  	_ = 	snop  }
0x51b: {  	[tilespmem:s15], [sflag:$0x1] =	stream.indirect.gather [hbm4b:s4+s7], $0x20, s9, s7, $0xb8;
	[tilespmem:$0x11000] =	vst v63  }
0x51c: {  	_ =	swait.ge [sflag:s23], $0x6800  }
0x51d: {  	[sflag:s23] =	ssyncset.done $0x0  }
0x51e: {  	s11 =	simm.s32 $0xA800;
	s10 =	rddreg [dreg:$0xc];
	[sflag:s23] =	ssyncadd.s32 $0xFFFF9800  }
0x51f: {  	[hbm4b:s10+s1] =	stream.linear.scatter [tilespmem:s11], [sflag:$0x4], $0x6800, $0x38;
	[tilespmem:$0x11000] =	vst v63  }
0x520: {  	_ =	swait.ge [sflag:s24], $0x6800  }
0x521: {  	s12 =	sld [smem:$0x75E]  }
0x522: {  	[sflag:s24] =	ssyncset.done $0x0  }
0x523: {  	s13 =	sld [smem:$0x75F];
	[sflag:s24] =	ssyncadd.s32 $0xFFFF9800  }
0x524: {  	[tilespmem:s11], [sflag:$0x2] =	stream.indirect.gather [hbm4b:s4+s7], $0x20, s12, s7, $0xb8;
	[tilespmem:$0x11000] =	vst v63  }
0x525: {  	s16 =	simm.s32 $0xAB40;
	s14 =	sld [smem:$0x760]  }
0x526: {  	[tilespmem:s16], [sflag:$0x2] =	stream.indirect.gather [hbm4b:s4+s7], $0x20, s13, s7, $0xb8;
	[tilespmem:$0x11000] =	vst v63  }
0x527: {  	s2 =	simm.s32 $0xAE80;
	s15 =	sld [smem:$0x761]  }
0x528: {  	[tilespmem:s2], [sflag:$0x2] =	stream.indirect.gather [hbm4b:s4+s7], $0x20, s14, s7, $0xb8;
	[tilespmem:$0x11000] =	vst v63  }
0x529: {  	s5 =	simm.s32 $0xB1C0;
	s3 =	sld [smem:$0x762]  }
0x52a: {  	[tilespmem:s5], [sflag:$0x2] =	stream.indirect.gather [hbm4b:s4+s7], $0x20, s15, s7, $0xb8;
	[tilespmem:$0x11000] =	vst v63  }
0x52b: {  	s9 =	simm.s32 $0xB500;
	s8 =	sld [smem:$0x763]  }
0x52c: {  	[tilespmem:s9], [sflag:$0x2] =	stream.indirect.gather [hbm4b:s4+s7], $0x20, s3, s7, $0xb8;
	[tilespmem:$0x11000] =	vst v63  }
0x52d: {  	s10 =	sld [smem:$0x764];
	s11 =	simm.s32 $0xB840  }
0x52e: {  	[tilespmem:s11], [sflag:$0x2] =	stream.indirect.gather [hbm4b:s4+s7], $0x20, s8, s7, $0xb8;
	[tilespmem:$0x11000] =	vst v63  }
0x52f: {  	s12 =	sld [smem:$0x765];
	s13 =	simm.s32 $0xBB80  }
0x530: {  	[tilespmem:s13], [sflag:$0x2] =	stream.indirect.gather [hbm4b:s4+s7], $0x20, s10, s7, $0xb8;
	[tilespmem:$0x11000] =	vst v63  }
0x531: {  	s14 =	sld [smem:$0x766];
	s15 =	simm.s32 $0xBEC0  }
0x532: {  	[tilespmem:s15], [sflag:$0x2] =	stream.indirect.gather [hbm4b:s4+s7], $0x20, s12, s7, $0xb8;
	[tilespmem:$0x11000] =	vst v63  }
0x533: {  	s2 =	sld [smem:$0x767];
	s3 =	simm.s32 $0xC200  }
0x534: {  	[tilespmem:s3], [sflag:$0x2] =	stream.indirect.gather [hbm4b:s4+s7], $0x20, s14, s7, $0xb8;
	[tilespmem:$0x11000] =	vst v63  }
0x535: {  	s5 =	sld [smem:$0x768];
	s8 =	simm.s32 $0xC540  }
0x536: {  	[tilespmem:s8], [sflag:$0x2] =	stream.indirect.gather [hbm4b:s4+s7], $0x20, s2, s7, $0xb8;
	[tilespmem:$0x11000] =	vst v63  }
0x537: {  	s9 =	sld [smem:$0x769];
	s10 =	simm.s32 $0xC880  }
0x538: {  	[tilespmem:s10], [sflag:$0x2] =	stream.indirect.gather [hbm4b:s4+s7], $0x20, s5, s7, $0xb8;
	[tilespmem:$0x11000] =	vst v63  }
0x539: {  	s11 =	sld [smem:$0x76A];
	s12 =	simm.s32 $0xCBC0  }
0x53a: {  	[tilespmem:s12], [sflag:$0x2] =	stream.indirect.gather [hbm4b:s4+s7], $0x20, s9, s7, $0xb8;
	[tilespmem:$0x11000] =	vst v63  }
0x53b: {  	s13 =	sld [smem:$0x76B];
	s14 =	simm.s32 $0xCF00  }
0x53c: {  	[tilespmem:s14], [sflag:$0x2] =	stream.indirect.gather [hbm4b:s4+s7], $0x20, s11, s7, $0xb8;
	[tilespmem:$0x11000] =	vst v63  }
0x53d: {  	s15 =	sld [smem:$0x76C];
	s2 =	simm.s32 $0xD240  }
0x53e: {  	[tilespmem:s2], [sflag:$0x2] =	stream.indirect.gather [hbm4b:s4+s7], $0x20, s13, s7, $0xb8;
	[tilespmem:$0x11000] =	vst v63  }
0x53f: {  	s3 =	sld [smem:$0x76D];
	s5 =	simm.s32 $0xD580  }
0x540: {  	[tilespmem:s5], [sflag:$0x2] =	stream.indirect.gather [hbm4b:s4+s7], $0x20, s15, s7, $0xb8;
	[tilespmem:$0x11000] =	vst v63  }
0x541: {  	s8 =	sld [smem:$0x76E]  }
0x542: {  	[tilespmem:s20], [sflag:$0x2] =	stream.indirect.gather [hbm4b:s4+s7], $0x20, s3, s7, $0xb8;
	[tilespmem:$0x11000] =	vst v63  }
0x543: {  	s10 =	simm.s32 $0xDC00;
	s9 =	sld [smem:$0x76F]  }
0x544: {  	[tilespmem:s10], [sflag:$0x2] =	stream.indirect.gather [hbm4b:s4+s7], $0x20, s8, s7, $0xb8;
	[tilespmem:$0x11000] =	vst v63  }
0x545: {  	s12 =	simm.s32 $0xDF40;
	s11 =	sld [smem:$0x770]  }
0x546: {  	[tilespmem:s12], [sflag:$0x2] =	stream.indirect.gather [hbm4b:s4+s7], $0x20, s9, s7, $0xb8;
	[tilespmem:$0x11000] =	vst v63  }
0x547: {  	s14 =	simm.s32 $0xE280;
	s13 =	sld [smem:$0x771]  }
0x548: {  	[tilespmem:s14], [sflag:$0x2] =	stream.indirect.gather [hbm4b:s4+s7], $0x20, s11, s7, $0xb8;
	[tilespmem:$0x11000] =	vst v63  }
0x549: {  	s15 =	sld [smem:$0x772]  }
0x54a: {  	[tilespmem:s19], [sflag:$0x2] =	stream.indirect.gather [hbm4b:s4+s7], $0x20, s13, s7, $0xb8;
	[tilespmem:$0x11000] =	vst v63  }
0x54b: {  	s2 =	simm.s32 $0xE900;
	s20 =	sld [smem:$0x773]  }
0x54c: {  	[tilespmem:s2], [sflag:$0x2] =	stream.indirect.gather [hbm4b:s4+s7], $0x20, s15, s7, $0xb8;
	[tilespmem:$0x11000] =	vst v63  }
0x54d: {  	s3 =	sld [smem:$0x774];
	s19 =	simm.s32 $0xEC40  }
0x54e: {  	[tilespmem:s19], [sflag:$0x2] =	stream.indirect.gather [hbm4b:s4+s7], $0x20, s20, s7, $0xb8;
	[tilespmem:$0x11000] =	vst v63  }
0x54f: {  	s5 =	sld [smem:$0x775];
	s8 =	simm.s32 $0xEF80  }
0x550: {  	[tilespmem:s8], [sflag:$0x2] =	stream.indirect.gather [hbm4b:s4+s7], $0x20, s3, s7, $0xb8;
	[tilespmem:$0x11000] =	vst v63  }
0x551: {  	s10 =	simm.s32 $0xF2C0;
	s9 =	sld [smem:$0x776]  }
0x552: {  	[tilespmem:s10], [sflag:$0x2] =	stream.indirect.gather [hbm4b:s4+s7], $0x20, s5, s7, $0xb8;
	[tilespmem:$0x11000] =	vst v63  }
0x553: {  	s12 =	simm.s32 $0xF600;
	s11 =	sld [smem:$0x777]  }
0x554: {  	[tilespmem:s12], [sflag:$0x2] =	stream.indirect.gather [hbm4b:s4+s7], $0x20, s9, s7, $0xb8;
	[tilespmem:$0x11000] =	vst v63  }
0x555: {  	s14 =	simm.s32 $0xF940;
	s13 =	sld [smem:$0x778]  }
0x556: {  	[tilespmem:s14], [sflag:$0x2] =	stream.indirect.gather [hbm4b:s4+s7], $0x20, s11, s7, $0xb8;
	[tilespmem:$0x11000] =	vst v63  }
0x557: {  	s15 =	sld [smem:$0x779];
	s20 =	simm.s32 $0xFC80  }
0x558: {  	[tilespmem:s20], [sflag:$0x2] =	stream.indirect.gather [hbm4b:s4+s7], $0x20, s13, s7, $0xb8;
	[tilespmem:$0x11000] =	vst v63  }
0x559: {  	s0 =	sld [smem:$0x77A];
	s2 =	simm.s32 $0xFFC0  }
0x55a: {  	[tilespmem:s2], [sflag:$0x2] =	stream.indirect.gather [hbm4b:s4+s7], $0x20, s15, s7, $0xb8;
	[tilespmem:$0x11000] =	vst v63  }
0x55b: {  	s3 =	sld [smem:$0x77B];
	s5 =	simm.s32 $0x10300  }
0x55c: {  	[tilespmem:s5], [sflag:$0x2] =	stream.indirect.gather [hbm4b:s4+s7], $0x20, s0, s7, $0xb8;
	[tilespmem:$0x11000] =	vst v63  }
0x55d: {  	s8 =	sld [smem:$0x77C];
	s9 =	simm.s32 $0x10640  }
0x55e: {  	[tilespmem:s9], [sflag:$0x2] =	stream.indirect.gather [hbm4b:s4+s7], $0x20, s3, s7, $0xb8;
	[tilespmem:$0x11000] =	vst v63  }
0x55f: {  	s10 =	sld [smem:$0x77D]  }
0x560: {  	[tilespmem:s6], [sflag:$0x2] =	stream.indirect.gather [hbm4b:s4+s7], $0x20, s8, s7, $0xb8;
	[tilespmem:$0x11000] =	vst v63  }
0x561: {  	s11 =	simm.s32 $0x10CC0  }
0x562: {  	[tilespmem:s11], [sflag:$0x2] =	stream.indirect.gather [hbm4b:s4+s7], $0x20, s10, s7, $0xb8;
	[tilespmem:$0x11000] =	vst v63  }
0x563: {  	_ =	swait.ge [sflag:s21], $0x6800  }
0x564: {  	s1 =	simm.s32 $0x0;
	[sflag:s21] =	ssyncset.done $0x0  }
0x565: {  	s13 =	simm.s32 $0x4000;
	s12 =	rddreg [dreg:$0xd];
	[sflag:s21] =	ssyncadd.s32 $0xFFFF9800  }
0x566: {  	[hbm4b:s12+s1] =	stream.linear.scatter [tilespmem:s13], [sflag:$0x3], $0x6800, $0x38;
	[tilespmem:$0x11000] =	vst v63  }
0x567: {  	_ =	swait.ge [sflag:s22], $0x6800  }
0x568: {  	s14 =	sld [smem:$0x77E]  }
0x569: {  	[sflag:s22] =	ssyncset.done $0x0  }
0x56a: {  	s15 =	sld [smem:$0x77F];
	[sflag:s22] =	ssyncadd.s32 $0xFFFF9800  }
0x56b: {  	[tilespmem:s13], [sflag:$0x1] =	stream.indirect.gather [hbm4b:s4+s7], $0x20, s14, s7, $0xb8;
	[tilespmem:$0x11000] =	vst v63  }
0x56c: {  	s1 =	simm.s32 $0x4340;
	s20 =	sld [smem:$0x780]  }
0x56d: {  	[tilespmem:s1], [sflag:$0x1] =	stream.indirect.gather [hbm4b:s4+s7], $0x20, s15, s7, $0xb8;
	[tilespmem:$0x11000] =	vst v63  }
0x56e: {  	s5 =	simm.s32 $0x4680;
	s3 =	sld [smem:$0x781]  }
0x56f: {  	[tilespmem:s5], [sflag:$0x1] =	stream.indirect.gather [hbm4b:s4+s7], $0x20, s20, s7, $0xb8;
	[tilespmem:$0x11000] =	vst v63  }
0x570: {  	s6 =	sld [smem:$0x782]  }
0x571: {  	[tilespmem:s17], [sflag:$0x1] =	stream.indirect.gather [hbm4b:s4+s7], $0x20, s3, s7, $0xb8;
	[tilespmem:$0x11000] =	vst v63  }
0x572: {  	s8 =	sld [smem:$0x783]  }
0x573: {  	[tilespmem:s18], [sflag:$0x1] =	stream.indirect.gather [hbm4b:s4+s7], $0x20, s6, s7, $0xb8;
	[tilespmem:$0x11000] =	vst v63  }
0x574: {  	s9 =	sld [smem:$0x784]  }
0x575: {  	[tilespmem:s28], [sflag:$0x1] =	stream.indirect.gather [hbm4b:s4+s7], $0x20, s8, s7, $0xb8;
	[tilespmem:$0x11000] =	vst v63  }
0x576: {  	s10 =	sld [smem:$0x785]  }
0x577: {  	[tilespmem:s29], [sflag:$0x1] =	stream.indirect.gather [hbm4b:s4+s7], $0x20, s9, s7, $0xb8;
	[tilespmem:$0x11000] =	vst v63  }
0x578: {  	s11 =	sld [smem:$0x786]  }
0x579: {  	[tilespmem:s30], [sflag:$0x1] =	stream.indirect.gather [hbm4b:s4+s7], $0x20, s10, s7, $0xb8;
	[tilespmem:$0x11000] =	vst v63  }
0x57a: {  	s12 =	sld [smem:$0x787]  }
0x57b: {  	[tilespmem:s31], [sflag:$0x1] =	stream.indirect.gather [hbm4b:s4+s7], $0x20, s11, s7, $0xb8;
	[tilespmem:$0x11000] =	vst v63  }
0x57c: {  	s13 =	sld [smem:$0x788];
	s14 =	simm.s32 $0x5D40  }
0x57d: {  	[tilespmem:s14], [sflag:$0x1] =	stream.indirect.gather [hbm4b:s4+s7], $0x20, s12, s7, $0xb8;
	[tilespmem:$0x11000] =	vst v63  }
0x57e: {  	s15 =	sld [smem:$0x789];
	s17 =	simm.s32 $0x6080  }
0x57f: {  	[tilespmem:s17], [sflag:$0x1] =	stream.indirect.gather [hbm4b:s4+s7], $0x20, s13, s7, $0xb8;
	[tilespmem:$0x11000] =	vst v63  }
0x580: {  	s20 =	simm.s32 $0x63C0;
	s18 =	sld [smem:$0x78A]  }
0x581: {  	[tilespmem:s20], [sflag:$0x1] =	stream.indirect.gather [hbm4b:s4+s7], $0x20, s15, s7, $0xb8;
	[tilespmem:$0x11000] =	vst v63  }
0x582: {  	s28 =	sld [smem:$0x78B];
	s29 =	simm.s32 $0x6700  }
0x583: {  	[tilespmem:s29], [sflag:$0x1] =	stream.indirect.gather [hbm4b:s4+s7], $0x20, s18, s7, $0xb8;
	[tilespmem:$0x11000] =	vst v63  }
0x584: {  	s30 =	sld [smem:$0x78C];
	s31 =	simm.s32 $0x6A40  }
0x585: {  	[tilespmem:s31], [sflag:$0x1] =	stream.indirect.gather [hbm4b:s4+s7], $0x20, s28, s7, $0xb8;
	[tilespmem:$0x11000] =	vst v63  }
0x586: {  	s0 =	sld [smem:$0x78D];
	s1 =	simm.s32 $0x6D80  }
0x587: {  	[tilespmem:s1], [sflag:$0x1] =	stream.indirect.gather [hbm4b:s4+s7], $0x20, s30, s7, $0xb8;
	[tilespmem:$0x11000] =	vst v63  }
0x588: {  	s5 =	simm.s32 $0x70C0;
	s3 =	sld [smem:$0x78E]  }
0x589: {  	[tilespmem:s5], [sflag:$0x1] =	stream.indirect.gather [hbm4b:s4+s7], $0x20, s0, s7, $0xb8;
	[tilespmem:$0x11000] =	vst v63  }
0x58a: {  	s6 =	sld [smem:$0x78F];
	s8 =	simm.s32 $0x7400  }
0x58b: {  	[tilespmem:s8], [sflag:$0x1] =	stream.indirect.gather [hbm4b:s4+s7], $0x20, s3, s7, $0xb8;
	[tilespmem:$0x11000] =	vst v63  }
0x58c: {  	s9 =	sld [smem:$0x790];
	s10 =	simm.s32 $0x7740  }
0x58d: {  	[tilespmem:s10], [sflag:$0x1] =	stream.indirect.gather [hbm4b:s4+s7], $0x20, s6, s7, $0xb8;
	[tilespmem:$0x11000] =	vst v63  }
0x58e: {  	s11 =	sld [smem:$0x791];
	s12 =	simm.s32 $0x7A80  }
0x58f: {  	[tilespmem:s12], [sflag:$0x1] =	stream.indirect.gather [hbm4b:s4+s7], $0x20, s9, s7, $0xb8;
	[tilespmem:$0x11000] =	vst v63  }
0x590: {  	s14 =	simm.s32 $0x7DC0;
	s13 =	sld [smem:$0x792]  }
0x591: {  	[tilespmem:s14], [sflag:$0x1] =	stream.indirect.gather [hbm4b:s4+s7], $0x20, s11, s7, $0xb8;
	[tilespmem:$0x11000] =	vst v63  }
0x592: {  	s17 =	sld [smem:$0x793];
	s10 =	simm.s32 $0x8100  }
0x593: {  	[tilespmem:s10], [sflag:$0x1] =	stream.indirect.gather [hbm4b:s4+s7], $0x20, s13, s7, $0xb8;
	[tilespmem:$0x11000] =	vst v63  }
0x594: {  	s18 =	sld [smem:$0x794];
	s11 =	simm.s32 $0x8440  }
0x595: {  	[tilespmem:s11], [sflag:$0x1] =	stream.indirect.gather [hbm4b:s4+s7], $0x20, s17, s7, $0xb8;
	[tilespmem:$0x11000] =	vst v63  }
0x596: {  	s20 =	sld [smem:$0x795];
	s12 =	simm.s32 $0x8780  }
0x597: {  	[tilespmem:s12], [sflag:$0x1] =	stream.indirect.gather [hbm4b:s4+s7], $0x20, s18, s7, $0xb8;
	[tilespmem:$0x11000] =	vst v63  }
0x598: {  	s28 =	sld [smem:$0x796];
	s13 =	simm.s32 $0x8AC0  }
0x599: {  	[tilespmem:s13], [sflag:$0x1] =	stream.indirect.gather [hbm4b:s4+s7], $0x20, s20, s7, $0xb8;
	[tilespmem:$0x11000] =	vst v63  }
0x59a: {  	s29 =	sld [smem:$0x797];
	s14 =	simm.s32 $0x8E00  }
0x59b: {  	[tilespmem:s14], [sflag:$0x1] =	stream.indirect.gather [hbm4b:s4+s7], $0x20, s28, s7, $0xb8;
	[tilespmem:$0x11000] =	vst v63  }
0x59c: {  	s15 =	simm.s32 $0x9140;
	s30 =	sld [smem:$0x798]  }
0x59d: {  	[tilespmem:s15], [sflag:$0x1] =	stream.indirect.gather [hbm4b:s4+s7], $0x20, s29, s7, $0xb8;
	[tilespmem:$0x11000] =	vst v63  }
0x59e: {  	s31 =	sld [smem:$0x799];
	s17 =	simm.s32 $0x9480  }
0x59f: {  	[tilespmem:s17], [sflag:$0x1] =	stream.indirect.gather [hbm4b:s4+s7], $0x20, s30, s7, $0xb8;
	[tilespmem:$0x11000] =	vst v63  }
0x5a0: {  	s0 =	sld [smem:$0x79A];
	s18 =	simm.s32 $0x97C0  }
0x5a1: {  	[tilespmem:s18], [sflag:$0x1] =	stream.indirect.gather [hbm4b:s4+s7], $0x20, s31, s7, $0xb8;
	[tilespmem:$0x11000] =	vst v63  }
0x5a2: {  	s1 =	sld [smem:$0x79B];
	s28 =	simm.s32 $0x9B00  }
0x5a3: {  	[tilespmem:s28], [sflag:$0x1] =	stream.indirect.gather [hbm4b:s4+s7], $0x20, s0, s7, $0xb8;
	[tilespmem:$0x11000] =	vst v63  }
0x5a4: {  	s3 =	sld [smem:$0x79C];
	s29 =	simm.s32 $0x9E40  }
0x5a5: {  	[tilespmem:s29], [sflag:$0x1] =	stream.indirect.gather [hbm4b:s4+s7], $0x20, s1, s7, $0xb8;
	[tilespmem:$0x11000] =	vst v63  }
0x5a6: {  	s5 =	sld [smem:$0x79D];
	s30 =	simm.s32 $0xA180  }
0x5a7: {  	[tilespmem:s30], [sflag:$0x1] =	stream.indirect.gather [hbm4b:s4+s7], $0x20, s3, s7, $0xb8;
	[tilespmem:$0x11000] =	vst v63  }
0x5a8: {  	s31 =	simm.s32 $0xA4C0  }
0x5a9: {  	[tilespmem:s31], [sflag:$0x1] =	stream.indirect.gather [hbm4b:s4+s7], $0x20, s5, s7, $0xb8;
	[tilespmem:$0x11000] =	vst v63  }
0x5aa: {  	_ =	swait.ge [sflag:s23], $0x6800  }
0x5ab: {  	s8 =	simm.s32 $0xA800;
	[sflag:s23] =	ssyncset.done $0x0  }
0x5ac: {  	s3 =	simm.s32 $0x0;
	s6 =	rddreg [dreg:$0xe];
	[sflag:s23] =	ssyncadd.s32 $0xFFFF9800  }
0x5ad: {  	[hbm4b:s6+s3] =	stream.linear.scatter [tilespmem:s8], [sflag:$0x4], $0x6800, $0x38;
	[tilespmem:$0x11000] =	vst v63  }
0x5ae: {  	_ =	swait.ge [sflag:s24], $0x6800  }
0x5af: {  	s9 =	sld [smem:$0x79E]  }
0x5b0: {  	[sflag:s24] =	ssyncset.done $0x0  }
0x5b1: {  	s20 =	sld [smem:$0x79F];
	[sflag:s24] =	ssyncadd.s32 $0xFFFF9800  }
0x5b2: {  	[tilespmem:s8], [sflag:$0x2] =	stream.indirect.gather [hbm4b:s4+s7], $0x20, s9, s7, $0xb8;
	[tilespmem:$0x11000] =	vst v63  }
0x5b3: {  	s0 =	sld [smem:$0x7A0]  }
0x5b4: {  	[tilespmem:s16], [sflag:$0x2] =	stream.indirect.gather [hbm4b:s4+s7], $0x20, s20, s7, $0xb8;
	[tilespmem:$0x11000] =	vst v63  }
0x5b5: {  	s5 =	simm.s32 $0xAE80;
	s1 =	sld [smem:$0x7A1]  }
0x5b6: {  	[tilespmem:s5], [sflag:$0x2] =	stream.indirect.gather [hbm4b:s4+s7], $0x20, s0, s7, $0xb8;
	[tilespmem:$0x11000] =	vst v63  }
0x5b7: {  	s6 =	sld [smem:$0x7A2];
	s8 =	simm.s32 $0xB1C0  }
0x5b8: {  	[tilespmem:s8], [sflag:$0x2] =	stream.indirect.gather [hbm4b:s4+s7], $0x20, s1, s7, $0xb8;
	[tilespmem:$0x11000] =	vst v63  }
0x5b9: {  	s9 =	sld [smem:$0x7A3];
	s16 =	simm.s32 $0xB500  }
0x5ba: {  	[tilespmem:s16], [sflag:$0x2] =	stream.indirect.gather [hbm4b:s4+s7], $0x20, s6, s7, $0xb8;
	[tilespmem:$0x11000] =	vst v63  }
0x5bb: {  	s20 =	sld [smem:$0x7A4];
	s1 =	simm.s32 $0xB840  }
0x5bc: {  	[tilespmem:s1], [sflag:$0x2] =	stream.indirect.gather [hbm4b:s4+s7], $0x20, s9, s7, $0xb8;
	[tilespmem:$0x11000] =	vst v63  }
0x5bd: {  	s5 =	sld [smem:$0x7A5];
	s6 =	simm.s32 $0xBB80  }
0x5be: {  	[tilespmem:s6], [sflag:$0x2] =	stream.indirect.gather [hbm4b:s4+s7], $0x20, s20, s7, $0xb8;
	[tilespmem:$0x11000] =	vst v63  }
0x5bf: {  	s0 =	simm.s32 $0xBEC0;
	s8 =	sld [smem:$0x7A6]  }
0x5c0: {  	[tilespmem:s0], [sflag:$0x2] =	stream.indirect.gather [hbm4b:s4+s7], $0x20, s5, s7, $0xb8;
	[tilespmem:$0x11000] =	vst v63  }
0x5c1: {  	s16 =	simm.s32 $0xC200;
	s9 =	sld [smem:$0x7A7]  }
0x5c2: {  	[tilespmem:s16], [sflag:$0x2] =	stream.indirect.gather [hbm4b:s4+s7], $0x20, s8, s7, $0xb8;
	[tilespmem:$0x11000] =	vst v63  }
0x5c3: {  	s20 =	sld [smem:$0x7A8];
	s5 =	simm.s32 $0xC540  }
0x5c4: {  	[tilespmem:s5], [sflag:$0x2] =	stream.indirect.gather [hbm4b:s4+s7], $0x20, s9, s7, $0xb8;
	[tilespmem:$0x11000] =	vst v63  }
0x5c5: {  	s6 =	sld [smem:$0x7AB];
	s8 =	simm.s32 $0xC880  }
0x5c6: {  	[tilespmem:s8], [sflag:$0x2] =	stream.indirect.gather [hbm4b:s4+s7], $0x20, s20, s7, $0xb8;
	[tilespmem:$0x11000] =	vst v63  }
0x5c7: {  	s1 =	simm.s32 $0xCBC0;
	s9 =	sld [smem:$0x7AC]  }
0x5c8: {  	[tilespmem:s1], [sflag:$0x2] =	stream.indirect.gather [hbm4b:s4+s7], $0x20, s6, s7, $0xb8;
	[tilespmem:$0x11000] =	vst v63  }
0x5c9: {  	s16 =	sld [smem:$0x7AD];
	s20 =	simm.s32 $0xCF00  }
0x5ca: {  	[tilespmem:s20], [sflag:$0x2] =	stream.indirect.gather [hbm4b:s4+s7], $0x20, s9, s7, $0xb8;
	[tilespmem:$0x11000] =	vst v63  }
0x5cb: {  	s8 =	simm.s32 $0xD240;
	s6 =	sld [smem:$0x7AE]  }
0x5cc: {  	[tilespmem:s8], [sflag:$0x2] =	stream.indirect.gather [hbm4b:s4+s7], $0x20, s16, s7, $0xb8;
	[tilespmem:$0x11000] =	vst v63  }
0x5cd: {  	s5 =	simm.s32 $0xD580;
	s9 =	sld [smem:$0x7AF]  }
0x5ce: {  	[tilespmem:s5], [sflag:$0x2] =	stream.indirect.gather [hbm4b:s4+s7], $0x20, s6, s7, $0xb8;
	[tilespmem:$0x11000] =	vst v63  }
0x5cf: {  	s20 =	simm.s32 $0xD8C0;
	s16 =	sld [smem:$0x7B0]  }
0x5d0: {  	[tilespmem:s20], [sflag:$0x2] =	stream.indirect.gather [hbm4b:s4+s7], $0x20, s9, s7, $0xb8;
	[tilespmem:$0x11000] =	vst v63  }
0x5d1: {  	s8 =	sld [smem:$0x7B1];
	s9 =	simm.s32 $0xDC00  }
0x5d2: {  	[tilespmem:s9], [sflag:$0x2] =	stream.indirect.gather [hbm4b:s4+s7], $0x20, s16, s7, $0xb8;
	[tilespmem:$0x11000] =	vst v63  }
0x5d3: {  	s20 =	simm.s32 $0xDF40;
	s16 =	sld [smem:$0x7B2]  }
0x5d4: {  	[tilespmem:s20], [sflag:$0x2] =	stream.indirect.gather [hbm4b:s4+s7], $0x20, s8, s7, $0xb8;
	[tilespmem:$0x11000] =	vst v63  }
0x5d5: {  	s6 =	simm.s32 $0xE280;
	s8 =	sld [smem:$0x7B3]  }
0x5d6: {  	[tilespmem:s6], [sflag:$0x2] =	stream.indirect.gather [hbm4b:s4+s7], $0x20, s16, s7, $0xb8;
	[tilespmem:$0x11000] =	vst v63  }
0x5d7: {  	s9 =	sld [smem:$0x7B4];
	s20 =	simm.s32 $0xE5C0  }
0x5d8: {  	[tilespmem:s20], [sflag:$0x2] =	stream.indirect.gather [hbm4b:s4+s7], $0x20, s8, s7, $0xb8;
	[tilespmem:$0x11000] =	vst v63  }
0x5d9: {  	s26 =	sld [smem:$0x7B5];
	s16 =	simm.s32 $0xE900  }
0x5da: {  	[tilespmem:s16], [sflag:$0x2] =	stream.indirect.gather [hbm4b:s4+s7], $0x20, s9, s7, $0xb8;
	[tilespmem:$0x11000] =	vst v63  }
0x5db: {  	s9 =	sld [smem:$0x7B6]  }
0x5dc: {  	[tilespmem:s19], [sflag:$0x2] =	stream.indirect.gather [hbm4b:s4+s7], $0x20, s26, s7, $0xb8;
	[tilespmem:$0x11000] =	vst v63  }
0x5dd: {  	s16 =	sld [smem:$0x7B7];
	s19 =	simm.s32 $0xEF80  }
0x5de: {  	[tilespmem:s19], [sflag:$0x2] =	stream.indirect.gather [hbm4b:s4+s7], $0x20, s9, s7, $0xb8;
	[tilespmem:$0x11000] =	vst v63  }
0x5df: {  	s8 =	simm.s32 $0xF2C0;
	s9 =	sld [smem:$0x7B8]  }
0x5e0: {  	[tilespmem:s8], [sflag:$0x2] =	stream.indirect.gather [hbm4b:s4+s7], $0x20, s16, s7, $0xb8;
	[tilespmem:$0x11000] =	vst v63  }
0x5e1: {  	s26 =	sld [smem:$0x7B9];
	s16 =	simm.s32 $0xF600  }
0x5e2: {  	[tilespmem:s16], [sflag:$0x2] =	stream.indirect.gather [hbm4b:s4+s7], $0x20, s9, s7, $0xb8;
	[tilespmem:$0x11000] =	vst v63  }
0x5e3: {  	s25 =	sld [smem:$0x7BA];
	s19 =	simm.s32 $0xF940  }
0x5e4: {  	[tilespmem:s19], [sflag:$0x2] =	stream.indirect.gather [hbm4b:s4+s7], $0x20, s26, s7, $0xb8;
	[tilespmem:$0x11000] =	vst v63  }
0x5e5: {  	s16 =	simm.s32 $0xFC80;
	s26 =	sld [smem:$0x7BB]  }
0x5e6: {  	[tilespmem:s16], [sflag:$0x2] =	stream.indirect.gather [hbm4b:s4+s7], $0x20, s25, s7, $0xb8;
	[tilespmem:$0x11000] =	vst v63  }
0x5e7: {  	s19 =	sld [smem:$0x7BC]  }
0x5e8: {  	[tilespmem:s2], [sflag:$0x2] =	stream.indirect.gather [hbm4b:s4+s7], $0x20, s26, s7, $0xb8;
	[tilespmem:$0x11000] =	vst v63  }
0x5e9: {  	s9 =	simm.s32 $0x10300;
	s2 =	sld [smem:$0x7BD]  }
0x5ea: {  	[tilespmem:s9], [sflag:$0x2] =	stream.indirect.gather [hbm4b:s4+s7], $0x20, s19, s7, $0xb8;
	[tilespmem:$0x11000] =	vst v63  }
0x5eb: {  	s25 =	sld [smem:$0x7BE];
	s16 =	simm.s32 $0x10640  }
0x5ec: {  	[tilespmem:s16], [sflag:$0x2] =	stream.indirect.gather [hbm4b:s4+s7], $0x20, s2, s7, $0xb8;
	[tilespmem:$0x11000] =	vst v63  }
0x5ed: {  	s19 =	sld [smem:$0x7BF];
	s16 =	simm.s32 $0x10980  }
0x5ee: {  	[tilespmem:s16], [sflag:$0x2] =	stream.indirect.gather [hbm4b:s4+s7], $0x20, s25, s7, $0xb8;
	[tilespmem:$0x11000] =	vst v63  }
0x5ef: {  	s2 =	simm.s32 $0x10CC0  }
0x5f0: {  	[tilespmem:s2], [sflag:$0x2] =	stream.indirect.gather [hbm4b:s4+s7], $0x20, s19, s7, $0xb8;
	[tilespmem:$0x11000] =	vst v63  }
0x5f1: {  	_ =	swait.ge [sflag:s21], $0x6800  }
0x5f2: {  	[sflag:s21] =	ssyncset.done $0x0  }
0x5f3: {  	s19 =	simm.s32 $0x4000;
	s26 =	rddreg [dreg:$0xf];
	[sflag:s21] =	ssyncadd.s32 $0xFFFF9800  }
0x5f4: {  	[hbm4b:s26+s3] =	stream.linear.scatter [tilespmem:s19], [sflag:$0x3], $0x6800, $0x38;
	[tilespmem:$0x11000] =	vst v63  }
0x5f5: {  	_ =	swait.ge [sflag:s22], $0x6800  }
0x5f6: {  	s25 =	sld [smem:$0x7C0]  }
0x5f7: {  	[sflag:s22] =	ssyncset.done $0x0  }
0x5f8: {  	s26 =	sld [smem:$0x7C1];
	[sflag:s22] =	ssyncadd.s32 $0xFFFF9800  }
0x5f9: {  	[tilespmem:s19], [sflag:$0x1] =	stream.indirect.gather [hbm4b:s4+s7], $0x20, s25, s7, $0xb8;
	[tilespmem:$0x11000] =	vst v63  }
0x5fa: {  	s25 =	sld [smem:$0x7C2];
	s19 =	simm.s32 $0x4340  }
0x5fb: {  	[tilespmem:s19], [sflag:$0x1] =	stream.indirect.gather [hbm4b:s4+s7], $0x20, s26, s7, $0xb8;
	[tilespmem:$0x11000] =	vst v63  }
0x5fc: {  	s26 =	sld [smem:$0x7C3];
	s19 =	simm.s32 $0x4680  }
0x5fd: {  	[tilespmem:s19], [sflag:$0x1] =	stream.indirect.gather [hbm4b:s4+s7], $0x20, s25, s7, $0xb8;
	[tilespmem:$0x11000] =	vst v63  }
0x5fe: {  	s25 =	sld [smem:$0x7C4];
	s19 =	simm.s32 $0x49C0  }
0x5ff: {  	[tilespmem:s19], [sflag:$0x1] =	stream.indirect.gather [hbm4b:s4+s7], $0x20, s26, s7, $0xb8;
	[tilespmem:$0x11000] =	vst v63  }
0x600: {  	s26 =	sld [smem:$0x7C5];
	s19 =	simm.s32 $0x4D00  }
0x601: {  	[tilespmem:s19], [sflag:$0x1] =	stream.indirect.gather [hbm4b:s4+s7], $0x20, s25, s7, $0xb8;
	[tilespmem:$0x11000] =	vst v63  }
0x602: {  	s25 =	sld [smem:$0x7C6];
	s19 =	simm.s32 $0x5040  }
0x603: {  	[tilespmem:s19], [sflag:$0x1] =	stream.indirect.gather [hbm4b:s4+s7], $0x20, s26, s7, $0xb8;
	[tilespmem:$0x11000] =	vst v63  }
0x604: {  	s26 =	sld [smem:$0x7C7];
	s19 =	simm.s32 $0x5380  }
0x605: {  	[tilespmem:s19], [sflag:$0x1] =	stream.indirect.gather [hbm4b:s4+s7], $0x20, s25, s7, $0xb8;
	[tilespmem:$0x11000] =	vst v63  }
0x606: {  	s25 =	sld [smem:$0x7C8];
	s19 =	simm.s32 $0x56C0  }
0x607: {  	[tilespmem:s19], [sflag:$0x1] =	stream.indirect.gather [hbm4b:s4+s7], $0x20, s26, s7, $0xb8;
	[tilespmem:$0x11000] =	vst v63  }
0x608: {  	s26 =	sld [smem:$0x7A9];
	s19 =	simm.s32 $0x5A00  }
0x609: {  	[tilespmem:s19], [sflag:$0x1] =	stream.indirect.gather [hbm4b:s4+s7], $0x20, s25, s7, $0xb8;
	[tilespmem:$0x11000] =	vst v63  }
0x60a: {  	s25 =	sld [smem:$0x7C9];
	s19 =	simm.s32 $0x5D40  }
0x60b: {  	[tilespmem:s19], [sflag:$0x1] =	stream.indirect.gather [hbm4b:s4+s7], $0x20, s26, s7, $0xb8;
	[tilespmem:$0x11000] =	vst v63  }
0x60c: {  	s26 =	sld [smem:$0x7CA];
	s19 =	simm.s32 $0x6080  }
0x60d: {  	[tilespmem:s19], [sflag:$0x1] =	stream.indirect.gather [hbm4b:s4+s7], $0x20, s25, s7, $0xb8;
	[tilespmem:$0x11000] =	vst v63  }
0x60e: {  	s25 =	sld [smem:$0x7CE];
	s19 =	simm.s32 $0x63C0  }
0x60f: {  	[tilespmem:s19], [sflag:$0x1] =	stream.indirect.gather [hbm4b:s4+s7], $0x20, s26, s7, $0xb8;
	[tilespmem:$0x11000] =	vst v63  }
0x610: {  	s26 =	sld [smem:$0x7D0];
	s19 =	simm.s32 $0x6700  }
0x611: {  	[tilespmem:s19], [sflag:$0x1] =	stream.indirect.gather [hbm4b:s4+s7], $0x20, s25, s7, $0xb8;
	[tilespmem:$0x11000] =	vst v63  }
0x612: {  	s25 =	sld [smem:$0x7D2];
	s19 =	simm.s32 $0x6A40  }
0x613: {  	[tilespmem:s19], [sflag:$0x1] =	stream.indirect.gather [hbm4b:s4+s7], $0x20, s26, s7, $0xb8;
	[tilespmem:$0x11000] =	vst v63  }
0x614: {  	s26 =	sld [smem:$0x7D4];
	s19 =	simm.s32 $0x6D80  }
0x615: {  	[tilespmem:s19], [sflag:$0x1] =	stream.indirect.gather [hbm4b:s4+s7], $0x20, s25, s7, $0xb8;
	[tilespmem:$0x11000] =	vst v63  }
0x616: {  	s25 =	sld [smem:$0x7D6];
	s19 =	simm.s32 $0x70C0  }
0x617: {  	[tilespmem:s19], [sflag:$0x1] =	stream.indirect.gather [hbm4b:s4+s7], $0x20, s26, s7, $0xb8;
	[tilespmem:$0x11000] =	vst v63  }
0x618: {  	s26 =	sld [smem:$0x7D8];
	s19 =	simm.s32 $0x7400  }
0x619: {  	[tilespmem:s19], [sflag:$0x1] =	stream.indirect.gather [hbm4b:s4+s7], $0x20, s25, s7, $0xb8;
	[tilespmem:$0x11000] =	vst v63  }
0x61a: {  	s25 =	sld [smem:$0x7DA];
	s19 =	simm.s32 $0x7740  }
0x61b: {  	[tilespmem:s19], [sflag:$0x1] =	stream.indirect.gather [hbm4b:s4+s7], $0x20, s26, s7, $0xb8;
	[tilespmem:$0x11000] =	vst v63  }
0x61c: {  	s26 =	sld [smem:$0x7DC];
	s19 =	simm.s32 $0x7A80  }
0x61d: {  	[tilespmem:s19], [sflag:$0x1] =	stream.indirect.gather [hbm4b:s4+s7], $0x20, s25, s7, $0xb8;
	[tilespmem:$0x11000] =	vst v63  }
0x61e: {  	s25 =	sld [smem:$0x7DE];
	s19 =	simm.s32 $0x7DC0  }
0x61f: {  	[tilespmem:s19], [sflag:$0x1] =	stream.indirect.gather [hbm4b:s4+s7], $0x20, s26, s7, $0xb8;
	[tilespmem:$0x11000] =	vst v63  }
0x620: {  	s19 =	sld [smem:$0x7E0]  }
0x621: {  	[tilespmem:s10], [sflag:$0x1] =	stream.indirect.gather [hbm4b:s4+s7], $0x20, s25, s7, $0xb8;
	[tilespmem:$0x11000] =	vst v63  }
0x622: {  	s10 =	sld [smem:$0x7E2]  }
0x623: {  	[tilespmem:s11], [sflag:$0x1] =	stream.indirect.gather [hbm4b:s4+s7], $0x20, s19, s7, $0xb8;
	[tilespmem:$0x11000] =	vst v63  }
0x624: {  	s11 =	sld [smem:$0x7E6]  }
0x625: {  	[tilespmem:s12], [sflag:$0x1] =	stream.indirect.gather [hbm4b:s4+s7], $0x20, s10, s7, $0xb8;
	[tilespmem:$0x11000] =	vst v63  }
0x626: {  	s12 =	sld [smem:$0x7FA]  }
0x627: {  	[tilespmem:s13], [sflag:$0x1] =	stream.indirect.gather [hbm4b:s4+s7], $0x20, s11, s7, $0xb8;
	[tilespmem:$0x11000] =	vst v63  }
0x628: {  	s13 =	sld [smem:$0x7FB]  }
0x629: {  	[tilespmem:s14], [sflag:$0x1] =	stream.indirect.gather [hbm4b:s4+s7], $0x20, s12, s7, $0xb8;
	[tilespmem:$0x11000] =	vst v63  }
0x62a: {  	s14 =	sld [smem:$0x7F9]  }
0x62b: {  	[tilespmem:s15], [sflag:$0x1] =	stream.indirect.gather [hbm4b:s4+s7], $0x20, s13, s7, $0xb8;
	[tilespmem:$0x11000] =	vst v63  }
0x62c: {  	s15 =	sld [smem:$0x7F8]  }
0x62d: {  	[tilespmem:s17], [sflag:$0x1] =	stream.indirect.gather [hbm4b:s4+s7], $0x20, s14, s7, $0xb8;
	[tilespmem:$0x11000] =	vst v63  }
0x62e: {  	s17 =	sld [smem:$0x7F7]  }
0x62f: {  	[tilespmem:s18], [sflag:$0x1] =	stream.indirect.gather [hbm4b:s4+s7], $0x20, s15, s7, $0xb8;
	[tilespmem:$0x11000] =	vst v63  }
0x630: {  	s19 =	sld [smem:$0x7F6]  }
0x631: {  	[tilespmem:s28], [sflag:$0x1] =	stream.indirect.gather [hbm4b:s4+s7], $0x20, s17, s7, $0xb8;
	[tilespmem:$0x11000] =	vst v63  }
0x632: {  	s28 =	sld [smem:$0x7F5]  }
0x633: {  	[tilespmem:s29], [sflag:$0x1] =	stream.indirect.gather [hbm4b:s4+s7], $0x20, s19, s7, $0xb8;
	[tilespmem:$0x11000] =	vst v63  }
0x634: {  	s29 =	sld [smem:$0x7F4]  }
0x635: {  	[tilespmem:s30], [sflag:$0x1] =	stream.indirect.gather [hbm4b:s4+s7], $0x20, s28, s7, $0xb8;
	[tilespmem:$0x11000] =	vst v63  }
0x636: {  	_ = 	snop  }
0x637: {  	[tilespmem:s31], [sflag:$0x1] =	stream.indirect.gather [hbm4b:s4+s7], $0x20, s29, s7, $0xb8;
	[tilespmem:$0x11000] =	vst v63  }
0x638: {  	_ =	swait.ge [sflag:s23], $0x6800  }
0x639: {  	s3 =	simm.s32 $0x0;
	[sflag:s23] =	ssyncset.done $0x0  }
0x63a: {  	s31 =	simm.s32 $0xA800;
	s30 =	rddreg [dreg:$0x10];
	[sflag:s23] =	ssyncadd.s32 $0xFFFF9800  }
0x63b: {  	[hbm4b:s30+s3] =	stream.linear.scatter [tilespmem:s31], [sflag:$0x4], $0x6800, $0x38;
	[tilespmem:$0x11000] =	vst v63  }
0x63c: {  	_ =	swait.ge [sflag:s24], $0x6800  }
0x63d: {  	s3 =	sld [smem:$0x7F3]  }
0x63e: {  	[sflag:s24] =	ssyncset.done $0x0  }
0x63f: {  	s11 =	sld [smem:$0x7F2];
	[sflag:s24] =	ssyncadd.s32 $0xFFFF9800  }
0x640: {  	[tilespmem:s31], [sflag:$0x2] =	stream.indirect.gather [hbm4b:s4+s7], $0x20, s3, s7, $0xb8;
	[tilespmem:$0x11000] =	vst v63  }
0x641: {  	s13 =	simm.s32 $0xAB40;
	s12 =	sld [smem:$0x7F1]  }
0x642: {  	[tilespmem:s13], [sflag:$0x2] =	stream.indirect.gather [hbm4b:s4+s7], $0x20, s11, s7, $0xb8;
	[tilespmem:$0x11000] =	vst v63  }
0x643: {  	s15 =	simm.s32 $0xAE80;
	s14 =	sld [smem:$0x7F0]  }
0x644: {  	[tilespmem:s15], [sflag:$0x2] =	stream.indirect.gather [hbm4b:s4+s7], $0x20, s12, s7, $0xb8;
	[tilespmem:$0x11000] =	vst v63  }
0x645: {  	s18 =	simm.s32 $0xB1C0;
	s17 =	sld [smem:$0x7EF]  }
0x646: {  	[tilespmem:s18], [sflag:$0x2] =	stream.indirect.gather [hbm4b:s4+s7], $0x20, s14, s7, $0xb8;
	[tilespmem:$0x11000] =	vst v63  }
0x647: {  	s28 =	simm.s32 $0xB500;
	s19 =	sld [smem:$0x7EE]  }
0x648: {  	[tilespmem:s28], [sflag:$0x2] =	stream.indirect.gather [hbm4b:s4+s7], $0x20, s17, s7, $0xb8;
	[tilespmem:$0x11000] =	vst v63  }
0x649: {  	s30 =	simm.s32 $0xB840;
	s29 =	sld [smem:$0x7ED]  }
0x64a: {  	[tilespmem:s30], [sflag:$0x2] =	stream.indirect.gather [hbm4b:s4+s7], $0x20, s19, s7, $0xb8;
	[tilespmem:$0x11000] =	vst v63  }
0x64b: {  	s31 =	sld [smem:$0x7EC];
	s11 =	simm.s32 $0xBB80  }
0x64c: {  	[tilespmem:s11], [sflag:$0x2] =	stream.indirect.gather [hbm4b:s4+s7], $0x20, s29, s7, $0xb8;
	[tilespmem:$0x11000] =	vst v63  }
0x64d: {  	s12 =	sld [smem:$0x7EB]  }
0x64e: {  	[tilespmem:s0], [sflag:$0x2] =	stream.indirect.gather [hbm4b:s4+s7], $0x20, s31, s7, $0xb8;
	[tilespmem:$0x11000] =	vst v63  }
0x64f: {  	s13 =	sld [smem:$0x7EA];
	s14 =	simm.s32 $0xC200  }
0x650: {  	[tilespmem:s14], [sflag:$0x2] =	stream.indirect.gather [hbm4b:s4+s7], $0x20, s12, s7, $0xb8;
	[tilespmem:$0x11000] =	vst v63  }
0x651: {  	s15 =	sld [smem:$0x7E9];
	s17 =	simm.s32 $0xC540  }
0x652: {  	[tilespmem:s17], [sflag:$0x2] =	stream.indirect.gather [hbm4b:s4+s7], $0x20, s13, s7, $0xb8;
	[tilespmem:$0x11000] =	vst v63  }
0x653: {  	s18 =	sld [smem:$0x7E8];
	s19 =	simm.s32 $0xC880  }
0x654: {  	[tilespmem:s19], [sflag:$0x2] =	stream.indirect.gather [hbm4b:s4+s7], $0x20, s15, s7, $0xb8;
	[tilespmem:$0x11000] =	vst v63  }
0x655: {  	s28 =	sld [smem:$0x7E7]  }
0x656: {  	[tilespmem:s1], [sflag:$0x2] =	stream.indirect.gather [hbm4b:s4+s7], $0x20, s18, s7, $0xb8;
	[tilespmem:$0x11000] =	vst v63  }
0x657: {  	s30 =	simm.s32 $0xCF00;
	s29 =	sld [smem:$0x7E5]  }
0x658: {  	[tilespmem:s30], [sflag:$0x2] =	stream.indirect.gather [hbm4b:s4+s7], $0x20, s28, s7, $0xb8;
	[tilespmem:$0x11000] =	vst v63  }
0x659: {  	s31 =	sld [smem:$0x7E4];
	s1 =	simm.s32 $0xD240  }
0x65a: {  	[tilespmem:s1], [sflag:$0x2] =	stream.indirect.gather [hbm4b:s4+s7], $0x20, s29, s7, $0xb8;
	[tilespmem:$0x11000] =	vst v63  }
0x65b: {  	s10 =	sld [smem:$0x7E3]  }
0x65c: {  	[tilespmem:s5], [sflag:$0x2] =	stream.indirect.gather [hbm4b:s4+s7], $0x20, s31, s7, $0xb8;
	[tilespmem:$0x11000] =	vst v63  }
0x65d: {  	s11 =	sld [smem:$0x7E1];
	s12 =	simm.s32 $0xD8C0  }
0x65e: {  	[tilespmem:s12], [sflag:$0x2] =	stream.indirect.gather [hbm4b:s4+s7], $0x20, s10, s7, $0xb8;
	[tilespmem:$0x11000] =	vst v63  }
0x65f: {  	s14 =	simm.s32 $0xDC00;
	s13 =	sld [smem:$0x7DF]  }
0x660: {  	[tilespmem:s14], [sflag:$0x2] =	stream.indirect.gather [hbm4b:s4+s7], $0x20, s11, s7, $0xb8;
	[tilespmem:$0x11000] =	vst v63  }
0x661: {  	s17 =	simm.s32 $0xDF40;
	s15 =	sld [smem:$0x7DD]  }
0x662: {  	[tilespmem:s17], [sflag:$0x2] =	stream.indirect.gather [hbm4b:s4+s7], $0x20, s13, s7, $0xb8;
	[tilespmem:$0x11000] =	vst v63  }
0x663: {  	s18 =	sld [smem:$0x7DB]  }
0x664: {  	[tilespmem:s6], [sflag:$0x2] =	stream.indirect.gather [hbm4b:s4+s7], $0x20, s15, s7, $0xb8;
	[tilespmem:$0x11000] =	vst v63  }
0x665: {  	s19 =	sld [smem:$0x7D9]  }
0x666: {  	[tilespmem:s20], [sflag:$0x2] =	stream.indirect.gather [hbm4b:s4+s7], $0x20, s18, s7, $0xb8;
	[tilespmem:$0x11000] =	vst v63  }
0x667: {  	s28 =	simm.s32 $0xE900;
	s20 =	sld [smem:$0x7D7]  }
0x668: {  	[tilespmem:s28], [sflag:$0x2] =	stream.indirect.gather [hbm4b:s4+s7], $0x20, s19, s7, $0xb8;
	[tilespmem:$0x11000] =	vst v63  }
0x669: {  	s30 =	simm.s32 $0xEC40;
	s29 =	sld [smem:$0x7D5]  }
0x66a: {  	[tilespmem:s30], [sflag:$0x2] =	stream.indirect.gather [hbm4b:s4+s7], $0x20, s20, s7, $0xb8;
	[tilespmem:$0x11000] =	vst v63  }
0x66b: {  	s1 =	simm.s32 $0xEF80;
	s31 =	sld [smem:$0x7D3]  }
0x66c: {  	[tilespmem:s1], [sflag:$0x2] =	stream.indirect.gather [hbm4b:s4+s7], $0x20, s29, s7, $0xb8;
	[tilespmem:$0x11000] =	vst v63  }
0x66d: {  	s5 =	sld [smem:$0x7D1]  }
0x66e: {  	[tilespmem:s8], [sflag:$0x2] =	stream.indirect.gather [hbm4b:s4+s7], $0x20, s31, s7, $0xb8;
	[tilespmem:$0x11000] =	vst v63  }
0x66f: {  	s6 =	sld [smem:$0x7CF];
	s8 =	simm.s32 $0xF600  }
0x670: {  	[tilespmem:s8], [sflag:$0x2] =	stream.indirect.gather [hbm4b:s4+s7], $0x20, s5, s7, $0xb8;
	[tilespmem:$0x11000] =	vst v63  }
0x671: {  	s10 =	sld [smem:$0x7CD];
	s11 =	simm.s32 $0xF940  }
0x672: {  	[tilespmem:s11], [sflag:$0x2] =	stream.indirect.gather [hbm4b:s4+s7], $0x20, s6, s7, $0xb8;
	[tilespmem:$0x11000] =	vst v63  }
0x673: {  	s12 =	sld [smem:$0x7CC];
	s13 =	simm.s32 $0xFC80  }
0x674: {  	[tilespmem:s13], [sflag:$0x2] =	stream.indirect.gather [hbm4b:s4+s7], $0x20, s10, s7, $0xb8;
	[tilespmem:$0x11000] =	vst v63  }
0x675: {  	s14 =	sld [smem:$0x7CB];
	s15 =	simm.s32 $0xFFC0  }
0x676: {  	[tilespmem:s15], [sflag:$0x2] =	stream.indirect.gather [hbm4b:s4+s7], $0x20, s12, s7, $0xb8;
	[tilespmem:$0x11000] =	vst v63  }
0x677: {  	s17 =	sld [smem:$0x7AA]  }
0x678: {  	[tilespmem:s9], [sflag:$0x2] =	stream.indirect.gather [hbm4b:s4+s7], $0x20, s14, s7, $0xb8;
	[tilespmem:$0x11000] =	vst v63  }
0x679: {  	s18 =	sld [smem:$0x7FC];
	s19 =	simm.s32 $0x10640  }
0x67a: {  	[tilespmem:s19], [sflag:$0x2] =	stream.indirect.gather [hbm4b:s4+s7], $0x20, s17, s7, $0xb8;
	[tilespmem:$0x11000] =	vst v63  }
0x67b: {  	s20 =	sld [smem:$0x7FD]  }
0x67c: {  	[tilespmem:s16], [sflag:$0x2] =	stream.indirect.gather [hbm4b:s4+s7], $0x20, s18, s7, $0xb8;
	[tilespmem:$0x11000] =	vst v63  }
0x67d: {  	_ = 	snop  }
0x67e: {  	[tilespmem:s2], [sflag:$0x2] =	stream.indirect.gather [hbm4b:s4+s7], $0x20, s20, s7, $0xb8;
	[tilespmem:$0x11000] =	vst v63  }
0x67f: {  	s26 =	sld [smem:$0x60A];
	_ =	swait.ge [sflag:s21], $0x6800  }
0x680: {  	s30 =	simm.s32 $0x4000;
	[sflag:s21] =	ssyncset.done $0x0  }
0x681: {  	s29 =	simm.s32 $0x0;
	s28 =	rddreg [dreg:$0x11];
	[sflag:s21] =	ssyncadd.s32 $0xFFFF9800  }
0x682: {  	[hbm4b:s28+s29] =	stream.linear.scatter [tilespmem:s30], [sflag:$0x3], $0x6800, $0x38;
	[tilespmem:$0x11000] =	vst v63  }
0x683: {  	_ =	swait.ge [sflag:s23], $0x6800  }
0x684: {  	[sflag:s23] =	ssyncset.done $0x0  }
0x685: {  	s3 =	simm.s32 $0xA800;
	s31 =	rddreg [dreg:$0x12];
	[sflag:s23] =	ssyncadd.s32 $0xFFFF9800  }
0x686: {  	[hbm4b:s31+s29] =	stream.linear.scatter [tilespmem:s3], [sflag:$0x4], $0x6800, $0x38;
	[tilespmem:$0x11000] =	vst v63  }
0x687: {  	p0 =	sne.s32 s26, $0x1;
	_ =	swait.ge [sflag:s22], $0x6800  }
.Ltmp0:
0x688: {  	[sflag:s22] =	ssyncset.done $0x0;
	(pc) =	sbr.rel @p0 .LBB2_1-.Ltmp0, $4  }
0x689: {  	[sflag:s22] =	ssyncadd.s32 $0xFFFF9800  }
0x68a: {  	_ =	swait.ge [sflag:s24], $0x6800  }
0x68b: {  	[sflag:s24] =	ssyncset.done $0x0  }
0x68c: {  	s2 =	sadd.s32 $0xFFFFFFFF, s26;
	[sflag:s24] =	ssyncadd.s32 $0xFFFF9800  }
0x68d: {  	_ =	sfence.sel $0x180000  }
0x68e: {  	[bflag:$0x0] =	sbarrier.arrive $0xFFFF  }
0x68f: {  	_ =	strace $0x9000004A  }
0x690: {  	s0 =	stileid.u32;
	[bflag:$0x2] =	sbarrier.arrive $0xFFFF  }
0x691: {  	p0 =	sne.s32 s0, $0x0;
	s0 =	rddreg [dreg:$0x2]  }
0x692: {  	s0 =	sadd.s32 @!p0 $0x100000, s0  }
0x693: {  	[sflag:s0] =	ssyncadd.tile.s32 @!p0 $0x1;
	_ =	shalt  }
.Lfunc_end2:
_tile_overlayer_lowered:
.L_overlay_start_2:
0x694: {  	(tag) =	ssettag $0x2  }
0x695: {  	s0 =	rddreg [dreg:$0x0];
	s2 =	stileid.u32  }
0x696: {  	s1 =	rddreg [dreg:$0x1];
	p0 =	sne.s32 s2, $0x0  }
0x697: {  	s3 =	rddreg [dreg:$0x2];
	[bflag:$0x3] =	sbarrier.arrive $0xFFFF;
	s2 =	simm.s32 @!p0 $0x1C05  }
0x698: {  	[timem:s3], [sflag:s2] =	dma.local @!p0 [hbm:s0], s1  }
0x699: {  	s0 =	simm.s32 @!p0 $0x5  }
0x69a: {  	_ =	swait.ge @!p0 [sflag:s0], s1  }
0x69b: {  	s1 =	ssub.s32 @!p0 $0x0, s1;
	[sflag:s0] =	ssyncset.done @!p0 $0x0  }
0x69c: {  	[sflag:s0] =	ssyncadd.s32 @!p0 s1  }
0x69d: {  	[bflag:$0x3] =	sbarrier.arrive $0xFFFF  }
0x69e: {  	_ =	shalt  }

// kernel: sparse-core-data-format-call.cloned.1.call-start
scs
called_computation_lowered:
.L_overlay_start_0:
0x0: {  	s2 =	sld [smem:$0x3FD9]  }
0x1: {  	s3 =	sld [smem:$0x3FFE];
	_ =	sdelay $0x1  }
0x2: {  	s1 =	srdreg.scid  }
0x3: {  	s0 =	sand.u32 $0x1, s1  }
0x4: {  	s18 =	sshll.u32 s0, $0xA;
	s2 =	sadd.s32 s3, s2  }
0x5: {  	s2 =	sadd.s32 s2, s18  }
0x6: {  	[smem:$0x3FC6] =	sst s2  }
0x7: {  	_ = 	snop  }
0x8: {  	s2 =	sld [smem:$0x3FD0];
	(tm) =	ssettm $0x1  }
0x9: {  	s19 =	sld [smem:$0x3FFB];
	_ =	sdelay $0x3  }
0xa: {  	_ =	strace s19  }
0xb: {  	s3 =	sld [smem:$0x3FFC];
	_ =	sdelay $0x3  }
0xc: {  	_ =	strace s3  }
0xd: {  	s3 =	sld [smem:$0x3FFD];
	_ =	sdelay $0x3  }
0xe: {  	_ =	strace s3  }
0xf: {  	_ =	strace $0x8FFFFFFF  }
0x10: {  	s20 =	sld [smem:$0x3FDB];
	_ =	sdelay $0x1  }
0x11: {  	s4 =	simm.s32 $_scs_section_size  }
0x12: {  	s5 =	simm.s32 $_size__tile_overlayer_lowered;
	s6 =	simm.s32 $_tile_overlayer_lowered  }
0x13: {  	s23 =	simm.s32 $0x1BFF;
	s22 =	sshll.u32 s6, $0x1;
	s3 =	sadd.s32 s4, s20  }
0x14: {  	s7 =	simm.s32 $0x0;
	s21 =	sshll.u32 s5, $0x1;
	s5 =	sadd.s32 s22, s3  }
0x15: {  	[timem:s7], [sflag:s23] =	dma.local [hbm:s5], s21  }
0x16: {  	_ =	swait.ge [sflag:s23], s21  }
0x17: {  	s4 =	ssub.s32 $0x0, s21;
	[sflag:s23] =	ssyncset.done $0x0  }
0x18: {  	[sflag:s23] =	ssyncadd.s32 s4;
	_ =	sdelay $0x1  }
0x19: {  	s24 =	simm.s32 $0x1B8B  }
0x1a: {  	_ =	swait.ge [sflag:s24], $0x1  }
0x1b: {  	[sflag:s24] =	ssyncset.done $0x0  }
0x1c: {  	s26 =	simm.s32 $0x1B8E;
	s25 =	sld [smem:$0x3FFE];
	[sflag:s24] =	ssyncadd.s32 $0xFFFFFFFF  }
0x1d: {  	s27 =	simm.s32 $execute0_lowered;
	[smem:$0x3FD2] =	sst s26  }
0x1e: {  	s5 =	sshll.u32 s27, $0x1;
	_ =	strace $0x8000004C;
	[dreg:$0x1] =	wrdreg $0xFFFFFFFF  }
0x1f: {  	s28 =	simm.s32 $_size_execute0_lowered;
	s3 =	sadd.s32 s3, s5;
	[dreg:$0x0] =	wrdreg $0x0  }
0x20: {  	s5 =	sshll.u32 s28, $0x1;
	[dreg:$0x2] =	wrdreg s3  }
0x21: {  	[dreg:$0x3] =	wrdreg s5  }
0x22: {  	[dreg:$0x4] =	wrdreg $0xC0  }
0x23: {  	_ =	task [dreg:s7], $0x5FFFF  }
0x24: {  	[dreg:$0x1] =	wrdreg $0xFFFFFFFF  }
0x25: {  	[dreg:$0x0] =	wrdreg $0x60  }
0x26: {  	[dreg:$0x2] =	wrdreg s25  }
0x27: {  	[dreg:$0x3] =	wrdreg s2  }
0x28: {  	[dreg:$0x4] =	wrdreg $0x9  }
0x29: {  	_ =	task.clear_ibuf [dreg:s7], $0x5FFFF;
	_ =	strace $0x9000004C  }
0x2a: {  	s29 =	simm.s32 $0x9;
	_ =	strace $0x8000004E  }
0x2b: {  	_ =	swait.ge [sflag:s29], $0x1  }
0x2c: {  	[sflag:s29] =	ssyncadd.s32 $0xFFFFFFFF  }
0x2d: {  	_ =	strace $0x9000004E  }
0x2e: {  	_ =	sfence  }
0x2f: {  	s30 =	sld [smem:$0x0];
	_ =	sdelay $0x2  }
0x30: {  	s31 =	sshll.u32 s1, $0xD;
	s1 =	sshrl.u32 s1, $0x2  }
0x31: {  	s3 =	sand.u32 $0x4000, s31;
	s1 =	sadd.s32 s1, s30  }
0x32: {  	s0 =	sor.u32 s3, s0;
	s1 =	sshll.u32 s1, $0x11  }
0x33: {  	s0 =	sor.u32 s1, s0  }
0x34: {  	s0 =	sadd.s32 $0x8F2B, s0  }
0x35: {  	[sflag:s0] =	ssyncadd.remote.s32 $0x1  }
0x36: {  	_ =	sfence.sel $0xFFFF  }
0x37: {  	[dreg:$0x0] =	wrdreg $0xFFFFFFFF;
	(pc) =	sbr.abs _section_cstart, $3  }
0x38: {  	[dreg:$0x1] =	wrdreg $0xFFFFFFFF  }
0x39: {  	_ =	task.clear_ibuf [dreg:s7], $0x2FFFF;
	_ =	strace $0x9FFFFFFF  }
0x3a: {  	(tm) =	ssettm $0x7FFFFFFF  }
0x3b: {  	_ =	shalt  }
tec
execute0_lowered:
.L_overlay_start_1:
0x0: {  	(tag) =	ssettag $0x1  }
0x1: {  	s0 =	srdreg.scid  }
0x2: {  	s1 =	sshll.u32 s0, $0x4  }
0x3: {  	s0 =	stileid.u32;
	s1 =	sand.u32 $0x10, s1  }
0x4: {  	s1 =	sor.u32 s0, s1  }
0x5: {  	s6 =	rddreg [dreg:$0x0];
	s4 =	simm.s32 $0x1;
	s2 =	sshll.u32 s1, $0x7  }
0x6: {  	s7 =	simm.s32 $0x2;
	s12 =	simm.s32 $0x0;
	s1 =	ssub.s32 $0x4000, s2  }
0x7: {  	s8 =	simm.s32 $0x20000;
	s13 =	simm.s32 $0x0;
	s3 =	sand.u32 $0xF80, s1  }
0x8: {  	s9 =	simm.s32 $0x0;
	s5 =	sshrl.u32 s1, $0xC;
	p0 =	sne.s32 s3, $0x0  }
.Ltmp0:
0x9: {  	s1 =	rddreg [dreg:$0x2];
	s4 =	simm.s32 @!p0 $0x0;
	(pc) =	sbr.rel .LBB1_1-.Ltmp0, $4  }
0xa: {  	s11 =	simm.s32 $0x0;
	s3 =	rddreg [dreg:$0x1];
	s5 =	sadd.s32 s4, s5  }
0xb: {  	_ =	strace $0x8000004D;
	s4 =	simm.s32 $0x1;
	s5 =	smul.u32 $0x1A, s5  }
0xc: {  	s6 =	sadd.s32 $0xC00, s6;
	s10 =	smov.u32 s2;
	[sflag:s4] =	ssyncpa.u1 $0x0  }
0xd: {  	p0 =	por $0x0, $0x0;
	[sflag:s7] =	ssyncpa.u1 $0x0;
	s7 =	sor.u32 $0x1, s5  }
.LBB1_4:
0xe: {  	s16 =	sshll.u32 s13, $0x3;
	s17 =	sand.u32 $0x78, s13  }
0xf: {  	s30 =	sand.u32 $0xF800, s13;
	s12 =	sshll.u32 s12, $0x10;
	s16 =	sand.u32 $0x3C00, s16  }
0x10: {  	s31 =	sand.u32 $0x7, s13;
	s16 =	sor.u32 s17, s16;
	s17 =	sadd.s32 s3, s30  }
0x11: {  	s13 =	sshll.u32 s31, $0x12;
	s16 =	sshrl.u32 s16, $0x3;
	s12 =	sadd.s32 s12, s17  }
0x12: {  	[tilespmem:s15+$0x0 ss:$0x81] =	vst.msk $0xffff, v0;
	s13 =	sor.u32 $0x400, s13;
	s12 =	sadd.s32 s16, s12  }
0x13: {  	[hbm4b:s12+s13] =	stream.strided.scatter [tilespmem:s14], [sflag:$0x2], $0x1000, s8, s13, $0x20;
	[tilespmem:$0x4040] =	vst v63  }
.LBB1_5:
0x14: {  	s14 =	sadd.s32 $0x1, s9  }
0x15: {  	s12 =	sadd.s32 $0x1000, s10;
	s16 =	smov.u32 s10;
	p2 =	sgt.s32 s14, $0x19  }
0x16: {  	s16 =	smov.u32 @p2 s12  }
0x17: {  	s14 =	simm.s32 @p2 $0x0;
	p2 =	sgt.s32 s16, $0x3FFF  }
0x18: {  	s16 =	smov.u32 @p2 s2;
	p2 =	sne.s32 s11, s7  }
.Ltmp1:
0x19: {  	p1 =	slt.u32 s11, $0x2;
	(pc) =	sbr.rel @!p2 .LBB1_6-.Ltmp1, $4  }
0x1a: {  	s15 =	simm.s32 @!p1 $0x2  }
0x1b: {  	s13 =	smov.u32 s10;
	p0 =	por !p0, !p0;
	_ =	swait.ge @!p1 [sflag:s15], $0x1000  }
0x1c: {  	s12 =	smov.u32 s9;
	[sflag:s15] =	ssyncset.done @!p1 $0x0;
	s9 =	smov.u32 s14  }
0x1d: {  	s11 =	sadd.s32 $0x1, s11;
	[sflag:s15] =	ssyncadd.s32 @!p1 $0xFFFFF000;
	s10 =	smov.u32 s16  }
.LBB1_1:
0x1e: {  	p1 =	sge.u32 s11, s5  }
0x1f: {  	s31 =	sadd.s32 $0xFFFFFFFF, s11;
	s14 =	sxor.u32 @!p1 $0xFFFFFFFF, s11  }
0x20: {  	s15 =	sshll.u32 @!p1 s10, $0x9;
	s16 =	sshll.u32 @!p1 s9, $0x4;
	s17 =	simm.s32 @!p1 $0x1000  }
0x21: {  	s14 =	sshll.u32 @!p1 s14, $0xC;
	s16 =	sand.u32 @!p1 $0x1F0, s16;
	s15 =	sadd.s32 @!p1 s6, s15  }
0x22: {  	s14 =	sand.u32 @!p1 $0x1000, s14;
	s15 =	sadd.s32 @!p1 s16, s15;
	s16 =	simm.s32 @!p1 $0x20  }
0x23: {  	[tilespmem:s14], [sflag:$0x1] =	stream.strided.gather @!p1 [hbm4b:s15+s16], $0x1000, s17, s16, $0x38;
	[tilespmem:$0x4040] =	vst v63  }
0x24: {  	p1 =	sge.u32 s31, s5  }
.Ltmp2:
0x25: {  	_ = 	snop;
	(pc) =	sbr.rel @p1 .LBB1_5-.Ltmp2, $1  }
0x26: {  	_ =	sdelay $0x3  }
0x27: {  	s14 =	simm.s32 $0x1  }
0x28: {  	_ =	swait.ge [sflag:s4], $0x1000;
	s14 =	simm.s32 @!p0 $0x0  }
0x29: {  	[sflag:s4] =	ssyncset.done $0x0;
	s15 =	sshll.u32 s14, $0xC  }
0x2a: {  	[sflag:s4] =	ssyncadd.s32 $0xFFFFF000;
	s18 =	sor.u32 $0x10, s15  }
0x2b: {  	s14 =	smul.u32 $0x4080, s14;
	v1 =	vld [tilespmem:s18+$0x0]  }
0x2c: {  	s30 =	sand.u32 $0x1, s11;
	v0 =	vld [tilespmem:s18+$0xFFFFFFF0]  }
0x2d: {  	s15 =	smul.u32 $0x4080, s30;
	s14 =	sshrl.u32 s14, $0x2  }
0x2e: {  	s16 =	sor.u32 $0x2000, s14  }
0x2f: {  	s31 =	sshrl.u32 s15, $0x2;
	s15 =	sadd.s32 $0x0, s16  }
0x30: {  	s17 =	simm.s32 $0x4;
	s18 =	sadd.s32 $0x20, s18;
	s14 =	sor.u32 $0x2000, s31;
	[tilespmem:s15+$0x810 ss:$0x81] =	vst.msk $0xffff, v1  }
.LBB1_3:
0x31: {  	v1 =	vld [tilespmem:s18+$0x0];
	p1 =	sne.s32 s17, $0x1FC;
	[tilespmem:s15+$0x0 ss:$0x81] =	vst.msk $0xffff, v0;
	s15 =	smov.u32 s17;
	s17 =	sadd.s32 $0x4, s17  }
.Ltmp3:
0x32: {  	v0 =	vld [tilespmem:s18+$0xFFFFFFF0];
	(pc) =	sbr.rel @p1 .LBB1_3-.Ltmp3, $4  }
0x33: {  	_ = 	snop  }
0x34: {  	s15 =	sshra.s32 s15, $0x2  }
0x35: {  	s15 =	sadd.s32 s15, s16  }
0x36: {  	s18 =	sadd.s32 $0x20, s18;
	[tilespmem:s15+$0x810 ss:$0x81] =	vst.msk $0xffff, v1  }
.Ltmp4:
0x37: {  	_ = 	snop;
	(pc) =	sbr.rel .LBB1_4-.Ltmp4, $1  }
0x38: {  	_ =	sdelay $0x3  }
.LBB1_6:
0x39: {  	_ =	sfence.sel $0x180000  }
0x3a: {  	s2 =	simm.s32 $0x1;
	[bflag:$0x0] =	sbarrier.arrive $0xFFFF  }
0x3b: {  	s31 =	simm.s32 $0x2;
	[sflag:s2] =	ssyncpa.u1 $0x1  }
0x3c: {  	[sflag:s31] =	ssyncpa.u1 $0x1  }
0x3d: {  	p0 =	sne.s32 s0, $0x0;
	_ =	strace $0x9000004D  }
0x3e: {  	s0 =	sadd.s32 @!p0 $0x100000, s1;
	[bflag:$0x2] =	sbarrier.arrive $0xFFFF  }
0x3f: {  	[sflag:s0] =	ssyncadd.tile.s32 @!p0 $0x1;
	_ =	shalt  }
.Lfunc_end1:
_tile_overlayer_lowered:
.L_overlay_start_2:
0x40: {  	(tag) =	ssettag $0x2  }
0x41: {  	s0 =	rddreg [dreg:$0x0];
	s2 =	stileid.u32  }
0x42: {  	s1 =	rddreg [dreg:$0x1];
	p0 =	sne.s32 s2, $0x0  }
0x43: {  	s3 =	rddreg [dreg:$0x2];
	[bflag:$0x3] =	sbarrier.arrive $0xFFFF;
	s2 =	simm.s32 @!p0 $0x1C01  }
0x44: {  	[timem:s3], [sflag:s2] =	dma.local @!p0 [hbm:s0], s1  }
0x45: {  	s0 =	simm.s32 @!p0 $0x1  }
0x46: {  	_ =	swait.ge @!p0 [sflag:s0], s1  }
0x47: {  	s1 =	ssub.s32 @!p0 $0x0, s1;
	[sflag:s0] =	ssyncset.done @!p0 $0x0  }
0x48: {  	[sflag:s0] =	ssyncadd.s32 @!p0 s1  }
0x49: {  	[bflag:$0x3] =	sbarrier.arrive $0xFFFF  }
0x4a: {  	_ =	shalt  }

</sc_bundles>
